<compile_context>
chip_gen: v7x
topology: tpu7x:2x2x1
jax: 0.10.2.dev20260603
libtpu: 0.0.44.dev20260713+nightly
codegen_flags: <defaults>
</compile_context>

<pallas_src>
import functools

import jax
import jax.numpy as jnp
from jax import lax
from jax.experimental import pallas as pl
from jax.experimental.pallas import tpu as pltpu
from jax.experimental.pallas import tpu_sc as plsc

N = 100000
C = 1000
NBINS = 15

ROWS_BLK = 2000
GRID = N // ROWS_BLK

NTILES = 16
PER_TILE = 6272
LAST_TILE = N - 15 * PER_TILE
NVEC = PER_TILE // 16
NVEC_LAST = LAST_TILE // 16

NB = 512
BSTRIDE = NB + 1
KEY_SHIFT = 18
KEY_BASE = 3744
SLICE = NB // NTILES
SVEC = SLICE // 16
PART = 2 * NBINS * 16


def _conf_acc_body(x_ref, lab_ref, conf_ref, acc_ref):
    x = x_ref[...]
    m = jnp.max(x, axis=1, keepdims=True)
    s = jnp.sum(jnp.exp(x - m), axis=1)
    ii = lax.broadcasted_iota(jnp.int32, x.shape, 1)
    am = jnp.min(jnp.where(x == m, ii, jnp.int32(C)), axis=1)
    lab = lab_ref[0, 0, :]
    conf_ref[0, 0, :] = 1.0 / s
    acc_ref[0, 0, :] = (am == lab).astype(jnp.float32)


_conf_acc = pl.pallas_call(
    _conf_acc_body,
    grid=(GRID,),
    in_specs=[
        pl.BlockSpec((ROWS_BLK, C), lambda i: (i, 0)),
        pl.BlockSpec((1, 1, ROWS_BLK), lambda i: (i, 0, 0)),
    ],
    out_specs=[
        pl.BlockSpec((1, 1, ROWS_BLK), lambda i: (i, 0, 0)),
        pl.BlockSpec((1, 1, ROWS_BLK), lambda i: (i, 0, 0)),
    ],
    out_shape=[
        jax.ShapeDtypeStruct((GRID, 1, ROWS_BLK), jnp.float32),
        jax.ShapeDtypeStruct((GRID, 1, ROWS_BLK), jnp.float32),
    ],
)


_BIN_SZ = N // NBINS
_STARTS = [float(_BIN_SZ * b) for b in range(NBINS)]
_ENDS = [float(_BIN_SZ * (b + 1)) for b in range(NBINS - 1)] + [float(N)]

_MESH = plsc.VectorSubcoreMesh(
    core_axis_name="c", subcore_axis_name="s", num_cores=1, num_subcores=16
)

_GBASE = 3 * NTILES * NB


@functools.partial(
    pl.kernel,
    out_type=jax.ShapeDtypeStruct((16,), jnp.float32),
    mesh=_MESH,
    compiler_params=pltpu.CompilerParams(needs_layout_passes=False),
    scratch_types=[
        pltpu.VMEM((PER_TILE,), jnp.float32),
        pltpu.VMEM((PER_TILE,), jnp.float32),
        pltpu.VMEM((16 * BSTRIDE,), jnp.float32),
        pltpu.VMEM((16 * BSTRIDE,), jnp.float32),
        pltpu.VMEM((16 * BSTRIDE,), jnp.float32),
        pltpu.VMEM((3 * NTILES * NB,), jnp.float32),
        pltpu.VMEM((3 * SLICE,), jnp.float32),
        pltpu.VMEM((NB,), jnp.float32),
        pltpu.VMEM((SLICE,), jnp.float32),
        pltpu.VMEM((PART,), jnp.float32),
        pltpu.VMEM((16 * PART,), jnp.float32),
        pltpu.VMEM((16,), jnp.float32),
        pltpu.SemaphoreType.DMA,
        pltpu.VMEM_SHARED(((3 * NTILES + 3) * NB,), jnp.float32),
        pltpu.VMEM_SHARED((NB,), jnp.float32),
        pltpu.VMEM_SHARED((16 * PART,), jnp.float32),
    ],
)
def _ece_sc(conf_hbm, acc_hbm, out_hbm, conf_v, acc_v, cntb, csumb, asumb,
            slab, red, cumf, cums, part_v, part_all, out_v, sem,
            sh_hist, sh_cum, sh_part):
    cid = lax.axis_index("c")
    sid = lax.axis_index("s")
    zero16 = jnp.zeros((16,), jnp.float32)

    @pl.when(sid < 15)
    def _dma_main():
        pltpu.sync_copy(conf_hbm.at[pl.ds(sid * PER_TILE, PER_TILE)], conf_v)
        pltpu.sync_copy(acc_hbm.at[pl.ds(sid * PER_TILE, PER_TILE)], acc_v)

    @pl.when(sid == 15)
    def _dma_last():
        pltpu.sync_copy(conf_hbm.at[pl.ds(15 * PER_TILE, LAST_TILE)],
                        conf_v.at[pl.ds(0, LAST_TILE)])
        pltpu.sync_copy(acc_hbm.at[pl.ds(15 * PER_TILE, LAST_TILE)],
                        acc_v.at[pl.ds(0, LAST_TILE)])

    def _zero(j, _):
        cntb[pl.ds(j * 16, 16)] = zero16
        csumb[pl.ds(j * 16, 16)] = zero16
        asumb[pl.ds(j * 16, 16)] = zero16
        return 0

    lax.fori_loop(0, BSTRIDE, _zero, 0, unroll=8)

    lane_off = lax.iota(jnp.int32, 16) * BSTRIDE
    ones16 = jnp.ones((16,), jnp.float32)

    def _scatter(i, _):
        cv = conf_v[pl.ds(i * 16, 16)]
        av = acc_v[pl.ds(i * 16, 16)]
        bits = lax.bitcast_convert_type(cv, jnp.int32)
        key = lax.shift_right_arithmetic(bits, KEY_SHIFT) - KEY_BASE
        key = jnp.clip(key, 0, NB - 1) + lane_off
        plsc.addupdate_scatter(cntb, [key], ones16)
        plsc.addupdate_scatter(csumb, [key], cv)
        plsc.addupdate_scatter(asumb, [key], av)
        return 0

    @pl.when(sid < 15)
    def _scat_main():
        lax.fori_loop(0, NVEC, _scatter, 0, unroll=4)

    @pl.when(sid == 15)
    def _scat_last():
        lax.fori_loop(0, NVEC_LAST, _scatter, 0, unroll=2)

    def _bankred(j, _):
        for arr in (cntb, csumb, asumb):
            acc = arr[pl.ds(j * 16, 16)]
            for r in range(1, 16):
                acc = acc + arr[pl.ds(r * BSTRIDE + j * 16, 16)]
            arr[pl.ds(j * 16, 16)] = acc
        return 0

    lax.fori_loop(0, NB // 16, _bankred, 0, unroll=2)

    pltpu.sync_copy(cntb.at[pl.ds(0, NB)], sh_hist.at[pl.ds(3 * sid * NB, NB)])
    pltpu.sync_copy(csumb.at[pl.ds(0, NB)],
                    sh_hist.at[pl.ds((3 * sid + 1) * NB, NB)])
    pltpu.sync_copy(asumb.at[pl.ds(0, NB)],
                    sh_hist.at[pl.ds((3 * sid + 2) * NB, NB)])
    plsc.subcore_barrier()

    pltpu.sync_copy(sh_hist.at[pl.ds(0, _GBASE)], slab)
    for a in range(3):
        for j in range(SVEC):
            o = sid * SLICE + a * NB + j * 16
            acc = slab[pl.ds(o, 16)]
            for r in range(1, 16):
                acc = acc + slab[pl.ds(r * 3 * NB + o, 16)]
            red[pl.ds(a * SLICE + j * 16, 16)] = acc
    for a in range(3):
        pltpu.sync_copy(
            red.at[pl.ds(a * SLICE, SLICE)],
            sh_hist.at[pl.ds(_GBASE + a * NB + sid * SLICE, SLICE)])
    plsc.subcore_barrier()

    @pl.when(sid == 0)
    def _cum():
        pltpu.sync_copy(sh_hist.at[pl.ds(_GBASE, NB)], cumf)

        def _body(j, carry):
            v = cumf[pl.ds(j * 16, 16)]
            inc = jnp.cumsum(v)
            cumf[pl.ds(j * 16, 16)] = (carry + inc) - v
            return carry + jnp.sum(v)

        lax.fori_loop(0, NB // 16, _body, jnp.float32(0.0))
        pltpu.sync_copy(cumf, sh_cum)

    plsc.subcore_barrier()

    pltpu.sync_copy(sh_cum.at[pl.ds(sid * SLICE, SLICE)], cums)
    bin_c = [zero16] * NBINS
    bin_a = [zero16] * NBINS
    for j in range(SVEC):
        lo = cums[pl.ds(j * 16, 16)]
        cnt = red[pl.ds(j * 16, 16)]
        csv = red[pl.ds(SLICE + j * 16, 16)]
        asv = red[pl.ds(2 * SLICE + j * 16, 16)]
        hi = lo + cnt
        inv = 1.0 / jnp.maximum(cnt, 1.0)
        for b in range(NBINS):
            ov = jnp.minimum(hi, _ENDS[b]) - jnp.maximum(lo, _STARTS[b])
            frac = jnp.maximum(ov, 0.0) * inv
            bin_c[b] = bin_c[b] + frac * csv
            bin_a[b] = bin_a[b] + frac * asv
    for b in range(NBINS):
        part_v[pl.ds(b * 16, 16)] = bin_c[b]
        part_v[pl.ds((NBINS + b) * 16, 16)] = bin_a[b]
    pltpu.sync_copy(part_v, sh_part.at[pl.ds(sid * PART, PART)])
    plsc.subcore_barrier()

    pltpu.sync_copy(sh_part, part_all)
    ece = jnp.float32(0.0)
    for b in range(NBINS):
        cacc = zero16
        aacc = zero16
        for r in range(16):
            cacc = cacc + part_all[pl.ds(r * PART + b * 16, 16)]
            aacc = aacc + part_all[pl.ds(r * PART + (NBINS + b) * 16, 16)]
        ece = ece + jnp.abs(jnp.sum(cacc) - jnp.sum(aacc))
    out_v[pl.ds(0, 16)] = jnp.full((16,), ece * (1.0 / N), jnp.float32)

    @pl.when(jnp.logical_and(sid == 0, cid == 0))
    def _store():
        pltpu.sync_copy(out_v, out_hbm)


def kernel(logits, labels):
    lab = labels.astype(jnp.int32).reshape(GRID, 1, ROWS_BLK)
    conf, acc = _conf_acc(logits, lab)
    ece = _ece_sc(conf.reshape(N), acc.reshape(N))
    return ece[:1]

# --- scband reference (transcript-rebuilt; emitter-appended) ---
"""Pipeline reference for scband-adaptive-eceloss-74474732913242 (READ-ONLY COPY).

The authoritative reference and input builder live on the scoring server;
editing this copy changes nothing except your own understanding.
"""

import jax, jax.numpy as jnp
import numpy as np

N_BINS = 15

def setup_inputs(seed: int = 0) -> dict:
    key = jax.random.key(seed)
    k1, k2 = jax.random.split(key)
    logits = jax.random.normal(k1, (100000, 1000), dtype=jnp.float32)
    labels = jax.random.randint(k2, (100000,), 0, 1000, dtype=jnp.int64)
    return {"logits": logits, "labels": labels}

def reference(logits, labels):
    softmaxes = jax.nn.softmax(logits, axis=1)
    confidences = jnp.max(softmaxes, axis=1)
    predictions = jnp.argmax(softmaxes, axis=1)
    accuracies = (predictions == labels)
    n = confidences.shape[0]
    sorted_idx = jnp.argsort(confidences)
    confidences = confidences[sorted_idx]
    accuracies = accuracies[sorted_idx]
    ece = jnp.zeros((1,), dtype=logits.dtype)
    bin_size = n // N_BINS
    for i in range(N_BINS):
        start = i * bin_size
        end = (i + 1) * bin_size if i < N_BINS - 1 else n
        if start >= end:
            break
        bin_conf = confidences[start:end]
        bin_acc = accuracies[start:end].astype(logits.dtype)
        abs_diff = jnp.abs(jnp.mean(bin_conf) - jnp.mean(bin_acc))
        ece = ece + ((end - start) / n) * abs_diff
    return ece

if __name__ == "__main__":
    import jax
    _d = setup_inputs()
    print(jax.jit(kernel)(*tuple(_d.values())))

</pallas_src>

<mosaic_0001>
#map = affine_map<(d0, d1) -> (0)>
module attributes {stable_mosaic.version = 14 : i64} {
  func.func @_ece_sc(%arg0: i32, %arg1: i32, %arg2: memref<100000xf32, #tpu.memory_space<hbm>>, %arg3: memref<100000xf32, #tpu.memory_space<hbm>>, %arg4: memref<16xf32, #tpu.memory_space<hbm>>, %arg5: memref<6272xf32, #tpu.memory_space<vmem>>, %arg6: memref<6272xf32, #tpu.memory_space<vmem>>, %arg7: memref<8208xf32, #tpu.memory_space<vmem>>, %arg8: memref<8208xf32, #tpu.memory_space<vmem>>, %arg9: memref<8208xf32, #tpu.memory_space<vmem>>, %arg10: memref<24576xf32, #tpu.memory_space<vmem>>, %arg11: memref<96xf32, #tpu.memory_space<vmem>>, %arg12: memref<512xf32, #tpu.memory_space<vmem>>, %arg13: memref<32xf32, #tpu.memory_space<vmem>>, %arg14: memref<480xf32, #tpu.memory_space<vmem>>, %arg15: memref<7680xf32, #tpu.memory_space<vmem>>, %arg16: memref<16xf32, #tpu.memory_space<vmem>>, %arg17: memref<!tpu.dma_semaphore, #tpu.memory_space<semaphore_mem>>, %arg18: memref<26112xf32, #tpu.memory_space<vmem_shared>>, %arg19: memref<512xf32, #tpu.memory_space<vmem_shared>>, %arg20: memref<7680xf32, #tpu.memory_space<vmem_shared>>) attributes {dimension_semantics = [#tpu.dimension_semantics<core_parallel>, #tpu.dimension_semantics<subcore_parallel>], iteration_bounds = array<i64: 1, 16>, scalar_prefetch = 0 : i64, scratch_operands = 16 : i64, tpu.core_type = #tpu.core_type<sc_vector_subcore>, window_params = [{transform_indices = #map}, {transform_indices = #map}, {transform_indices = #map}]} {
    %broadcast_in_dim3A = arith.constant 0.000000e+00 : f32
    %broadcast_in_dim3A_0 = vector.broadcast %broadcast_in_dim3A : f32 to vector<16xf32>
    %lt3A = arith.constant 15 : i32
    %lt3A_1 = arith.cmpi slt, %arg1, %lt3A : i32
    %convert_element_type3A = arith.extui %lt3A_1 : i1 to i32
    %cond3A = arith.constant 0 : i32
    %cond3A_2 = arith.cmpi ne, %convert_element_type3A, %cond3A : i32
    scf.if %cond3A_2 {
      %mul3A_2748 = arith.constant 6272 : i32
      %mul3A_2749 = arith.muli %arg1, %mul3A_2748 : i32
      "tpu.region"() ({
        %run_scoped3A = tpu.sem_alloc : memref<!tpu.dma_semaphore, #tpu.memory_space<semaphore_mem>>
        %dma_start3A = tpu.memref_slice %arg2[%mul3A_2749] : memref<100000xf32, #tpu.memory_space<hbm>> -> memref<6272xf32, #tpu.memory_space<hbm>>
        %dma_start3A_2752 = tpu.memref_slice %arg2[%mul3A_2749] : memref<100000xf32, #tpu.memory_space<hbm>> -> memref<6272xf32, #tpu.memory_space<hbm>>
        tpu.enqueue_dma source(%dma_start3A_2752 : memref<6272xf32, #tpu.memory_space<hbm>>) target(%arg5 : memref<6272xf32, #tpu.memory_space<vmem>>) target_semaphore(%run_scoped3A : memref<!tpu.dma_semaphore, #tpu.memory_space<semaphore_mem>>)
        %dma_wait3A = tpu.memref_slice %arg2[%mul3A_2749] : memref<100000xf32, #tpu.memory_space<hbm>> -> memref<6272xf32, #tpu.memory_space<hbm>>
        %dma_wait3A_2753 = tpu.memref_slice %arg2[%mul3A_2749] : memref<100000xf32, #tpu.memory_space<hbm>> -> memref<6272xf32, #tpu.memory_space<hbm>>
        tpu.wait_dma2 semaphore(%run_scoped3A : memref<!tpu.dma_semaphore, #tpu.memory_space<semaphore_mem>>) src(%dma_wait3A_2753 : memref<6272xf32, #tpu.memory_space<hbm>>) dst(%arg5 : memref<6272xf32, #tpu.memory_space<vmem>>)
        tpu.yield
      }) : () -> ()
      %mul3A_2750 = arith.constant 6272 : i32
      %mul3A_2751 = arith.muli %arg1, %mul3A_2750 : i32
      "tpu.region"() ({
        %run_scoped3A = tpu.sem_alloc : memref<!tpu.dma_semaphore, #tpu.memory_space<semaphore_mem>>
        %dma_start3A = tpu.memref_slice %arg3[%mul3A_2751] : memref<100000xf32, #tpu.memory_space<hbm>> -> memref<6272xf32, #tpu.memory_space<hbm>>
        %dma_start3A_2752 = tpu.memref_slice %arg3[%mul3A_2751] : memref<100000xf32, #tpu.memory_space<hbm>> -> memref<6272xf32, #tpu.memory_space<hbm>>
        tpu.enqueue_dma source(%dma_start3A_2752 : memref<6272xf32, #tpu.memory_space<hbm>>) target(%arg6 : memref<6272xf32, #tpu.memory_space<vmem>>) target_semaphore(%run_scoped3A : memref<!tpu.dma_semaphore, #tpu.memory_space<semaphore_mem>>)
        %dma_wait3A = tpu.memref_slice %arg3[%mul3A_2751] : memref<100000xf32, #tpu.memory_space<hbm>> -> memref<6272xf32, #tpu.memory_space<hbm>>
        %dma_wait3A_2753 = tpu.memref_slice %arg3[%mul3A_2751] : memref<100000xf32, #tpu.memory_space<hbm>> -> memref<6272xf32, #tpu.memory_space<hbm>>
        tpu.wait_dma2 semaphore(%run_scoped3A : memref<!tpu.dma_semaphore, #tpu.memory_space<semaphore_mem>>) src(%dma_wait3A_2753 : memref<6272xf32, #tpu.memory_space<hbm>>) dst(%arg6 : memref<6272xf32, #tpu.memory_space<vmem>>)
        tpu.yield
      }) : () -> ()
    } else {
    }
    %eq3A = arith.constant 15 : i32
    %eq3A_3 = arith.cmpi eq, %arg1, %eq3A : i32
    %convert_element_type3A_4 = arith.extui %eq3A_3 : i1 to i32
    %cond3A_5 = arith.constant 0 : i32
    %cond3A_6 = arith.cmpi ne, %convert_element_type3A_4, %cond3A_5 : i32
    scf.if %cond3A_6 {
      "tpu.region"() ({
        %run_scoped3A = tpu.sem_alloc : memref<!tpu.dma_semaphore, #tpu.memory_space<semaphore_mem>>
        %dma_start3A = arith.constant 0 : i32
        %dma_start3A_2748 = tpu.memref_slice %arg5[%dma_start3A] : memref<6272xf32, #tpu.memory_space<vmem>> -> memref<5920xf32, #tpu.memory_space<vmem>>
        %dma_start3A_2749 = arith.constant 94080 : i32
        %dma_start3A_2750 = tpu.memref_slice %arg2[%dma_start3A_2749] : memref<100000xf32, #tpu.memory_space<hbm>> -> memref<5920xf32, #tpu.memory_space<hbm>>
        %dma_start3A_2751 = arith.constant 0 : i32
        %dma_start3A_2752 = tpu.memref_slice %arg5[%dma_start3A_2751] : memref<6272xf32, #tpu.memory_space<vmem>> -> memref<5920xf32, #tpu.memory_space<vmem>>
        %dma_start3A_2753 = arith.constant 94080 : i32
        %dma_start3A_2754 = tpu.memref_slice %arg2[%dma_start3A_2753] : memref<100000xf32, #tpu.memory_space<hbm>> -> memref<5920xf32, #tpu.memory_space<hbm>>
        tpu.enqueue_dma source(%dma_start3A_2754 : memref<5920xf32, #tpu.memory_space<hbm>>) target(%dma_start3A_2752 : memref<5920xf32, #tpu.memory_space<vmem>>) target_semaphore(%run_scoped3A : memref<!tpu.dma_semaphore, #tpu.memory_space<semaphore_mem>>)
        %dma_wait3A = arith.constant 0 : i32
        %dma_wait3A_2755 = tpu.memref_slice %arg5[%dma_wait3A] : memref<6272xf32, #tpu.memory_space<vmem>> -> memref<5920xf32, #tpu.memory_space<vmem>>
        %dma_wait3A_2756 = arith.constant 94080 : i32
        %dma_wait3A_2757 = tpu.memref_slice %arg2[%dma_wait3A_2756] : memref<100000xf32, #tpu.memory_space<hbm>> -> memref<5920xf32, #tpu.memory_space<hbm>>
        %dma_wait3A_2758 = arith.constant 0 : i32
        %dma_wait3A_2759 = tpu.memref_slice %arg5[%dma_wait3A_2758] : memref<6272xf32, #tpu.memory_space<vmem>> -> memref<5920xf32, #tpu.memory_space<vmem>>
        %dma_wait3A_2760 = arith.constant 94080 : i32
        %dma_wait3A_2761 = tpu.memref_slice %arg2[%dma_wait3A_2760] : memref<100000xf32, #tpu.memory_space<hbm>> -> memref<5920xf32, #tpu.memory_space<hbm>>
        tpu.wait_dma2 semaphore(%run_scoped3A : memref<!tpu.dma_semaphore, #tpu.memory_space<semaphore_mem>>) src(%dma_wait3A_2761 : memref<5920xf32, #tpu.memory_space<hbm>>) dst(%dma_wait3A_2759 : memref<5920xf32, #tpu.memory_space<vmem>>)
        tpu.yield
      }) : () -> ()
      "tpu.region"() ({
        %run_scoped3A = tpu.sem_alloc : memref<!tpu.dma_semaphore, #tpu.memory_space<semaphore_mem>>
        %dma_start3A = arith.constant 0 : i32
        %dma_start3A_2748 = tpu.memref_slice %arg6[%dma_start3A] : memref<6272xf32, #tpu.memory_space<vmem>> -> memref<5920xf32, #tpu.memory_space<vmem>>
        %dma_start3A_2749 = arith.constant 94080 : i32
        %dma_start3A_2750 = tpu.memref_slice %arg3[%dma_start3A_2749] : memref<100000xf32, #tpu.memory_space<hbm>> -> memref<5920xf32, #tpu.memory_space<hbm>>
        %dma_start3A_2751 = arith.constant 0 : i32
        %dma_start3A_2752 = tpu.memref_slice %arg6[%dma_start3A_2751] : memref<6272xf32, #tpu.memory_space<vmem>> -> memref<5920xf32, #tpu.memory_space<vmem>>
        %dma_start3A_2753 = arith.constant 94080 : i32
        %dma_start3A_2754 = tpu.memref_slice %arg3[%dma_start3A_2753] : memref<100000xf32, #tpu.memory_space<hbm>> -> memref<5920xf32, #tpu.memory_space<hbm>>
        tpu.enqueue_dma source(%dma_start3A_2754 : memref<5920xf32, #tpu.memory_space<hbm>>) target(%dma_start3A_2752 : memref<5920xf32, #tpu.memory_space<vmem>>) target_semaphore(%run_scoped3A : memref<!tpu.dma_semaphore, #tpu.memory_space<semaphore_mem>>)
        %dma_wait3A = arith.constant 0 : i32
        %dma_wait3A_2755 = tpu.memref_slice %arg6[%dma_wait3A] : memref<6272xf32, #tpu.memory_space<vmem>> -> memref<5920xf32, #tpu.memory_space<vmem>>
        %dma_wait3A_2756 = arith.constant 94080 : i32
        %dma_wait3A_2757 = tpu.memref_slice %arg3[%dma_wait3A_2756] : memref<100000xf32, #tpu.memory_space<hbm>> -> memref<5920xf32, #tpu.memory_space<hbm>>
        %dma_wait3A_2758 = arith.constant 0 : i32
        %dma_wait3A_2759 = tpu.memref_slice %arg6[%dma_wait3A_2758] : memref<6272xf32, #tpu.memory_space<vmem>> -> memref<5920xf32, #tpu.memory_space<vmem>>
        %dma_wait3A_2760 = arith.constant 94080 : i32
        %dma_wait3A_2761 = tpu.memref_slice %arg3[%dma_wait3A_2760] : memref<100000xf32, #tpu.memory_space<hbm>> -> memref<5920xf32, #tpu.memory_space<hbm>>
        tpu.wait_dma2 semaphore(%run_scoped3A : memref<!tpu.dma_semaphore, #tpu.memory_space<semaphore_mem>>) src(%dma_wait3A_2761 : memref<5920xf32, #tpu.memory_space<hbm>>) dst(%dma_wait3A_2759 : memref<5920xf32, #tpu.memory_space<vmem>>)
        tpu.yield
      }) : () -> ()
    } else {
    }
    %scan3A = arith.constant 0 : i32
    %scan3A_7 = arith.constant 0 : i32
    %scan3A_8 = arith.constant 512 : i32
    %scan3A_9 = arith.addi %scan3A_7, %scan3A_8 : i32
    %scan3A_10 = arith.constant 8 : i32
    %scan3A_11 = scf.for %scan3A_2748 = %scan3A_7 to %scan3A_9 step %scan3A_10 iter_args(%scan3A_2749 = %scan3A) -> (i32)  : i32 {
      %mul3A_2750 = arith.constant 16 : i32
      %mul3A_2751 = arith.muli %scan3A_2748, %mul3A_2750 : i32
      %swap3A_2752 = arith.index_cast %mul3A_2751 : i32 to index
      %swap3A_2753 = tpu.vector_load %arg7[%swap3A_2752] {strides = array<i32>} : memref<8208xf32, #tpu.memory_space<vmem>>, vector<16xf32>,
      tpu.vector_store %arg7[%swap3A_2752], %broadcast_in_dim3A_0 {strides = array<i32>} : memref<8208xf32, #tpu.memory_space<vmem>>, vector<16xf32>,
      %mul3A_2754 = arith.constant 16 : i32
      %mul3A_2755 = arith.muli %scan3A_2748, %mul3A_2754 : i32
      %swap3A_2756 = arith.index_cast %mul3A_2755 : i32 to index
      %swap3A_2757 = tpu.vector_load %arg8[%swap3A_2756] {strides = array<i32>} : memref<8208xf32, #tpu.memory_space<vmem>>, vector<16xf32>,
      tpu.vector_store %arg8[%swap3A_2756], %broadcast_in_dim3A_0 {strides = array<i32>} : memref<8208xf32, #tpu.memory_space<vmem>>, vector<16xf32>,
      %mul3A_2758 = arith.constant 16 : i32
      %mul3A_2759 = arith.muli %scan3A_2748, %mul3A_2758 : i32
      %swap3A_2760 = arith.index_cast %mul3A_2759 : i32 to index
      %swap3A_2761 = tpu.vector_load %arg9[%swap3A_2760] {strides = array<i32>} : memref<8208xf32, #tpu.memory_space<vmem>>, vector<16xf32>,
      tpu.vector_store %arg9[%swap3A_2760], %broadcast_in_dim3A_0 {strides = array<i32>} : memref<8208xf32, #tpu.memory_space<vmem>>, vector<16xf32>,
      %scan3A_2762 = arith.constant 0 : i32
      %scan3A_2763 = arith.constant 1 : i32
      %scan3A_2764 = arith.addi %scan3A_2748, %scan3A_2763 : i32
      %mul3A_2765 = arith.constant 16 : i32
      %mul3A_2766 = arith.muli %scan3A_2764, %mul3A_2765 : i32
      %swap3A_2767 = arith.index_cast %mul3A_2766 : i32 to index
      %swap3A_2768 = tpu.vector_load %arg7[%swap3A_2767] {strides = array<i32>} : memref<8208xf32, #tpu.memory_space<vmem>>, vector<16xf32>,
      tpu.vector_store %arg7[%swap3A_2767], %broadcast_in_dim3A_0 {strides = array<i32>} : memref<8208xf32, #tpu.memory_space<vmem>>, vector<16xf32>,
      %mul3A_2769 = arith.constant 16 : i32
      %mul3A_2770 = arith.muli %scan3A_2764, %mul3A_2769 : i32
      %swap3A_2771 = arith.index_cast %mul3A_2770 : i32 to index
      %swap3A_2772 = tpu.vector_load %arg8[%swap3A_2771] {strides = array<i32>} : memref<8208xf32, #tpu.memory_space<vmem>>, vector<16xf32>,
      tpu.vector_store %arg8[%swap3A_2771], %broadcast_in_dim3A_0 {strides = array<i32>} : memref<8208xf32, #tpu.memory_space<vmem>>, vector<16xf32>,
      %mul3A_2773 = arith.constant 16 : i32
      %mul3A_2774 = arith.muli %scan3A_2764, %mul3A_2773 : i32
      %swap3A_2775 = arith.index_cast %mul3A_2774 : i32 to index
      %swap3A_2776 = tpu.vector_load %arg9[%swap3A_2775] {strides = array<i32>} : memref<8208xf32, #tpu.memory_space<vmem>>, vector<16xf32>,
      tpu.vector_store %arg9[%swap3A_2775], %broadcast_in_dim3A_0 {strides = array<i32>} : memref<8208xf32, #tpu.memory_space<vmem>>, vector<16xf32>,
      %scan3A_2777 = arith.constant 0 : i32
      %scan3A_2778 = arith.constant 2 : i32
      %scan3A_2779 = arith.addi %scan3A_2748, %scan3A_2778 : i32
      %mul3A_2780 = arith.constant 16 : i32
      %mul3A_2781 = arith.muli %scan3A_2779, %mul3A_2780 : i32
      %swap3A_2782 = arith.index_cast %mul3A_2781 : i32 to index
      %swap3A_2783 = tpu.vector_load %arg7[%swap3A_2782] {strides = array<i32>} : memref<8208xf32, #tpu.memory_space<vmem>>, vector<16xf32>,
      tpu.vector_store %arg7[%swap3A_2782], %broadcast_in_dim3A_0 {strides = array<i32>} : memref<8208xf32, #tpu.memory_space<vmem>>, vector<16xf32>,
      %mul3A_2784 = arith.constant 16 : i32
      %mul3A_2785 = arith.muli %scan3A_2779, %mul3A_2784 : i32
      %swap3A_2786 = arith.index_cast %mul3A_2785 : i32 to index
      %swap3A_2787 = tpu.vector_load %arg8[%swap3A_2786] {strides = array<i32>} : memref<8208xf32, #tpu.memory_space<vmem>>, vector<16xf32>,
      tpu.vector_store %arg8[%swap3A_2786], %broadcast_in_dim3A_0 {strides = array<i32>} : memref<8208xf32, #tpu.memory_space<vmem>>, vector<16xf32>,
      %mul3A_2788 = arith.constant 16 : i32
      %mul3A_2789 = arith.muli %scan3A_2779, %mul3A_2788 : i32
      %swap3A_2790 = arith.index_cast %mul3A_2789 : i32 to index
      %swap3A_2791 = tpu.vector_load %arg9[%swap3A_2790] {strides = array<i32>} : memref<8208xf32, #tpu.memory_space<vmem>>, vector<16xf32>,
      tpu.vector_store %arg9[%swap3A_2790], %broadcast_in_dim3A_0 {strides = array<i32>} : memref<8208xf32, #tpu.memory_space<vmem>>, vector<16xf32>,
      %scan3A_2792 = arith.constant 0 : i32
      %scan3A_2793 = arith.constant 3 : i32
      %scan3A_2794 = arith.addi %scan3A_2748, %scan3A_2793 : i32
      %mul3A_2795 = arith.constant 16 : i32
      %mul3A_2796 = arith.muli %scan3A_2794, %mul3A_2795 : i32
      %swap3A_2797 = arith.index_cast %mul3A_2796 : i32 to index
      %swap3A_2798 = tpu.vector_load %arg7[%swap3A_2797] {strides = array<i32>} : memref<8208xf32, #tpu.memory_space<vmem>>, vector<16xf32>,
      tpu.vector_store %arg7[%swap3A_2797], %broadcast_in_dim3A_0 {strides = array<i32>} : memref<8208xf32, #tpu.memory_space<vmem>>, vector<16xf32>,
      %mul3A_2799 = arith.constant 16 : i32
      %mul3A_2800 = arith.muli %scan3A_2794, %mul3A_2799 : i32
      %swap3A_2801 = arith.index_cast %mul3A_2800 : i32 to index
      %swap3A_2802 = tpu.vector_load %arg8[%swap3A_2801] {strides = array<i32>} : memref<8208xf32, #tpu.memory_space<vmem>>, vector<16xf32>,
      tpu.vector_store %arg8[%swap3A_2801], %broadcast_in_dim3A_0 {strides = array<i32>} : memref<8208xf32, #tpu.memory_space<vmem>>, vector<16xf32>,
      %mul3A_2803 = arith.constant 16 : i32
      %mul3A_2804 = arith.muli %scan3A_2794, %mul3A_2803 : i32
      %swap3A_2805 = arith.index_cast %mul3A_2804 : i32 to index
      %swap3A_2806 = tpu.vector_load %arg9[%swap3A_2805] {strides = array<i32>} : memref<8208xf32, #tpu.memory_space<vmem>>, vector<16xf32>,
      tpu.vector_store %arg9[%swap3A_2805], %broadcast_in_dim3A_0 {strides = array<i32>} : memref<8208xf32, #tpu.memory_space<vmem>>, vector<16xf32>,
      %scan3A_2807 = arith.constant 0 : i32
      %scan3A_2808 = arith.constant 4 : i32
      %scan3A_2809 = arith.addi %scan3A_2748, %scan3A_2808 : i32
      %mul3A_2810 = arith.constant 16 : i32
      %mul3A_2811 = arith.muli %scan3A_2809, %mul3A_2810 : i32
      %swap3A_2812 = arith.index_cast %mul3A_2811 : i32 to index
      %swap3A_2813 = tpu.vector_load %arg7[%swap3A_2812] {strides = array<i32>} : memref<8208xf32, #tpu.memory_space<vmem>>, vector<16xf32>,
      tpu.vector_store %arg7[%swap3A_2812], %broadcast_in_dim3A_0 {strides = array<i32>} : memref<8208xf32, #tpu.memory_space<vmem>>, vector<16xf32>,
      %mul3A_2814 = arith.constant 16 : i32
      %mul3A_2815 = arith.muli %scan3A_2809, %mul3A_2814 : i32
      %swap3A_2816 = arith.index_cast %mul3A_2815 : i32 to index
      %swap3A_2817 = tpu.vector_load %arg8[%swap3A_2816] {strides = array<i32>} : memref<8208xf32, #tpu.memory_space<vmem>>, vector<16xf32>,
      tpu.vector_store %arg8[%swap3A_2816], %broadcast_in_dim3A_0 {strides = array<i32>} : memref<8208xf32, #tpu.memory_space<vmem>>, vector<16xf32>,
      %mul3A_2818 = arith.constant 16 : i32
      %mul3A_2819 = arith.muli %scan3A_2809, %mul3A_2818 : i32
      %swap3A_2820 = arith.index_cast %mul3A_2819 : i32 to index
      %swap3A_2821 = tpu.vector_load %arg9[%swap3A_2820] {strides = array<i32>} : memref<8208xf32, #tpu.memory_space<vmem>>, vector<16xf32>,
      tpu.vector_store %arg9[%swap3A_2820], %broadcast_in_dim3A_0 {strides = array<i32>} : memref<8208xf32, #tpu.memory_space<vmem>>, vector<16xf32>,
      %scan3A_2822 = arith.constant 0 : i32
      %scan3A_2823 = arith.constant 5 : i32
      %scan3A_2824 = arith.addi %scan3A_2748, %scan3A_2823 : i32
      %mul3A_2825 = arith.constant 16 : i32
      %mul3A_2826 = arith.muli %scan3A_2824, %mul3A_2825 : i32
      %swap3A_2827 = arith.index_cast %mul3A_2826 : i32 to index
      %swap3A_2828 = tpu.vector_load %arg7[%swap3A_2827] {strides = array<i32>} : memref<8208xf32, #tpu.memory_space<vmem>>, vector<16xf32>,
      tpu.vector_store %arg7[%swap3A_2827], %broadcast_in_dim3A_0 {strides = array<i32>} : memref<8208xf32, #tpu.memory_space<vmem>>, vector<16xf32>,
      %mul3A_2829 = arith.constant 16 : i32
      %mul3A_2830 = arith.muli %scan3A_2824, %mul3A_2829 : i32
      %swap3A_2831 = arith.index_cast %mul3A_2830 : i32 to index
      %swap3A_2832 = tpu.vector_load %arg8[%swap3A_2831] {strides = array<i32>} : memref<8208xf32, #tpu.memory_space<vmem>>, vector<16xf32>,
      tpu.vector_store %arg8[%swap3A_2831], %broadcast_in_dim3A_0 {strides = array<i32>} : memref<8208xf32, #tpu.memory_space<vmem>>, vector<16xf32>,
      %mul3A_2833 = arith.constant 16 : i32
      %mul3A_2834 = arith.muli %scan3A_2824, %mul3A_2833 : i32
      %swap3A_2835 = arith.index_cast %mul3A_2834 : i32 to index
      %swap3A_2836 = tpu.vector_load %arg9[%swap3A_2835] {strides = array<i32>} : memref<8208xf32, #tpu.memory_space<vmem>>, vector<16xf32>,
      tpu.vector_store %arg9[%swap3A_2835], %broadcast_in_dim3A_0 {strides = array<i32>} : memref<8208xf32, #tpu.memory_space<vmem>>, vector<16xf32>,
      %scan3A_2837 = arith.constant 0 : i32
      %scan3A_2838 = arith.constant 6 : i32
      %scan3A_2839 = arith.addi %scan3A_2748, %scan3A_2838 : i32
      %mul3A_2840 = arith.constant 16 : i32
      %mul3A_2841 = arith.muli %scan3A_2839, %mul3A_2840 : i32
      %swap3A_2842 = arith.index_cast %mul3A_2841 : i32 to index
      %swap3A_2843 = tpu.vector_load %arg7[%swap3A_2842] {strides = array<i32>} : memref<8208xf32, #tpu.memory_space<vmem>>, vector<16xf32>,
      tpu.vector_store %arg7[%swap3A_2842], %broadcast_in_dim3A_0 {strides = array<i32>} : memref<8208xf32, #tpu.memory_space<vmem>>, vector<16xf32>,
      %mul3A_2844 = arith.constant 16 : i32
      %mul3A_2845 = arith.muli %scan3A_2839, %mul3A_2844 : i32
      %swap3A_2846 = arith.index_cast %mul3A_2845 : i32 to index
      %swap3A_2847 = tpu.vector_load %arg8[%swap3A_2846] {strides = array<i32>} : memref<8208xf32, #tpu.memory_space<vmem>>, vector<16xf32>,
      tpu.vector_store %arg8[%swap3A_2846], %broadcast_in_dim3A_0 {strides = array<i32>} : memref<8208xf32, #tpu.memory_space<vmem>>, vector<16xf32>,
      %mul3A_2848 = arith.constant 16 : i32
      %mul3A_2849 = arith.muli %scan3A_2839, %mul3A_2848 : i32
      %swap3A_2850 = arith.index_cast %mul3A_2849 : i32 to index
      %swap3A_2851 = tpu.vector_load %arg9[%swap3A_2850] {strides = array<i32>} : memref<8208xf32, #tpu.memory_space<vmem>>, vector<16xf32>,
      tpu.vector_store %arg9[%swap3A_2850], %broadcast_in_dim3A_0 {strides = array<i32>} : memref<8208xf32, #tpu.memory_space<vmem>>, vector<16xf32>,
      %scan3A_2852 = arith.constant 0 : i32
      %scan3A_2853 = arith.constant 7 : i32
      %scan3A_2854 = arith.addi %scan3A_2748, %scan3A_2853 : i32
      %mul3A_2855 = arith.constant 16 : i32
      %mul3A_2856 = arith.muli %scan3A_2854, %mul3A_2855 : i32
      %swap3A_2857 = arith.index_cast %mul3A_2856 : i32 to index
      %swap3A_2858 = tpu.vector_load %arg7[%swap3A_2857] {strides = array<i32>} : memref<8208xf32, #tpu.memory_space<vmem>>, vector<16xf32>,
      tpu.vector_store %arg7[%swap3A_2857], %broadcast_in_dim3A_0 {strides = array<i32>} : memref<8208xf32, #tpu.memory_space<vmem>>, vector<16xf32>,
      %mul3A_2859 = arith.constant 16 : i32
      %mul3A_2860 = arith.muli %scan3A_2854, %mul3A_2859 : i32
      %swap3A_2861 = arith.index_cast %mul3A_2860 : i32 to index
      %swap3A_2862 = tpu.vector_load %arg8[%swap3A_2861] {strides = array<i32>} : memref<8208xf32, #tpu.memory_space<vmem>>, vector<16xf32>,
      tpu.vector_store %arg8[%swap3A_2861], %broadcast_in_dim3A_0 {strides = array<i32>} : memref<8208xf32, #tpu.memory_space<vmem>>, vector<16xf32>,
      %mul3A_2863 = arith.constant 16 : i32
      %mul3A_2864 = arith.muli %scan3A_2854, %mul3A_2863 : i32
      %swap3A_2865 = arith.index_cast %mul3A_2864 : i32 to index
      %swap3A_2866 = tpu.vector_load %arg9[%swap3A_2865] {strides = array<i32>} : memref<8208xf32, #tpu.memory_space<vmem>>, vector<16xf32>,
      tpu.vector_store %arg9[%swap3A_2865], %broadcast_in_dim3A_0 {strides = array<i32>} : memref<8208xf32, #tpu.memory_space<vmem>>, vector<16xf32>,
      %scan3A_2867 = arith.constant 0 : i32
      scf.yield %scan3A_2867 : i32
    }
    %scan3A_12 = arith.constant 512 : i32
    %scan3A_13 = arith.addi %scan3A_7, %scan3A_12 : i32
    %mul3A = arith.constant 16 : i32
    %mul3A_14 = arith.muli %scan3A_13, %mul3A : i32
    %swap3A = arith.index_cast %mul3A_14 : i32 to index
    %swap3A_15 = tpu.vector_load %arg7[%swap3A] {strides = array<i32>} : memref<8208xf32, #tpu.memory_space<vmem>>, vector<16xf32>,
    tpu.vector_store %arg7[%swap3A], %broadcast_in_dim3A_0 {strides = array<i32>} : memref<8208xf32, #tpu.memory_space<vmem>>, vector<16xf32>,
    %mul3A_16 = arith.constant 16 : i32
    %mul3A_17 = arith.muli %scan3A_13, %mul3A_16 : i32
    %swap3A_18 = arith.index_cast %mul3A_17 : i32 to index
    %swap3A_19 = tpu.vector_load %arg8[%swap3A_18] {strides = array<i32>} : memref<8208xf32, #tpu.memory_space<vmem>>, vector<16xf32>,
    tpu.vector_store %arg8[%swap3A_18], %broadcast_in_dim3A_0 {strides = array<i32>} : memref<8208xf32, #tpu.memory_space<vmem>>, vector<16xf32>,
    %mul3A_20 = arith.constant 16 : i32
    %mul3A_21 = arith.muli %scan3A_13, %mul3A_20 : i32
    %swap3A_22 = arith.index_cast %mul3A_21 : i32 to index
    %swap3A_23 = tpu.vector_load %arg9[%swap3A_22] {strides = array<i32>} : memref<8208xf32, #tpu.memory_space<vmem>>, vector<16xf32>,
    tpu.vector_store %arg9[%swap3A_22], %broadcast_in_dim3A_0 {strides = array<i32>} : memref<8208xf32, #tpu.memory_space<vmem>>, vector<16xf32>,
    %scan3A_24 = arith.constant 0 : i32
    %scan3A_25 = arith.constant 513 : i32
    %iota3A = tpu.iota {dimensions = array<i32: 0>} : vector<16xi32>
    %mul3A_26 = arith.constant 513 : i32
    %mul3A_27 = vector.broadcast %mul3A_26 : i32 to vector<16xi32>
    %mul3A_28 = arith.muli %iota3A, %mul3A_27 : vector<16xi32>
    %broadcast_in_dim3A_29 = arith.constant 1.000000e+00 : f32
    %broadcast_in_dim3A_30 = vector.broadcast %broadcast_in_dim3A_29 : f32 to vector<16xf32>
    %lt3A_31 = arith.constant 15 : i32
    %lt3A_32 = arith.cmpi slt, %arg1, %lt3A_31 : i32
    %convert_element_type3A_33 = arith.extui %lt3A_32 : i1 to i32
    %cond3A_34 = arith.constant 0 : i32
    %cond3A_35 = arith.cmpi ne, %convert_element_type3A_33, %cond3A_34 : i32
    scf.if %cond3A_35 {
      %scan3A_2748 = arith.constant 0 : i32
      %scan3A_2749 = arith.constant 0 : i32
      %scan3A_2750 = arith.constant 392 : i32
      %scan3A_2751 = arith.addi %scan3A_2749, %scan3A_2750 : i32
      %scan3A_2752 = arith.constant 4 : i32
      %scan3A_2753 = scf.for %scan3A_2755 = %scan3A_2749 to %scan3A_2751 step %scan3A_2752 iter_args(%scan3A_2756 = %scan3A_2748) -> (i32)  : i32 {
        %mul3A_2757 = arith.constant 16 : i32
        %mul3A_2758 = arith.muli %scan3A_2755, %mul3A_2757 : i32
        %get3A_2759 = arith.index_cast %mul3A_2758 : i32 to index
        %get3A_2760 = tpu.vector_load %arg5[%get3A_2759] {strides = array<i32>} : memref<6272xf32, #tpu.memory_space<vmem>>, vector<16xf32>,
        %mul3A_2761 = arith.constant 16 : i32
        %mul3A_2762 = arith.muli %scan3A_2755, %mul3A_2761 : i32
        %get3A_2763 = arith.index_cast %mul3A_2762 : i32 to index
        %get3A_2764 = tpu.vector_load %arg6[%get3A_2763] {strides = array<i32>} : memref<6272xf32, #tpu.memory_space<vmem>>, vector<16xf32>,
        %bitcast_convert_type3A = tpu.bitcast %get3A_2760 : vector<16xf32> -> vector<16xi32>
        %shift_right_arithmetic3A = arith.constant 18 : i32
        %shift_right_arithmetic3A_2765 = vector.broadcast %shift_right_arithmetic3A : i32 to vector<16xi32>
        %shift_right_arithmetic3A_2766 = arith.shrsi %bitcast_convert_type3A, %shift_right_arithmetic3A_2765 : vector<16xi32>
        %sub3A_2767 = arith.constant 3744 : i32
        %sub3A_2768 = vector.broadcast %sub3A_2767 : i32 to vector<16xi32>
        %sub3A_2769 = arith.subi %shift_right_arithmetic3A_2766, %sub3A_2768 : vector<16xi32>
        %jit3A = arith.constant 0 : i32
        %jit3A_2770 = arith.constant 511 : i32
        %max3A_2771 = vector.broadcast %jit3A : i32 to vector<16xi32>
        %max3A_2772 = arith.maxsi %max3A_2771, %sub3A_2769 : vector<16xi32>
        %min3A_2773 = vector.broadcast %jit3A_2770 : i32 to vector<16xi32>
        %min3A_2774 = arith.minsi %min3A_2773, %max3A_2772 : vector<16xi32>
        %add3A_2775 = arith.addi %min3A_2774, %mul3A_28 : vector<16xi32>
        tpu.vector_store_idx %arg7[%add3A_2775], %broadcast_in_dim3A_30 {add = true} : memref<8208xf32, #tpu.memory_space<vmem>>[vector<16xi32>], vector<16xf32>,
        tpu.vector_store_idx %arg8[%add3A_2775], %get3A_2760 {add = true} : memref<8208xf32, #tpu.memory_space<vmem>>[vector<16xi32>], vector<16xf32>,
        tpu.vector_store_idx %arg9[%add3A_2775], %get3A_2764 {add = true} : memref<8208xf32, #tpu.memory_space<vmem>>[vector<16xi32>], vector<16xf32>,
        %scan3A_2776 = arith.constant 0 : i32
        %scan3A_2777 = arith.constant 1 : i32
        %scan3A_2778 = arith.addi %scan3A_2755, %scan3A_2777 : i32
        %mul3A_2779 = arith.constant 16 : i32
        %mul3A_2780 = arith.muli %scan3A_2778, %mul3A_2779 : i32
        %get3A_2781 = arith.index_cast %mul3A_2780 : i32 to index
        %get3A_2782 = tpu.vector_load %arg5[%get3A_2781] {strides = array<i32>} : memref<6272xf32, #tpu.memory_space<vmem>>, vector<16xf32>,
        %mul3A_2783 = arith.constant 16 : i32
        %mul3A_2784 = arith.muli %scan3A_2778, %mul3A_2783 : i32
        %get3A_2785 = arith.index_cast %mul3A_2784 : i32 to index
        %get3A_2786 = tpu.vector_load %arg6[%get3A_2785] {strides = array<i32>} : memref<6272xf32, #tpu.memory_space<vmem>>, vector<16xf32>,
        %bitcast_convert_type3A_2787 = tpu.bitcast %get3A_2782 : vector<16xf32> -> vector<16xi32>
        %shift_right_arithmetic3A_2788 = arith.constant 18 : i32
        %shift_right_arithmetic3A_2789 = vector.broadcast %shift_right_arithmetic3A_2788 : i32 to vector<16xi32>
        %shift_right_arithmetic3A_2790 = arith.shrsi %bitcast_convert_type3A_2787, %shift_right_arithmetic3A_2789 : vector<16xi32>
        %sub3A_2791 = arith.constant 3744 : i32
        %sub3A_2792 = vector.broadcast %sub3A_2791 : i32 to vector<16xi32>
        %sub3A_2793 = arith.subi %shift_right_arithmetic3A_2790, %sub3A_2792 : vector<16xi32>
        %jit3A_2794 = arith.constant 0 : i32
        %jit3A_2795 = arith.constant 511 : i32
        %max3A_2796 = vector.broadcast %jit3A_2794 : i32 to vector<16xi32>
        %max3A_2797 = arith.maxsi %max3A_2796, %sub3A_2793 : vector<16xi32>
        %min3A_2798 = vector.broadcast %jit3A_2795 : i32 to vector<16xi32>
        %min3A_2799 = arith.minsi %min3A_2798, %max3A_2797 : vector<16xi32>
        %add3A_2800 = arith.addi %min3A_2799, %mul3A_28 : vector<16xi32>
        tpu.vector_store_idx %arg7[%add3A_2800], %broadcast_in_dim3A_30 {add = true} : memref<8208xf32, #tpu.memory_space<vmem>>[vector<16xi32>], vector<16xf32>,
        tpu.vector_store_idx %arg8[%add3A_2800], %get3A_2782 {add = true} : memref<8208xf32, #tpu.memory_space<vmem>>[vector<16xi32>], vector<16xf32>,
        tpu.vector_store_idx %arg9[%add3A_2800], %get3A_2786 {add = true} : memref<8208xf32, #tpu.memory_space<vmem>>[vector<16xi32>], vector<16xf32>,
        %scan3A_2801 = arith.constant 0 : i32
        %scan3A_2802 = arith.constant 2 : i32
        %scan3A_2803 = arith.addi %scan3A_2755, %scan3A_2802 : i32
        %mul3A_2804 = arith.constant 16 : i32
        %mul3A_2805 = arith.muli %scan3A_2803, %mul3A_2804 : i32
        %get3A_2806 = arith.index_cast %mul3A_2805 : i32 to index
        %get3A_2807 = tpu.vector_load %arg5[%get3A_2806] {strides = array<i32>} : memref<6272xf32, #tpu.memory_space<vmem>>, vector<16xf32>,
        %mul3A_2808 = arith.constant 16 : i32
        %mul3A_2809 = arith.muli %scan3A_2803, %mul3A_2808 : i32
        %get3A_2810 = arith.index_cast %mul3A_2809 : i32 to index
        %get3A_2811 = tpu.vector_load %arg6[%get3A_2810] {strides = array<i32>} : memref<6272xf32, #tpu.memory_space<vmem>>, vector<16xf32>,
        %bitcast_convert_type3A_2812 = tpu.bitcast %get3A_2807 : vector<16xf32> -> vector<16xi32>
        %shift_right_arithmetic3A_2813 = arith.constant 18 : i32
        %shift_right_arithmetic3A_2814 = vector.broadcast %shift_right_arithmetic3A_2813 : i32 to vector<16xi32>
        %shift_right_arithmetic3A_2815 = arith.shrsi %bitcast_convert_type3A_2812, %shift_right_arithmetic3A_2814 : vector<16xi32>
        %sub3A_2816 = arith.constant 3744 : i32
        %sub3A_2817 = vector.broadcast %sub3A_2816 : i32 to vector<16xi32>
        %sub3A_2818 = arith.subi %shift_right_arithmetic3A_2815, %sub3A_2817 : vector<16xi32>
        %jit3A_2819 = arith.constant 0 : i32
        %jit3A_2820 = arith.constant 511 : i32
        %max3A_2821 = vector.broadcast %jit3A_2819 : i32 to vector<16xi32>
        %max3A_2822 = arith.maxsi %max3A_2821, %sub3A_2818 : vector<16xi32>
        %min3A_2823 = vector.broadcast %jit3A_2820 : i32 to vector<16xi32>
        %min3A_2824 = arith.minsi %min3A_2823, %max3A_2822 : vector<16xi32>
        %add3A_2825 = arith.addi %min3A_2824, %mul3A_28 : vector<16xi32>
        tpu.vector_store_idx %arg7[%add3A_2825], %broadcast_in_dim3A_30 {add = true} : memref<8208xf32, #tpu.memory_space<vmem>>[vector<16xi32>], vector<16xf32>,
        tpu.vector_store_idx %arg8[%add3A_2825], %get3A_2807 {add = true} : memref<8208xf32, #tpu.memory_space<vmem>>[vector<16xi32>], vector<16xf32>,
        tpu.vector_store_idx %arg9[%add3A_2825], %get3A_2811 {add = true} : memref<8208xf32, #tpu.memory_space<vmem>>[vector<16xi32>], vector<16xf32>,
        %scan3A_2826 = arith.constant 0 : i32
        %scan3A_2827 = arith.constant 3 : i32
        %scan3A_2828 = arith.addi %scan3A_2755, %scan3A_2827 : i32
        %mul3A_2829 = arith.constant 16 : i32
        %mul3A_2830 = arith.muli %scan3A_2828, %mul3A_2829 : i32
        %get3A_2831 = arith.index_cast %mul3A_2830 : i32 to index
        %get3A_2832 = tpu.vector_load %arg5[%get3A_2831] {strides = array<i32>} : memref<6272xf32, #tpu.memory_space<vmem>>, vector<16xf32>,
        %mul3A_2833 = arith.constant 16 : i32
        %mul3A_2834 = arith.muli %scan3A_2828, %mul3A_2833 : i32
        %get3A_2835 = arith.index_cast %mul3A_2834 : i32 to index
        %get3A_2836 = tpu.vector_load %arg6[%get3A_2835] {strides = array<i32>} : memref<6272xf32, #tpu.memory_space<vmem>>, vector<16xf32>,
        %bitcast_convert_type3A_2837 = tpu.bitcast %get3A_2832 : vector<16xf32> -> vector<16xi32>
        %shift_right_arithmetic3A_2838 = arith.constant 18 : i32
        %shift_right_arithmetic3A_2839 = vector.broadcast %shift_right_arithmetic3A_2838 : i32 to vector<16xi32>
        %shift_right_arithmetic3A_2840 = arith.shrsi %bitcast_convert_type3A_2837, %shift_right_arithmetic3A_2839 : vector<16xi32>
        %sub3A_2841 = arith.constant 3744 : i32
        %sub3A_2842 = vector.broadcast %sub3A_2841 : i32 to vector<16xi32>
        %sub3A_2843 = arith.subi %shift_right_arithmetic3A_2840, %sub3A_2842 : vector<16xi32>
        %jit3A_2844 = arith.constant 0 : i32
        %jit3A_2845 = arith.constant 511 : i32
        %max3A_2846 = vector.broadcast %jit3A_2844 : i32 to vector<16xi32>
        %max3A_2847 = arith.maxsi %max3A_2846, %sub3A_2843 : vector<16xi32>
        %min3A_2848 = vector.broadcast %jit3A_2845 : i32 to vector<16xi32>
        %min3A_2849 = arith.minsi %min3A_2848, %max3A_2847 : vector<16xi32>
        %add3A_2850 = arith.addi %min3A_2849, %mul3A_28 : vector<16xi32>
        tpu.vector_store_idx %arg7[%add3A_2850], %broadcast_in_dim3A_30 {add = true} : memref<8208xf32, #tpu.memory_space<vmem>>[vector<16xi32>], vector<16xf32>,
        tpu.vector_store_idx %arg8[%add3A_2850], %get3A_2832 {add = true} : memref<8208xf32, #tpu.memory_space<vmem>>[vector<16xi32>], vector<16xf32>,
        tpu.vector_store_idx %arg9[%add3A_2850], %get3A_2836 {add = true} : memref<8208xf32, #tpu.memory_space<vmem>>[vector<16xi32>], vector<16xf32>,
        %scan3A_2851 = arith.constant 0 : i32
        scf.yield %scan3A_2851 : i32
      }
      %scan3A_2754 = arith.constant 392 : i32
    } else {
    }
    %eq3A_36 = arith.constant 15 : i32
    %eq3A_37 = arith.cmpi eq, %arg1, %eq3A_36 : i32
    %convert_element_type3A_38 = arith.extui %eq3A_37 : i1 to i32
    %cond3A_39 = arith.constant 0 : i32
    %cond3A_40 = arith.cmpi ne, %convert_element_type3A_38, %cond3A_39 : i32
    scf.if %cond3A_40 {
      %scan3A_2748 = arith.constant 0 : i32
      %scan3A_2749 = arith.constant 0 : i32
      %scan3A_2750 = arith.constant 370 : i32
      %scan3A_2751 = arith.addi %scan3A_2749, %scan3A_2750 : i32
      %scan3A_2752 = arith.constant 2 : i32
      %scan3A_2753 = scf.for %scan3A_2755 = %scan3A_2749 to %scan3A_2751 step %scan3A_2752 iter_args(%scan3A_2756 = %scan3A_2748) -> (i32)  : i32 {
        %mul3A_2757 = arith.constant 16 : i32
        %mul3A_2758 = arith.muli %scan3A_2755, %mul3A_2757 : i32
        %get3A_2759 = arith.index_cast %mul3A_2758 : i32 to index
        %get3A_2760 = tpu.vector_load %arg5[%get3A_2759] {strides = array<i32>} : memref<6272xf32, #tpu.memory_space<vmem>>, vector<16xf32>,
        %mul3A_2761 = arith.constant 16 : i32
        %mul3A_2762 = arith.muli %scan3A_2755, %mul3A_2761 : i32
        %get3A_2763 = arith.index_cast %mul3A_2762 : i32 to index
        %get3A_2764 = tpu.vector_load %arg6[%get3A_2763] {strides = array<i32>} : memref<6272xf32, #tpu.memory_space<vmem>>, vector<16xf32>,
        %bitcast_convert_type3A = tpu.bitcast %get3A_2760 : vector<16xf32> -> vector<16xi32>
        %shift_right_arithmetic3A = arith.constant 18 : i32
        %shift_right_arithmetic3A_2765 = vector.broadcast %shift_right_arithmetic3A : i32 to vector<16xi32>
        %shift_right_arithmetic3A_2766 = arith.shrsi %bitcast_convert_type3A, %shift_right_arithmetic3A_2765 : vector<16xi32>
        %sub3A_2767 = arith.constant 3744 : i32
        %sub3A_2768 = vector.broadcast %sub3A_2767 : i32 to vector<16xi32>
        %sub3A_2769 = arith.subi %shift_right_arithmetic3A_2766, %sub3A_2768 : vector<16xi32>
        %jit3A = arith.constant 0 : i32
        %jit3A_2770 = arith.constant 511 : i32
        %max3A_2771 = vector.broadcast %jit3A : i32 to vector<16xi32>
        %max3A_2772 = arith.maxsi %max3A_2771, %sub3A_2769 : vector<16xi32>
        %min3A_2773 = vector.broadcast %jit3A_2770 : i32 to vector<16xi32>
        %min3A_2774 = arith.minsi %min3A_2773, %max3A_2772 : vector<16xi32>
        %add3A_2775 = arith.addi %min3A_2774, %mul3A_28 : vector<16xi32>
        tpu.vector_store_idx %arg7[%add3A_2775], %broadcast_in_dim3A_30 {add = true} : memref<8208xf32, #tpu.memory_space<vmem>>[vector<16xi32>], vector<16xf32>,
        tpu.vector_store_idx %arg8[%add3A_2775], %get3A_2760 {add = true} : memref<8208xf32, #tpu.memory_space<vmem>>[vector<16xi32>], vector<16xf32>,
        tpu.vector_store_idx %arg9[%add3A_2775], %get3A_2764 {add = true} : memref<8208xf32, #tpu.memory_space<vmem>>[vector<16xi32>], vector<16xf32>,
        %scan3A_2776 = arith.constant 0 : i32
        %scan3A_2777 = arith.constant 1 : i32
        %scan3A_2778 = arith.addi %scan3A_2755, %scan3A_2777 : i32
        %mul3A_2779 = arith.constant 16 : i32
        %mul3A_2780 = arith.muli %scan3A_2778, %mul3A_2779 : i32
        %get3A_2781 = arith.index_cast %mul3A_2780 : i32 to index
        %get3A_2782 = tpu.vector_load %arg5[%get3A_2781] {strides = array<i32>} : memref<6272xf32, #tpu.memory_space<vmem>>, vector<16xf32>,
        %mul3A_2783 = arith.constant 16 : i32
        %mul3A_2784 = arith.muli %scan3A_2778, %mul3A_2783 : i32
        %get3A_2785 = arith.index_cast %mul3A_2784 : i32 to index
        %get3A_2786 = tpu.vector_load %arg6[%get3A_2785] {strides = array<i32>} : memref<6272xf32, #tpu.memory_space<vmem>>, vector<16xf32>,
        %bitcast_convert_type3A_2787 = tpu.bitcast %get3A_2782 : vector<16xf32> -> vector<16xi32>
        %shift_right_arithmetic3A_2788 = arith.constant 18 : i32
        %shift_right_arithmetic3A_2789 = vector.broadcast %shift_right_arithmetic3A_2788 : i32 to vector<16xi32>
        %shift_right_arithmetic3A_2790 = arith.shrsi %bitcast_convert_type3A_2787, %shift_right_arithmetic3A_2789 : vector<16xi32>
        %sub3A_2791 = arith.constant 3744 : i32
        %sub3A_2792 = vector.broadcast %sub3A_2791 : i32 to vector<16xi32>
        %sub3A_2793 = arith.subi %shift_right_arithmetic3A_2790, %sub3A_2792 : vector<16xi32>
        %jit3A_2794 = arith.constant 0 : i32
        %jit3A_2795 = arith.constant 511 : i32
        %max3A_2796 = vector.broadcast %jit3A_2794 : i32 to vector<16xi32>
        %max3A_2797 = arith.maxsi %max3A_2796, %sub3A_2793 : vector<16xi32>
        %min3A_2798 = vector.broadcast %jit3A_2795 : i32 to vector<16xi32>
        %min3A_2799 = arith.minsi %min3A_2798, %max3A_2797 : vector<16xi32>
        %add3A_2800 = arith.addi %min3A_2799, %mul3A_28 : vector<16xi32>
        tpu.vector_store_idx %arg7[%add3A_2800], %broadcast_in_dim3A_30 {add = true} : memref<8208xf32, #tpu.memory_space<vmem>>[vector<16xi32>], vector<16xf32>,
        tpu.vector_store_idx %arg8[%add3A_2800], %get3A_2782 {add = true} : memref<8208xf32, #tpu.memory_space<vmem>>[vector<16xi32>], vector<16xf32>,
        tpu.vector_store_idx %arg9[%add3A_2800], %get3A_2786 {add = true} : memref<8208xf32, #tpu.memory_space<vmem>>[vector<16xi32>], vector<16xf32>,
        %scan3A_2801 = arith.constant 0 : i32
        scf.yield %scan3A_2801 : i32
      }
      %scan3A_2754 = arith.constant 370 : i32
    } else {
    }
    %scan3A_41 = arith.constant 0 : i32
    %scan3A_42 = arith.constant 0 : i32
    %scan3A_43 = arith.constant 32 : i32
    %scan3A_44 = arith.addi %scan3A_42, %scan3A_43 : i32
    %scan3A_45 = arith.constant 2 : i32
    %scan3A_46 = scf.for %scan3A_2748 = %scan3A_42 to %scan3A_44 step %scan3A_45 iter_args(%scan3A_2749 = %scan3A_41) -> (i32)  : i32 {
      %mul3A_2750 = arith.constant 16 : i32
      %mul3A_2751 = arith.muli %scan3A_2748, %mul3A_2750 : i32
      %get3A_2752 = arith.index_cast %mul3A_2751 : i32 to index
      %get3A_2753 = tpu.vector_load %arg7[%get3A_2752] {strides = array<i32>} : memref<8208xf32, #tpu.memory_space<vmem>>, vector<16xf32>,
      %mul3A_2754 = arith.constant 16 : i32
      %mul3A_2755 = arith.muli %scan3A_2748, %mul3A_2754 : i32
      %add3A_2756 = arith.constant 513 : i32
      %add3A_2757 = arith.addi %add3A_2756, %mul3A_2755 : i32
      %get3A_2758 = arith.index_cast %add3A_2757 : i32 to index
      %get3A_2759 = tpu.vector_load %arg7[%get3A_2758] {strides = array<i32>} : memref<8208xf32, #tpu.memory_space<vmem>>, vector<16xf32>,
      %add3A_2760 = arith.addf %get3A_2753, %get3A_2759 : vector<16xf32>
      %mul3A_2761 = arith.constant 16 : i32
      %mul3A_2762 = arith.muli %scan3A_2748, %mul3A_2761 : i32
      %add3A_2763 = arith.constant 1026 : i32
      %add3A_2764 = arith.addi %add3A_2763, %mul3A_2762 : i32
      %get3A_2765 = arith.index_cast %add3A_2764 : i32 to index
      %get3A_2766 = tpu.vector_load %arg7[%get3A_2765] {strides = array<i32>} : memref<8208xf32, #tpu.memory_space<vmem>>, vector<16xf32>,
      %add3A_2767 = arith.addf %add3A_2760, %get3A_2766 : vector<16xf32>
      %mul3A_2768 = arith.constant 16 : i32
      %mul3A_2769 = arith.muli %scan3A_2748, %mul3A_2768 : i32
      %add3A_2770 = arith.constant 1539 : i32
      %add3A_2771 = arith.addi %add3A_2770, %mul3A_2769 : i32
      %get3A_2772 = arith.index_cast %add3A_2771 : i32 to index
      %get3A_2773 = tpu.vector_load %arg7[%get3A_2772] {strides = array<i32>} : memref<8208xf32, #tpu.memory_space<vmem>>, vector<16xf32>,
      %add3A_2774 = arith.addf %add3A_2767, %get3A_2773 : vector<16xf32>
      %mul3A_2775 = arith.constant 16 : i32
      %mul3A_2776 = arith.muli %scan3A_2748, %mul3A_2775 : i32
      %add3A_2777 = arith.constant 2052 : i32
      %add3A_2778 = arith.addi %add3A_2777, %mul3A_2776 : i32
      %get3A_2779 = arith.index_cast %add3A_2778 : i32 to index
      %get3A_2780 = tpu.vector_load %arg7[%get3A_2779] {strides = array<i32>} : memref<8208xf32, #tpu.memory_space<vmem>>, vector<16xf32>,
      %add3A_2781 = arith.addf %add3A_2774, %get3A_2780 : vector<16xf32>
      %mul3A_2782 = arith.constant 16 : i32
      %mul3A_2783 = arith.muli %scan3A_2748, %mul3A_2782 : i32
      %add3A_2784 = arith.constant 2565 : i32
      %add3A_2785 = arith.addi %add3A_2784, %mul3A_2783 : i32
      %get3A_2786 = arith.index_cast %add3A_2785 : i32 to index
      %get3A_2787 = tpu.vector_load %arg7[%get3A_2786] {strides = array<i32>} : memref<8208xf32, #tpu.memory_space<vmem>>, vector<16xf32>,
      %add3A_2788 = arith.addf %add3A_2781, %get3A_2787 : vector<16xf32>
      %mul3A_2789 = arith.constant 16 : i32
      %mul3A_2790 = arith.muli %scan3A_2748, %mul3A_2789 : i32
      %add3A_2791 = arith.constant 3078 : i32
      %add3A_2792 = arith.addi %add3A_2791, %mul3A_2790 : i32
      %get3A_2793 = arith.index_cast %add3A_2792 : i32 to index
      %get3A_2794 = tpu.vector_load %arg7[%get3A_2793] {strides = array<i32>} : memref<8208xf32, #tpu.memory_space<vmem>>, vector<16xf32>,
      %add3A_2795 = arith.addf %add3A_2788, %get3A_2794 : vector<16xf32>
      %mul3A_2796 = arith.constant 16 : i32
      %mul3A_2797 = arith.muli %scan3A_2748, %mul3A_2796 : i32
      %add3A_2798 = arith.constant 3591 : i32
      %add3A_2799 = arith.addi %add3A_2798, %mul3A_2797 : i32
      %get3A_2800 = arith.index_cast %add3A_2799 : i32 to index
      %get3A_2801 = tpu.vector_load %arg7[%get3A_2800] {strides = array<i32>} : memref<8208xf32, #tpu.memory_space<vmem>>, vector<16xf32>,
      %add3A_2802 = arith.addf %add3A_2795, %get3A_2801 : vector<16xf32>
      %mul3A_2803 = arith.constant 16 : i32
      %mul3A_2804 = arith.muli %scan3A_2748, %mul3A_2803 : i32
      %add3A_2805 = arith.constant 4104 : i32
      %add3A_2806 = arith.addi %add3A_2805, %mul3A_2804 : i32
      %get3A_2807 = arith.index_cast %add3A_2806 : i32 to index
      %get3A_2808 = tpu.vector_load %arg7[%get3A_2807] {strides = array<i32>} : memref<8208xf32, #tpu.memory_space<vmem>>, vector<16xf32>,
      %add3A_2809 = arith.addf %add3A_2802, %get3A_2808 : vector<16xf32>
      %mul3A_2810 = arith.constant 16 : i32
      %mul3A_2811 = arith.muli %scan3A_2748, %mul3A_2810 : i32
      %add3A_2812 = arith.constant 4617 : i32
      %add3A_2813 = arith.addi %add3A_2812, %mul3A_2811 : i32
      %get3A_2814 = arith.index_cast %add3A_2813 : i32 to index
      %get3A_2815 = tpu.vector_load %arg7[%get3A_2814] {strides = array<i32>} : memref<8208xf32, #tpu.memory_space<vmem>>, vector<16xf32>,
      %add3A_2816 = arith.addf %add3A_2809, %get3A_2815 : vector<16xf32>
      %mul3A_2817 = arith.constant 16 : i32
      %mul3A_2818 = arith.muli %scan3A_2748, %mul3A_2817 : i32
      %add3A_2819 = arith.constant 5130 : i32
      %add3A_2820 = arith.addi %add3A_2819, %mul3A_2818 : i32
      %get3A_2821 = arith.index_cast %add3A_2820 : i32 to index
      %get3A_2822 = tpu.vector_load %arg7[%get3A_2821] {strides = array<i32>} : memref<8208xf32, #tpu.memory_space<vmem>>, vector<16xf32>,
      %add3A_2823 = arith.addf %add3A_2816, %get3A_2822 : vector<16xf32>
      %mul3A_2824 = arith.constant 16 : i32
      %mul3A_2825 = arith.muli %scan3A_2748, %mul3A_2824 : i32
      %add3A_2826 = arith.constant 5643 : i32
      %add3A_2827 = arith.addi %add3A_2826, %mul3A_2825 : i32
      %get3A_2828 = arith.index_cast %add3A_2827 : i32 to index
      %get3A_2829 = tpu.vector_load %arg7[%get3A_2828] {strides = array<i32>} : memref<8208xf32, #tpu.memory_space<vmem>>, vector<16xf32>,
      %add3A_2830 = arith.addf %add3A_2823, %get3A_2829 : vector<16xf32>
      %mul3A_2831 = arith.constant 16 : i32
      %mul3A_2832 = arith.muli %scan3A_2748, %mul3A_2831 : i32
      %add3A_2833 = arith.constant 6156 : i32
      %add3A_2834 = arith.addi %add3A_2833, %mul3A_2832 : i32
      %get3A_2835 = arith.index_cast %add3A_2834 : i32 to index
      %get3A_2836 = tpu.vector_load %arg7[%get3A_2835] {strides = array<i32>} : memref<8208xf32, #tpu.memory_space<vmem>>, vector<16xf32>,
      %add3A_2837 = arith.addf %add3A_2830, %get3A_2836 : vector<16xf32>
      %mul3A_2838 = arith.constant 16 : i32
      %mul3A_2839 = arith.muli %scan3A_2748, %mul3A_2838 : i32
      %add3A_2840 = arith.constant 6669 : i32
      %add3A_2841 = arith.addi %add3A_2840, %mul3A_2839 : i32
      %get3A_2842 = arith.index_cast %add3A_2841 : i32 to index
      %get3A_2843 = tpu.vector_load %arg7[%get3A_2842] {strides = array<i32>} : memref<8208xf32, #tpu.memory_space<vmem>>, vector<16xf32>,
      %add3A_2844 = arith.addf %add3A_2837, %get3A_2843 : vector<16xf32>
      %mul3A_2845 = arith.constant 16 : i32
      %mul3A_2846 = arith.muli %scan3A_2748, %mul3A_2845 : i32
      %add3A_2847 = arith.constant 7182 : i32
      %add3A_2848 = arith.addi %add3A_2847, %mul3A_2846 : i32
      %get3A_2849 = arith.index_cast %add3A_2848 : i32 to index
      %get3A_2850 = tpu.vector_load %arg7[%get3A_2849] {strides = array<i32>} : memref<8208xf32, #tpu.memory_space<vmem>>, vector<16xf32>,
      %add3A_2851 = arith.addf %add3A_2844, %get3A_2850 : vector<16xf32>
      %mul3A_2852 = arith.constant 16 : i32
      %mul3A_2853 = arith.muli %scan3A_2748, %mul3A_2852 : i32
      %add3A_2854 = arith.constant 7695 : i32
      %add3A_2855 = arith.addi %add3A_2854, %mul3A_2853 : i32
      %get3A_2856 = arith.index_cast %add3A_2855 : i32 to index
      %get3A_2857 = tpu.vector_load %arg7[%get3A_2856] {strides = array<i32>} : memref<8208xf32, #tpu.memory_space<vmem>>, vector<16xf32>,
      %add3A_2858 = arith.addf %add3A_2851, %get3A_2857 : vector<16xf32>
      %mul3A_2859 = arith.constant 16 : i32
      %mul3A_2860 = arith.muli %scan3A_2748, %mul3A_2859 : i32
      %swap3A_2861 = arith.index_cast %mul3A_2860 : i32 to index
      %swap3A_2862 = tpu.vector_load %arg7[%swap3A_2861] {strides = array<i32>} : memref<8208xf32, #tpu.memory_space<vmem>>, vector<16xf32>,
      tpu.vector_store %arg7[%swap3A_2861], %add3A_2858 {strides = array<i32>} : memref<8208xf32, #tpu.memory_space<vmem>>, vector<16xf32>,
      %mul3A_2863 = arith.constant 16 : i32
      %mul3A_2864 = arith.muli %scan3A_2748, %mul3A_2863 : i32
      %get3A_2865 = arith.index_cast %mul3A_2864 : i32 to index
      %get3A_2866 = tpu.vector_load %arg8[%get3A_2865] {strides = array<i32>} : memref<8208xf32, #tpu.memory_space<vmem>>, vector<16xf32>,
      %mul3A_2867 = arith.constant 16 : i32
      %mul3A_2868 = arith.muli %scan3A_2748, %mul3A_2867 : i32
      %add3A_2869 = arith.constant 513 : i32
      %add3A_2870 = arith.addi %add3A_2869, %mul3A_2868 : i32
      %get3A_2871 = arith.index_cast %add3A_2870 : i32 to index
      %get3A_2872 = tpu.vector_load %arg8[%get3A_2871] {strides = array<i32>} : memref<8208xf32, #tpu.memory_space<vmem>>, vector<16xf32>,
      %add3A_2873 = arith.addf %get3A_2866, %get3A_2872 : vector<16xf32>
      %mul3A_2874 = arith.constant 16 : i32
      %mul3A_2875 = arith.muli %scan3A_2748, %mul3A_2874 : i32
      %add3A_2876 = arith.constant 1026 : i32
      %add3A_2877 = arith.addi %add3A_2876, %mul3A_2875 : i32
      %get3A_2878 = arith.index_cast %add3A_2877 : i32 to index
      %get3A_2879 = tpu.vector_load %arg8[%get3A_2878] {strides = array<i32>} : memref<8208xf32, #tpu.memory_space<vmem>>, vector<16xf32>,
      %add3A_2880 = arith.addf %add3A_2873, %get3A_2879 : vector<16xf32>
      %mul3A_2881 = arith.constant 16 : i32
      %mul3A_2882 = arith.muli %scan3A_2748, %mul3A_2881 : i32
      %add3A_2883 = arith.constant 1539 : i32
      %add3A_2884 = arith.addi %add3A_2883, %mul3A_2882 : i32
      %get3A_2885 = arith.index_cast %add3A_2884 : i32 to index
      %get3A_2886 = tpu.vector_load %arg8[%get3A_2885] {strides = array<i32>} : memref<8208xf32, #tpu.memory_space<vmem>>, vector<16xf32>,
      %add3A_2887 = arith.addf %add3A_2880, %get3A_2886 : vector<16xf32>
      %mul3A_2888 = arith.constant 16 : i32
      %mul3A_2889 = arith.muli %scan3A_2748, %mul3A_2888 : i32
      %add3A_2890 = arith.constant 2052 : i32
      %add3A_2891 = arith.addi %add3A_2890, %mul3A_2889 : i32
      %get3A_2892 = arith.index_cast %add3A_2891 : i32 to index
      %get3A_2893 = tpu.vector_load %arg8[%get3A_2892] {strides = array<i32>} : memref<8208xf32, #tpu.memory_space<vmem>>, vector<16xf32>,
      %add3A_2894 = arith.addf %add3A_2887, %get3A_2893 : vector<16xf32>
      %mul3A_2895 = arith.constant 16 : i32
      %mul3A_2896 = arith.muli %scan3A_2748, %mul3A_2895 : i32
      %add3A_2897 = arith.constant 2565 : i32
      %add3A_2898 = arith.addi %add3A_2897, %mul3A_2896 : i32
      %get3A_2899 = arith.index_cast %add3A_2898 : i32 to index
      %get3A_2900 = tpu.vector_load %arg8[%get3A_2899] {strides = array<i32>} : memref<8208xf32, #tpu.memory_space<vmem>>, vector<16xf32>,
      %add3A_2901 = arith.addf %add3A_2894, %get3A_2900 : vector<16xf32>
      %mul3A_2902 = arith.constant 16 : i32
      %mul3A_2903 = arith.muli %scan3A_2748, %mul3A_2902 : i32
      %add3A_2904 = arith.constant 3078 : i32
      %add3A_2905 = arith.addi %add3A_2904, %mul3A_2903 : i32
      %get3A_2906 = arith.index_cast %add3A_2905 : i32 to index
      %get3A_2907 = tpu.vector_load %arg8[%get3A_2906] {strides = array<i32>} : memref<8208xf32, #tpu.memory_space<vmem>>, vector<16xf32>,
      %add3A_2908 = arith.addf %add3A_2901, %get3A_2907 : vector<16xf32>
      %mul3A_2909 = arith.constant 16 : i32
      %mul3A_2910 = arith.muli %scan3A_2748, %mul3A_2909 : i32
      %add3A_2911 = arith.constant 3591 : i32
      %add3A_2912 = arith.addi %add3A_2911, %mul3A_2910 : i32
      %get3A_2913 = arith.index_cast %add3A_2912 : i32 to index
      %get3A_2914 = tpu.vector_load %arg8[%get3A_2913] {strides = array<i32>} : memref<8208xf32, #tpu.memory_space<vmem>>, vector<16xf32>,
      %add3A_2915 = arith.addf %add3A_2908, %get3A_2914 : vector<16xf32>
      %mul3A_2916 = arith.constant 16 : i32
      %mul3A_2917 = arith.muli %scan3A_2748, %mul3A_2916 : i32
      %add3A_2918 = arith.constant 4104 : i32
      %add3A_2919 = arith.addi %add3A_2918, %mul3A_2917 : i32
      %get3A_2920 = arith.index_cast %add3A_2919 : i32 to index
      %get3A_2921 = tpu.vector_load %arg8[%get3A_2920] {strides = array<i32>} : memref<8208xf32, #tpu.memory_space<vmem>>, vector<16xf32>,
      %add3A_2922 = arith.addf %add3A_2915, %get3A_2921 : vector<16xf32>
      %mul3A_2923 = arith.constant 16 : i32
      %mul3A_2924 = arith.muli %scan3A_2748, %mul3A_2923 : i32
      %add3A_2925 = arith.constant 4617 : i32
      %add3A_2926 = arith.addi %add3A_2925, %mul3A_2924 : i32
      %get3A_2927 = arith.index_cast %add3A_2926 : i32 to index
      %get3A_2928 = tpu.vector_load %arg8[%get3A_2927] {strides = array<i32>} : memref<8208xf32, #tpu.memory_space<vmem>>, vector<16xf32>,
      %add3A_2929 = arith.addf %add3A_2922, %get3A_2928 : vector<16xf32>
      %mul3A_2930 = arith.constant 16 : i32
      %mul3A_2931 = arith.muli %scan3A_2748, %mul3A_2930 : i32
      %add3A_2932 = arith.constant 5130 : i32
      %add3A_2933 = arith.addi %add3A_2932, %mul3A_2931 : i32
      %get3A_2934 = arith.index_cast %add3A_2933 : i32 to index
      %get3A_2935 = tpu.vector_load %arg8[%get3A_2934] {strides = array<i32>} : memref<8208xf32, #tpu.memory_space<vmem>>, vector<16xf32>,
      %add3A_2936 = arith.addf %add3A_2929, %get3A_2935 : vector<16xf32>
      %mul3A_2937 = arith.constant 16 : i32
      %mul3A_2938 = arith.muli %scan3A_2748, %mul3A_2937 : i32
      %add3A_2939 = arith.constant 5643 : i32
      %add3A_2940 = arith.addi %add3A_2939, %mul3A_2938 : i32
      %get3A_2941 = arith.index_cast %add3A_2940 : i32 to index
      %get3A_2942 = tpu.vector_load %arg8[%get3A_2941] {strides = array<i32>} : memref<8208xf32, #tpu.memory_space<vmem>>, vector<16xf32>,
      %add3A_2943 = arith.addf %add3A_2936, %get3A_2942 : vector<16xf32>
      %mul3A_2944 = arith.constant 16 : i32
      %mul3A_2945 = arith.muli %scan3A_2748, %mul3A_2944 : i32
      %add3A_2946 = arith.constant 6156 : i32
      %add3A_2947 = arith.addi %add3A_2946, %mul3A_2945 : i32
      %get3A_2948 = arith.index_cast %add3A_2947 : i32 to index
      %get3A_2949 = tpu.vector_load %arg8[%get3A_2948] {strides = array<i32>} : memref<8208xf32, #tpu.memory_space<vmem>>, vector<16xf32>,
      %add3A_2950 = arith.addf %add3A_2943, %get3A_2949 : vector<16xf32>
      %mul3A_2951 = arith.constant 16 : i32
      %mul3A_2952 = arith.muli %scan3A_2748, %mul3A_2951 : i32
      %add3A_2953 = arith.constant 6669 : i32
      %add3A_2954 = arith.addi %add3A_2953, %mul3A_2952 : i32
      %get3A_2955 = arith.index_cast %add3A_2954 : i32 to index
      %get3A_2956 = tpu.vector_load %arg8[%get3A_2955] {strides = array<i32>} : memref<8208xf32, #tpu.memory_space<vmem>>, vector<16xf32>,
      %add3A_2957 = arith.addf %add3A_2950, %get3A_2956 : vector<16xf32>
      %mul3A_2958 = arith.constant 16 : i32
      %mul3A_2959 = arith.muli %scan3A_2748, %mul3A_2958 : i32
      %add3A_2960 = arith.constant 7182 : i32
      %add3A_2961 = arith.addi %add3A_2960, %mul3A_2959 : i32
      %get3A_2962 = arith.index_cast %add3A_2961 : i32 to index
      %get3A_2963 = tpu.vector_load %arg8[%get3A_2962] {strides = array<i32>} : memref<8208xf32, #tpu.memory_space<vmem>>, vector<16xf32>,
      %add3A_2964 = arith.addf %add3A_2957, %get3A_2963 : vector<16xf32>
      %mul3A_2965 = arith.constant 16 : i32
      %mul3A_2966 = arith.muli %scan3A_2748, %mul3A_2965 : i32
      %add3A_2967 = arith.constant 7695 : i32
      %add3A_2968 = arith.addi %add3A_2967, %mul3A_2966 : i32
      %get3A_2969 = arith.index_cast %add3A_2968 : i32 to index
      %get3A_2970 = tpu.vector_load %arg8[%get3A_2969] {strides = array<i32>} : memref<8208xf32, #tpu.memory_space<vmem>>, vector<16xf32>,
      %add3A_2971 = arith.addf %add3A_2964, %get3A_2970 : vector<16xf32>
      %mul3A_2972 = arith.constant 16 : i32
      %mul3A_2973 = arith.muli %scan3A_2748, %mul3A_2972 : i32
      %swap3A_2974 = arith.index_cast %mul3A_2973 : i32 to index
      %swap3A_2975 = tpu.vector_load %arg8[%swap3A_2974] {strides = array<i32>} : memref<8208xf32, #tpu.memory_space<vmem>>, vector<16xf32>,
      tpu.vector_store %arg8[%swap3A_2974], %add3A_2971 {strides = array<i32>} : memref<8208xf32, #tpu.memory_space<vmem>>, vector<16xf32>,
      %mul3A_2976 = arith.constant 16 : i32
      %mul3A_2977 = arith.muli %scan3A_2748, %mul3A_2976 : i32
      %get3A_2978 = arith.index_cast %mul3A_2977 : i32 to index
      %get3A_2979 = tpu.vector_load %arg9[%get3A_2978] {strides = array<i32>} : memref<8208xf32, #tpu.memory_space<vmem>>, vector<16xf32>,
      %mul3A_2980 = arith.constant 16 : i32
      %mul3A_2981 = arith.muli %scan3A_2748, %mul3A_2980 : i32
      %add3A_2982 = arith.constant 513 : i32
      %add3A_2983 = arith.addi %add3A_2982, %mul3A_2981 : i32
      %get3A_2984 = arith.index_cast %add3A_2983 : i32 to index
      %get3A_2985 = tpu.vector_load %arg9[%get3A_2984] {strides = array<i32>} : memref<8208xf32, #tpu.memory_space<vmem>>, vector<16xf32>,
      %add3A_2986 = arith.addf %get3A_2979, %get3A_2985 : vector<16xf32>
      %mul3A_2987 = arith.constant 16 : i32
      %mul3A_2988 = arith.muli %scan3A_2748, %mul3A_2987 : i32
      %add3A_2989 = arith.constant 1026 : i32
      %add3A_2990 = arith.addi %add3A_2989, %mul3A_2988 : i32
      %get3A_2991 = arith.index_cast %add3A_2990 : i32 to index
      %get3A_2992 = tpu.vector_load %arg9[%get3A_2991] {strides = array<i32>} : memref<8208xf32, #tpu.memory_space<vmem>>, vector<16xf32>,
      %add3A_2993 = arith.addf %add3A_2986, %get3A_2992 : vector<16xf32>
      %mul3A_2994 = arith.constant 16 : i32
      %mul3A_2995 = arith.muli %scan3A_2748, %mul3A_2994 : i32
      %add3A_2996 = arith.constant 1539 : i32
      %add3A_2997 = arith.addi %add3A_2996, %mul3A_2995 : i32
      %get3A_2998 = arith.index_cast %add3A_2997 : i32 to index
      %get3A_2999 = tpu.vector_load %arg9[%get3A_2998] {strides = array<i32>} : memref<8208xf32, #tpu.memory_space<vmem>>, vector<16xf32>,
      %add3A_3000 = arith.addf %add3A_2993, %get3A_2999 : vector<16xf32>
      %mul3A_3001 = arith.constant 16 : i32
      %mul3A_3002 = arith.muli %scan3A_2748, %mul3A_3001 : i32
      %add3A_3003 = arith.constant 2052 : i32
      %add3A_3004 = arith.addi %add3A_3003, %mul3A_3002 : i32
      %get3A_3005 = arith.index_cast %add3A_3004 : i32 to index
      %get3A_3006 = tpu.vector_load %arg9[%get3A_3005] {strides = array<i32>} : memref<8208xf32, #tpu.memory_space<vmem>>, vector<16xf32>,
      %add3A_3007 = arith.addf %add3A_3000, %get3A_3006 : vector<16xf32>
      %mul3A_3008 = arith.constant 16 : i32
      %mul3A_3009 = arith.muli %scan3A_2748, %mul3A_3008 : i32
      %add3A_3010 = arith.constant 2565 : i32
      %add3A_3011 = arith.addi %add3A_3010, %mul3A_3009 : i32
      %get3A_3012 = arith.index_cast %add3A_3011 : i32 to index
      %get3A_3013 = tpu.vector_load %arg9[%get3A_3012] {strides = array<i32>} : memref<8208xf32, #tpu.memory_space<vmem>>, vector<16xf32>,
      %add3A_3014 = arith.addf %add3A_3007, %get3A_3013 : vector<16xf32>
      %mul3A_3015 = arith.constant 16 : i32
      %mul3A_3016 = arith.muli %scan3A_2748, %mul3A_3015 : i32
      %add3A_3017 = arith.constant 3078 : i32
      %add3A_3018 = arith.addi %add3A_3017, %mul3A_3016 : i32
      %get3A_3019 = arith.index_cast %add3A_3018 : i32 to index
      %get3A_3020 = tpu.vector_load %arg9[%get3A_3019] {strides = array<i32>} : memref<8208xf32, #tpu.memory_space<vmem>>, vector<16xf32>,
      %add3A_3021 = arith.addf %add3A_3014, %get3A_3020 : vector<16xf32>
      %mul3A_3022 = arith.constant 16 : i32
      %mul3A_3023 = arith.muli %scan3A_2748, %mul3A_3022 : i32
      %add3A_3024 = arith.constant 3591 : i32
      %add3A_3025 = arith.addi %add3A_3024, %mul3A_3023 : i32
      %get3A_3026 = arith.index_cast %add3A_3025 : i32 to index
      %get3A_3027 = tpu.vector_load %arg9[%get3A_3026] {strides = array<i32>} : memref<8208xf32, #tpu.memory_space<vmem>>, vector<16xf32>,
      %add3A_3028 = arith.addf %add3A_3021, %get3A_3027 : vector<16xf32>
      %mul3A_3029 = arith.constant 16 : i32
      %mul3A_3030 = arith.muli %scan3A_2748, %mul3A_3029 : i32
      %add3A_3031 = arith.constant 4104 : i32
      %add3A_3032 = arith.addi %add3A_3031, %mul3A_3030 : i32
      %get3A_3033 = arith.index_cast %add3A_3032 : i32 to index
      %get3A_3034 = tpu.vector_load %arg9[%get3A_3033] {strides = array<i32>} : memref<8208xf32, #tpu.memory_space<vmem>>, vector<16xf32>,
      %add3A_3035 = arith.addf %add3A_3028, %get3A_3034 : vector<16xf32>
      %mul3A_3036 = arith.constant 16 : i32
      %mul3A_3037 = arith.muli %scan3A_2748, %mul3A_3036 : i32
      %add3A_3038 = arith.constant 4617 : i32
      %add3A_3039 = arith.addi %add3A_3038, %mul3A_3037 : i32
      %get3A_3040 = arith.index_cast %add3A_3039 : i32 to index
      %get3A_3041 = tpu.vector_load %arg9[%get3A_3040] {strides = array<i32>} : memref<8208xf32, #tpu.memory_space<vmem>>, vector<16xf32>,
      %add3A_3042 = arith.addf %add3A_3035, %get3A_3041 : vector<16xf32>
      %mul3A_3043 = arith.constant 16 : i32
      %mul3A_3044 = arith.muli %scan3A_2748, %mul3A_3043 : i32
      %add3A_3045 = arith.constant 5130 : i32
      %add3A_3046 = arith.addi %add3A_3045, %mul3A_3044 : i32
      %get3A_3047 = arith.index_cast %add3A_3046 : i32 to index
      %get3A_3048 = tpu.vector_load %arg9[%get3A_3047] {strides = array<i32>} : memref<8208xf32, #tpu.memory_space<vmem>>, vector<16xf32>,
      %add3A_3049 = arith.addf %add3A_3042, %get3A_3048 : vector<16xf32>
      %mul3A_3050 = arith.constant 16 : i32
      %mul3A_3051 = arith.muli %scan3A_2748, %mul3A_3050 : i32
      %add3A_3052 = arith.constant 5643 : i32
      %add3A_3053 = arith.addi %add3A_3052, %mul3A_3051 : i32
      %get3A_3054 = arith.index_cast %add3A_3053 : i32 to index
      %get3A_3055 = tpu.vector_load %arg9[%get3A_3054] {strides = array<i32>} : memref<8208xf32, #tpu.memory_space<vmem>>, vector<16xf32>,
      %add3A_3056 = arith.addf %add3A_3049, %get3A_3055 : vector<16xf32>
      %mul3A_3057 = arith.constant 16 : i32
      %mul3A_3058 = arith.muli %scan3A_2748, %mul3A_3057 : i32
      %add3A_3059 = arith.constant 6156 : i32
      %add3A_3060 = arith.addi %add3A_3059, %mul3A_3058 : i32
      %get3A_3061 = arith.index_cast %add3A_3060 : i32 to index
      %get3A_3062 = tpu.vector_load %arg9[%get3A_3061] {strides = array<i32>} : memref<8208xf32, #tpu.memory_space<vmem>>, vector<16xf32>,
      %add3A_3063 = arith.addf %add3A_3056, %get3A_3062 : vector<16xf32>
      %mul3A_3064 = arith.constant 16 : i32
      %mul3A_3065 = arith.muli %scan3A_2748, %mul3A_3064 : i32
      %add3A_3066 = arith.constant 6669 : i32
      %add3A_3067 = arith.addi %add3A_3066, %mul3A_3065 : i32
      %get3A_3068 = arith.index_cast %add3A_3067 : i32 to index
      %get3A_3069 = tpu.vector_load %arg9[%get3A_3068] {strides = array<i32>} : memref<8208xf32, #tpu.memory_space<vmem>>, vector<16xf32>,
      %add3A_3070 = arith.addf %add3A_3063, %get3A_3069 : vector<16xf32>
      %mul3A_3071 = arith.constant 16 : i32
      %mul3A_3072 = arith.muli %scan3A_2748, %mul3A_3071 : i32
      %add3A_3073 = arith.constant 7182 : i32
      %add3A_3074 = arith.addi %add3A_3073, %mul3A_3072 : i32
      %get3A_3075 = arith.index_cast %add3A_3074 : i32 to index
      %get3A_3076 = tpu.vector_load %arg9[%get3A_3075] {strides = array<i32>} : memref<8208xf32, #tpu.memory_space<vmem>>, vector<16xf32>,
      %add3A_3077 = arith.addf %add3A_3070, %get3A_3076 : vector<16xf32>
      %mul3A_3078 = arith.constant 16 : i32
      %mul3A_3079 = arith.muli %scan3A_2748, %mul3A_3078 : i32
      %add3A_3080 = arith.constant 7695 : i32
      %add3A_3081 = arith.addi %add3A_3080, %mul3A_3079 : i32
      %get3A_3082 = arith.index_cast %add3A_3081 : i32 to index
      %get3A_3083 = tpu.vector_load %arg9[%get3A_3082] {strides = array<i32>} : memref<8208xf32, #tpu.memory_space<vmem>>, vector<16xf32>,
      %add3A_3084 = arith.addf %add3A_3077, %get3A_3083 : vector<16xf32>
      %mul3A_3085 = arith.constant 16 : i32
      %mul3A_3086 = arith.muli %scan3A_2748, %mul3A_3085 : i32
      %swap3A_3087 = arith.index_cast %mul3A_3086 : i32 to index
      %swap3A_3088 = tpu.vector_load %arg9[%swap3A_3087] {strides = array<i32>} : memref<8208xf32, #tpu.memory_space<vmem>>, vector<16xf32>,
      tpu.vector_store %arg9[%swap3A_3087], %add3A_3084 {strides = array<i32>} : memref<8208xf32, #tpu.memory_space<vmem>>, vector<16xf32>,
      %scan3A_3089 = arith.constant 0 : i32
      %scan3A_3090 = arith.constant 1 : i32
      %scan3A_3091 = arith.addi %scan3A_2748, %scan3A_3090 : i32
      %mul3A_3092 = arith.constant 16 : i32
      %mul3A_3093 = arith.muli %scan3A_3091, %mul3A_3092 : i32
      %get3A_3094 = arith.index_cast %mul3A_3093 : i32 to index
      %get3A_3095 = tpu.vector_load %arg7[%get3A_3094] {strides = array<i32>} : memref<8208xf32, #tpu.memory_space<vmem>>, vector<16xf32>,
      %mul3A_3096 = arith.constant 16 : i32
      %mul3A_3097 = arith.muli %scan3A_3091, %mul3A_3096 : i32
      %add3A_3098 = arith.constant 513 : i32
      %add3A_3099 = arith.addi %add3A_3098, %mul3A_3097 : i32
      %get3A_3100 = arith.index_cast %add3A_3099 : i32 to index
      %get3A_3101 = tpu.vector_load %arg7[%get3A_3100] {strides = array<i32>} : memref<8208xf32, #tpu.memory_space<vmem>>, vector<16xf32>,
      %add3A_3102 = arith.addf %get3A_3095, %get3A_3101 : vector<16xf32>
      %mul3A_3103 = arith.constant 16 : i32
      %mul3A_3104 = arith.muli %scan3A_3091, %mul3A_3103 : i32
      %add3A_3105 = arith.constant 1026 : i32
      %add3A_3106 = arith.addi %add3A_3105, %mul3A_3104 : i32
      %get3A_3107 = arith.index_cast %add3A_3106 : i32 to index
      %get3A_3108 = tpu.vector_load %arg7[%get3A_3107] {strides = array<i32>} : memref<8208xf32, #tpu.memory_space<vmem>>, vector<16xf32>,
      %add3A_3109 = arith.addf %add3A_3102, %get3A_3108 : vector<16xf32>
      %mul3A_3110 = arith.constant 16 : i32
      %mul3A_3111 = arith.muli %scan3A_3091, %mul3A_3110 : i32
      %add3A_3112 = arith.constant 1539 : i32
      %add3A_3113 = arith.addi %add3A_3112, %mul3A_3111 : i32
      %get3A_3114 = arith.index_cast %add3A_3113 : i32 to index
      %get3A_3115 = tpu.vector_load %arg7[%get3A_3114] {strides = array<i32>} : memref<8208xf32, #tpu.memory_space<vmem>>, vector<16xf32>,
      %add3A_3116 = arith.addf %add3A_3109, %get3A_3115 : vector<16xf32>
      %mul3A_3117 = arith.constant 16 : i32
      %mul3A_3118 = arith.muli %scan3A_3091, %mul3A_3117 : i32
      %add3A_3119 = arith.constant 2052 : i32
      %add3A_3120 = arith.addi %add3A_3119, %mul3A_3118 : i32
      %get3A_3121 = arith.index_cast %add3A_3120 : i32 to index
      %get3A_3122 = tpu.vector_load %arg7[%get3A_3121] {strides = array<i32>} : memref<8208xf32, #tpu.memory_space<vmem>>, vector<16xf32>,
      %add3A_3123 = arith.addf %add3A_3116, %get3A_3122 : vector<16xf32>
      %mul3A_3124 = arith.constant 16 : i32
      %mul3A_3125 = arith.muli %scan3A_3091, %mul3A_3124 : i32
      %add3A_3126 = arith.constant 2565 : i32
      %add3A_3127 = arith.addi %add3A_3126, %mul3A_3125 : i32
      %get3A_3128 = arith.index_cast %add3A_3127 : i32 to index
      %get3A_3129 = tpu.vector_load %arg7[%get3A_3128] {strides = array<i32>} : memref<8208xf32, #tpu.memory_space<vmem>>, vector<16xf32>,
      %add3A_3130 = arith.addf %add3A_3123, %get3A_3129 : vector<16xf32>
      %mul3A_3131 = arith.constant 16 : i32
      %mul3A_3132 = arith.muli %scan3A_3091, %mul3A_3131 : i32
      %add3A_3133 = arith.constant 3078 : i32
      %add3A_3134 = arith.addi %add3A_3133, %mul3A_3132 : i32
      %get3A_3135 = arith.index_cast %add3A_3134 : i32 to index
      %get3A_3136 = tpu.vector_load %arg7[%get3A_3135] {strides = array<i32>} : memref<8208xf32, #tpu.memory_space<vmem>>, vector<16xf32>,
      %add3A_3137 = arith.addf %add3A_3130, %get3A_3136 : vector<16xf32>
      %mul3A_3138 = arith.constant 16 : i32
      %mul3A_3139 = arith.muli %scan3A_3091, %mul3A_3138 : i32
      %add3A_3140 = arith.constant 3591 : i32
      %add3A_3141 = arith.addi %add3A_3140, %mul3A_3139 : i32
      %get3A_3142 = arith.index_cast %add3A_3141 : i32 to index
      %get3A_3143 = tpu.vector_load %arg7[%get3A_3142] {strides = array<i32>} : memref<8208xf32, #tpu.memory_space<vmem>>, vector<16xf32>,
      %add3A_3144 = arith.addf %add3A_3137, %get3A_3143 : vector<16xf32>
      %mul3A_3145 = arith.constant 16 : i32
      %mul3A_3146 = arith.muli %scan3A_3091, %mul3A_3145 : i32
      %add3A_3147 = arith.constant 4104 : i32
      %add3A_3148 = arith.addi %add3A_3147, %mul3A_3146 : i32
      %get3A_3149 = arith.index_cast %add3A_3148 : i32 to index
      %get3A_3150 = tpu.vector_load %arg7[%get3A_3149] {strides = array<i32>} : memref<8208xf32, #tpu.memory_space<vmem>>, vector<16xf32>,
      %add3A_3151 = arith.addf %add3A_3144, %get3A_3150 : vector<16xf32>
      %mul3A_3152 = arith.constant 16 : i32
      %mul3A_3153 = arith.muli %scan3A_3091, %mul3A_3152 : i32
      %add3A_3154 = arith.constant 4617 : i32
      %add3A_3155 = arith.addi %add3A_3154, %mul3A_3153 : i32
      %get3A_3156 = arith.index_cast %add3A_3155 : i32 to index
      %get3A_3157 = tpu.vector_load %arg7[%get3A_3156] {strides = array<i32>} : memref<8208xf32, #tpu.memory_space<vmem>>, vector<16xf32>,
      %add3A_3158 = arith.addf %add3A_3151, %get3A_3157 : vector<16xf32>
      %mul3A_3159 = arith.constant 16 : i32
      %mul3A_3160 = arith.muli %scan3A_3091, %mul3A_3159 : i32
      %add3A_3161 = arith.constant 5130 : i32
      %add3A_3162 = arith.addi %add3A_3161, %mul3A_3160 : i32
      %get3A_3163 = arith.index_cast %add3A_3162 : i32 to index
      %get3A_3164 = tpu.vector_load %arg7[%get3A_3163] {strides = array<i32>} : memref<8208xf32, #tpu.memory_space<vmem>>, vector<16xf32>,
      %add3A_3165 = arith.addf %add3A_3158, %get3A_3164 : vector<16xf32>
      %mul3A_3166 = arith.constant 16 : i32
      %mul3A_3167 = arith.muli %scan3A_3091, %mul3A_3166 : i32
      %add3A_3168 = arith.constant 5643 : i32
      %add3A_3169 = arith.addi %add3A_3168, %mul3A_3167 : i32
      %get3A_3170 = arith.index_cast %add3A_3169 : i32 to index
      %get3A_3171 = tpu.vector_load %arg7[%get3A_3170] {strides = array<i32>} : memref<8208xf32, #tpu.memory_space<vmem>>, vector<16xf32>,
      %add3A_3172 = arith.addf %add3A_3165, %get3A_3171 : vector<16xf32>
      %mul3A_3173 = arith.constant 16 : i32
      %mul3A_3174 = arith.muli %scan3A_3091, %mul3A_3173 : i32
      %add3A_3175 = arith.constant 6156 : i32
      %add3A_3176 = arith.addi %add3A_3175, %mul3A_3174 : i32
      %get3A_3177 = arith.index_cast %add3A_3176 : i32 to index
      %get3A_3178 = tpu.vector_load %arg7[%get3A_3177] {strides = array<i32>} : memref<8208xf32, #tpu.memory_space<vmem>>, vector<16xf32>,
      %add3A_3179 = arith.addf %add3A_3172, %get3A_3178 : vector<16xf32>
      %mul3A_3180 = arith.constant 16 : i32
      %mul3A_3181 = arith.muli %scan3A_3091, %mul3A_3180 : i32
      %add3A_3182 = arith.constant 6669 : i32
      %add3A_3183 = arith.addi %add3A_3182, %mul3A_3181 : i32
      %get3A_3184 = arith.index_cast %add3A_3183 : i32 to index
      %get3A_3185 = tpu.vector_load %arg7[%get3A_3184] {strides = array<i32>} : memref<8208xf32, #tpu.memory_space<vmem>>, vector<16xf32>,
      %add3A_3186 = arith.addf %add3A_3179, %get3A_3185 : vector<16xf32>
      %mul3A_3187 = arith.constant 16 : i32
      %mul3A_3188 = arith.muli %scan3A_3091, %mul3A_3187 : i32
      %add3A_3189 = arith.constant 7182 : i32
      %add3A_3190 = arith.addi %add3A_3189, %mul3A_3188 : i32
      %get3A_3191 = arith.index_cast %add3A_3190 : i32 to index
      %get3A_3192 = tpu.vector_load %arg7[%get3A_3191] {strides = array<i32>} : memref<8208xf32, #tpu.memory_space<vmem>>, vector<16xf32>,
      %add3A_3193 = arith.addf %add3A_3186, %get3A_3192 : vector<16xf32>
      %mul3A_3194 = arith.constant 16 : i32
      %mul3A_3195 = arith.muli %scan3A_3091, %mul3A_3194 : i32
      %add3A_3196 = arith.constant 7695 : i32
      %add3A_3197 = arith.addi %add3A_3196, %mul3A_3195 : i32
      %get3A_3198 = arith.index_cast %add3A_3197 : i32 to index
      %get3A_3199 = tpu.vector_load %arg7[%get3A_3198] {strides = array<i32>} : memref<8208xf32, #tpu.memory_space<vmem>>, vector<16xf32>,
      %add3A_3200 = arith.addf %add3A_3193, %get3A_3199 : vector<16xf32>
      %mul3A_3201 = arith.constant 16 : i32
      %mul3A_3202 = arith.muli %scan3A_3091, %mul3A_3201 : i32
      %swap3A_3203 = arith.index_cast %mul3A_3202 : i32 to index
      %swap3A_3204 = tpu.vector_load %arg7[%swap3A_3203] {strides = array<i32>} : memref<8208xf32, #tpu.memory_space<vmem>>, vector<16xf32>,
      tpu.vector_store %arg7[%swap3A_3203], %add3A_3200 {strides = array<i32>} : memref<8208xf32, #tpu.memory_space<vmem>>, vector<16xf32>,
      %mul3A_3205 = arith.constant 16 : i32
      %mul3A_3206 = arith.muli %scan3A_3091, %mul3A_3205 : i32
      %get3A_3207 = arith.index_cast %mul3A_3206 : i32 to index
      %get3A_3208 = tpu.vector_load %arg8[%get3A_3207] {strides = array<i32>} : memref<8208xf32, #tpu.memory_space<vmem>>, vector<16xf32>,
      %mul3A_3209 = arith.constant 16 : i32
      %mul3A_3210 = arith.muli %scan3A_3091, %mul3A_3209 : i32
      %add3A_3211 = arith.constant 513 : i32
      %add3A_3212 = arith.addi %add3A_3211, %mul3A_3210 : i32
      %get3A_3213 = arith.index_cast %add3A_3212 : i32 to index
      %get3A_3214 = tpu.vector_load %arg8[%get3A_3213] {strides = array<i32>} : memref<8208xf32, #tpu.memory_space<vmem>>, vector<16xf32>,
      %add3A_3215 = arith.addf %get3A_3208, %get3A_3214 : vector<16xf32>
      %mul3A_3216 = arith.constant 16 : i32
      %mul3A_3217 = arith.muli %scan3A_3091, %mul3A_3216 : i32
      %add3A_3218 = arith.constant 1026 : i32
      %add3A_3219 = arith.addi %add3A_3218, %mul3A_3217 : i32
      %get3A_3220 = arith.index_cast %add3A_3219 : i32 to index
      %get3A_3221 = tpu.vector_load %arg8[%get3A_3220] {strides = array<i32>} : memref<8208xf32, #tpu.memory_space<vmem>>, vector<16xf32>,
      %add3A_3222 = arith.addf %add3A_3215, %get3A_3221 : vector<16xf32>
      %mul3A_3223 = arith.constant 16 : i32
      %mul3A_3224 = arith.muli %scan3A_3091, %mul3A_3223 : i32
      %add3A_3225 = arith.constant 1539 : i32
      %add3A_3226 = arith.addi %add3A_3225, %mul3A_3224 : i32
      %get3A_3227 = arith.index_cast %add3A_3226 : i32 to index
      %get3A_3228 = tpu.vector_load %arg8[%get3A_3227] {strides = array<i32>} : memref<8208xf32, #tpu.memory_space<vmem>>, vector<16xf32>,
      %add3A_3229 = arith.addf %add3A_3222, %get3A_3228 : vector<16xf32>
      %mul3A_3230 = arith.constant 16 : i32
      %mul3A_3231 = arith.muli %scan3A_3091, %mul3A_3230 : i32
      %add3A_3232 = arith.constant 2052 : i32
      %add3A_3233 = arith.addi %add3A_3232, %mul3A_3231 : i32
      %get3A_3234 = arith.index_cast %add3A_3233 : i32 to index
      %get3A_3235 = tpu.vector_load %arg8[%get3A_3234] {strides = array<i32>} : memref<8208xf32, #tpu.memory_space<vmem>>, vector<16xf32>,
      %add3A_3236 = arith.addf %add3A_3229, %get3A_3235 : vector<16xf32>
      %mul3A_3237 = arith.constant 16 : i32
      %mul3A_3238 = arith.muli %scan3A_3091, %mul3A_3237 : i32
      %add3A_3239 = arith.constant 2565 : i32
      %add3A_3240 = arith.addi %add3A_3239, %mul3A_3238 : i32
      %get3A_3241 = arith.index_cast %add3A_3240 : i32 to index
      %get3A_3242 = tpu.vector_load %arg8[%get3A_3241] {strides = array<i32>} : memref<8208xf32, #tpu.memory_space<vmem>>, vector<16xf32>,
      %add3A_3243 = arith.addf %add3A_3236, %get3A_3242 : vector<16xf32>
      %mul3A_3244 = arith.constant 16 : i32
      %mul3A_3245 = arith.muli %scan3A_3091, %mul3A_3244 : i32
      %add3A_3246 = arith.constant 3078 : i32
      %add3A_3247 = arith.addi %add3A_3246, %mul3A_3245 : i32
      %get3A_3248 = arith.index_cast %add3A_3247 : i32 to index
      %get3A_3249 = tpu.vector_load %arg8[%get3A_3248] {strides = array<i32>} : memref<8208xf32, #tpu.memory_space<vmem>>, vector<16xf32>,
      %add3A_3250 = arith.addf %add3A_3243, %get3A_3249 : vector<16xf32>
      %mul3A_3251 = arith.constant 16 : i32
      %mul3A_3252 = arith.muli %scan3A_3091, %mul3A_3251 : i32
      %add3A_3253 = arith.constant 3591 : i32
      %add3A_3254 = arith.addi %add3A_3253, %mul3A_3252 : i32
      %get3A_3255 = arith.index_cast %add3A_3254 : i32 to index
      %get3A_3256 = tpu.vector_load %arg8[%get3A_3255] {strides = array<i32>} : memref<8208xf32, #tpu.memory_space<vmem>>, vector<16xf32>,
      %add3A_3257 = arith.addf %add3A_3250, %get3A_3256 : vector<16xf32>
      %mul3A_3258 = arith.constant 16 : i32
      %mul3A_3259 = arith.muli %scan3A_3091, %mul3A_3258 : i32
      %add3A_3260 = arith.constant 4104 : i32
      %add3A_3261 = arith.addi %add3A_3260, %mul3A_3259 : i32
      %get3A_3262 = arith.index_cast %add3A_3261 : i32 to index
      %get3A_3263 = tpu.vector_load %arg8[%get3A_3262] {strides = array<i32>} : memref<8208xf32, #tpu.memory_space<vmem>>, vector<16xf32>,
      %add3A_3264 = arith.addf %add3A_3257, %get3A_3263 : vector<16xf32>
      %mul3A_3265 = arith.constant 16 : i32
      %mul3A_3266 = arith.muli %scan3A_3091, %mul3A_3265 : i32
      %add3A_3267 = arith.constant 4617 : i32
      %add3A_3268 = arith.addi %add3A_3267, %mul3A_3266 : i32
      %get3A_3269 = arith.index_cast %add3A_3268 : i32 to index
      %get3A_3270 = tpu.vector_load %arg8[%get3A_3269] {strides = array<i32>} : memref<8208xf32, #tpu.memory_space<vmem>>, vector<16xf32>,
      %add3A_3271 = arith.addf %add3A_3264, %get3A_3270 : vector<16xf32>
      %mul3A_3272 = arith.constant 16 : i32
      %mul3A_3273 = arith.muli %scan3A_3091, %mul3A_3272 : i32
      %add3A_3274 = arith.constant 5130 : i32
      %add3A_3275 = arith.addi %add3A_3274, %mul3A_3273 : i32
      %get3A_3276 = arith.index_cast %add3A_3275 : i32 to index
      %get3A_3277 = tpu.vector_load %arg8[%get3A_3276] {strides = array<i32>} : memref<8208xf32, #tpu.memory_space<vmem>>, vector<16xf32>,
      %add3A_3278 = arith.addf %add3A_3271, %get3A_3277 : vector<16xf32>
      %mul3A_3279 = arith.constant 16 : i32
      %mul3A_3280 = arith.muli %scan3A_3091, %mul3A_3279 : i32
      %add3A_3281 = arith.constant 5643 : i32
      %add3A_3282 = arith.addi %add3A_3281, %mul3A_3280 : i32
      %get3A_3283 = arith.index_cast %add3A_3282 : i32 to index
      %get3A_3284 = tpu.vector_load %arg8[%get3A_3283] {strides = array<i32>} : memref<8208xf32, #tpu.memory_space<vmem>>, vector<16xf32>,
      %add3A_3285 = arith.addf %add3A_3278, %get3A_3284 : vector<16xf32>
      %mul3A_3286 = arith.constant 16 : i32
      %mul3A_3287 = arith.muli %scan3A_3091, %mul3A_3286 : i32
      %add3A_3288 = arith.constant 6156 : i32
      %add3A_3289 = arith.addi %add3A_3288, %mul3A_3287 : i32
      %get3A_3290 = arith.index_cast %add3A_3289 : i32 to index
      %get3A_3291 = tpu.vector_load %arg8[%get3A_3290] {strides = array<i32>} : memref<8208xf32, #tpu.memory_space<vmem>>, vector<16xf32>,
      %add3A_3292 = arith.addf %add3A_3285, %get3A_3291 : vector<16xf32>
      %mul3A_3293 = arith.constant 16 : i32
      %mul3A_3294 = arith.muli %scan3A_3091, %mul3A_3293 : i32
      %add3A_3295 = arith.constant 6669 : i32
      %add3A_3296 = arith.addi %add3A_3295, %mul3A_3294 : i32
      %get3A_3297 = arith.index_cast %add3A_3296 : i32 to index
      %get3A_3298 = tpu.vector_load %arg8[%get3A_3297] {strides = array<i32>} : memref<8208xf32, #tpu.memory_space<vmem>>, vector<16xf32>,
      %add3A_3299 = arith.addf %add3A_3292, %get3A_3298 : vector<16xf32>
      %mul3A_3300 = arith.constant 16 : i32
      %mul3A_3301 = arith.muli %scan3A_3091, %mul3A_3300 : i32
      %add3A_3302 = arith.constant 7182 : i32
      %add3A_3303 = arith.addi %add3A_3302, %mul3A_3301 : i32
      %get3A_3304 = arith.index_cast %add3A_3303 : i32 to index
      %get3A_3305 = tpu.vector_load %arg8[%get3A_3304] {strides = array<i32>} : memref<8208xf32, #tpu.memory_space<vmem>>, vector<16xf32>,
      %add3A_3306 = arith.addf %add3A_3299, %get3A_3305 : vector<16xf32>
      %mul3A_3307 = arith.constant 16 : i32
      %mul3A_3308 = arith.muli %scan3A_3091, %mul3A_3307 : i32
      %add3A_3309 = arith.constant 7695 : i32
      %add3A_3310 = arith.addi %add3A_3309, %mul3A_3308 : i32
      %get3A_3311 = arith.index_cast %add3A_3310 : i32 to index
      %get3A_3312 = tpu.vector_load %arg8[%get3A_3311] {strides = array<i32>} : memref<8208xf32, #tpu.memory_space<vmem>>, vector<16xf32>,
      %add3A_3313 = arith.addf %add3A_3306, %get3A_3312 : vector<16xf32>
      %mul3A_3314 = arith.constant 16 : i32
      %mul3A_3315 = arith.muli %scan3A_3091, %mul3A_3314 : i32
      %swap3A_3316 = arith.index_cast %mul3A_3315 : i32 to index
      %swap3A_3317 = tpu.vector_load %arg8[%swap3A_3316] {strides = array<i32>} : memref<8208xf32, #tpu.memory_space<vmem>>, vector<16xf32>,
      tpu.vector_store %arg8[%swap3A_3316], %add3A_3313 {strides = array<i32>} : memref<8208xf32, #tpu.memory_space<vmem>>, vector<16xf32>,
      %mul3A_3318 = arith.constant 16 : i32
      %mul3A_3319 = arith.muli %scan3A_3091, %mul3A_3318 : i32
      %get3A_3320 = arith.index_cast %mul3A_3319 : i32 to index
      %get3A_3321 = tpu.vector_load %arg9[%get3A_3320] {strides = array<i32>} : memref<8208xf32, #tpu.memory_space<vmem>>, vector<16xf32>,
      %mul3A_3322 = arith.constant 16 : i32
      %mul3A_3323 = arith.muli %scan3A_3091, %mul3A_3322 : i32
      %add3A_3324 = arith.constant 513 : i32
      %add3A_3325 = arith.addi %add3A_3324, %mul3A_3323 : i32
      %get3A_3326 = arith.index_cast %add3A_3325 : i32 to index
      %get3A_3327 = tpu.vector_load %arg9[%get3A_3326] {strides = array<i32>} : memref<8208xf32, #tpu.memory_space<vmem>>, vector<16xf32>,
      %add3A_3328 = arith.addf %get3A_3321, %get3A_3327 : vector<16xf32>
      %mul3A_3329 = arith.constant 16 : i32
      %mul3A_3330 = arith.muli %scan3A_3091, %mul3A_3329 : i32
      %add3A_3331 = arith.constant 1026 : i32
      %add3A_3332 = arith.addi %add3A_3331, %mul3A_3330 : i32
      %get3A_3333 = arith.index_cast %add3A_3332 : i32 to index
      %get3A_3334 = tpu.vector_load %arg9[%get3A_3333] {strides = array<i32>} : memref<8208xf32, #tpu.memory_space<vmem>>, vector<16xf32>,
      %add3A_3335 = arith.addf %add3A_3328, %get3A_3334 : vector<16xf32>
      %mul3A_3336 = arith.constant 16 : i32
      %mul3A_3337 = arith.muli %scan3A_3091, %mul3A_3336 : i32
      %add3A_3338 = arith.constant 1539 : i32
      %add3A_3339 = arith.addi %add3A_3338, %mul3A_3337 : i32
      %get3A_3340 = arith.index_cast %add3A_3339 : i32 to index
      %get3A_3341 = tpu.vector_load %arg9[%get3A_3340] {strides = array<i32>} : memref<8208xf32, #tpu.memory_space<vmem>>, vector<16xf32>,
      %add3A_3342 = arith.addf %add3A_3335, %get3A_3341 : vector<16xf32>
      %mul3A_3343 = arith.constant 16 : i32
      %mul3A_3344 = arith.muli %scan3A_3091, %mul3A_3343 : i32
      %add3A_3345 = arith.constant 2052 : i32
      %add3A_3346 = arith.addi %add3A_3345, %mul3A_3344 : i32
      %get3A_3347 = arith.index_cast %add3A_3346 : i32 to index
      %get3A_3348 = tpu.vector_load %arg9[%get3A_3347] {strides = array<i32>} : memref<8208xf32, #tpu.memory_space<vmem>>, vector<16xf32>,
      %add3A_3349 = arith.addf %add3A_3342, %get3A_3348 : vector<16xf32>
      %mul3A_3350 = arith.constant 16 : i32
      %mul3A_3351 = arith.muli %scan3A_3091, %mul3A_3350 : i32
      %add3A_3352 = arith.constant 2565 : i32
      %add3A_3353 = arith.addi %add3A_3352, %mul3A_3351 : i32
      %get3A_3354 = arith.index_cast %add3A_3353 : i32 to index
      %get3A_3355 = tpu.vector_load %arg9[%get3A_3354] {strides = array<i32>} : memref<8208xf32, #tpu.memory_space<vmem>>, vector<16xf32>,
      %add3A_3356 = arith.addf %add3A_3349, %get3A_3355 : vector<16xf32>
      %mul3A_3357 = arith.constant 16 : i32
      %mul3A_3358 = arith.muli %scan3A_3091, %mul3A_3357 : i32
      %add3A_3359 = arith.constant 3078 : i32
      %add3A_3360 = arith.addi %add3A_3359, %mul3A_3358 : i32
      %get3A_3361 = arith.index_cast %add3A_3360 : i32 to index
      %get3A_3362 = tpu.vector_load %arg9[%get3A_3361] {strides = array<i32>} : memref<8208xf32, #tpu.memory_space<vmem>>, vector<16xf32>,
      %add3A_3363 = arith.addf %add3A_3356, %get3A_3362 : vector<16xf32>
      %mul3A_3364 = arith.constant 16 : i32
      %mul3A_3365 = arith.muli %scan3A_3091, %mul3A_3364 : i32
      %add3A_3366 = arith.constant 3591 : i32
      %add3A_3367 = arith.addi %add3A_3366, %mul3A_3365 : i32
      %get3A_3368 = arith.index_cast %add3A_3367 : i32 to index
      %get3A_3369 = tpu.vector_load %arg9[%get3A_3368] {strides = array<i32>} : memref<8208xf32, #tpu.memory_space<vmem>>, vector<16xf32>,
      %add3A_3370 = arith.addf %add3A_3363, %get3A_3369 : vector<16xf32>
      %mul3A_3371 = arith.constant 16 : i32
      %mul3A_3372 = arith.muli %scan3A_3091, %mul3A_3371 : i32
      %add3A_3373 = arith.constant 4104 : i32
      %add3A_3374 = arith.addi %add3A_3373, %mul3A_3372 : i32
      %get3A_3375 = arith.index_cast %add3A_3374 : i32 to index
      %get3A_3376 = tpu.vector_load %arg9[%get3A_3375] {strides = array<i32>} : memref<8208xf32, #tpu.memory_space<vmem>>, vector<16xf32>,
      %add3A_3377 = arith.addf %add3A_3370, %get3A_3376 : vector<16xf32>
      %mul3A_3378 = arith.constant 16 : i32
      %mul3A_3379 = arith.muli %scan3A_3091, %mul3A_3378 : i32
      %add3A_3380 = arith.constant 4617 : i32
      %add3A_3381 = arith.addi %add3A_3380, %mul3A_3379 : i32
      %get3A_3382 = arith.index_cast %add3A_3381 : i32 to index
      %get3A_3383 = tpu.vector_load %arg9[%get3A_3382] {strides = array<i32>} : memref<8208xf32, #tpu.memory_space<vmem>>, vector<16xf32>,
      %add3A_3384 = arith.addf %add3A_3377, %get3A_3383 : vector<16xf32>
      %mul3A_3385 = arith.constant 16 : i32
      %mul3A_3386 = arith.muli %scan3A_3091, %mul3A_3385 : i32
      %add3A_3387 = arith.constant 5130 : i32
      %add3A_3388 = arith.addi %add3A_3387, %mul3A_3386 : i32
      %get3A_3389 = arith.index_cast %add3A_3388 : i32 to index
      %get3A_3390 = tpu.vector_load %arg9[%get3A_3389] {strides = array<i32>} : memref<8208xf32, #tpu.memory_space<vmem>>, vector<16xf32>,
      %add3A_3391 = arith.addf %add3A_3384, %get3A_3390 : vector<16xf32>
      %mul3A_3392 = arith.constant 16 : i32
      %mul3A_3393 = arith.muli %scan3A_3091, %mul3A_3392 : i32
      %add3A_3394 = arith.constant 5643 : i32
      %add3A_3395 = arith.addi %add3A_3394, %mul3A_3393 : i32
      %get3A_3396 = arith.index_cast %add3A_3395 : i32 to index
      %get3A_3397 = tpu.vector_load %arg9[%get3A_3396] {strides = array<i32>} : memref<8208xf32, #tpu.memory_space<vmem>>, vector<16xf32>,
      %add3A_3398 = arith.addf %add3A_3391, %get3A_3397 : vector<16xf32>
      %mul3A_3399 = arith.constant 16 : i32
      %mul3A_3400 = arith.muli %scan3A_3091, %mul3A_3399 : i32
      %add3A_3401 = arith.constant 6156 : i32
      %add3A_3402 = arith.addi %add3A_3401, %mul3A_3400 : i32
      %get3A_3403 = arith.index_cast %add3A_3402 : i32 to index
      %get3A_3404 = tpu.vector_load %arg9[%get3A_3403] {strides = array<i32>} : memref<8208xf32, #tpu.memory_space<vmem>>, vector<16xf32>,
      %add3A_3405 = arith.addf %add3A_3398, %get3A_3404 : vector<16xf32>
      %mul3A_3406 = arith.constant 16 : i32
      %mul3A_3407 = arith.muli %scan3A_3091, %mul3A_3406 : i32
      %add3A_3408 = arith.constant 6669 : i32
      %add3A_3409 = arith.addi %add3A_3408, %mul3A_3407 : i32
      %get3A_3410 = arith.index_cast %add3A_3409 : i32 to index
      %get3A_3411 = tpu.vector_load %arg9[%get3A_3410] {strides = array<i32>} : memref<8208xf32, #tpu.memory_space<vmem>>, vector<16xf32>,
      %add3A_3412 = arith.addf %add3A_3405, %get3A_3411 : vector<16xf32>
      %mul3A_3413 = arith.constant 16 : i32
      %mul3A_3414 = arith.muli %scan3A_3091, %mul3A_3413 : i32
      %add3A_3415 = arith.constant 7182 : i32
      %add3A_3416 = arith.addi %add3A_3415, %mul3A_3414 : i32
      %get3A_3417 = arith.index_cast %add3A_3416 : i32 to index
      %get3A_3418 = tpu.vector_load %arg9[%get3A_3417] {strides = array<i32>} : memref<8208xf32, #tpu.memory_space<vmem>>, vector<16xf32>,
      %add3A_3419 = arith.addf %add3A_3412, %get3A_3418 : vector<16xf32>
      %mul3A_3420 = arith.constant 16 : i32
      %mul3A_3421 = arith.muli %scan3A_3091, %mul3A_3420 : i32
      %add3A_3422 = arith.constant 7695 : i32
      %add3A_3423 = arith.addi %add3A_3422, %mul3A_3421 : i32
      %get3A_3424 = arith.index_cast %add3A_3423 : i32 to index
      %get3A_3425 = tpu.vector_load %arg9[%get3A_3424] {strides = array<i32>} : memref<8208xf32, #tpu.memory_space<vmem>>, vector<16xf32>,
      %add3A_3426 = arith.addf %add3A_3419, %get3A_3425 : vector<16xf32>
      %mul3A_3427 = arith.constant 16 : i32
      %mul3A_3428 = arith.muli %scan3A_3091, %mul3A_3427 : i32
      %swap3A_3429 = arith.index_cast %mul3A_3428 : i32 to index
      %swap3A_3430 = tpu.vector_load %arg9[%swap3A_3429] {strides = array<i32>} : memref<8208xf32, #tpu.memory_space<vmem>>, vector<16xf32>,
      tpu.vector_store %arg9[%swap3A_3429], %add3A_3426 {strides = array<i32>} : memref<8208xf32, #tpu.memory_space<vmem>>, vector<16xf32>,
      %scan3A_3431 = arith.constant 0 : i32
      scf.yield %scan3A_3431 : i32
    }
    %scan3A_47 = arith.constant 32 : i32
    %mul3A_48 = arith.constant 3 : i32
    %mul3A_49 = arith.muli %mul3A_48, %arg1 : i32
    %mul3A_50 = arith.constant 512 : i32
    %mul3A_51 = arith.muli %mul3A_49, %mul3A_50 : i32
    "tpu.region"() ({
      %run_scoped3A = tpu.sem_alloc : memref<!tpu.dma_semaphore, #tpu.memory_space<semaphore_mem>>
      %dma_start3A = arith.constant 0 : i32
      %dma_start3A_2748 = tpu.memref_slice %arg7[%dma_start3A] : memref<8208xf32, #tpu.memory_space<vmem>> -> memref<512xf32, #tpu.memory_space<vmem>>
      %dma_start3A_2749 = tpu.memref_slice %arg18[%mul3A_51] : memref<26112xf32, #tpu.memory_space<vmem_shared>> -> memref<512xf32, #tpu.memory_space<vmem_shared>>
      %dma_start3A_2750 = tpu.memref_slice %arg18[%mul3A_51] : memref<26112xf32, #tpu.memory_space<vmem_shared>> -> memref<512xf32, #tpu.memory_space<vmem_shared>>
      %dma_start3A_2751 = arith.constant 0 : i32
      %dma_start3A_2752 = tpu.memref_slice %arg7[%dma_start3A_2751] : memref<8208xf32, #tpu.memory_space<vmem>> -> memref<512xf32, #tpu.memory_space<vmem>>
      tpu.enqueue_dma source(%dma_start3A_2752 : memref<512xf32, #tpu.memory_space<vmem>>) target(%dma_start3A_2750 : memref<512xf32, #tpu.memory_space<vmem_shared>>) target_semaphore(%run_scoped3A : memref<!tpu.dma_semaphore, #tpu.memory_space<semaphore_mem>>)
      %dma_wait3A = arith.constant 0 : i32
      %dma_wait3A_2753 = tpu.memref_slice %arg7[%dma_wait3A] : memref<8208xf32, #tpu.memory_space<vmem>> -> memref<512xf32, #tpu.memory_space<vmem>>
      %dma_wait3A_2754 = tpu.memref_slice %arg18[%mul3A_51] : memref<26112xf32, #tpu.memory_space<vmem_shared>> -> memref<512xf32, #tpu.memory_space<vmem_shared>>
      %dma_wait3A_2755 = tpu.memref_slice %arg18[%mul3A_51] : memref<26112xf32, #tpu.memory_space<vmem_shared>> -> memref<512xf32, #tpu.memory_space<vmem_shared>>
      %dma_wait3A_2756 = arith.constant 0 : i32
      %dma_wait3A_2757 = tpu.memref_slice %arg7[%dma_wait3A_2756] : memref<8208xf32, #tpu.memory_space<vmem>> -> memref<512xf32, #tpu.memory_space<vmem>>
      tpu.wait_dma2 semaphore(%run_scoped3A : memref<!tpu.dma_semaphore, #tpu.memory_space<semaphore_mem>>) src(%dma_wait3A_2757 : memref<512xf32, #tpu.memory_space<vmem>>) dst(%dma_wait3A_2755 : memref<512xf32, #tpu.memory_space<vmem_shared>>)
      tpu.yield
    }) : () -> ()
    %mul3A_52 = arith.constant 3 : i32
    %mul3A_53 = arith.muli %mul3A_52, %arg1 : i32
    %add3A = arith.constant 1 : i32
    %add3A_54 = arith.addi %mul3A_53, %add3A : i32
    %mul3A_55 = arith.constant 512 : i32
    %mul3A_56 = arith.muli %add3A_54, %mul3A_55 : i32
    "tpu.region"() ({
      %run_scoped3A = tpu.sem_alloc : memref<!tpu.dma_semaphore, #tpu.memory_space<semaphore_mem>>
      %dma_start3A = arith.constant 0 : i32
      %dma_start3A_2748 = tpu.memref_slice %arg8[%dma_start3A] : memref<8208xf32, #tpu.memory_space<vmem>> -> memref<512xf32, #tpu.memory_space<vmem>>
      %dma_start3A_2749 = tpu.memref_slice %arg18[%mul3A_56] : memref<26112xf32, #tpu.memory_space<vmem_shared>> -> memref<512xf32, #tpu.memory_space<vmem_shared>>
      %dma_start3A_2750 = tpu.memref_slice %arg18[%mul3A_56] : memref<26112xf32, #tpu.memory_space<vmem_shared>> -> memref<512xf32, #tpu.memory_space<vmem_shared>>
      %dma_start3A_2751 = arith.constant 0 : i32
      %dma_start3A_2752 = tpu.memref_slice %arg8[%dma_start3A_2751] : memref<8208xf32, #tpu.memory_space<vmem>> -> memref<512xf32, #tpu.memory_space<vmem>>
      tpu.enqueue_dma source(%dma_start3A_2752 : memref<512xf32, #tpu.memory_space<vmem>>) target(%dma_start3A_2750 : memref<512xf32, #tpu.memory_space<vmem_shared>>) target_semaphore(%run_scoped3A : memref<!tpu.dma_semaphore, #tpu.memory_space<semaphore_mem>>)
      %dma_wait3A = arith.constant 0 : i32
      %dma_wait3A_2753 = tpu.memref_slice %arg8[%dma_wait3A] : memref<8208xf32, #tpu.memory_space<vmem>> -> memref<512xf32, #tpu.memory_space<vmem>>
      %dma_wait3A_2754 = tpu.memref_slice %arg18[%mul3A_56] : memref<26112xf32, #tpu.memory_space<vmem_shared>> -> memref<512xf32, #tpu.memory_space<vmem_shared>>
      %dma_wait3A_2755 = tpu.memref_slice %arg18[%mul3A_56] : memref<26112xf32, #tpu.memory_space<vmem_shared>> -> memref<512xf32, #tpu.memory_space<vmem_shared>>
      %dma_wait3A_2756 = arith.constant 0 : i32
      %dma_wait3A_2757 = tpu.memref_slice %arg8[%dma_wait3A_2756] : memref<8208xf32, #tpu.memory_space<vmem>> -> memref<512xf32, #tpu.memory_space<vmem>>
      tpu.wait_dma2 semaphore(%run_scoped3A : memref<!tpu.dma_semaphore, #tpu.memory_space<semaphore_mem>>) src(%dma_wait3A_2757 : memref<512xf32, #tpu.memory_space<vmem>>) dst(%dma_wait3A_2755 : memref<512xf32, #tpu.memory_space<vmem_shared>>)
      tpu.yield
    }) : () -> ()
    %mul3A_57 = arith.constant 3 : i32
    %mul3A_58 = arith.muli %mul3A_57, %arg1 : i32
    %add3A_59 = arith.constant 2 : i32
    %add3A_60 = arith.addi %mul3A_58, %add3A_59 : i32
    %mul3A_61 = arith.constant 512 : i32
    %mul3A_62 = arith.muli %add3A_60, %mul3A_61 : i32
    "tpu.region"() ({
      %run_scoped3A = tpu.sem_alloc : memref<!tpu.dma_semaphore, #tpu.memory_space<semaphore_mem>>
      %dma_start3A = arith.constant 0 : i32
      %dma_start3A_2748 = tpu.memref_slice %arg9[%dma_start3A] : memref<8208xf32, #tpu.memory_space<vmem>> -> memref<512xf32, #tpu.memory_space<vmem>>
      %dma_start3A_2749 = tpu.memref_slice %arg18[%mul3A_62] : memref<26112xf32, #tpu.memory_space<vmem_shared>> -> memref<512xf32, #tpu.memory_space<vmem_shared>>
      %dma_start3A_2750 = tpu.memref_slice %arg18[%mul3A_62] : memref<26112xf32, #tpu.memory_space<vmem_shared>> -> memref<512xf32, #tpu.memory_space<vmem_shared>>
      %dma_start3A_2751 = arith.constant 0 : i32
      %dma_start3A_2752 = tpu.memref_slice %arg9[%dma_start3A_2751] : memref<8208xf32, #tpu.memory_space<vmem>> -> memref<512xf32, #tpu.memory_space<vmem>>
      tpu.enqueue_dma source(%dma_start3A_2752 : memref<512xf32, #tpu.memory_space<vmem>>) target(%dma_start3A_2750 : memref<512xf32, #tpu.memory_space<vmem_shared>>) target_semaphore(%run_scoped3A : memref<!tpu.dma_semaphore, #tpu.memory_space<semaphore_mem>>)
      %dma_wait3A = arith.constant 0 : i32
      %dma_wait3A_2753 = tpu.memref_slice %arg9[%dma_wait3A] : memref<8208xf32, #tpu.memory_space<vmem>> -> memref<512xf32, #tpu.memory_space<vmem>>
      %dma_wait3A_2754 = tpu.memref_slice %arg18[%mul3A_62] : memref<26112xf32, #tpu.memory_space<vmem_shared>> -> memref<512xf32, #tpu.memory_space<vmem_shared>>
      %dma_wait3A_2755 = tpu.memref_slice %arg18[%mul3A_62] : memref<26112xf32, #tpu.memory_space<vmem_shared>> -> memref<512xf32, #tpu.memory_space<vmem_shared>>
      %dma_wait3A_2756 = arith.constant 0 : i32
      %dma_wait3A_2757 = tpu.memref_slice %arg9[%dma_wait3A_2756] : memref<8208xf32, #tpu.memory_space<vmem>> -> memref<512xf32, #tpu.memory_space<vmem>>
      tpu.wait_dma2 semaphore(%run_scoped3A : memref<!tpu.dma_semaphore, #tpu.memory_space<semaphore_mem>>) src(%dma_wait3A_2757 : memref<512xf32, #tpu.memory_space<vmem>>) dst(%dma_wait3A_2755 : memref<512xf32, #tpu.memory_space<vmem_shared>>)
      tpu.yield
    }) : () -> ()
    %barrier3A = arith.constant 0 : index
    tpu.barrier barrier_id(%barrier3A)
    "tpu.region"() ({
      %run_scoped3A = tpu.sem_alloc : memref<!tpu.dma_semaphore, #tpu.memory_space<semaphore_mem>>
      %dma_start3A = arith.constant 0 : i32
      %dma_start3A_2748 = tpu.memref_slice %arg18[%dma_start3A] : memref<26112xf32, #tpu.memory_space<vmem_shared>> -> memref<24576xf32, #tpu.memory_space<vmem_shared>>
      %dma_start3A_2749 = arith.constant 0 : i32
      %dma_start3A_2750 = tpu.memref_slice %arg18[%dma_start3A_2749] : memref<26112xf32, #tpu.memory_space<vmem_shared>> -> memref<24576xf32, #tpu.memory_space<vmem_shared>>
      tpu.enqueue_dma source(%dma_start3A_2750 : memref<24576xf32, #tpu.memory_space<vmem_shared>>) target(%arg10 : memref<24576xf32, #tpu.memory_space<vmem>>) target_semaphore(%run_scoped3A : memref<!tpu.dma_semaphore, #tpu.memory_space<semaphore_mem>>)
      %dma_wait3A = arith.constant 0 : i32
      %dma_wait3A_2751 = tpu.memref_slice %arg18[%dma_wait3A] : memref<26112xf32, #tpu.memory_space<vmem_shared>> -> memref<24576xf32, #tpu.memory_space<vmem_shared>>
      %dma_wait3A_2752 = arith.constant 0 : i32
      %dma_wait3A_2753 = tpu.memref_slice %arg18[%dma_wait3A_2752] : memref<26112xf32, #tpu.memory_space<vmem_shared>> -> memref<24576xf32, #tpu.memory_space<vmem_shared>>
      tpu.wait_dma2 semaphore(%run_scoped3A : memref<!tpu.dma_semaphore, #tpu.memory_space<semaphore_mem>>) src(%dma_wait3A_2753 : memref<24576xf32, #tpu.memory_space<vmem_shared>>) dst(%arg10 : memref<24576xf32, #tpu.memory_space<vmem>>)
      tpu.yield
    }) : () -> ()
    %mul3A_63 = arith.constant 32 : i32
    %mul3A_64 = arith.muli %arg1, %mul3A_63 : i32
    %add3A_65 = arith.constant 0 : i32
    %add3A_66 = arith.addi %mul3A_64, %add3A_65 : i32
    %add3A_67 = arith.constant 0 : i32
    %add3A_68 = arith.addi %add3A_66, %add3A_67 : i32
    %get3A = arith.index_cast %add3A_68 : i32 to index
    %get3A_69 = tpu.vector_load %arg10[%get3A] {strides = array<i32>} : memref<24576xf32, #tpu.memory_space<vmem>>, vector<16xf32>,
    %add3A_70 = arith.constant 1536 : i32
    %add3A_71 = arith.addi %add3A_70, %add3A_68 : i32
    %get3A_72 = arith.index_cast %add3A_71 : i32 to index
    %get3A_73 = tpu.vector_load %arg10[%get3A_72] {strides = array<i32>} : memref<24576xf32, #tpu.memory_space<vmem>>, vector<16xf32>,
    %add3A_74 = arith.addf %get3A_69, %get3A_73 : vector<16xf32>
    %add3A_75 = arith.constant 3072 : i32
    %add3A_76 = arith.addi %add3A_75, %add3A_68 : i32
    %get3A_77 = arith.index_cast %add3A_76 : i32 to index
    %get3A_78 = tpu.vector_load %arg10[%get3A_77] {strides = array<i32>} : memref<24576xf32, #tpu.memory_space<vmem>>, vector<16xf32>,
    %add3A_79 = arith.addf %add3A_74, %get3A_78 : vector<16xf32>
    %add3A_80 = arith.constant 4608 : i32
    %add3A_81 = arith.addi %add3A_80, %add3A_68 : i32
    %get3A_82 = arith.index_cast %add3A_81 : i32 to index
    %get3A_83 = tpu.vector_load %arg10[%get3A_82] {strides = array<i32>} : memref<24576xf32, #tpu.memory_space<vmem>>, vector<16xf32>,
    %add3A_84 = arith.addf %add3A_79, %get3A_83 : vector<16xf32>
    %add3A_85 = arith.constant 6144 : i32
    %add3A_86 = arith.addi %add3A_85, %add3A_68 : i32
    %get3A_87 = arith.index_cast %add3A_86 : i32 to index
    %get3A_88 = tpu.vector_load %arg10[%get3A_87] {strides = array<i32>} : memref<24576xf32, #tpu.memory_space<vmem>>, vector<16xf32>,
    %add3A_89 = arith.addf %add3A_84, %get3A_88 : vector<16xf32>
    %add3A_90 = arith.constant 7680 : i32
    %add3A_91 = arith.addi %add3A_90, %add3A_68 : i32
    %get3A_92 = arith.index_cast %add3A_91 : i32 to index
    %get3A_93 = tpu.vector_load %arg10[%get3A_92] {strides = array<i32>} : memref<24576xf32, #tpu.memory_space<vmem>>, vector<16xf32>,
    %add3A_94 = arith.addf %add3A_89, %get3A_93 : vector<16xf32>
    %add3A_95 = arith.constant 9216 : i32
    %add3A_96 = arith.addi %add3A_95, %add3A_68 : i32
    %get3A_97 = arith.index_cast %add3A_96 : i32 to index
    %get3A_98 = tpu.vector_load %arg10[%get3A_97] {strides = array<i32>} : memref<24576xf32, #tpu.memory_space<vmem>>, vector<16xf32>,
    %add3A_99 = arith.addf %add3A_94, %get3A_98 : vector<16xf32>
    %add3A_100 = arith.constant 10752 : i32
    %add3A_101 = arith.addi %add3A_100, %add3A_68 : i32
    %get3A_102 = arith.index_cast %add3A_101 : i32 to index
    %get3A_103 = tpu.vector_load %arg10[%get3A_102] {strides = array<i32>} : memref<24576xf32, #tpu.memory_space<vmem>>, vector<16xf32>,
    %add3A_104 = arith.addf %add3A_99, %get3A_103 : vector<16xf32>
    %add3A_105 = arith.constant 12288 : i32
    %add3A_106 = arith.addi %add3A_105, %add3A_68 : i32
    %get3A_107 = arith.index_cast %add3A_106 : i32 to index
    %get3A_108 = tpu.vector_load %arg10[%get3A_107] {strides = array<i32>} : memref<24576xf32, #tpu.memory_space<vmem>>, vector<16xf32>,
    %add3A_109 = arith.addf %add3A_104, %get3A_108 : vector<16xf32>
    %add3A_110 = arith.constant 13824 : i32
    %add3A_111 = arith.addi %add3A_110, %add3A_68 : i32
    %get3A_112 = arith.index_cast %add3A_111 : i32 to index
    %get3A_113 = tpu.vector_load %arg10[%get3A_112] {strides = array<i32>} : memref<24576xf32, #tpu.memory_space<vmem>>, vector<16xf32>,
    %add3A_114 = arith.addf %add3A_109, %get3A_113 : vector<16xf32>
    %add3A_115 = arith.constant 15360 : i32
    %add3A_116 = arith.addi %add3A_115, %add3A_68 : i32
    %get3A_117 = arith.index_cast %add3A_116 : i32 to index
    %get3A_118 = tpu.vector_load %arg10[%get3A_117] {strides = array<i32>} : memref<24576xf32, #tpu.memory_space<vmem>>, vector<16xf32>,
    %add3A_119 = arith.addf %add3A_114, %get3A_118 : vector<16xf32>
    %add3A_120 = arith.constant 16896 : i32
    %add3A_121 = arith.addi %add3A_120, %add3A_68 : i32
    %get3A_122 = arith.index_cast %add3A_121 : i32 to index
    %get3A_123 = tpu.vector_load %arg10[%get3A_122] {strides = array<i32>} : memref<24576xf32, #tpu.memory_space<vmem>>, vector<16xf32>,
    %add3A_124 = arith.addf %add3A_119, %get3A_123 : vector<16xf32>
    %add3A_125 = arith.constant 18432 : i32
    %add3A_126 = arith.addi %add3A_125, %add3A_68 : i32
    %get3A_127 = arith.index_cast %add3A_126 : i32 to index
    %get3A_128 = tpu.vector_load %arg10[%get3A_127] {strides = array<i32>} : memref<24576xf32, #tpu.memory_space<vmem>>, vector<16xf32>,
    %add3A_129 = arith.addf %add3A_124, %get3A_128 : vector<16xf32>
    %add3A_130 = arith.constant 19968 : i32
    %add3A_131 = arith.addi %add3A_130, %add3A_68 : i32
    %get3A_132 = arith.index_cast %add3A_131 : i32 to index
    %get3A_133 = tpu.vector_load %arg10[%get3A_132] {strides = array<i32>} : memref<24576xf32, #tpu.memory_space<vmem>>, vector<16xf32>,
    %add3A_134 = arith.addf %add3A_129, %get3A_133 : vector<16xf32>
    %add3A_135 = arith.constant 21504 : i32
    %add3A_136 = arith.addi %add3A_135, %add3A_68 : i32
    %get3A_137 = arith.index_cast %add3A_136 : i32 to index
    %get3A_138 = tpu.vector_load %arg10[%get3A_137] {strides = array<i32>} : memref<24576xf32, #tpu.memory_space<vmem>>, vector<16xf32>,
    %add3A_139 = arith.addf %add3A_134, %get3A_138 : vector<16xf32>
    %add3A_140 = arith.constant 23040 : i32
    %add3A_141 = arith.addi %add3A_140, %add3A_68 : i32
    %get3A_142 = arith.index_cast %add3A_141 : i32 to index
    %get3A_143 = tpu.vector_load %arg10[%get3A_142] {strides = array<i32>} : memref<24576xf32, #tpu.memory_space<vmem>>, vector<16xf32>,
    %add3A_144 = arith.addf %add3A_139, %get3A_143 : vector<16xf32>
    %swap3A_145 = arith.constant 0 : index
    %swap3A_146 = tpu.vector_load %arg11[%swap3A_145] {strides = array<i32>} : memref<96xf32, #tpu.memory_space<vmem>>, vector<16xf32>,
    tpu.vector_store %arg11[%swap3A_145], %add3A_144 {strides = array<i32>} : memref<96xf32, #tpu.memory_space<vmem>>, vector<16xf32>,
    %mul3A_147 = arith.constant 32 : i32
    %mul3A_148 = arith.muli %arg1, %mul3A_147 : i32
    %add3A_149 = arith.constant 0 : i32
    %add3A_150 = arith.addi %mul3A_148, %add3A_149 : i32
    %add3A_151 = arith.constant 16 : i32
    %add3A_152 = arith.addi %add3A_150, %add3A_151 : i32
    %get3A_153 = arith.index_cast %add3A_152 : i32 to index
    %get3A_154 = tpu.vector_load %arg10[%get3A_153] {strides = array<i32>} : memref<24576xf32, #tpu.memory_space<vmem>>, vector<16xf32>,
    %add3A_155 = arith.constant 1536 : i32
    %add3A_156 = arith.addi %add3A_155, %add3A_152 : i32
    %get3A_157 = arith.index_cast %add3A_156 : i32 to index
    %get3A_158 = tpu.vector_load %arg10[%get3A_157] {strides = array<i32>} : memref<24576xf32, #tpu.memory_space<vmem>>, vector<16xf32>,
    %add3A_159 = arith.addf %get3A_154, %get3A_158 : vector<16xf32>
    %add3A_160 = arith.constant 3072 : i32
    %add3A_161 = arith.addi %add3A_160, %add3A_152 : i32
    %get3A_162 = arith.index_cast %add3A_161 : i32 to index
    %get3A_163 = tpu.vector_load %arg10[%get3A_162] {strides = array<i32>} : memref<24576xf32, #tpu.memory_space<vmem>>, vector<16xf32>,
    %add3A_164 = arith.addf %add3A_159, %get3A_163 : vector<16xf32>
    %add3A_165 = arith.constant 4608 : i32
    %add3A_166 = arith.addi %add3A_165, %add3A_152 : i32
    %get3A_167 = arith.index_cast %add3A_166 : i32 to index
    %get3A_168 = tpu.vector_load %arg10[%get3A_167] {strides = array<i32>} : memref<24576xf32, #tpu.memory_space<vmem>>, vector<16xf32>,
    %add3A_169 = arith.addf %add3A_164, %get3A_168 : vector<16xf32>
    %add3A_170 = arith.constant 6144 : i32
    %add3A_171 = arith.addi %add3A_170, %add3A_152 : i32
    %get3A_172 = arith.index_cast %add3A_171 : i32 to index
    %get3A_173 = tpu.vector_load %arg10[%get3A_172] {strides = array<i32>} : memref<24576xf32, #tpu.memory_space<vmem>>, vector<16xf32>,
    %add3A_174 = arith.addf %add3A_169, %get3A_173 : vector<16xf32>
    %add3A_175 = arith.constant 7680 : i32
    %add3A_176 = arith.addi %add3A_175, %add3A_152 : i32
    %get3A_177 = arith.index_cast %add3A_176 : i32 to index
    %get3A_178 = tpu.vector_load %arg10[%get3A_177] {strides = array<i32>} : memref<24576xf32, #tpu.memory_space<vmem>>, vector<16xf32>,
    %add3A_179 = arith.addf %add3A_174, %get3A_178 : vector<16xf32>
    %add3A_180 = arith.constant 9216 : i32
    %add3A_181 = arith.addi %add3A_180, %add3A_152 : i32
    %get3A_182 = arith.index_cast %add3A_181 : i32 to index
    %get3A_183 = tpu.vector_load %arg10[%get3A_182] {strides = array<i32>} : memref<24576xf32, #tpu.memory_space<vmem>>, vector<16xf32>,
    %add3A_184 = arith.addf %add3A_179, %get3A_183 : vector<16xf32>
    %add3A_185 = arith.constant 10752 : i32
    %add3A_186 = arith.addi %add3A_185, %add3A_152 : i32
    %get3A_187 = arith.index_cast %add3A_186 : i32 to index
    %get3A_188 = tpu.vector_load %arg10[%get3A_187] {strides = array<i32>} : memref<24576xf32, #tpu.memory_space<vmem>>, vector<16xf32>,
    %add3A_189 = arith.addf %add3A_184, %get3A_188 : vector<16xf32>
    %add3A_190 = arith.constant 12288 : i32
    %add3A_191 = arith.addi %add3A_190, %add3A_152 : i32
    %get3A_192 = arith.index_cast %add3A_191 : i32 to index
    %get3A_193 = tpu.vector_load %arg10[%get3A_192] {strides = array<i32>} : memref<24576xf32, #tpu.memory_space<vmem>>, vector<16xf32>,
    %add3A_194 = arith.addf %add3A_189, %get3A_193 : vector<16xf32>
    %add3A_195 = arith.constant 13824 : i32
    %add3A_196 = arith.addi %add3A_195, %add3A_152 : i32
    %get3A_197 = arith.index_cast %add3A_196 : i32 to index
    %get3A_198 = tpu.vector_load %arg10[%get3A_197] {strides = array<i32>} : memref<24576xf32, #tpu.memory_space<vmem>>, vector<16xf32>,
    %add3A_199 = arith.addf %add3A_194, %get3A_198 : vector<16xf32>
    %add3A_200 = arith.constant 15360 : i32
    %add3A_201 = arith.addi %add3A_200, %add3A_152 : i32
    %get3A_202 = arith.index_cast %add3A_201 : i32 to index
    %get3A_203 = tpu.vector_load %arg10[%get3A_202] {strides = array<i32>} : memref<24576xf32, #tpu.memory_space<vmem>>, vector<16xf32>,
    %add3A_204 = arith.addf %add3A_199, %get3A_203 : vector<16xf32>
    %add3A_205 = arith.constant 16896 : i32
    %add3A_206 = arith.addi %add3A_205, %add3A_152 : i32
    %get3A_207 = arith.index_cast %add3A_206 : i32 to index
    %get3A_208 = tpu.vector_load %arg10[%get3A_207] {strides = array<i32>} : memref<24576xf32, #tpu.memory_space<vmem>>, vector<16xf32>,
    %add3A_209 = arith.addf %add3A_204, %get3A_208 : vector<16xf32>
    %add3A_210 = arith.constant 18432 : i32
    %add3A_211 = arith.addi %add3A_210, %add3A_152 : i32
    %get3A_212 = arith.index_cast %add3A_211 : i32 to index
    %get3A_213 = tpu.vector_load %arg10[%get3A_212] {strides = array<i32>} : memref<24576xf32, #tpu.memory_space<vmem>>, vector<16xf32>,
    %add3A_214 = arith.addf %add3A_209, %get3A_213 : vector<16xf32>
    %add3A_215 = arith.constant 19968 : i32
    %add3A_216 = arith.addi %add3A_215, %add3A_152 : i32
    %get3A_217 = arith.index_cast %add3A_216 : i32 to index
    %get3A_218 = tpu.vector_load %arg10[%get3A_217] {strides = array<i32>} : memref<24576xf32, #tpu.memory_space<vmem>>, vector<16xf32>,
    %add3A_219 = arith.addf %add3A_214, %get3A_218 : vector<16xf32>
    %add3A_220 = arith.constant 21504 : i32
    %add3A_221 = arith.addi %add3A_220, %add3A_152 : i32
    %get3A_222 = arith.index_cast %add3A_221 : i32 to index
    %get3A_223 = tpu.vector_load %arg10[%get3A_222] {strides = array<i32>} : memref<24576xf32, #tpu.memory_space<vmem>>, vector<16xf32>,
    %add3A_224 = arith.addf %add3A_219, %get3A_223 : vector<16xf32>
    %add3A_225 = arith.constant 23040 : i32
    %add3A_226 = arith.addi %add3A_225, %add3A_152 : i32
    %get3A_227 = arith.index_cast %add3A_226 : i32 to index
    %get3A_228 = tpu.vector_load %arg10[%get3A_227] {strides = array<i32>} : memref<24576xf32, #tpu.memory_space<vmem>>, vector<16xf32>,
    %add3A_229 = arith.addf %add3A_224, %get3A_228 : vector<16xf32>
    %swap3A_230 = arith.constant 16 : index
    %swap3A_231 = tpu.vector_load %arg11[%swap3A_230] {strides = array<i32>} : memref<96xf32, #tpu.memory_space<vmem>>, vector<16xf32>,
    tpu.vector_store %arg11[%swap3A_230], %add3A_229 {strides = array<i32>} : memref<96xf32, #tpu.memory_space<vmem>>, vector<16xf32>,
    %mul3A_232 = arith.constant 32 : i32
    %mul3A_233 = arith.muli %arg1, %mul3A_232 : i32
    %add3A_234 = arith.constant 512 : i32
    %add3A_235 = arith.addi %mul3A_233, %add3A_234 : i32
    %add3A_236 = arith.constant 0 : i32
    %add3A_237 = arith.addi %add3A_235, %add3A_236 : i32
    %get3A_238 = arith.index_cast %add3A_237 : i32 to index
    %get3A_239 = tpu.vector_load %arg10[%get3A_238] {strides = array<i32>} : memref<24576xf32, #tpu.memory_space<vmem>>, vector<16xf32>,
    %add3A_240 = arith.constant 1536 : i32
    %add3A_241 = arith.addi %add3A_240, %add3A_237 : i32
    %get3A_242 = arith.index_cast %add3A_241 : i32 to index
    %get3A_243 = tpu.vector_load %arg10[%get3A_242] {strides = array<i32>} : memref<24576xf32, #tpu.memory_space<vmem>>, vector<16xf32>,
    %add3A_244 = arith.addf %get3A_239, %get3A_243 : vector<16xf32>
    %add3A_245 = arith.constant 3072 : i32
    %add3A_246 = arith.addi %add3A_245, %add3A_237 : i32
    %get3A_247 = arith.index_cast %add3A_246 : i32 to index
    %get3A_248 = tpu.vector_load %arg10[%get3A_247] {strides = array<i32>} : memref<24576xf32, #tpu.memory_space<vmem>>, vector<16xf32>,
    %add3A_249 = arith.addf %add3A_244, %get3A_248 : vector<16xf32>
    %add3A_250 = arith.constant 4608 : i32
    %add3A_251 = arith.addi %add3A_250, %add3A_237 : i32
    %get3A_252 = arith.index_cast %add3A_251 : i32 to index
    %get3A_253 = tpu.vector_load %arg10[%get3A_252] {strides = array<i32>} : memref<24576xf32, #tpu.memory_space<vmem>>, vector<16xf32>,
    %add3A_254 = arith.addf %add3A_249, %get3A_253 : vector<16xf32>
    %add3A_255 = arith.constant 6144 : i32
    %add3A_256 = arith.addi %add3A_255, %add3A_237 : i32
    %get3A_257 = arith.index_cast %add3A_256 : i32 to index
    %get3A_258 = tpu.vector_load %arg10[%get3A_257] {strides = array<i32>} : memref<24576xf32, #tpu.memory_space<vmem>>, vector<16xf32>,
    %add3A_259 = arith.addf %add3A_254, %get3A_258 : vector<16xf32>
    %add3A_260 = arith.constant 7680 : i32
    %add3A_261 = arith.addi %add3A_260, %add3A_237 : i32
    %get3A_262 = arith.index_cast %add3A_261 : i32 to index
    %get3A_263 = tpu.vector_load %arg10[%get3A_262] {strides = array<i32>} : memref<24576xf32, #tpu.memory_space<vmem>>, vector<16xf32>,
    %add3A_264 = arith.addf %add3A_259, %get3A_263 : vector<16xf32>
    %add3A_265 = arith.constant 9216 : i32
    %add3A_266 = arith.addi %add3A_265, %add3A_237 : i32
    %get3A_267 = arith.index_cast %add3A_266 : i32 to index
    %get3A_268 = tpu.vector_load %arg10[%get3A_267] {strides = array<i32>} : memref<24576xf32, #tpu.memory_space<vmem>>, vector<16xf32>,
    %add3A_269 = arith.addf %add3A_264, %get3A_268 : vector<16xf32>
    %add3A_270 = arith.constant 10752 : i32
    %add3A_271 = arith.addi %add3A_270, %add3A_237 : i32
    %get3A_272 = arith.index_cast %add3A_271 : i32 to index
    %get3A_273 = tpu.vector_load %arg10[%get3A_272] {strides = array<i32>} : memref<24576xf32, #tpu.memory_space<vmem>>, vector<16xf32>,
    %add3A_274 = arith.addf %add3A_269, %get3A_273 : vector<16xf32>
    %add3A_275 = arith.constant 12288 : i32
    %add3A_276 = arith.addi %add3A_275, %add3A_237 : i32
    %get3A_277 = arith.index_cast %add3A_276 : i32 to index
    %get3A_278 = tpu.vector_load %arg10[%get3A_277] {strides = array<i32>} : memref<24576xf32, #tpu.memory_space<vmem>>, vector<16xf32>,
    %add3A_279 = arith.addf %add3A_274, %get3A_278 : vector<16xf32>
    %add3A_280 = arith.constant 13824 : i32
    %add3A_281 = arith.addi %add3A_280, %add3A_237 : i32
    %get3A_282 = arith.index_cast %add3A_281 : i32 to index
    %get3A_283 = tpu.vector_load %arg10[%get3A_282] {strides = array<i32>} : memref<24576xf32, #tpu.memory_space<vmem>>, vector<16xf32>,
    %add3A_284 = arith.addf %add3A_279, %get3A_283 : vector<16xf32>
    %add3A_285 = arith.constant 15360 : i32
    %add3A_286 = arith.addi %add3A_285, %add3A_237 : i32
    %get3A_287 = arith.index_cast %add3A_286 : i32 to index
    %get3A_288 = tpu.vector_load %arg10[%get3A_287] {strides = array<i32>} : memref<24576xf32, #tpu.memory_space<vmem>>, vector<16xf32>,
    %add3A_289 = arith.addf %add3A_284, %get3A_288 : vector<16xf32>
    %add3A_290 = arith.constant 16896 : i32
    %add3A_291 = arith.addi %add3A_290, %add3A_237 : i32
    %get3A_292 = arith.index_cast %add3A_291 : i32 to index
    %get3A_293 = tpu.vector_load %arg10[%get3A_292] {strides = array<i32>} : memref<24576xf32, #tpu.memory_space<vmem>>, vector<16xf32>,
    %add3A_294 = arith.addf %add3A_289, %get3A_293 : vector<16xf32>
    %add3A_295 = arith.constant 18432 : i32
    %add3A_296 = arith.addi %add3A_295, %add3A_237 : i32
    %get3A_297 = arith.index_cast %add3A_296 : i32 to index
    %get3A_298 = tpu.vector_load %arg10[%get3A_297] {strides = array<i32>} : memref<24576xf32, #tpu.memory_space<vmem>>, vector<16xf32>,
    %add3A_299 = arith.addf %add3A_294, %get3A_298 : vector<16xf32>
    %add3A_300 = arith.constant 19968 : i32
    %add3A_301 = arith.addi %add3A_300, %add3A_237 : i32
    %get3A_302 = arith.index_cast %add3A_301 : i32 to index
    %get3A_303 = tpu.vector_load %arg10[%get3A_302] {strides = array<i32>} : memref<24576xf32, #tpu.memory_space<vmem>>, vector<16xf32>,
    %add3A_304 = arith.addf %add3A_299, %get3A_303 : vector<16xf32>
    %add3A_305 = arith.constant 21504 : i32
    %add3A_306 = arith.addi %add3A_305, %add3A_237 : i32
    %get3A_307 = arith.index_cast %add3A_306 : i32 to index
    %get3A_308 = tpu.vector_load %arg10[%get3A_307] {strides = array<i32>} : memref<24576xf32, #tpu.memory_space<vmem>>, vector<16xf32>,
    %add3A_309 = arith.addf %add3A_304, %get3A_308 : vector<16xf32>
    %add3A_310 = arith.constant 23040 : i32
    %add3A_311 = arith.addi %add3A_310, %add3A_237 : i32
    %get3A_312 = arith.index_cast %add3A_311 : i32 to index
    %get3A_313 = tpu.vector_load %arg10[%get3A_312] {strides = array<i32>} : memref<24576xf32, #tpu.memory_space<vmem>>, vector<16xf32>,
    %add3A_314 = arith.addf %add3A_309, %get3A_313 : vector<16xf32>
    %swap3A_315 = arith.constant 32 : index
    %swap3A_316 = tpu.vector_load %arg11[%swap3A_315] {strides = array<i32>} : memref<96xf32, #tpu.memory_space<vmem>>, vector<16xf32>,
    tpu.vector_store %arg11[%swap3A_315], %add3A_314 {strides = array<i32>} : memref<96xf32, #tpu.memory_space<vmem>>, vector<16xf32>,
    %mul3A_317 = arith.constant 32 : i32
    %mul3A_318 = arith.muli %arg1, %mul3A_317 : i32
    %add3A_319 = arith.constant 512 : i32
    %add3A_320 = arith.addi %mul3A_318, %add3A_319 : i32
    %add3A_321 = arith.constant 16 : i32
    %add3A_322 = arith.addi %add3A_320, %add3A_321 : i32
    %get3A_323 = arith.index_cast %add3A_322 : i32 to index
    %get3A_324 = tpu.vector_load %arg10[%get3A_323] {strides = array<i32>} : memref<24576xf32, #tpu.memory_space<vmem>>, vector<16xf32>,
    %add3A_325 = arith.constant 1536 : i32
    %add3A_326 = arith.addi %add3A_325, %add3A_322 : i32
    %get3A_327 = arith.index_cast %add3A_326 : i32 to index
    %get3A_328 = tpu.vector_load %arg10[%get3A_327] {strides = array<i32>} : memref<24576xf32, #tpu.memory_space<vmem>>, vector<16xf32>,
    %add3A_329 = arith.addf %get3A_324, %get3A_328 : vector<16xf32>
    %add3A_330 = arith.constant 3072 : i32
    %add3A_331 = arith.addi %add3A_330, %add3A_322 : i32
    %get3A_332 = arith.index_cast %add3A_331 : i32 to index
    %get3A_333 = tpu.vector_load %arg10[%get3A_332] {strides = array<i32>} : memref<24576xf32, #tpu.memory_space<vmem>>, vector<16xf32>,
    %add3A_334 = arith.addf %add3A_329, %get3A_333 : vector<16xf32>
    %add3A_335 = arith.constant 4608 : i32
    %add3A_336 = arith.addi %add3A_335, %add3A_322 : i32
    %get3A_337 = arith.index_cast %add3A_336 : i32 to index
    %get3A_338 = tpu.vector_load %arg10[%get3A_337] {strides = array<i32>} : memref<24576xf32, #tpu.memory_space<vmem>>, vector<16xf32>,
    %add3A_339 = arith.addf %add3A_334, %get3A_338 : vector<16xf32>
    %add3A_340 = arith.constant 6144 : i32
    %add3A_341 = arith.addi %add3A_340, %add3A_322 : i32
    %get3A_342 = arith.index_cast %add3A_341 : i32 to index
    %get3A_343 = tpu.vector_load %arg10[%get3A_342] {strides = array<i32>} : memref<24576xf32, #tpu.memory_space<vmem>>, vector<16xf32>,
    %add3A_344 = arith.addf %add3A_339, %get3A_343 : vector<16xf32>
    %add3A_345 = arith.constant 7680 : i32
    %add3A_346 = arith.addi %add3A_345, %add3A_322 : i32
    %get3A_347 = arith.index_cast %add3A_346 : i32 to index
    %get3A_348 = tpu.vector_load %arg10[%get3A_347] {strides = array<i32>} : memref<24576xf32, #tpu.memory_space<vmem>>, vector<16xf32>,
    %add3A_349 = arith.addf %add3A_344, %get3A_348 : vector<16xf32>
    %add3A_350 = arith.constant 9216 : i32
    %add3A_351 = arith.addi %add3A_350, %add3A_322 : i32
    %get3A_352 = arith.index_cast %add3A_351 : i32 to index
    %get3A_353 = tpu.vector_load %arg10[%get3A_352] {strides = array<i32>} : memref<24576xf32, #tpu.memory_space<vmem>>, vector<16xf32>,
    %add3A_354 = arith.addf %add3A_349, %get3A_353 : vector<16xf32>
    %add3A_355 = arith.constant 10752 : i32
    %add3A_356 = arith.addi %add3A_355, %add3A_322 : i32
    %get3A_357 = arith.index_cast %add3A_356 : i32 to index
    %get3A_358 = tpu.vector_load %arg10[%get3A_357] {strides = array<i32>} : memref<24576xf32, #tpu.memory_space<vmem>>, vector<16xf32>,
    %add3A_359 = arith.addf %add3A_354, %get3A_358 : vector<16xf32>
    %add3A_360 = arith.constant 12288 : i32
    %add3A_361 = arith.addi %add3A_360, %add3A_322 : i32
    %get3A_362 = arith.index_cast %add3A_361 : i32 to index
    %get3A_363 = tpu.vector_load %arg10[%get3A_362] {strides = array<i32>} : memref<24576xf32, #tpu.memory_space<vmem>>, vector<16xf32>,
    %add3A_364 = arith.addf %add3A_359, %get3A_363 : vector<16xf32>
    %add3A_365 = arith.constant 13824 : i32
    %add3A_366 = arith.addi %add3A_365, %add3A_322 : i32
    %get3A_367 = arith.index_cast %add3A_366 : i32 to index
    %get3A_368 = tpu.vector_load %arg10[%get3A_367] {strides = array<i32>} : memref<24576xf32, #tpu.memory_space<vmem>>, vector<16xf32>,
    %add3A_369 = arith.addf %add3A_364, %get3A_368 : vector<16xf32>
    %add3A_370 = arith.constant 15360 : i32
    %add3A_371 = arith.addi %add3A_370, %add3A_322 : i32
    %get3A_372 = arith.index_cast %add3A_371 : i32 to index
    %get3A_373 = tpu.vector_load %arg10[%get3A_372] {strides = array<i32>} : memref<24576xf32, #tpu.memory_space<vmem>>, vector<16xf32>,
    %add3A_374 = arith.addf %add3A_369, %get3A_373 : vector<16xf32>
    %add3A_375 = arith.constant 16896 : i32
    %add3A_376 = arith.addi %add3A_375, %add3A_322 : i32
    %get3A_377 = arith.index_cast %add3A_376 : i32 to index
    %get3A_378 = tpu.vector_load %arg10[%get3A_377] {strides = array<i32>} : memref<24576xf32, #tpu.memory_space<vmem>>, vector<16xf32>,
    %add3A_379 = arith.addf %add3A_374, %get3A_378 : vector<16xf32>
    %add3A_380 = arith.constant 18432 : i32
    %add3A_381 = arith.addi %add3A_380, %add3A_322 : i32
    %get3A_382 = arith.index_cast %add3A_381 : i32 to index
    %get3A_383 = tpu.vector_load %arg10[%get3A_382] {strides = array<i32>} : memref<24576xf32, #tpu.memory_space<vmem>>, vector<16xf32>,
    %add3A_384 = arith.addf %add3A_379, %get3A_383 : vector<16xf32>
    %add3A_385 = arith.constant 19968 : i32
    %add3A_386 = arith.addi %add3A_385, %add3A_322 : i32
    %get3A_387 = arith.index_cast %add3A_386 : i32 to index
    %get3A_388 = tpu.vector_load %arg10[%get3A_387] {strides = array<i32>} : memref<24576xf32, #tpu.memory_space<vmem>>, vector<16xf32>,
    %add3A_389 = arith.addf %add3A_384, %get3A_388 : vector<16xf32>
    %add3A_390 = arith.constant 21504 : i32
    %add3A_391 = arith.addi %add3A_390, %add3A_322 : i32
    %get3A_392 = arith.index_cast %add3A_391 : i32 to index
    %get3A_393 = tpu.vector_load %arg10[%get3A_392] {strides = array<i32>} : memref<24576xf32, #tpu.memory_space<vmem>>, vector<16xf32>,
    %add3A_394 = arith.addf %add3A_389, %get3A_393 : vector<16xf32>
    %add3A_395 = arith.constant 23040 : i32
    %add3A_396 = arith.addi %add3A_395, %add3A_322 : i32
    %get3A_397 = arith.index_cast %add3A_396 : i32 to index
    %get3A_398 = tpu.vector_load %arg10[%get3A_397] {strides = array<i32>} : memref<24576xf32, #tpu.memory_space<vmem>>, vector<16xf32>,
    %add3A_399 = arith.addf %add3A_394, %get3A_398 : vector<16xf32>
    %swap3A_400 = arith.constant 48 : index
    %swap3A_401 = tpu.vector_load %arg11[%swap3A_400] {strides = array<i32>} : memref<96xf32, #tpu.memory_space<vmem>>, vector<16xf32>,
    tpu.vector_store %arg11[%swap3A_400], %add3A_399 {strides = array<i32>} : memref<96xf32, #tpu.memory_space<vmem>>, vector<16xf32>,
    %mul3A_402 = arith.constant 32 : i32
    %mul3A_403 = arith.muli %arg1, %mul3A_402 : i32
    %add3A_404 = arith.constant 1024 : i32
    %add3A_405 = arith.addi %mul3A_403, %add3A_404 : i32
    %add3A_406 = arith.constant 0 : i32
    %add3A_407 = arith.addi %add3A_405, %add3A_406 : i32
    %get3A_408 = arith.index_cast %add3A_407 : i32 to index
    %get3A_409 = tpu.vector_load %arg10[%get3A_408] {strides = array<i32>} : memref<24576xf32, #tpu.memory_space<vmem>>, vector<16xf32>,
    %add3A_410 = arith.constant 1536 : i32
    %add3A_411 = arith.addi %add3A_410, %add3A_407 : i32
    %get3A_412 = arith.index_cast %add3A_411 : i32 to index
    %get3A_413 = tpu.vector_load %arg10[%get3A_412] {strides = array<i32>} : memref<24576xf32, #tpu.memory_space<vmem>>, vector<16xf32>,
    %add3A_414 = arith.addf %get3A_409, %get3A_413 : vector<16xf32>
    %add3A_415 = arith.constant 3072 : i32
    %add3A_416 = arith.addi %add3A_415, %add3A_407 : i32
    %get3A_417 = arith.index_cast %add3A_416 : i32 to index
    %get3A_418 = tpu.vector_load %arg10[%get3A_417] {strides = array<i32>} : memref<24576xf32, #tpu.memory_space<vmem>>, vector<16xf32>,
    %add3A_419 = arith.addf %add3A_414, %get3A_418 : vector<16xf32>
    %add3A_420 = arith.constant 4608 : i32
    %add3A_421 = arith.addi %add3A_420, %add3A_407 : i32
    %get3A_422 = arith.index_cast %add3A_421 : i32 to index
    %get3A_423 = tpu.vector_load %arg10[%get3A_422] {strides = array<i32>} : memref<24576xf32, #tpu.memory_space<vmem>>, vector<16xf32>,
    %add3A_424 = arith.addf %add3A_419, %get3A_423 : vector<16xf32>
    %add3A_425 = arith.constant 6144 : i32
    %add3A_426 = arith.addi %add3A_425, %add3A_407 : i32
    %get3A_427 = arith.index_cast %add3A_426 : i32 to index
    %get3A_428 = tpu.vector_load %arg10[%get3A_427] {strides = array<i32>} : memref<24576xf32, #tpu.memory_space<vmem>>, vector<16xf32>,
    %add3A_429 = arith.addf %add3A_424, %get3A_428 : vector<16xf32>
    %add3A_430 = arith.constant 7680 : i32
    %add3A_431 = arith.addi %add3A_430, %add3A_407 : i32
    %get3A_432 = arith.index_cast %add3A_431 : i32 to index
    %get3A_433 = tpu.vector_load %arg10[%get3A_432] {strides = array<i32>} : memref<24576xf32, #tpu.memory_space<vmem>>, vector<16xf32>,
    %add3A_434 = arith.addf %add3A_429, %get3A_433 : vector<16xf32>
    %add3A_435 = arith.constant 9216 : i32
    %add3A_436 = arith.addi %add3A_435, %add3A_407 : i32
    %get3A_437 = arith.index_cast %add3A_436 : i32 to index
    %get3A_438 = tpu.vector_load %arg10[%get3A_437] {strides = array<i32>} : memref<24576xf32, #tpu.memory_space<vmem>>, vector<16xf32>,
    %add3A_439 = arith.addf %add3A_434, %get3A_438 : vector<16xf32>
    %add3A_440 = arith.constant 10752 : i32
    %add3A_441 = arith.addi %add3A_440, %add3A_407 : i32
    %get3A_442 = arith.index_cast %add3A_441 : i32 to index
    %get3A_443 = tpu.vector_load %arg10[%get3A_442] {strides = array<i32>} : memref<24576xf32, #tpu.memory_space<vmem>>, vector<16xf32>,
    %add3A_444 = arith.addf %add3A_439, %get3A_443 : vector<16xf32>
    %add3A_445 = arith.constant 12288 : i32
    %add3A_446 = arith.addi %add3A_445, %add3A_407 : i32
    %get3A_447 = arith.index_cast %add3A_446 : i32 to index
    %get3A_448 = tpu.vector_load %arg10[%get3A_447] {strides = array<i32>} : memref<24576xf32, #tpu.memory_space<vmem>>, vector<16xf32>,
    %add3A_449 = arith.addf %add3A_444, %get3A_448 : vector<16xf32>
    %add3A_450 = arith.constant 13824 : i32
    %add3A_451 = arith.addi %add3A_450, %add3A_407 : i32
    %get3A_452 = arith.index_cast %add3A_451 : i32 to index
    %get3A_453 = tpu.vector_load %arg10[%get3A_452] {strides = array<i32>} : memref<24576xf32, #tpu.memory_space<vmem>>, vector<16xf32>,
    %add3A_454 = arith.addf %add3A_449, %get3A_453 : vector<16xf32>
    %add3A_455 = arith.constant 15360 : i32
    %add3A_456 = arith.addi %add3A_455, %add3A_407 : i32
    %get3A_457 = arith.index_cast %add3A_456 : i32 to index
    %get3A_458 = tpu.vector_load %arg10[%get3A_457] {strides = array<i32>} : memref<24576xf32, #tpu.memory_space<vmem>>, vector<16xf32>,
    %add3A_459 = arith.addf %add3A_454, %get3A_458 : vector<16xf32>
    %add3A_460 = arith.constant 16896 : i32
    %add3A_461 = arith.addi %add3A_460, %add3A_407 : i32
    %get3A_462 = arith.index_cast %add3A_461 : i32 to index
    %get3A_463 = tpu.vector_load %arg10[%get3A_462] {strides = array<i32>} : memref<24576xf32, #tpu.memory_space<vmem>>, vector<16xf32>,
    %add3A_464 = arith.addf %add3A_459, %get3A_463 : vector<16xf32>
    %add3A_465 = arith.constant 18432 : i32
    %add3A_466 = arith.addi %add3A_465, %add3A_407 : i32
    %get3A_467 = arith.index_cast %add3A_466 : i32 to index
    %get3A_468 = tpu.vector_load %arg10[%get3A_467] {strides = array<i32>} : memref<24576xf32, #tpu.memory_space<vmem>>, vector<16xf32>,
    %add3A_469 = arith.addf %add3A_464, %get3A_468 : vector<16xf32>
    %add3A_470 = arith.constant 19968 : i32
    %add3A_471 = arith.addi %add3A_470, %add3A_407 : i32
    %get3A_472 = arith.index_cast %add3A_471 : i32 to index
    %get3A_473 = tpu.vector_load %arg10[%get3A_472] {strides = array<i32>} : memref<24576xf32, #tpu.memory_space<vmem>>, vector<16xf32>,
    %add3A_474 = arith.addf %add3A_469, %get3A_473 : vector<16xf32>
    %add3A_475 = arith.constant 21504 : i32
    %add3A_476 = arith.addi %add3A_475, %add3A_407 : i32
    %get3A_477 = arith.index_cast %add3A_476 : i32 to index
    %get3A_478 = tpu.vector_load %arg10[%get3A_477] {strides = array<i32>} : memref<24576xf32, #tpu.memory_space<vmem>>, vector<16xf32>,
    %add3A_479 = arith.addf %add3A_474, %get3A_478 : vector<16xf32>
    %add3A_480 = arith.constant 23040 : i32
    %add3A_481 = arith.addi %add3A_480, %add3A_407 : i32
    %get3A_482 = arith.index_cast %add3A_481 : i32 to index
    %get3A_483 = tpu.vector_load %arg10[%get3A_482] {strides = array<i32>} : memref<24576xf32, #tpu.memory_space<vmem>>, vector<16xf32>,
    %add3A_484 = arith.addf %add3A_479, %get3A_483 : vector<16xf32>
    %swap3A_485 = arith.constant 64 : index
    %swap3A_486 = tpu.vector_load %arg11[%swap3A_485] {strides = array<i32>} : memref<96xf32, #tpu.memory_space<vmem>>, vector<16xf32>,
    tpu.vector_store %arg11[%swap3A_485], %add3A_484 {strides = array<i32>} : memref<96xf32, #tpu.memory_space<vmem>>, vector<16xf32>,
    %mul3A_487 = arith.constant 32 : i32
    %mul3A_488 = arith.muli %arg1, %mul3A_487 : i32
    %add3A_489 = arith.constant 1024 : i32
    %add3A_490 = arith.addi %mul3A_488, %add3A_489 : i32
    %add3A_491 = arith.constant 16 : i32
    %add3A_492 = arith.addi %add3A_490, %add3A_491 : i32
    %get3A_493 = arith.index_cast %add3A_492 : i32 to index
    %get3A_494 = tpu.vector_load %arg10[%get3A_493] {strides = array<i32>} : memref<24576xf32, #tpu.memory_space<vmem>>, vector<16xf32>,
    %add3A_495 = arith.constant 1536 : i32
    %add3A_496 = arith.addi %add3A_495, %add3A_492 : i32
    %get3A_497 = arith.index_cast %add3A_496 : i32 to index
    %get3A_498 = tpu.vector_load %arg10[%get3A_497] {strides = array<i32>} : memref<24576xf32, #tpu.memory_space<vmem>>, vector<16xf32>,
    %add3A_499 = arith.addf %get3A_494, %get3A_498 : vector<16xf32>
    %add3A_500 = arith.constant 3072 : i32
    %add3A_501 = arith.addi %add3A_500, %add3A_492 : i32
    %get3A_502 = arith.index_cast %add3A_501 : i32 to index
    %get3A_503 = tpu.vector_load %arg10[%get3A_502] {strides = array<i32>} : memref<24576xf32, #tpu.memory_space<vmem>>, vector<16xf32>,
    %add3A_504 = arith.addf %add3A_499, %get3A_503 : vector<16xf32>
    %add3A_505 = arith.constant 4608 : i32
    %add3A_506 = arith.addi %add3A_505, %add3A_492 : i32
    %get3A_507 = arith.index_cast %add3A_506 : i32 to index
    %get3A_508 = tpu.vector_load %arg10[%get3A_507] {strides = array<i32>} : memref<24576xf32, #tpu.memory_space<vmem>>, vector<16xf32>,
    %add3A_509 = arith.addf %add3A_504, %get3A_508 : vector<16xf32>
    %add3A_510 = arith.constant 6144 : i32
    %add3A_511 = arith.addi %add3A_510, %add3A_492 : i32
    %get3A_512 = arith.index_cast %add3A_511 : i32 to index
    %get3A_513 = tpu.vector_load %arg10[%get3A_512] {strides = array<i32>} : memref<24576xf32, #tpu.memory_space<vmem>>, vector<16xf32>,
    %add3A_514 = arith.addf %add3A_509, %get3A_513 : vector<16xf32>
    %add3A_515 = arith.constant 7680 : i32
    %add3A_516 = arith.addi %add3A_515, %add3A_492 : i32
    %get3A_517 = arith.index_cast %add3A_516 : i32 to index
    %get3A_518 = tpu.vector_load %arg10[%get3A_517] {strides = array<i32>} : memref<24576xf32, #tpu.memory_space<vmem>>, vector<16xf32>,
    %add3A_519 = arith.addf %add3A_514, %get3A_518 : vector<16xf32>
    %add3A_520 = arith.constant 9216 : i32
    %add3A_521 = arith.addi %add3A_520, %add3A_492 : i32
    %get3A_522 = arith.index_cast %add3A_521 : i32 to index
    %get3A_523 = tpu.vector_load %arg10[%get3A_522] {strides = array<i32>} : memref<24576xf32, #tpu.memory_space<vmem>>, vector<16xf32>,
    %add3A_524 = arith.addf %add3A_519, %get3A_523 : vector<16xf32>
    %add3A_525 = arith.constant 10752 : i32
    %add3A_526 = arith.addi %add3A_525, %add3A_492 : i32
    %get3A_527 = arith.index_cast %add3A_526 : i32 to index
    %get3A_528 = tpu.vector_load %arg10[%get3A_527] {strides = array<i32>} : memref<24576xf32, #tpu.memory_space<vmem>>, vector<16xf32>,
    %add3A_529 = arith.addf %add3A_524, %get3A_528 : vector<16xf32>
    %add3A_530 = arith.constant 12288 : i32
    %add3A_531 = arith.addi %add3A_530, %add3A_492 : i32
    %get3A_532 = arith.index_cast %add3A_531 : i32 to index
    %get3A_533 = tpu.vector_load %arg10[%get3A_532] {strides = array<i32>} : memref<24576xf32, #tpu.memory_space<vmem>>, vector<16xf32>,
    %add3A_534 = arith.addf %add3A_529, %get3A_533 : vector<16xf32>
    %add3A_535 = arith.constant 13824 : i32
    %add3A_536 = arith.addi %add3A_535, %add3A_492 : i32
    %get3A_537 = arith.index_cast %add3A_536 : i32 to index
    %get3A_538 = tpu.vector_load %arg10[%get3A_537] {strides = array<i32>} : memref<24576xf32, #tpu.memory_space<vmem>>, vector<16xf32>,
    %add3A_539 = arith.addf %add3A_534, %get3A_538 : vector<16xf32>
    %add3A_540 = arith.constant 15360 : i32
    %add3A_541 = arith.addi %add3A_540, %add3A_492 : i32
    %get3A_542 = arith.index_cast %add3A_541 : i32 to index
    %get3A_543 = tpu.vector_load %arg10[%get3A_542] {strides = array<i32>} : memref<24576xf32, #tpu.memory_space<vmem>>, vector<16xf32>,
    %add3A_544 = arith.addf %add3A_539, %get3A_543 : vector<16xf32>
    %add3A_545 = arith.constant 16896 : i32
    %add3A_546 = arith.addi %add3A_545, %add3A_492 : i32
    %get3A_547 = arith.index_cast %add3A_546 : i32 to index
    %get3A_548 = tpu.vector_load %arg10[%get3A_547] {strides = array<i32>} : memref<24576xf32, #tpu.memory_space<vmem>>, vector<16xf32>,
    %add3A_549 = arith.addf %add3A_544, %get3A_548 : vector<16xf32>
    %add3A_550 = arith.constant 18432 : i32
    %add3A_551 = arith.addi %add3A_550, %add3A_492 : i32
    %get3A_552 = arith.index_cast %add3A_551 : i32 to index
    %get3A_553 = tpu.vector_load %arg10[%get3A_552] {strides = array<i32>} : memref<24576xf32, #tpu.memory_space<vmem>>, vector<16xf32>,
    %add3A_554 = arith.addf %add3A_549, %get3A_553 : vector<16xf32>
    %add3A_555 = arith.constant 19968 : i32
    %add3A_556 = arith.addi %add3A_555, %add3A_492 : i32
    %get3A_557 = arith.index_cast %add3A_556 : i32 to index
    %get3A_558 = tpu.vector_load %arg10[%get3A_557] {strides = array<i32>} : memref<24576xf32, #tpu.memory_space<vmem>>, vector<16xf32>,
    %add3A_559 = arith.addf %add3A_554, %get3A_558 : vector<16xf32>
    %add3A_560 = arith.constant 21504 : i32
    %add3A_561 = arith.addi %add3A_560, %add3A_492 : i32
    %get3A_562 = arith.index_cast %add3A_561 : i32 to index
    %get3A_563 = tpu.vector_load %arg10[%get3A_562] {strides = array<i32>} : memref<24576xf32, #tpu.memory_space<vmem>>, vector<16xf32>,
    %add3A_564 = arith.addf %add3A_559, %get3A_563 : vector<16xf32>
    %add3A_565 = arith.constant 23040 : i32
    %add3A_566 = arith.addi %add3A_565, %add3A_492 : i32
    %get3A_567 = arith.index_cast %add3A_566 : i32 to index
    %get3A_568 = tpu.vector_load %arg10[%get3A_567] {strides = array<i32>} : memref<24576xf32, #tpu.memory_space<vmem>>, vector<16xf32>,
    %add3A_569 = arith.addf %add3A_564, %get3A_568 : vector<16xf32>
    %swap3A_570 = arith.constant 80 : index
    %swap3A_571 = tpu.vector_load %arg11[%swap3A_570] {strides = array<i32>} : memref<96xf32, #tpu.memory_space<vmem>>, vector<16xf32>,
    tpu.vector_store %arg11[%swap3A_570], %add3A_569 {strides = array<i32>} : memref<96xf32, #tpu.memory_space<vmem>>, vector<16xf32>,
    %mul3A_572 = arith.constant 32 : i32
    %mul3A_573 = arith.muli %arg1, %mul3A_572 : i32
    %add3A_574 = arith.constant 24576 : i32
    %add3A_575 = arith.addi %add3A_574, %mul3A_573 : i32
    "tpu.region"() ({
      %run_scoped3A = tpu.sem_alloc : memref<!tpu.dma_semaphore, #tpu.memory_space<semaphore_mem>>
      %dma_start3A = arith.constant 0 : i32
      %dma_start3A_2748 = tpu.memref_slice %arg11[%dma_start3A] : memref<96xf32, #tpu.memory_space<vmem>> -> memref<32xf32, #tpu.memory_space<vmem>>
      %dma_start3A_2749 = tpu.memref_slice %arg18[%add3A_575] : memref<26112xf32, #tpu.memory_space<vmem_shared>> -> memref<32xf32, #tpu.memory_space<vmem_shared>>
      %dma_start3A_2750 = tpu.memref_slice %arg18[%add3A_575] : memref<26112xf32, #tpu.memory_space<vmem_shared>> -> memref<32xf32, #tpu.memory_space<vmem_shared>>
      %dma_start3A_2751 = arith.constant 0 : i32
      %dma_start3A_2752 = tpu.memref_slice %arg11[%dma_start3A_2751] : memref<96xf32, #tpu.memory_space<vmem>> -> memref<32xf32, #tpu.memory_space<vmem>>
      tpu.enqueue_dma source(%dma_start3A_2752 : memref<32xf32, #tpu.memory_space<vmem>>) target(%dma_start3A_2750 : memref<32xf32, #tpu.memory_space<vmem_shared>>) target_semaphore(%run_scoped3A : memref<!tpu.dma_semaphore, #tpu.memory_space<semaphore_mem>>)
      %dma_wait3A = arith.constant 0 : i32
      %dma_wait3A_2753 = tpu.memref_slice %arg11[%dma_wait3A] : memref<96xf32, #tpu.memory_space<vmem>> -> memref<32xf32, #tpu.memory_space<vmem>>
      %dma_wait3A_2754 = tpu.memref_slice %arg18[%add3A_575] : memref<26112xf32, #tpu.memory_space<vmem_shared>> -> memref<32xf32, #tpu.memory_space<vmem_shared>>
      %dma_wait3A_2755 = tpu.memref_slice %arg18[%add3A_575] : memref<26112xf32, #tpu.memory_space<vmem_shared>> -> memref<32xf32, #tpu.memory_space<vmem_shared>>
      %dma_wait3A_2756 = arith.constant 0 : i32
      %dma_wait3A_2757 = tpu.memref_slice %arg11[%dma_wait3A_2756] : memref<96xf32, #tpu.memory_space<vmem>> -> memref<32xf32, #tpu.memory_space<vmem>>
      tpu.wait_dma2 semaphore(%run_scoped3A : memref<!tpu.dma_semaphore, #tpu.memory_space<semaphore_mem>>) src(%dma_wait3A_2757 : memref<32xf32, #tpu.memory_space<vmem>>) dst(%dma_wait3A_2755 : memref<32xf32, #tpu.memory_space<vmem_shared>>)
      tpu.yield
    }) : () -> ()
    %mul3A_576 = arith.constant 32 : i32
    %mul3A_577 = arith.muli %arg1, %mul3A_576 : i32
    %add3A_578 = arith.constant 25088 : i32
    %add3A_579 = arith.addi %add3A_578, %mul3A_577 : i32
    "tpu.region"() ({
      %run_scoped3A = tpu.sem_alloc : memref<!tpu.dma_semaphore, #tpu.memory_space<semaphore_mem>>
      %dma_start3A = arith.constant 32 : i32
      %dma_start3A_2748 = tpu.memref_slice %arg11[%dma_start3A] : memref<96xf32, #tpu.memory_space<vmem>> -> memref<32xf32, #tpu.memory_space<vmem>>
      %dma_start3A_2749 = tpu.memref_slice %arg18[%add3A_579] : memref<26112xf32, #tpu.memory_space<vmem_shared>> -> memref<32xf32, #tpu.memory_space<vmem_shared>>
      %dma_start3A_2750 = tpu.memref_slice %arg18[%add3A_579] : memref<26112xf32, #tpu.memory_space<vmem_shared>> -> memref<32xf32, #tpu.memory_space<vmem_shared>>
      %dma_start3A_2751 = arith.constant 32 : i32
      %dma_start3A_2752 = tpu.memref_slice %arg11[%dma_start3A_2751] : memref<96xf32, #tpu.memory_space<vmem>> -> memref<32xf32, #tpu.memory_space<vmem>>
      tpu.enqueue_dma source(%dma_start3A_2752 : memref<32xf32, #tpu.memory_space<vmem>>) target(%dma_start3A_2750 : memref<32xf32, #tpu.memory_space<vmem_shared>>) target_semaphore(%run_scoped3A : memref<!tpu.dma_semaphore, #tpu.memory_space<semaphore_mem>>)
      %dma_wait3A = arith.constant 32 : i32
      %dma_wait3A_2753 = tpu.memref_slice %arg11[%dma_wait3A] : memref<96xf32, #tpu.memory_space<vmem>> -> memref<32xf32, #tpu.memory_space<vmem>>
      %dma_wait3A_2754 = tpu.memref_slice %arg18[%add3A_579] : memref<26112xf32, #tpu.memory_space<vmem_shared>> -> memref<32xf32, #tpu.memory_space<vmem_shared>>
      %dma_wait3A_2755 = tpu.memref_slice %arg18[%add3A_579] : memref<26112xf32, #tpu.memory_space<vmem_shared>> -> memref<32xf32, #tpu.memory_space<vmem_shared>>
      %dma_wait3A_2756 = arith.constant 32 : i32
      %dma_wait3A_2757 = tpu.memref_slice %arg11[%dma_wait3A_2756] : memref<96xf32, #tpu.memory_space<vmem>> -> memref<32xf32, #tpu.memory_space<vmem>>
      tpu.wait_dma2 semaphore(%run_scoped3A : memref<!tpu.dma_semaphore, #tpu.memory_space<semaphore_mem>>) src(%dma_wait3A_2757 : memref<32xf32, #tpu.memory_space<vmem>>) dst(%dma_wait3A_2755 : memref<32xf32, #tpu.memory_space<vmem_shared>>)
      tpu.yield
    }) : () -> ()
    %mul3A_580 = arith.constant 32 : i32
    %mul3A_581 = arith.muli %arg1, %mul3A_580 : i32
    %add3A_582 = arith.constant 25600 : i32
    %add3A_583 = arith.addi %add3A_582, %mul3A_581 : i32
    "tpu.region"() ({
      %run_scoped3A = tpu.sem_alloc : memref<!tpu.dma_semaphore, #tpu.memory_space<semaphore_mem>>
      %dma_start3A = arith.constant 64 : i32
      %dma_start3A_2748 = tpu.memref_slice %arg11[%dma_start3A] : memref<96xf32, #tpu.memory_space<vmem>> -> memref<32xf32, #tpu.memory_space<vmem>>
      %dma_start3A_2749 = tpu.memref_slice %arg18[%add3A_583] : memref<26112xf32, #tpu.memory_space<vmem_shared>> -> memref<32xf32, #tpu.memory_space<vmem_shared>>
      %dma_start3A_2750 = tpu.memref_slice %arg18[%add3A_583] : memref<26112xf32, #tpu.memory_space<vmem_shared>> -> memref<32xf32, #tpu.memory_space<vmem_shared>>
      %dma_start3A_2751 = arith.constant 64 : i32
      %dma_start3A_2752 = tpu.memref_slice %arg11[%dma_start3A_2751] : memref<96xf32, #tpu.memory_space<vmem>> -> memref<32xf32, #tpu.memory_space<vmem>>
      tpu.enqueue_dma source(%dma_start3A_2752 : memref<32xf32, #tpu.memory_space<vmem>>) target(%dma_start3A_2750 : memref<32xf32, #tpu.memory_space<vmem_shared>>) target_semaphore(%run_scoped3A : memref<!tpu.dma_semaphore, #tpu.memory_space<semaphore_mem>>)
      %dma_wait3A = arith.constant 64 : i32
      %dma_wait3A_2753 = tpu.memref_slice %arg11[%dma_wait3A] : memref<96xf32, #tpu.memory_space<vmem>> -> memref<32xf32, #tpu.memory_space<vmem>>
      %dma_wait3A_2754 = tpu.memref_slice %arg18[%add3A_583] : memref<26112xf32, #tpu.memory_space<vmem_shared>> -> memref<32xf32, #tpu.memory_space<vmem_shared>>
      %dma_wait3A_2755 = tpu.memref_slice %arg18[%add3A_583] : memref<26112xf32, #tpu.memory_space<vmem_shared>> -> memref<32xf32, #tpu.memory_space<vmem_shared>>
      %dma_wait3A_2756 = arith.constant 64 : i32
      %dma_wait3A_2757 = tpu.memref_slice %arg11[%dma_wait3A_2756] : memref<96xf32, #tpu.memory_space<vmem>> -> memref<32xf32, #tpu.memory_space<vmem>>
      tpu.wait_dma2 semaphore(%run_scoped3A : memref<!tpu.dma_semaphore, #tpu.memory_space<semaphore_mem>>) src(%dma_wait3A_2757 : memref<32xf32, #tpu.memory_space<vmem>>) dst(%dma_wait3A_2755 : memref<32xf32, #tpu.memory_space<vmem_shared>>)
      tpu.yield
    }) : () -> ()
    %barrier3A_584 = arith.constant 0 : index
    tpu.barrier barrier_id(%barrier3A_584)
    %eq3A_585 = arith.constant 0 : i32
    %eq3A_586 = arith.cmpi eq, %arg1, %eq3A_585 : i32
    %convert_element_type3A_587 = arith.extui %eq3A_586 : i1 to i32
    %cond3A_588 = arith.constant 0 : i32
    %cond3A_589 = arith.cmpi ne, %convert_element_type3A_587, %cond3A_588 : i32
    scf.if %cond3A_589 {
      "tpu.region"() ({
        %run_scoped3A = tpu.sem_alloc : memref<!tpu.dma_semaphore, #tpu.memory_space<semaphore_mem>>
        %dma_start3A = arith.constant 24576 : i32
        %dma_start3A_2755 = tpu.memref_slice %arg18[%dma_start3A] : memref<26112xf32, #tpu.memory_space<vmem_shared>> -> memref<512xf32, #tpu.memory_space<vmem_shared>>
        %dma_start3A_2756 = arith.constant 24576 : i32
        %dma_start3A_2757 = tpu.memref_slice %arg18[%dma_start3A_2756] : memref<26112xf32, #tpu.memory_space<vmem_shared>> -> memref<512xf32, #tpu.memory_space<vmem_shared>>
        tpu.enqueue_dma source(%dma_start3A_2757 : memref<512xf32, #tpu.memory_space<vmem_shared>>) target(%arg12 : memref<512xf32, #tpu.memory_space<vmem>>) target_semaphore(%run_scoped3A : memref<!tpu.dma_semaphore, #tpu.memory_space<semaphore_mem>>)
        %dma_wait3A = arith.constant 24576 : i32
        %dma_wait3A_2758 = tpu.memref_slice %arg18[%dma_wait3A] : memref<26112xf32, #tpu.memory_space<vmem_shared>> -> memref<512xf32, #tpu.memory_space<vmem_shared>>
        %dma_wait3A_2759 = arith.constant 24576 : i32
        %dma_wait3A_2760 = tpu.memref_slice %arg18[%dma_wait3A_2759] : memref<26112xf32, #tpu.memory_space<vmem_shared>> -> memref<512xf32, #tpu.memory_space<vmem_shared>>
        tpu.wait_dma2 semaphore(%run_scoped3A : memref<!tpu.dma_semaphore, #tpu.memory_space<semaphore_mem>>) src(%dma_wait3A_2760 : memref<512xf32, #tpu.memory_space<vmem_shared>>) dst(%arg12 : memref<512xf32, #tpu.memory_space<vmem>>)
        tpu.yield
      }) : () -> ()
      %scan3A_2748 = arith.constant 0.000000e+00 : f32
      %scan3A_2749 = arith.constant 0 : i32
      %scan3A_2750 = arith.constant 32 : i32
      %scan3A_2751 = arith.addi %scan3A_2749, %scan3A_2750 : i32
      %scan3A_2752 = arith.constant 1 : i32
      %scan3A_2753 = scf.for %scan3A_2755 = %scan3A_2749 to %scan3A_2751 step %scan3A_2752 iter_args(%scan3A_2756 = %scan3A_2748) -> (f32)  : i32 {
        %mul3A_2757 = arith.constant 16 : i32
        %mul3A_2758 = arith.muli %scan3A_2755, %mul3A_2757 : i32
        %get3A_2759 = arith.index_cast %mul3A_2758 : i32 to index
        %get3A_2760 = tpu.vector_load %arg12[%get3A_2759] {strides = array<i32>} : memref<512xf32, #tpu.memory_space<vmem>>, vector<16xf32>,
        %cumsum3A = arith.constant true
        %cumsum3A_2761 = vector.broadcast %cumsum3A : i1 to vector<16xi1>
        %cumsum3A_2762 = tpu.scan <sum>, %get3A_2760 masked %cumsum3A_2761 : vector<16xf32>, vector<16xi1> -> vector<16xf32>
        %add3A_2763 = vector.broadcast %scan3A_2756 : f32 to vector<16xf32>
        %add3A_2764 = arith.addf %add3A_2763, %cumsum3A_2762 : vector<16xf32>
        %sub3A_2765 = arith.subf %add3A_2764, %get3A_2760 : vector<16xf32>
        %mul3A_2766 = arith.constant 16 : i32
        %mul3A_2767 = arith.muli %scan3A_2755, %mul3A_2766 : i32
        %swap3A_2768 = arith.index_cast %mul3A_2767 : i32 to index
        %swap3A_2769 = tpu.vector_load %arg12[%swap3A_2768] {strides = array<i32>} : memref<512xf32, #tpu.memory_space<vmem>>, vector<16xf32>,
        tpu.vector_store %arg12[%swap3A_2768], %sub3A_2765 {strides = array<i32>} : memref<512xf32, #tpu.memory_space<vmem>>, vector<16xf32>,
        %reduce_sum3A_2770 = arith.constant true
        %reduce_sum3A_2771 = vector.broadcast %reduce_sum3A_2770 : i1 to vector<16xi1>
        %reduce_sum3A_2772 = tpu.scan <sum>, %get3A_2760 masked %reduce_sum3A_2771 : vector<16xf32>, vector<16xi1> -> vector<16xf32>
        %reduce_sum3A_2773 = vector.extract %reduce_sum3A_2772[15] : f32 from vector<16xf32>
        %add3A_2774 = arith.addf %scan3A_2756, %reduce_sum3A_2773 : f32
        scf.yield %add3A_2774 : f32
      }
      %scan3A_2754 = arith.constant 32 : i32
      "tpu.region"() ({
        %run_scoped3A = tpu.sem_alloc : memref<!tpu.dma_semaphore, #tpu.memory_space<semaphore_mem>>
        tpu.enqueue_dma source(%arg12 : memref<512xf32, #tpu.memory_space<vmem>>) target(%arg19 : memref<512xf32, #tpu.memory_space<vmem_shared>>) target_semaphore(%run_scoped3A : memref<!tpu.dma_semaphore, #tpu.memory_space<semaphore_mem>>)
        tpu.wait_dma2 semaphore(%run_scoped3A : memref<!tpu.dma_semaphore, #tpu.memory_space<semaphore_mem>>) src(%arg12 : memref<512xf32, #tpu.memory_space<vmem>>) dst(%arg19 : memref<512xf32, #tpu.memory_space<vmem_shared>>)
        tpu.yield
      }) : () -> ()
    } else {
    }
    %barrier3A_590 = arith.constant 0 : index
    tpu.barrier barrier_id(%barrier3A_590)
    %mul3A_591 = arith.constant 32 : i32
    %mul3A_592 = arith.muli %arg1, %mul3A_591 : i32
    "tpu.region"() ({
      %run_scoped3A = tpu.sem_alloc : memref<!tpu.dma_semaphore, #tpu.memory_space<semaphore_mem>>
      %dma_start3A = tpu.memref_slice %arg19[%mul3A_592] : memref<512xf32, #tpu.memory_space<vmem_shared>> -> memref<32xf32, #tpu.memory_space<vmem_shared>>
      %dma_start3A_2748 = tpu.memref_slice %arg19[%mul3A_592] : memref<512xf32, #tpu.memory_space<vmem_shared>> -> memref<32xf32, #tpu.memory_space<vmem_shared>>
      tpu.enqueue_dma source(%dma_start3A_2748 : memref<32xf32, #tpu.memory_space<vmem_shared>>) target(%arg13 : memref<32xf32, #tpu.memory_space<vmem>>) target_semaphore(%run_scoped3A : memref<!tpu.dma_semaphore, #tpu.memory_space<semaphore_mem>>)
      %dma_wait3A = tpu.memref_slice %arg19[%mul3A_592] : memref<512xf32, #tpu.memory_space<vmem_shared>> -> memref<32xf32, #tpu.memory_space<vmem_shared>>
      %dma_wait3A_2749 = tpu.memref_slice %arg19[%mul3A_592] : memref<512xf32, #tpu.memory_space<vmem_shared>> -> memref<32xf32, #tpu.memory_space<vmem_shared>>
      tpu.wait_dma2 semaphore(%run_scoped3A : memref<!tpu.dma_semaphore, #tpu.memory_space<semaphore_mem>>) src(%dma_wait3A_2749 : memref<32xf32, #tpu.memory_space<vmem_shared>>) dst(%arg13 : memref<32xf32, #tpu.memory_space<vmem>>)
      tpu.yield
    }) : () -> ()
    %get3A_593 = arith.constant 0 : index
    %get3A_594 = tpu.vector_load %arg13[%get3A_593] {strides = array<i32>} : memref<32xf32, #tpu.memory_space<vmem>>, vector<16xf32>,
    %get3A_595 = arith.constant 0 : index
    %get3A_596 = tpu.vector_load %arg11[%get3A_595] {strides = array<i32>} : memref<96xf32, #tpu.memory_space<vmem>>, vector<16xf32>,
    %get3A_597 = arith.constant 32 : index
    %get3A_598 = tpu.vector_load %arg11[%get3A_597] {strides = array<i32>} : memref<96xf32, #tpu.memory_space<vmem>>, vector<16xf32>,
    %get3A_599 = arith.constant 64 : index
    %get3A_600 = tpu.vector_load %arg11[%get3A_599] {strides = array<i32>} : memref<96xf32, #tpu.memory_space<vmem>>, vector<16xf32>,
    %add3A_601 = arith.addf %get3A_594, %get3A_596 : vector<16xf32>
    %max3A = arith.constant 1.000000e+00 : f32
    %max3A_602 = vector.broadcast %max3A : f32 to vector<16xf32>
    %max3A_603 = arith.maximumf %get3A_596, %max3A_602 : vector<16xf32>
    %div3A = arith.constant 1.000000e+00 : f32
    %div3A_604 = vector.broadcast %div3A : f32 to vector<16xf32>
    %div3A_605 = arith.divf %div3A_604, %max3A_603 : vector<16xf32>
    %min3A = arith.constant 6.666000e+03 : f32
    %min3A_606 = vector.broadcast %min3A : f32 to vector<16xf32>
    %min3A_607 = arith.minimumf %add3A_601, %min3A_606 : vector<16xf32>
    %max3A_608 = arith.constant 0.000000e+00 : f32
    %max3A_609 = vector.broadcast %max3A_608 : f32 to vector<16xf32>
    %max3A_610 = arith.maximumf %get3A_594, %max3A_609 : vector<16xf32>
    %sub3A = arith.subf %min3A_607, %max3A_610 : vector<16xf32>
    %max3A_611 = arith.constant 0.000000e+00 : f32
    %max3A_612 = vector.broadcast %max3A_611 : f32 to vector<16xf32>
    %max3A_613 = arith.maximumf %sub3A, %max3A_612 : vector<16xf32>
    %mul3A_614 = arith.mulf %max3A_613, %div3A_605 : vector<16xf32>
    %mul3A_615 = arith.mulf %mul3A_614, %get3A_598 : vector<16xf32>
    %add3A_616 = arith.addf %broadcast_in_dim3A_0, %mul3A_615 : vector<16xf32>
    %mul3A_617 = arith.mulf %mul3A_614, %get3A_600 : vector<16xf32>
    %add3A_618 = arith.addf %broadcast_in_dim3A_0, %mul3A_617 : vector<16xf32>
    %min3A_619 = arith.constant 1.333200e+04 : f32
    %min3A_620 = vector.broadcast %min3A_619 : f32 to vector<16xf32>
    %min3A_621 = arith.minimumf %add3A_601, %min3A_620 : vector<16xf32>
    %max3A_622 = arith.constant 6.666000e+03 : f32
    %max3A_623 = vector.broadcast %max3A_622 : f32 to vector<16xf32>
    %max3A_624 = arith.maximumf %get3A_594, %max3A_623 : vector<16xf32>
    %sub3A_625 = arith.subf %min3A_621, %max3A_624 : vector<16xf32>
    %max3A_626 = arith.constant 0.000000e+00 : f32
    %max3A_627 = vector.broadcast %max3A_626 : f32 to vector<16xf32>
    %max3A_628 = arith.maximumf %sub3A_625, %max3A_627 : vector<16xf32>
    %mul3A_629 = arith.mulf %max3A_628, %div3A_605 : vector<16xf32>
    %mul3A_630 = arith.mulf %mul3A_629, %get3A_598 : vector<16xf32>
    %add3A_631 = arith.addf %broadcast_in_dim3A_0, %mul3A_630 : vector<16xf32>
    %mul3A_632 = arith.mulf %mul3A_629, %get3A_600 : vector<16xf32>
    %add3A_633 = arith.addf %broadcast_in_dim3A_0, %mul3A_632 : vector<16xf32>
    %min3A_634 = arith.constant 1.999800e+04 : f32
    %min3A_635 = vector.broadcast %min3A_634 : f32 to vector<16xf32>
    %min3A_636 = arith.minimumf %add3A_601, %min3A_635 : vector<16xf32>
    %max3A_637 = arith.constant 1.333200e+04 : f32
    %max3A_638 = vector.broadcast %max3A_637 : f32 to vector<16xf32>
    %max3A_639 = arith.maximumf %get3A_594, %max3A_638 : vector<16xf32>
    %sub3A_640 = arith.subf %min3A_636, %max3A_639 : vector<16xf32>
    %max3A_641 = arith.constant 0.000000e+00 : f32
    %max3A_642 = vector.broadcast %max3A_641 : f32 to vector<16xf32>
    %max3A_643 = arith.maximumf %sub3A_640, %max3A_642 : vector<16xf32>
    %mul3A_644 = arith.mulf %max3A_643, %div3A_605 : vector<16xf32>
    %mul3A_645 = arith.mulf %mul3A_644, %get3A_598 : vector<16xf32>
    %add3A_646 = arith.addf %broadcast_in_dim3A_0, %mul3A_645 : vector<16xf32>
    %mul3A_647 = arith.mulf %mul3A_644, %get3A_600 : vector<16xf32>
    %add3A_648 = arith.addf %broadcast_in_dim3A_0, %mul3A_647 : vector<16xf32>
    %min3A_649 = arith.constant 2.666400e+04 : f32
    %min3A_650 = vector.broadcast %min3A_649 : f32 to vector<16xf32>
    %min3A_651 = arith.minimumf %add3A_601, %min3A_650 : vector<16xf32>
    %max3A_652 = arith.constant 1.999800e+04 : f32
    %max3A_653 = vector.broadcast %max3A_652 : f32 to vector<16xf32>
    %max3A_654 = arith.maximumf %get3A_594, %max3A_653 : vector<16xf32>
    %sub3A_655 = arith.subf %min3A_651, %max3A_654 : vector<16xf32>
    %max3A_656 = arith.constant 0.000000e+00 : f32
    %max3A_657 = vector.broadcast %max3A_656 : f32 to vector<16xf32>
    %max3A_658 = arith.maximumf %sub3A_655, %max3A_657 : vector<16xf32>
    %mul3A_659 = arith.mulf %max3A_658, %div3A_605 : vector<16xf32>
    %mul3A_660 = arith.mulf %mul3A_659, %get3A_598 : vector<16xf32>
    %add3A_661 = arith.addf %broadcast_in_dim3A_0, %mul3A_660 : vector<16xf32>
    %mul3A_662 = arith.mulf %mul3A_659, %get3A_600 : vector<16xf32>
    %add3A_663 = arith.addf %broadcast_in_dim3A_0, %mul3A_662 : vector<16xf32>
    %min3A_664 = arith.constant 3.333000e+04 : f32
    %min3A_665 = vector.broadcast %min3A_664 : f32 to vector<16xf32>
    %min3A_666 = arith.minimumf %add3A_601, %min3A_665 : vector<16xf32>
    %max3A_667 = arith.constant 2.666400e+04 : f32
    %max3A_668 = vector.broadcast %max3A_667 : f32 to vector<16xf32>
    %max3A_669 = arith.maximumf %get3A_594, %max3A_668 : vector<16xf32>
    %sub3A_670 = arith.subf %min3A_666, %max3A_669 : vector<16xf32>
    %max3A_671 = arith.constant 0.000000e+00 : f32
    %max3A_672 = vector.broadcast %max3A_671 : f32 to vector<16xf32>
    %max3A_673 = arith.maximumf %sub3A_670, %max3A_672 : vector<16xf32>
    %mul3A_674 = arith.mulf %max3A_673, %div3A_605 : vector<16xf32>
    %mul3A_675 = arith.mulf %mul3A_674, %get3A_598 : vector<16xf32>
    %add3A_676 = arith.addf %broadcast_in_dim3A_0, %mul3A_675 : vector<16xf32>
    %mul3A_677 = arith.mulf %mul3A_674, %get3A_600 : vector<16xf32>
    %add3A_678 = arith.addf %broadcast_in_dim3A_0, %mul3A_677 : vector<16xf32>
    %min3A_679 = arith.constant 3.999600e+04 : f32
    %min3A_680 = vector.broadcast %min3A_679 : f32 to vector<16xf32>
    %min3A_681 = arith.minimumf %add3A_601, %min3A_680 : vector<16xf32>
    %max3A_682 = arith.constant 3.333000e+04 : f32
    %max3A_683 = vector.broadcast %max3A_682 : f32 to vector<16xf32>
    %max3A_684 = arith.maximumf %get3A_594, %max3A_683 : vector<16xf32>
    %sub3A_685 = arith.subf %min3A_681, %max3A_684 : vector<16xf32>
    %max3A_686 = arith.constant 0.000000e+00 : f32
    %max3A_687 = vector.broadcast %max3A_686 : f32 to vector<16xf32>
    %max3A_688 = arith.maximumf %sub3A_685, %max3A_687 : vector<16xf32>
    %mul3A_689 = arith.mulf %max3A_688, %div3A_605 : vector<16xf32>
    %mul3A_690 = arith.mulf %mul3A_689, %get3A_598 : vector<16xf32>
    %add3A_691 = arith.addf %broadcast_in_dim3A_0, %mul3A_690 : vector<16xf32>
    %mul3A_692 = arith.mulf %mul3A_689, %get3A_600 : vector<16xf32>
    %add3A_693 = arith.addf %broadcast_in_dim3A_0, %mul3A_692 : vector<16xf32>
    %min3A_694 = arith.constant 4.666200e+04 : f32
    %min3A_695 = vector.broadcast %min3A_694 : f32 to vector<16xf32>
    %min3A_696 = arith.minimumf %add3A_601, %min3A_695 : vector<16xf32>
    %max3A_697 = arith.constant 3.999600e+04 : f32
    %max3A_698 = vector.broadcast %max3A_697 : f32 to vector<16xf32>
    %max3A_699 = arith.maximumf %get3A_594, %max3A_698 : vector<16xf32>
    %sub3A_700 = arith.subf %min3A_696, %max3A_699 : vector<16xf32>
    %max3A_701 = arith.constant 0.000000e+00 : f32
    %max3A_702 = vector.broadcast %max3A_701 : f32 to vector<16xf32>
    %max3A_703 = arith.maximumf %sub3A_700, %max3A_702 : vector<16xf32>
    %mul3A_704 = arith.mulf %max3A_703, %div3A_605 : vector<16xf32>
    %mul3A_705 = arith.mulf %mul3A_704, %get3A_598 : vector<16xf32>
    %add3A_706 = arith.addf %broadcast_in_dim3A_0, %mul3A_705 : vector<16xf32>
    %mul3A_707 = arith.mulf %mul3A_704, %get3A_600 : vector<16xf32>
    %add3A_708 = arith.addf %broadcast_in_dim3A_0, %mul3A_707 : vector<16xf32>
    %min3A_709 = arith.constant 5.332800e+04 : f32
    %min3A_710 = vector.broadcast %min3A_709 : f32 to vector<16xf32>
    %min3A_711 = arith.minimumf %add3A_601, %min3A_710 : vector<16xf32>
    %max3A_712 = arith.constant 4.666200e+04 : f32
    %max3A_713 = vector.broadcast %max3A_712 : f32 to vector<16xf32>
    %max3A_714 = arith.maximumf %get3A_594, %max3A_713 : vector<16xf32>
    %sub3A_715 = arith.subf %min3A_711, %max3A_714 : vector<16xf32>
    %max3A_716 = arith.constant 0.000000e+00 : f32
    %max3A_717 = vector.broadcast %max3A_716 : f32 to vector<16xf32>
    %max3A_718 = arith.maximumf %sub3A_715, %max3A_717 : vector<16xf32>
    %mul3A_719 = arith.mulf %max3A_718, %div3A_605 : vector<16xf32>
    %mul3A_720 = arith.mulf %mul3A_719, %get3A_598 : vector<16xf32>
    %add3A_721 = arith.addf %broadcast_in_dim3A_0, %mul3A_720 : vector<16xf32>
    %mul3A_722 = arith.mulf %mul3A_719, %get3A_600 : vector<16xf32>
    %add3A_723 = arith.addf %broadcast_in_dim3A_0, %mul3A_722 : vector<16xf32>
    %min3A_724 = arith.constant 5.999400e+04 : f32
    %min3A_725 = vector.broadcast %min3A_724 : f32 to vector<16xf32>
    %min3A_726 = arith.minimumf %add3A_601, %min3A_725 : vector<16xf32>
    %max3A_727 = arith.constant 5.332800e+04 : f32
    %max3A_728 = vector.broadcast %max3A_727 : f32 to vector<16xf32>
    %max3A_729 = arith.maximumf %get3A_594, %max3A_728 : vector<16xf32>
    %sub3A_730 = arith.subf %min3A_726, %max3A_729 : vector<16xf32>
    %max3A_731 = arith.constant 0.000000e+00 : f32
    %max3A_732 = vector.broadcast %max3A_731 : f32 to vector<16xf32>
    %max3A_733 = arith.maximumf %sub3A_730, %max3A_732 : vector<16xf32>
    %mul3A_734 = arith.mulf %max3A_733, %div3A_605 : vector<16xf32>
    %mul3A_735 = arith.mulf %mul3A_734, %get3A_598 : vector<16xf32>
    %add3A_736 = arith.addf %broadcast_in_dim3A_0, %mul3A_735 : vector<16xf32>
    %mul3A_737 = arith.mulf %mul3A_734, %get3A_600 : vector<16xf32>
    %add3A_738 = arith.addf %broadcast_in_dim3A_0, %mul3A_737 : vector<16xf32>
    %min3A_739 = arith.constant 6.666000e+04 : f32
    %min3A_740 = vector.broadcast %min3A_739 : f32 to vector<16xf32>
    %min3A_741 = arith.minimumf %add3A_601, %min3A_740 : vector<16xf32>
    %max3A_742 = arith.constant 5.999400e+04 : f32
    %max3A_743 = vector.broadcast %max3A_742 : f32 to vector<16xf32>
    %max3A_744 = arith.maximumf %get3A_594, %max3A_743 : vector<16xf32>
    %sub3A_745 = arith.subf %min3A_741, %max3A_744 : vector<16xf32>
    %max3A_746 = arith.constant 0.000000e+00 : f32
    %max3A_747 = vector.broadcast %max3A_746 : f32 to vector<16xf32>
    %max3A_748 = arith.maximumf %sub3A_745, %max3A_747 : vector<16xf32>
    %mul3A_749 = arith.mulf %max3A_748, %div3A_605 : vector<16xf32>
    %mul3A_750 = arith.mulf %mul3A_749, %get3A_598 : vector<16xf32>
    %add3A_751 = arith.addf %broadcast_in_dim3A_0, %mul3A_750 : vector<16xf32>
    %mul3A_752 = arith.mulf %mul3A_749, %get3A_600 : vector<16xf32>
    %add3A_753 = arith.addf %broadcast_in_dim3A_0, %mul3A_752 : vector<16xf32>
    %min3A_754 = arith.constant 7.332600e+04 : f32
    %min3A_755 = vector.broadcast %min3A_754 : f32 to vector<16xf32>
    %min3A_756 = arith.minimumf %add3A_601, %min3A_755 : vector<16xf32>
    %max3A_757 = arith.constant 6.666000e+04 : f32
    %max3A_758 = vector.broadcast %max3A_757 : f32 to vector<16xf32>
    %max3A_759 = arith.maximumf %get3A_594, %max3A_758 : vector<16xf32>
    %sub3A_760 = arith.subf %min3A_756, %max3A_759 : vector<16xf32>
    %max3A_761 = arith.constant 0.000000e+00 : f32
    %max3A_762 = vector.broadcast %max3A_761 : f32 to vector<16xf32>
    %max3A_763 = arith.maximumf %sub3A_760, %max3A_762 : vector<16xf32>
    %mul3A_764 = arith.mulf %max3A_763, %div3A_605 : vector<16xf32>
    %mul3A_765 = arith.mulf %mul3A_764, %get3A_598 : vector<16xf32>
    %add3A_766 = arith.addf %broadcast_in_dim3A_0, %mul3A_765 : vector<16xf32>
    %mul3A_767 = arith.mulf %mul3A_764, %get3A_600 : vector<16xf32>
    %add3A_768 = arith.addf %broadcast_in_dim3A_0, %mul3A_767 : vector<16xf32>
    %min3A_769 = arith.constant 7.999200e+04 : f32
    %min3A_770 = vector.broadcast %min3A_769 : f32 to vector<16xf32>
    %min3A_771 = arith.minimumf %add3A_601, %min3A_770 : vector<16xf32>
    %max3A_772 = arith.constant 7.332600e+04 : f32
    %max3A_773 = vector.broadcast %max3A_772 : f32 to vector<16xf32>
    %max3A_774 = arith.maximumf %get3A_594, %max3A_773 : vector<16xf32>
    %sub3A_775 = arith.subf %min3A_771, %max3A_774 : vector<16xf32>
    %max3A_776 = arith.constant 0.000000e+00 : f32
    %max3A_777 = vector.broadcast %max3A_776 : f32 to vector<16xf32>
    %max3A_778 = arith.maximumf %sub3A_775, %max3A_777 : vector<16xf32>
    %mul3A_779 = arith.mulf %max3A_778, %div3A_605 : vector<16xf32>
    %mul3A_780 = arith.mulf %mul3A_779, %get3A_598 : vector<16xf32>
    %add3A_781 = arith.addf %broadcast_in_dim3A_0, %mul3A_780 : vector<16xf32>
    %mul3A_782 = arith.mulf %mul3A_779, %get3A_600 : vector<16xf32>
    %add3A_783 = arith.addf %broadcast_in_dim3A_0, %mul3A_782 : vector<16xf32>
    %min3A_784 = arith.constant 8.665800e+04 : f32
    %min3A_785 = vector.broadcast %min3A_784 : f32 to vector<16xf32>
    %min3A_786 = arith.minimumf %add3A_601, %min3A_785 : vector<16xf32>
    %max3A_787 = arith.constant 7.999200e+04 : f32
    %max3A_788 = vector.broadcast %max3A_787 : f32 to vector<16xf32>
    %max3A_789 = arith.maximumf %get3A_594, %max3A_788 : vector<16xf32>
    %sub3A_790 = arith.subf %min3A_786, %max3A_789 : vector<16xf32>
    %max3A_791 = arith.constant 0.000000e+00 : f32
    %max3A_792 = vector.broadcast %max3A_791 : f32 to vector<16xf32>
    %max3A_793 = arith.maximumf %sub3A_790, %max3A_792 : vector<16xf32>
    %mul3A_794 = arith.mulf %max3A_793, %div3A_605 : vector<16xf32>
    %mul3A_795 = arith.mulf %mul3A_794, %get3A_598 : vector<16xf32>
    %add3A_796 = arith.addf %broadcast_in_dim3A_0, %mul3A_795 : vector<16xf32>
    %mul3A_797 = arith.mulf %mul3A_794, %get3A_600 : vector<16xf32>
    %add3A_798 = arith.addf %broadcast_in_dim3A_0, %mul3A_797 : vector<16xf32>
    %min3A_799 = arith.constant 9.332400e+04 : f32
    %min3A_800 = vector.broadcast %min3A_799 : f32 to vector<16xf32>
    %min3A_801 = arith.minimumf %add3A_601, %min3A_800 : vector<16xf32>
    %max3A_802 = arith.constant 8.665800e+04 : f32
    %max3A_803 = vector.broadcast %max3A_802 : f32 to vector<16xf32>
    %max3A_804 = arith.maximumf %get3A_594, %max3A_803 : vector<16xf32>
    %sub3A_805 = arith.subf %min3A_801, %max3A_804 : vector<16xf32>
    %max3A_806 = arith.constant 0.000000e+00 : f32
    %max3A_807 = vector.broadcast %max3A_806 : f32 to vector<16xf32>
    %max3A_808 = arith.maximumf %sub3A_805, %max3A_807 : vector<16xf32>
    %mul3A_809 = arith.mulf %max3A_808, %div3A_605 : vector<16xf32>
    %mul3A_810 = arith.mulf %mul3A_809, %get3A_598 : vector<16xf32>
    %add3A_811 = arith.addf %broadcast_in_dim3A_0, %mul3A_810 : vector<16xf32>
    %mul3A_812 = arith.mulf %mul3A_809, %get3A_600 : vector<16xf32>
    %add3A_813 = arith.addf %broadcast_in_dim3A_0, %mul3A_812 : vector<16xf32>
    %min3A_814 = arith.constant 1.000000e+05 : f32
    %min3A_815 = vector.broadcast %min3A_814 : f32 to vector<16xf32>
    %min3A_816 = arith.minimumf %add3A_601, %min3A_815 : vector<16xf32>
    %max3A_817 = arith.constant 9.332400e+04 : f32
    %max3A_818 = vector.broadcast %max3A_817 : f32 to vector<16xf32>
    %max3A_819 = arith.maximumf %get3A_594, %max3A_818 : vector<16xf32>
    %sub3A_820 = arith.subf %min3A_816, %max3A_819 : vector<16xf32>
    %max3A_821 = arith.constant 0.000000e+00 : f32
    %max3A_822 = vector.broadcast %max3A_821 : f32 to vector<16xf32>
    %max3A_823 = arith.maximumf %sub3A_820, %max3A_822 : vector<16xf32>
    %mul3A_824 = arith.mulf %max3A_823, %div3A_605 : vector<16xf32>
    %mul3A_825 = arith.mulf %mul3A_824, %get3A_598 : vector<16xf32>
    %add3A_826 = arith.addf %broadcast_in_dim3A_0, %mul3A_825 : vector<16xf32>
    %mul3A_827 = arith.mulf %mul3A_824, %get3A_600 : vector<16xf32>
    %add3A_828 = arith.addf %broadcast_in_dim3A_0, %mul3A_827 : vector<16xf32>
    %get3A_829 = arith.constant 16 : index
    %get3A_830 = tpu.vector_load %arg13[%get3A_829] {strides = array<i32>} : memref<32xf32, #tpu.memory_space<vmem>>, vector<16xf32>,
    %get3A_831 = arith.constant 16 : index
    %get3A_832 = tpu.vector_load %arg11[%get3A_831] {strides = array<i32>} : memref<96xf32, #tpu.memory_space<vmem>>, vector<16xf32>,
    %get3A_833 = arith.constant 48 : index
    %get3A_834 = tpu.vector_load %arg11[%get3A_833] {strides = array<i32>} : memref<96xf32, #tpu.memory_space<vmem>>, vector<16xf32>,
    %get3A_835 = arith.constant 80 : index
    %get3A_836 = tpu.vector_load %arg11[%get3A_835] {strides = array<i32>} : memref<96xf32, #tpu.memory_space<vmem>>, vector<16xf32>,
    %add3A_837 = arith.addf %get3A_830, %get3A_832 : vector<16xf32>
    %max3A_838 = arith.constant 1.000000e+00 : f32
    %max3A_839 = vector.broadcast %max3A_838 : f32 to vector<16xf32>
    %max3A_840 = arith.maximumf %get3A_832, %max3A_839 : vector<16xf32>
    %div3A_841 = arith.constant 1.000000e+00 : f32
    %div3A_842 = vector.broadcast %div3A_841 : f32 to vector<16xf32>
    %div3A_843 = arith.divf %div3A_842, %max3A_840 : vector<16xf32>
    %min3A_844 = arith.constant 6.666000e+03 : f32
    %min3A_845 = vector.broadcast %min3A_844 : f32 to vector<16xf32>
    %min3A_846 = arith.minimumf %add3A_837, %min3A_845 : vector<16xf32>
    %max3A_847 = arith.constant 0.000000e+00 : f32
    %max3A_848 = vector.broadcast %max3A_847 : f32 to vector<16xf32>
    %max3A_849 = arith.maximumf %get3A_830, %max3A_848 : vector<16xf32>
    %sub3A_850 = arith.subf %min3A_846, %max3A_849 : vector<16xf32>
    %max3A_851 = arith.constant 0.000000e+00 : f32
    %max3A_852 = vector.broadcast %max3A_851 : f32 to vector<16xf32>
    %max3A_853 = arith.maximumf %sub3A_850, %max3A_852 : vector<16xf32>
    %mul3A_854 = arith.mulf %max3A_853, %div3A_843 : vector<16xf32>
    %mul3A_855 = arith.mulf %mul3A_854, %get3A_834 : vector<16xf32>
    %add3A_856 = arith.addf %add3A_616, %mul3A_855 : vector<16xf32>
    %mul3A_857 = arith.mulf %mul3A_854, %get3A_836 : vector<16xf32>
    %add3A_858 = arith.addf %add3A_618, %mul3A_857 : vector<16xf32>
    %min3A_859 = arith.constant 1.333200e+04 : f32
    %min3A_860 = vector.broadcast %min3A_859 : f32 to vector<16xf32>
    %min3A_861 = arith.minimumf %add3A_837, %min3A_860 : vector<16xf32>
    %max3A_862 = arith.constant 6.666000e+03 : f32
    %max3A_863 = vector.broadcast %max3A_862 : f32 to vector<16xf32>
    %max3A_864 = arith.maximumf %get3A_830, %max3A_863 : vector<16xf32>
    %sub3A_865 = arith.subf %min3A_861, %max3A_864 : vector<16xf32>
    %max3A_866 = arith.constant 0.000000e+00 : f32
    %max3A_867 = vector.broadcast %max3A_866 : f32 to vector<16xf32>
    %max3A_868 = arith.maximumf %sub3A_865, %max3A_867 : vector<16xf32>
    %mul3A_869 = arith.mulf %max3A_868, %div3A_843 : vector<16xf32>
    %mul3A_870 = arith.mulf %mul3A_869, %get3A_834 : vector<16xf32>
    %add3A_871 = arith.addf %add3A_631, %mul3A_870 : vector<16xf32>
    %mul3A_872 = arith.mulf %mul3A_869, %get3A_836 : vector<16xf32>
    %add3A_873 = arith.addf %add3A_633, %mul3A_872 : vector<16xf32>
    %min3A_874 = arith.constant 1.999800e+04 : f32
    %min3A_875 = vector.broadcast %min3A_874 : f32 to vector<16xf32>
    %min3A_876 = arith.minimumf %add3A_837, %min3A_875 : vector<16xf32>
    %max3A_877 = arith.constant 1.333200e+04 : f32
    %max3A_878 = vector.broadcast %max3A_877 : f32 to vector<16xf32>
    %max3A_879 = arith.maximumf %get3A_830, %max3A_878 : vector<16xf32>
    %sub3A_880 = arith.subf %min3A_876, %max3A_879 : vector<16xf32>
    %max3A_881 = arith.constant 0.000000e+00 : f32
    %max3A_882 = vector.broadcast %max3A_881 : f32 to vector<16xf32>
    %max3A_883 = arith.maximumf %sub3A_880, %max3A_882 : vector<16xf32>
    %mul3A_884 = arith.mulf %max3A_883, %div3A_843 : vector<16xf32>
    %mul3A_885 = arith.mulf %mul3A_884, %get3A_834 : vector<16xf32>
    %add3A_886 = arith.addf %add3A_646, %mul3A_885 : vector<16xf32>
    %mul3A_887 = arith.mulf %mul3A_884, %get3A_836 : vector<16xf32>
    %add3A_888 = arith.addf %add3A_648, %mul3A_887 : vector<16xf32>
    %min3A_889 = arith.constant 2.666400e+04 : f32
    %min3A_890 = vector.broadcast %min3A_889 : f32 to vector<16xf32>
    %min3A_891 = arith.minimumf %add3A_837, %min3A_890 : vector<16xf32>
    %max3A_892 = arith.constant 1.999800e+04 : f32
    %max3A_893 = vector.broadcast %max3A_892 : f32 to vector<16xf32>
    %max3A_894 = arith.maximumf %get3A_830, %max3A_893 : vector<16xf32>
    %sub3A_895 = arith.subf %min3A_891, %max3A_894 : vector<16xf32>
    %max3A_896 = arith.constant 0.000000e+00 : f32
    %max3A_897 = vector.broadcast %max3A_896 : f32 to vector<16xf32>
    %max3A_898 = arith.maximumf %sub3A_895, %max3A_897 : vector<16xf32>
    %mul3A_899 = arith.mulf %max3A_898, %div3A_843 : vector<16xf32>
    %mul3A_900 = arith.mulf %mul3A_899, %get3A_834 : vector<16xf32>
    %add3A_901 = arith.addf %add3A_661, %mul3A_900 : vector<16xf32>
    %mul3A_902 = arith.mulf %mul3A_899, %get3A_836 : vector<16xf32>
    %add3A_903 = arith.addf %add3A_663, %mul3A_902 : vector<16xf32>
    %min3A_904 = arith.constant 3.333000e+04 : f32
    %min3A_905 = vector.broadcast %min3A_904 : f32 to vector<16xf32>
    %min3A_906 = arith.minimumf %add3A_837, %min3A_905 : vector<16xf32>
    %max3A_907 = arith.constant 2.666400e+04 : f32
    %max3A_908 = vector.broadcast %max3A_907 : f32 to vector<16xf32>
    %max3A_909 = arith.maximumf %get3A_830, %max3A_908 : vector<16xf32>
    %sub3A_910 = arith.subf %min3A_906, %max3A_909 : vector<16xf32>
    %max3A_911 = arith.constant 0.000000e+00 : f32
    %max3A_912 = vector.broadcast %max3A_911 : f32 to vector<16xf32>
    %max3A_913 = arith.maximumf %sub3A_910, %max3A_912 : vector<16xf32>
    %mul3A_914 = arith.mulf %max3A_913, %div3A_843 : vector<16xf32>
    %mul3A_915 = arith.mulf %mul3A_914, %get3A_834 : vector<16xf32>
    %add3A_916 = arith.addf %add3A_676, %mul3A_915 : vector<16xf32>
    %mul3A_917 = arith.mulf %mul3A_914, %get3A_836 : vector<16xf32>
    %add3A_918 = arith.addf %add3A_678, %mul3A_917 : vector<16xf32>
    %min3A_919 = arith.constant 3.999600e+04 : f32
    %min3A_920 = vector.broadcast %min3A_919 : f32 to vector<16xf32>
    %min3A_921 = arith.minimumf %add3A_837, %min3A_920 : vector<16xf32>
    %max3A_922 = arith.constant 3.333000e+04 : f32
    %max3A_923 = vector.broadcast %max3A_922 : f32 to vector<16xf32>
    %max3A_924 = arith.maximumf %get3A_830, %max3A_923 : vector<16xf32>
    %sub3A_925 = arith.subf %min3A_921, %max3A_924 : vector<16xf32>
    %max3A_926 = arith.constant 0.000000e+00 : f32
    %max3A_927 = vector.broadcast %max3A_926 : f32 to vector<16xf32>
    %max3A_928 = arith.maximumf %sub3A_925, %max3A_927 : vector<16xf32>
    %mul3A_929 = arith.mulf %max3A_928, %div3A_843 : vector<16xf32>
    %mul3A_930 = arith.mulf %mul3A_929, %get3A_834 : vector<16xf32>
    %add3A_931 = arith.addf %add3A_691, %mul3A_930 : vector<16xf32>
    %mul3A_932 = arith.mulf %mul3A_929, %get3A_836 : vector<16xf32>
    %add3A_933 = arith.addf %add3A_693, %mul3A_932 : vector<16xf32>
    %min3A_934 = arith.constant 4.666200e+04 : f32
    %min3A_935 = vector.broadcast %min3A_934 : f32 to vector<16xf32>
    %min3A_936 = arith.minimumf %add3A_837, %min3A_935 : vector<16xf32>
    %max3A_937 = arith.constant 3.999600e+04 : f32
    %max3A_938 = vector.broadcast %max3A_937 : f32 to vector<16xf32>
    %max3A_939 = arith.maximumf %get3A_830, %max3A_938 : vector<16xf32>
    %sub3A_940 = arith.subf %min3A_936, %max3A_939 : vector<16xf32>
    %max3A_941 = arith.constant 0.000000e+00 : f32
    %max3A_942 = vector.broadcast %max3A_941 : f32 to vector<16xf32>
    %max3A_943 = arith.maximumf %sub3A_940, %max3A_942 : vector<16xf32>
    %mul3A_944 = arith.mulf %max3A_943, %div3A_843 : vector<16xf32>
    %mul3A_945 = arith.mulf %mul3A_944, %get3A_834 : vector<16xf32>
    %add3A_946 = arith.addf %add3A_706, %mul3A_945 : vector<16xf32>
    %mul3A_947 = arith.mulf %mul3A_944, %get3A_836 : vector<16xf32>
    %add3A_948 = arith.addf %add3A_708, %mul3A_947 : vector<16xf32>
    %min3A_949 = arith.constant 5.332800e+04 : f32
    %min3A_950 = vector.broadcast %min3A_949 : f32 to vector<16xf32>
    %min3A_951 = arith.minimumf %add3A_837, %min3A_950 : vector<16xf32>
    %max3A_952 = arith.constant 4.666200e+04 : f32
    %max3A_953 = vector.broadcast %max3A_952 : f32 to vector<16xf32>
    %max3A_954 = arith.maximumf %get3A_830, %max3A_953 : vector<16xf32>
    %sub3A_955 = arith.subf %min3A_951, %max3A_954 : vector<16xf32>
    %max3A_956 = arith.constant 0.000000e+00 : f32
    %max3A_957 = vector.broadcast %max3A_956 : f32 to vector<16xf32>
    %max3A_958 = arith.maximumf %sub3A_955, %max3A_957 : vector<16xf32>
    %mul3A_959 = arith.mulf %max3A_958, %div3A_843 : vector<16xf32>
    %mul3A_960 = arith.mulf %mul3A_959, %get3A_834 : vector<16xf32>
    %add3A_961 = arith.addf %add3A_721, %mul3A_960 : vector<16xf32>
    %mul3A_962 = arith.mulf %mul3A_959, %get3A_836 : vector<16xf32>
    %add3A_963 = arith.addf %add3A_723, %mul3A_962 : vector<16xf32>
    %min3A_964 = arith.constant 5.999400e+04 : f32
    %min3A_965 = vector.broadcast %min3A_964 : f32 to vector<16xf32>
    %min3A_966 = arith.minimumf %add3A_837, %min3A_965 : vector<16xf32>
    %max3A_967 = arith.constant 5.332800e+04 : f32
    %max3A_968 = vector.broadcast %max3A_967 : f32 to vector<16xf32>
    %max3A_969 = arith.maximumf %get3A_830, %max3A_968 : vector<16xf32>
    %sub3A_970 = arith.subf %min3A_966, %max3A_969 : vector<16xf32>
    %max3A_971 = arith.constant 0.000000e+00 : f32
    %max3A_972 = vector.broadcast %max3A_971 : f32 to vector<16xf32>
    %max3A_973 = arith.maximumf %sub3A_970, %max3A_972 : vector<16xf32>
    %mul3A_974 = arith.mulf %max3A_973, %div3A_843 : vector<16xf32>
    %mul3A_975 = arith.mulf %mul3A_974, %get3A_834 : vector<16xf32>
    %add3A_976 = arith.addf %add3A_736, %mul3A_975 : vector<16xf32>
    %mul3A_977 = arith.mulf %mul3A_974, %get3A_836 : vector<16xf32>
    %add3A_978 = arith.addf %add3A_738, %mul3A_977 : vector<16xf32>
    %min3A_979 = arith.constant 6.666000e+04 : f32
    %min3A_980 = vector.broadcast %min3A_979 : f32 to vector<16xf32>
    %min3A_981 = arith.minimumf %add3A_837, %min3A_980 : vector<16xf32>
    %max3A_982 = arith.constant 5.999400e+04 : f32
    %max3A_983 = vector.broadcast %max3A_982 : f32 to vector<16xf32>
    %max3A_984 = arith.maximumf %get3A_830, %max3A_983 : vector<16xf32>
    %sub3A_985 = arith.subf %min3A_981, %max3A_984 : vector<16xf32>
    %max3A_986 = arith.constant 0.000000e+00 : f32
    %max3A_987 = vector.broadcast %max3A_986 : f32 to vector<16xf32>
    %max3A_988 = arith.maximumf %sub3A_985, %max3A_987 : vector<16xf32>
    %mul3A_989 = arith.mulf %max3A_988, %div3A_843 : vector<16xf32>
    %mul3A_990 = arith.mulf %mul3A_989, %get3A_834 : vector<16xf32>
    %add3A_991 = arith.addf %add3A_751, %mul3A_990 : vector<16xf32>
    %mul3A_992 = arith.mulf %mul3A_989, %get3A_836 : vector<16xf32>
    %add3A_993 = arith.addf %add3A_753, %mul3A_992 : vector<16xf32>
    %min3A_994 = arith.constant 7.332600e+04 : f32
    %min3A_995 = vector.broadcast %min3A_994 : f32 to vector<16xf32>
    %min3A_996 = arith.minimumf %add3A_837, %min3A_995 : vector<16xf32>
    %max3A_997 = arith.constant 6.666000e+04 : f32
    %max3A_998 = vector.broadcast %max3A_997 : f32 to vector<16xf32>
    %max3A_999 = arith.maximumf %get3A_830, %max3A_998 : vector<16xf32>
    %sub3A_1000 = arith.subf %min3A_996, %max3A_999 : vector<16xf32>
    %max3A_1001 = arith.constant 0.000000e+00 : f32
    %max3A_1002 = vector.broadcast %max3A_1001 : f32 to vector<16xf32>
    %max3A_1003 = arith.maximumf %sub3A_1000, %max3A_1002 : vector<16xf32>
    %mul3A_1004 = arith.mulf %max3A_1003, %div3A_843 : vector<16xf32>
    %mul3A_1005 = arith.mulf %mul3A_1004, %get3A_834 : vector<16xf32>
    %add3A_1006 = arith.addf %add3A_766, %mul3A_1005 : vector<16xf32>
    %mul3A_1007 = arith.mulf %mul3A_1004, %get3A_836 : vector<16xf32>
    %add3A_1008 = arith.addf %add3A_768, %mul3A_1007 : vector<16xf32>
    %min3A_1009 = arith.constant 7.999200e+04 : f32
    %min3A_1010 = vector.broadcast %min3A_1009 : f32 to vector<16xf32>
    %min3A_1011 = arith.minimumf %add3A_837, %min3A_1010 : vector<16xf32>
    %max3A_1012 = arith.constant 7.332600e+04 : f32
    %max3A_1013 = vector.broadcast %max3A_1012 : f32 to vector<16xf32>
    %max3A_1014 = arith.maximumf %get3A_830, %max3A_1013 : vector<16xf32>
    %sub3A_1015 = arith.subf %min3A_1011, %max3A_1014 : vector<16xf32>
    %max3A_1016 = arith.constant 0.000000e+00 : f32
    %max3A_1017 = vector.broadcast %max3A_1016 : f32 to vector<16xf32>
    %max3A_1018 = arith.maximumf %sub3A_1015, %max3A_1017 : vector<16xf32>
    %mul3A_1019 = arith.mulf %max3A_1018, %div3A_843 : vector<16xf32>
    %mul3A_1020 = arith.mulf %mul3A_1019, %get3A_834 : vector<16xf32>
    %add3A_1021 = arith.addf %add3A_781, %mul3A_1020 : vector<16xf32>
    %mul3A_1022 = arith.mulf %mul3A_1019, %get3A_836 : vector<16xf32>
    %add3A_1023 = arith.addf %add3A_783, %mul3A_1022 : vector<16xf32>
    %min3A_1024 = arith.constant 8.665800e+04 : f32
    %min3A_1025 = vector.broadcast %min3A_1024 : f32 to vector<16xf32>
    %min3A_1026 = arith.minimumf %add3A_837, %min3A_1025 : vector<16xf32>
    %max3A_1027 = arith.constant 7.999200e+04 : f32
    %max3A_1028 = vector.broadcast %max3A_1027 : f32 to vector<16xf32>
    %max3A_1029 = arith.maximumf %get3A_830, %max3A_1028 : vector<16xf32>
    %sub3A_1030 = arith.subf %min3A_1026, %max3A_1029 : vector<16xf32>
    %max3A_1031 = arith.constant 0.000000e+00 : f32
    %max3A_1032 = vector.broadcast %max3A_1031 : f32 to vector<16xf32>
    %max3A_1033 = arith.maximumf %sub3A_1030, %max3A_1032 : vector<16xf32>
    %mul3A_1034 = arith.mulf %max3A_1033, %div3A_843 : vector<16xf32>
    %mul3A_1035 = arith.mulf %mul3A_1034, %get3A_834 : vector<16xf32>
    %add3A_1036 = arith.addf %add3A_796, %mul3A_1035 : vector<16xf32>
    %mul3A_1037 = arith.mulf %mul3A_1034, %get3A_836 : vector<16xf32>
    %add3A_1038 = arith.addf %add3A_798, %mul3A_1037 : vector<16xf32>
    %min3A_1039 = arith.constant 9.332400e+04 : f32
    %min3A_1040 = vector.broadcast %min3A_1039 : f32 to vector<16xf32>
    %min3A_1041 = arith.minimumf %add3A_837, %min3A_1040 : vector<16xf32>
    %max3A_1042 = arith.constant 8.665800e+04 : f32
    %max3A_1043 = vector.broadcast %max3A_1042 : f32 to vector<16xf32>
    %max3A_1044 = arith.maximumf %get3A_830, %max3A_1043 : vector<16xf32>
    %sub3A_1045 = arith.subf %min3A_1041, %max3A_1044 : vector<16xf32>
    %max3A_1046 = arith.constant 0.000000e+00 : f32
    %max3A_1047 = vector.broadcast %max3A_1046 : f32 to vector<16xf32>
    %max3A_1048 = arith.maximumf %sub3A_1045, %max3A_1047 : vector<16xf32>
    %mul3A_1049 = arith.mulf %max3A_1048, %div3A_843 : vector<16xf32>
    %mul3A_1050 = arith.mulf %mul3A_1049, %get3A_834 : vector<16xf32>
    %add3A_1051 = arith.addf %add3A_811, %mul3A_1050 : vector<16xf32>
    %mul3A_1052 = arith.mulf %mul3A_1049, %get3A_836 : vector<16xf32>
    %add3A_1053 = arith.addf %add3A_813, %mul3A_1052 : vector<16xf32>
    %min3A_1054 = arith.constant 1.000000e+05 : f32
    %min3A_1055 = vector.broadcast %min3A_1054 : f32 to vector<16xf32>
    %min3A_1056 = arith.minimumf %add3A_837, %min3A_1055 : vector<16xf32>
    %max3A_1057 = arith.constant 9.332400e+04 : f32
    %max3A_1058 = vector.broadcast %max3A_1057 : f32 to vector<16xf32>
    %max3A_1059 = arith.maximumf %get3A_830, %max3A_1058 : vector<16xf32>
    %sub3A_1060 = arith.subf %min3A_1056, %max3A_1059 : vector<16xf32>
    %max3A_1061 = arith.constant 0.000000e+00 : f32
    %max3A_1062 = vector.broadcast %max3A_1061 : f32 to vector<16xf32>
    %max3A_1063 = arith.maximumf %sub3A_1060, %max3A_1062 : vector<16xf32>
    %mul3A_1064 = arith.mulf %max3A_1063, %div3A_843 : vector<16xf32>
    %mul3A_1065 = arith.mulf %mul3A_1064, %get3A_834 : vector<16xf32>
    %add3A_1066 = arith.addf %add3A_826, %mul3A_1065 : vector<16xf32>
    %mul3A_1067 = arith.mulf %mul3A_1064, %get3A_836 : vector<16xf32>
    %add3A_1068 = arith.addf %add3A_828, %mul3A_1067 : vector<16xf32>
    %swap3A_1069 = arith.constant 0 : index
    %swap3A_1070 = tpu.vector_load %arg14[%swap3A_1069] {strides = array<i32>} : memref<480xf32, #tpu.memory_space<vmem>>, vector<16xf32>,
    tpu.vector_store %arg14[%swap3A_1069], %add3A_856 {strides = array<i32>} : memref<480xf32, #tpu.memory_space<vmem>>, vector<16xf32>,
    %swap3A_1071 = arith.constant 240 : index
    %swap3A_1072 = tpu.vector_load %arg14[%swap3A_1071] {strides = array<i32>} : memref<480xf32, #tpu.memory_space<vmem>>, vector<16xf32>,
    tpu.vector_store %arg14[%swap3A_1071], %add3A_858 {strides = array<i32>} : memref<480xf32, #tpu.memory_space<vmem>>, vector<16xf32>,
    %swap3A_1073 = arith.constant 16 : index
    %swap3A_1074 = tpu.vector_load %arg14[%swap3A_1073] {strides = array<i32>} : memref<480xf32, #tpu.memory_space<vmem>>, vector<16xf32>,
    tpu.vector_store %arg14[%swap3A_1073], %add3A_871 {strides = array<i32>} : memref<480xf32, #tpu.memory_space<vmem>>, vector<16xf32>,
    %swap3A_1075 = arith.constant 256 : index
    %swap3A_1076 = tpu.vector_load %arg14[%swap3A_1075] {strides = array<i32>} : memref<480xf32, #tpu.memory_space<vmem>>, vector<16xf32>,
    tpu.vector_store %arg14[%swap3A_1075], %add3A_873 {strides = array<i32>} : memref<480xf32, #tpu.memory_space<vmem>>, vector<16xf32>,
    %swap3A_1077 = arith.constant 32 : index
    %swap3A_1078 = tpu.vector_load %arg14[%swap3A_1077] {strides = array<i32>} : memref<480xf32, #tpu.memory_space<vmem>>, vector<16xf32>,
    tpu.vector_store %arg14[%swap3A_1077], %add3A_886 {strides = array<i32>} : memref<480xf32, #tpu.memory_space<vmem>>, vector<16xf32>,
    %swap3A_1079 = arith.constant 272 : index
    %swap3A_1080 = tpu.vector_load %arg14[%swap3A_1079] {strides = array<i32>} : memref<480xf32, #tpu.memory_space<vmem>>, vector<16xf32>,
    tpu.vector_store %arg14[%swap3A_1079], %add3A_888 {strides = array<i32>} : memref<480xf32, #tpu.memory_space<vmem>>, vector<16xf32>,
    %swap3A_1081 = arith.constant 48 : index
    %swap3A_1082 = tpu.vector_load %arg14[%swap3A_1081] {strides = array<i32>} : memref<480xf32, #tpu.memory_space<vmem>>, vector<16xf32>,
    tpu.vector_store %arg14[%swap3A_1081], %add3A_901 {strides = array<i32>} : memref<480xf32, #tpu.memory_space<vmem>>, vector<16xf32>,
    %swap3A_1083 = arith.constant 288 : index
    %swap3A_1084 = tpu.vector_load %arg14[%swap3A_1083] {strides = array<i32>} : memref<480xf32, #tpu.memory_space<vmem>>, vector<16xf32>,
    tpu.vector_store %arg14[%swap3A_1083], %add3A_903 {strides = array<i32>} : memref<480xf32, #tpu.memory_space<vmem>>, vector<16xf32>,
    %swap3A_1085 = arith.constant 64 : index
    %swap3A_1086 = tpu.vector_load %arg14[%swap3A_1085] {strides = array<i32>} : memref<480xf32, #tpu.memory_space<vmem>>, vector<16xf32>,
    tpu.vector_store %arg14[%swap3A_1085], %add3A_916 {strides = array<i32>} : memref<480xf32, #tpu.memory_space<vmem>>, vector<16xf32>,
    %swap3A_1087 = arith.constant 304 : index
    %swap3A_1088 = tpu.vector_load %arg14[%swap3A_1087] {strides = array<i32>} : memref<480xf32, #tpu.memory_space<vmem>>, vector<16xf32>,
    tpu.vector_store %arg14[%swap3A_1087], %add3A_918 {strides = array<i32>} : memref<480xf32, #tpu.memory_space<vmem>>, vector<16xf32>,
    %swap3A_1089 = arith.constant 80 : index
    %swap3A_1090 = tpu.vector_load %arg14[%swap3A_1089] {strides = array<i32>} : memref<480xf32, #tpu.memory_space<vmem>>, vector<16xf32>,
    tpu.vector_store %arg14[%swap3A_1089], %add3A_931 {strides = array<i32>} : memref<480xf32, #tpu.memory_space<vmem>>, vector<16xf32>,
    %swap3A_1091 = arith.constant 320 : index
    %swap3A_1092 = tpu.vector_load %arg14[%swap3A_1091] {strides = array<i32>} : memref<480xf32, #tpu.memory_space<vmem>>, vector<16xf32>,
    tpu.vector_store %arg14[%swap3A_1091], %add3A_933 {strides = array<i32>} : memref<480xf32, #tpu.memory_space<vmem>>, vector<16xf32>,
    %swap3A_1093 = arith.constant 96 : index
    %swap3A_1094 = tpu.vector_load %arg14[%swap3A_1093] {strides = array<i32>} : memref<480xf32, #tpu.memory_space<vmem>>, vector<16xf32>,
    tpu.vector_store %arg14[%swap3A_1093], %add3A_946 {strides = array<i32>} : memref<480xf32, #tpu.memory_space<vmem>>, vector<16xf32>,
    %swap3A_1095 = arith.constant 336 : index
    %swap3A_1096 = tpu.vector_load %arg14[%swap3A_1095] {strides = array<i32>} : memref<480xf32, #tpu.memory_space<vmem>>, vector<16xf32>,
    tpu.vector_store %arg14[%swap3A_1095], %add3A_948 {strides = array<i32>} : memref<480xf32, #tpu.memory_space<vmem>>, vector<16xf32>,
    %swap3A_1097 = arith.constant 112 : index
    %swap3A_1098 = tpu.vector_load %arg14[%swap3A_1097] {strides = array<i32>} : memref<480xf32, #tpu.memory_space<vmem>>, vector<16xf32>,
    tpu.vector_store %arg14[%swap3A_1097], %add3A_961 {strides = array<i32>} : memref<480xf32, #tpu.memory_space<vmem>>, vector<16xf32>,
    %swap3A_1099 = arith.constant 352 : index
    %swap3A_1100 = tpu.vector_load %arg14[%swap3A_1099] {strides = array<i32>} : memref<480xf32, #tpu.memory_space<vmem>>, vector<16xf32>,
    tpu.vector_store %arg14[%swap3A_1099], %add3A_963 {strides = array<i32>} : memref<480xf32, #tpu.memory_space<vmem>>, vector<16xf32>,
    %swap3A_1101 = arith.constant 128 : index
    %swap3A_1102 = tpu.vector_load %arg14[%swap3A_1101] {strides = array<i32>} : memref<480xf32, #tpu.memory_space<vmem>>, vector<16xf32>,
    tpu.vector_store %arg14[%swap3A_1101], %add3A_976 {strides = array<i32>} : memref<480xf32, #tpu.memory_space<vmem>>, vector<16xf32>,
    %swap3A_1103 = arith.constant 368 : index
    %swap3A_1104 = tpu.vector_load %arg14[%swap3A_1103] {strides = array<i32>} : memref<480xf32, #tpu.memory_space<vmem>>, vector<16xf32>,
    tpu.vector_store %arg14[%swap3A_1103], %add3A_978 {strides = array<i32>} : memref<480xf32, #tpu.memory_space<vmem>>, vector<16xf32>,
    %swap3A_1105 = arith.constant 144 : index
    %swap3A_1106 = tpu.vector_load %arg14[%swap3A_1105] {strides = array<i32>} : memref<480xf32, #tpu.memory_space<vmem>>, vector<16xf32>,
    tpu.vector_store %arg14[%swap3A_1105], %add3A_991 {strides = array<i32>} : memref<480xf32, #tpu.memory_space<vmem>>, vector<16xf32>,
    %swap3A_1107 = arith.constant 384 : index
    %swap3A_1108 = tpu.vector_load %arg14[%swap3A_1107] {strides = array<i32>} : memref<480xf32, #tpu.memory_space<vmem>>, vector<16xf32>,
    tpu.vector_store %arg14[%swap3A_1107], %add3A_993 {strides = array<i32>} : memref<480xf32, #tpu.memory_space<vmem>>, vector<16xf32>,
    %swap3A_1109 = arith.constant 160 : index
    %swap3A_1110 = tpu.vector_load %arg14[%swap3A_1109] {strides = array<i32>} : memref<480xf32, #tpu.memory_space<vmem>>, vector<16xf32>,
    tpu.vector_store %arg14[%swap3A_1109], %add3A_1006 {strides = array<i32>} : memref<480xf32, #tpu.memory_space<vmem>>, vector<16xf32>,
    %swap3A_1111 = arith.constant 400 : index
    %swap3A_1112 = tpu.vector_load %arg14[%swap3A_1111] {strides = array<i32>} : memref<480xf32, #tpu.memory_space<vmem>>, vector<16xf32>,
    tpu.vector_store %arg14[%swap3A_1111], %add3A_1008 {strides = array<i32>} : memref<480xf32, #tpu.memory_space<vmem>>, vector<16xf32>,
    %swap3A_1113 = arith.constant 176 : index
    %swap3A_1114 = tpu.vector_load %arg14[%swap3A_1113] {strides = array<i32>} : memref<480xf32, #tpu.memory_space<vmem>>, vector<16xf32>,
    tpu.vector_store %arg14[%swap3A_1113], %add3A_1021 {strides = array<i32>} : memref<480xf32, #tpu.memory_space<vmem>>, vector<16xf32>,
    %swap3A_1115 = arith.constant 416 : index
    %swap3A_1116 = tpu.vector_load %arg14[%swap3A_1115] {strides = array<i32>} : memref<480xf32, #tpu.memory_space<vmem>>, vector<16xf32>,
    tpu.vector_store %arg14[%swap3A_1115], %add3A_1023 {strides = array<i32>} : memref<480xf32, #tpu.memory_space<vmem>>, vector<16xf32>,
    %swap3A_1117 = arith.constant 192 : index
    %swap3A_1118 = tpu.vector_load %arg14[%swap3A_1117] {strides = array<i32>} : memref<480xf32, #tpu.memory_space<vmem>>, vector<16xf32>,
    tpu.vector_store %arg14[%swap3A_1117], %add3A_1036 {strides = array<i32>} : memref<480xf32, #tpu.memory_space<vmem>>, vector<16xf32>,
    %swap3A_1119 = arith.constant 432 : index
    %swap3A_1120 = tpu.vector_load %arg14[%swap3A_1119] {strides = array<i32>} : memref<480xf32, #tpu.memory_space<vmem>>, vector<16xf32>,
    tpu.vector_store %arg14[%swap3A_1119], %add3A_1038 {strides = array<i32>} : memref<480xf32, #tpu.memory_space<vmem>>, vector<16xf32>,
    %swap3A_1121 = arith.constant 208 : index
    %swap3A_1122 = tpu.vector_load %arg14[%swap3A_1121] {strides = array<i32>} : memref<480xf32, #tpu.memory_space<vmem>>, vector<16xf32>,
    tpu.vector_store %arg14[%swap3A_1121], %add3A_1051 {strides = array<i32>} : memref<480xf32, #tpu.memory_space<vmem>>, vector<16xf32>,
    %swap3A_1123 = arith.constant 448 : index
    %swap3A_1124 = tpu.vector_load %arg14[%swap3A_1123] {strides = array<i32>} : memref<480xf32, #tpu.memory_space<vmem>>, vector<16xf32>,
    tpu.vector_store %arg14[%swap3A_1123], %add3A_1053 {strides = array<i32>} : memref<480xf32, #tpu.memory_space<vmem>>, vector<16xf32>,
    %swap3A_1125 = arith.constant 224 : index
    %swap3A_1126 = tpu.vector_load %arg14[%swap3A_1125] {strides = array<i32>} : memref<480xf32, #tpu.memory_space<vmem>>, vector<16xf32>,
    tpu.vector_store %arg14[%swap3A_1125], %add3A_1066 {strides = array<i32>} : memref<480xf32, #tpu.memory_space<vmem>>, vector<16xf32>,
    %swap3A_1127 = arith.constant 464 : index
    %swap3A_1128 = tpu.vector_load %arg14[%swap3A_1127] {strides = array<i32>} : memref<480xf32, #tpu.memory_space<vmem>>, vector<16xf32>,
    tpu.vector_store %arg14[%swap3A_1127], %add3A_1068 {strides = array<i32>} : memref<480xf32, #tpu.memory_space<vmem>>, vector<16xf32>,
    %mul3A_1129 = arith.constant 480 : i32
    %mul3A_1130 = arith.muli %arg1, %mul3A_1129 : i32
    "tpu.region"() ({
      %run_scoped3A = tpu.sem_alloc : memref<!tpu.dma_semaphore, #tpu.memory_space<semaphore_mem>>
      %dma_start3A = tpu.memref_slice %arg20[%mul3A_1130] : memref<7680xf32, #tpu.memory_space<vmem_shared>> -> memref<480xf32, #tpu.memory_space<vmem_shared>>
      %dma_start3A_2748 = tpu.memref_slice %arg20[%mul3A_1130] : memref<7680xf32, #tpu.memory_space<vmem_shared>> -> memref<480xf32, #tpu.memory_space<vmem_shared>>
      tpu.enqueue_dma source(%arg14 : memref<480xf32, #tpu.memory_space<vmem>>) target(%dma_start3A_2748 : memref<480xf32, #tpu.memory_space<vmem_shared>>) target_semaphore(%run_scoped3A : memref<!tpu.dma_semaphore, #tpu.memory_space<semaphore_mem>>)
      %dma_wait3A = tpu.memref_slice %arg20[%mul3A_1130] : memref<7680xf32, #tpu.memory_space<vmem_shared>> -> memref<480xf32, #tpu.memory_space<vmem_shared>>
      %dma_wait3A_2749 = tpu.memref_slice %arg20[%mul3A_1130] : memref<7680xf32, #tpu.memory_space<vmem_shared>> -> memref<480xf32, #tpu.memory_space<vmem_shared>>
      tpu.wait_dma2 semaphore(%run_scoped3A : memref<!tpu.dma_semaphore, #tpu.memory_space<semaphore_mem>>) src(%arg14 : memref<480xf32, #tpu.memory_space<vmem>>) dst(%dma_wait3A_2749 : memref<480xf32, #tpu.memory_space<vmem_shared>>)
      tpu.yield
    }) : () -> ()
    %barrier3A_1131 = arith.constant 0 : index
    tpu.barrier barrier_id(%barrier3A_1131)
    "tpu.region"() ({
      %run_scoped3A = tpu.sem_alloc : memref<!tpu.dma_semaphore, #tpu.memory_space<semaphore_mem>>
      tpu.enqueue_dma source(%arg20 : memref<7680xf32, #tpu.memory_space<vmem_shared>>) target(%arg15 : memref<7680xf32, #tpu.memory_space<vmem>>) target_semaphore(%run_scoped3A : memref<!tpu.dma_semaphore, #tpu.memory_space<semaphore_mem>>)
      tpu.wait_dma2 semaphore(%run_scoped3A : memref<!tpu.dma_semaphore, #tpu.memory_space<semaphore_mem>>) src(%arg20 : memref<7680xf32, #tpu.memory_space<vmem_shared>>) dst(%arg15 : memref<7680xf32, #tpu.memory_space<vmem>>)
      tpu.yield
    }) : () -> ()
    %get3A_1132 = arith.constant 0 : index
    %get3A_1133 = tpu.vector_load %arg15[%get3A_1132] {strides = array<i32>} : memref<7680xf32, #tpu.memory_space<vmem>>, vector<16xf32>,
    %add3A_1134 = arith.addf %broadcast_in_dim3A_0, %get3A_1133 : vector<16xf32>
    %get3A_1135 = arith.constant 240 : index
    %get3A_1136 = tpu.vector_load %arg15[%get3A_1135] {strides = array<i32>} : memref<7680xf32, #tpu.memory_space<vmem>>, vector<16xf32>,
    %add3A_1137 = arith.addf %broadcast_in_dim3A_0, %get3A_1136 : vector<16xf32>
    %get3A_1138 = arith.constant 480 : index
    %get3A_1139 = tpu.vector_load %arg15[%get3A_1138] {strides = array<i32>} : memref<7680xf32, #tpu.memory_space<vmem>>, vector<16xf32>,
    %add3A_1140 = arith.addf %add3A_1134, %get3A_1139 : vector<16xf32>
    %get3A_1141 = arith.constant 720 : index
    %get3A_1142 = tpu.vector_load %arg15[%get3A_1141] {strides = array<i32>} : memref<7680xf32, #tpu.memory_space<vmem>>, vector<16xf32>,
    %add3A_1143 = arith.addf %add3A_1137, %get3A_1142 : vector<16xf32>
    %get3A_1144 = arith.constant 960 : index
    %get3A_1145 = tpu.vector_load %arg15[%get3A_1144] {strides = array<i32>} : memref<7680xf32, #tpu.memory_space<vmem>>, vector<16xf32>,
    %add3A_1146 = arith.addf %add3A_1140, %get3A_1145 : vector<16xf32>
    %get3A_1147 = arith.constant 1200 : index
    %get3A_1148 = tpu.vector_load %arg15[%get3A_1147] {strides = array<i32>} : memref<7680xf32, #tpu.memory_space<vmem>>, vector<16xf32>,
    %add3A_1149 = arith.addf %add3A_1143, %get3A_1148 : vector<16xf32>
    %get3A_1150 = arith.constant 1440 : index
    %get3A_1151 = tpu.vector_load %arg15[%get3A_1150] {strides = array<i32>} : memref<7680xf32, #tpu.memory_space<vmem>>, vector<16xf32>,
    %add3A_1152 = arith.addf %add3A_1146, %get3A_1151 : vector<16xf32>
    %get3A_1153 = arith.constant 1680 : index
    %get3A_1154 = tpu.vector_load %arg15[%get3A_1153] {strides = array<i32>} : memref<7680xf32, #tpu.memory_space<vmem>>, vector<16xf32>,
    %add3A_1155 = arith.addf %add3A_1149, %get3A_1154 : vector<16xf32>
    %get3A_1156 = arith.constant 1920 : index
    %get3A_1157 = tpu.vector_load %arg15[%get3A_1156] {strides = array<i32>} : memref<7680xf32, #tpu.memory_space<vmem>>, vector<16xf32>,
    %add3A_1158 = arith.addf %add3A_1152, %get3A_1157 : vector<16xf32>
    %get3A_1159 = arith.constant 2160 : index
    %get3A_1160 = tpu.vector_load %arg15[%get3A_1159] {strides = array<i32>} : memref<7680xf32, #tpu.memory_space<vmem>>, vector<16xf32>,
    %add3A_1161 = arith.addf %add3A_1155, %get3A_1160 : vector<16xf32>
    %get3A_1162 = arith.constant 2400 : index
    %get3A_1163 = tpu.vector_load %arg15[%get3A_1162] {strides = array<i32>} : memref<7680xf32, #tpu.memory_space<vmem>>, vector<16xf32>,
    %add3A_1164 = arith.addf %add3A_1158, %get3A_1163 : vector<16xf32>
    %get3A_1165 = arith.constant 2640 : index
    %get3A_1166 = tpu.vector_load %arg15[%get3A_1165] {strides = array<i32>} : memref<7680xf32, #tpu.memory_space<vmem>>, vector<16xf32>,
    %add3A_1167 = arith.addf %add3A_1161, %get3A_1166 : vector<16xf32>
    %get3A_1168 = arith.constant 2880 : index
    %get3A_1169 = tpu.vector_load %arg15[%get3A_1168] {strides = array<i32>} : memref<7680xf32, #tpu.memory_space<vmem>>, vector<16xf32>,
    %add3A_1170 = arith.addf %add3A_1164, %get3A_1169 : vector<16xf32>
    %get3A_1171 = arith.constant 3120 : index
    %get3A_1172 = tpu.vector_load %arg15[%get3A_1171] {strides = array<i32>} : memref<7680xf32, #tpu.memory_space<vmem>>, vector<16xf32>,
    %add3A_1173 = arith.addf %add3A_1167, %get3A_1172 : vector<16xf32>
    %get3A_1174 = arith.constant 3360 : index
    %get3A_1175 = tpu.vector_load %arg15[%get3A_1174] {strides = array<i32>} : memref<7680xf32, #tpu.memory_space<vmem>>, vector<16xf32>,
    %add3A_1176 = arith.addf %add3A_1170, %get3A_1175 : vector<16xf32>
    %get3A_1177 = arith.constant 3600 : index
    %get3A_1178 = tpu.vector_load %arg15[%get3A_1177] {strides = array<i32>} : memref<7680xf32, #tpu.memory_space<vmem>>, vector<16xf32>,
    %add3A_1179 = arith.addf %add3A_1173, %get3A_1178 : vector<16xf32>
    %get3A_1180 = arith.constant 3840 : index
    %get3A_1181 = tpu.vector_load %arg15[%get3A_1180] {strides = array<i32>} : memref<7680xf32, #tpu.memory_space<vmem>>, vector<16xf32>,
    %add3A_1182 = arith.addf %add3A_1176, %get3A_1181 : vector<16xf32>
    %get3A_1183 = arith.constant 4080 : index
    %get3A_1184 = tpu.vector_load %arg15[%get3A_1183] {strides = array<i32>} : memref<7680xf32, #tpu.memory_space<vmem>>, vector<16xf32>,
    %add3A_1185 = arith.addf %add3A_1179, %get3A_1184 : vector<16xf32>
    %get3A_1186 = arith.constant 4320 : index
    %get3A_1187 = tpu.vector_load %arg15[%get3A_1186] {strides = array<i32>} : memref<7680xf32, #tpu.memory_space<vmem>>, vector<16xf32>,
    %add3A_1188 = arith.addf %add3A_1182, %get3A_1187 : vector<16xf32>
    %get3A_1189 = arith.constant 4560 : index
    %get3A_1190 = tpu.vector_load %arg15[%get3A_1189] {strides = array<i32>} : memref<7680xf32, #tpu.memory_space<vmem>>, vector<16xf32>,
    %add3A_1191 = arith.addf %add3A_1185, %get3A_1190 : vector<16xf32>
    %get3A_1192 = arith.constant 4800 : index
    %get3A_1193 = tpu.vector_load %arg15[%get3A_1192] {strides = array<i32>} : memref<7680xf32, #tpu.memory_space<vmem>>, vector<16xf32>,
    %add3A_1194 = arith.addf %add3A_1188, %get3A_1193 : vector<16xf32>
    %get3A_1195 = arith.constant 5040 : index
    %get3A_1196 = tpu.vector_load %arg15[%get3A_1195] {strides = array<i32>} : memref<7680xf32, #tpu.memory_space<vmem>>, vector<16xf32>,
    %add3A_1197 = arith.addf %add3A_1191, %get3A_1196 : vector<16xf32>
    %get3A_1198 = arith.constant 5280 : index
    %get3A_1199 = tpu.vector_load %arg15[%get3A_1198] {strides = array<i32>} : memref<7680xf32, #tpu.memory_space<vmem>>, vector<16xf32>,
    %add3A_1200 = arith.addf %add3A_1194, %get3A_1199 : vector<16xf32>
    %get3A_1201 = arith.constant 5520 : index
    %get3A_1202 = tpu.vector_load %arg15[%get3A_1201] {strides = array<i32>} : memref<7680xf32, #tpu.memory_space<vmem>>, vector<16xf32>,
    %add3A_1203 = arith.addf %add3A_1197, %get3A_1202 : vector<16xf32>
    %get3A_1204 = arith.constant 5760 : index
    %get3A_1205 = tpu.vector_load %arg15[%get3A_1204] {strides = array<i32>} : memref<7680xf32, #tpu.memory_space<vmem>>, vector<16xf32>,
    %add3A_1206 = arith.addf %add3A_1200, %get3A_1205 : vector<16xf32>
    %get3A_1207 = arith.constant 6000 : index
    %get3A_1208 = tpu.vector_load %arg15[%get3A_1207] {strides = array<i32>} : memref<7680xf32, #tpu.memory_space<vmem>>, vector<16xf32>,
    %add3A_1209 = arith.addf %add3A_1203, %get3A_1208 : vector<16xf32>
    %get3A_1210 = arith.constant 6240 : index
    %get3A_1211 = tpu.vector_load %arg15[%get3A_1210] {strides = array<i32>} : memref<7680xf32, #tpu.memory_space<vmem>>, vector<16xf32>,
    %add3A_1212 = arith.addf %add3A_1206, %get3A_1211 : vector<16xf32>
    %get3A_1213 = arith.constant 6480 : index
    %get3A_1214 = tpu.vector_load %arg15[%get3A_1213] {strides = array<i32>} : memref<7680xf32, #tpu.memory_space<vmem>>, vector<16xf32>,
    %add3A_1215 = arith.addf %add3A_1209, %get3A_1214 : vector<16xf32>
    %get3A_1216 = arith.constant 6720 : index
    %get3A_1217 = tpu.vector_load %arg15[%get3A_1216] {strides = array<i32>} : memref<7680xf32, #tpu.memory_space<vmem>>, vector<16xf32>,
    %add3A_1218 = arith.addf %add3A_1212, %get3A_1217 : vector<16xf32>
    %get3A_1219 = arith.constant 6960 : index
    %get3A_1220 = tpu.vector_load %arg15[%get3A_1219] {strides = array<i32>} : memref<7680xf32, #tpu.memory_space<vmem>>, vector<16xf32>,
    %add3A_1221 = arith.addf %add3A_1215, %get3A_1220 : vector<16xf32>
    %get3A_1222 = arith.constant 7200 : index
    %get3A_1223 = tpu.vector_load %arg15[%get3A_1222] {strides = array<i32>} : memref<7680xf32, #tpu.memory_space<vmem>>, vector<16xf32>,
    %add3A_1224 = arith.addf %add3A_1218, %get3A_1223 : vector<16xf32>
    %get3A_1225 = arith.constant 7440 : index
    %get3A_1226 = tpu.vector_load %arg15[%get3A_1225] {strides = array<i32>} : memref<7680xf32, #tpu.memory_space<vmem>>, vector<16xf32>,
    %add3A_1227 = arith.addf %add3A_1221, %get3A_1226 : vector<16xf32>
    %reduce_sum3A = arith.constant true
    %reduce_sum3A_1228 = vector.broadcast %reduce_sum3A : i1 to vector<16xi1>
    %reduce_sum3A_1229 = tpu.scan <sum>, %add3A_1224 masked %reduce_sum3A_1228 : vector<16xf32>, vector<16xi1> -> vector<16xf32>
    %reduce_sum3A_1230 = vector.extract %reduce_sum3A_1229[15] : f32 from vector<16xf32>
    %reduce_sum3A_1231 = arith.constant true
    %reduce_sum3A_1232 = vector.broadcast %reduce_sum3A_1231 : i1 to vector<16xi1>
    %reduce_sum3A_1233 = tpu.scan <sum>, %add3A_1227 masked %reduce_sum3A_1232 : vector<16xf32>, vector<16xi1> -> vector<16xf32>
    %reduce_sum3A_1234 = vector.extract %reduce_sum3A_1233[15] : f32 from vector<16xf32>
    %sub3A_1235 = arith.subf %reduce_sum3A_1230, %reduce_sum3A_1234 : f32
    %abs3A = math.absf %sub3A_1235 : f32
    %add3A_1236 = arith.constant 0.000000e+00 : f32
    %add3A_1237 = arith.addf %add3A_1236, %abs3A : f32
    %get3A_1238 = arith.constant 16 : index
    %get3A_1239 = tpu.vector_load %arg15[%get3A_1238] {strides = array<i32>} : memref<7680xf32, #tpu.memory_space<vmem>>, vector<16xf32>,
    %add3A_1240 = arith.addf %broadcast_in_dim3A_0, %get3A_1239 : vector<16xf32>
    %get3A_1241 = arith.constant 256 : index
    %get3A_1242 = tpu.vector_load %arg15[%get3A_1241] {strides = array<i32>} : memref<7680xf32, #tpu.memory_space<vmem>>, vector<16xf32>,
    %add3A_1243 = arith.addf %broadcast_in_dim3A_0, %get3A_1242 : vector<16xf32>
    %get3A_1244 = arith.constant 496 : index
    %get3A_1245 = tpu.vector_load %arg15[%get3A_1244] {strides = array<i32>} : memref<7680xf32, #tpu.memory_space<vmem>>, vector<16xf32>,
    %add3A_1246 = arith.addf %add3A_1240, %get3A_1245 : vector<16xf32>
    %get3A_1247 = arith.constant 736 : index
    %get3A_1248 = tpu.vector_load %arg15[%get3A_1247] {strides = array<i32>} : memref<7680xf32, #tpu.memory_space<vmem>>, vector<16xf32>,
    %add3A_1249 = arith.addf %add3A_1243, %get3A_1248 : vector<16xf32>
    %get3A_1250 = arith.constant 976 : index
    %get3A_1251 = tpu.vector_load %arg15[%get3A_1250] {strides = array<i32>} : memref<7680xf32, #tpu.memory_space<vmem>>, vector<16xf32>,
    %add3A_1252 = arith.addf %add3A_1246, %get3A_1251 : vector<16xf32>
    %get3A_1253 = arith.constant 1216 : index
    %get3A_1254 = tpu.vector_load %arg15[%get3A_1253] {strides = array<i32>} : memref<7680xf32, #tpu.memory_space<vmem>>, vector<16xf32>,
    %add3A_1255 = arith.addf %add3A_1249, %get3A_1254 : vector<16xf32>
    %get3A_1256 = arith.constant 1456 : index
    %get3A_1257 = tpu.vector_load %arg15[%get3A_1256] {strides = array<i32>} : memref<7680xf32, #tpu.memory_space<vmem>>, vector<16xf32>,
    %add3A_1258 = arith.addf %add3A_1252, %get3A_1257 : vector<16xf32>
    %get3A_1259 = arith.constant 1696 : index
    %get3A_1260 = tpu.vector_load %arg15[%get3A_1259] {strides = array<i32>} : memref<7680xf32, #tpu.memory_space<vmem>>, vector<16xf32>,
    %add3A_1261 = arith.addf %add3A_1255, %get3A_1260 : vector<16xf32>
    %get3A_1262 = arith.constant 1936 : index
    %get3A_1263 = tpu.vector_load %arg15[%get3A_1262] {strides = array<i32>} : memref<7680xf32, #tpu.memory_space<vmem>>, vector<16xf32>,
    %add3A_1264 = arith.addf %add3A_1258, %get3A_1263 : vector<16xf32>
    %get3A_1265 = arith.constant 2176 : index
    %get3A_1266 = tpu.vector_load %arg15[%get3A_1265] {strides = array<i32>} : memref<7680xf32, #tpu.memory_space<vmem>>, vector<16xf32>,
    %add3A_1267 = arith.addf %add3A_1261, %get3A_1266 : vector<16xf32>
    %get3A_1268 = arith.constant 2416 : index
    %get3A_1269 = tpu.vector_load %arg15[%get3A_1268] {strides = array<i32>} : memref<7680xf32, #tpu.memory_space<vmem>>, vector<16xf32>,
    %add3A_1270 = arith.addf %add3A_1264, %get3A_1269 : vector<16xf32>
    %get3A_1271 = arith.constant 2656 : index
    %get3A_1272 = tpu.vector_load %arg15[%get3A_1271] {strides = array<i32>} : memref<7680xf32, #tpu.memory_space<vmem>>, vector<16xf32>,
    %add3A_1273 = arith.addf %add3A_1267, %get3A_1272 : vector<16xf32>
    %get3A_1274 = arith.constant 2896 : index
    %get3A_1275 = tpu.vector_load %arg15[%get3A_1274] {strides = array<i32>} : memref<7680xf32, #tpu.memory_space<vmem>>, vector<16xf32>,
    %add3A_1276 = arith.addf %add3A_1270, %get3A_1275 : vector<16xf32>
    %get3A_1277 = arith.constant 3136 : index
    %get3A_1278 = tpu.vector_load %arg15[%get3A_1277] {strides = array<i32>} : memref<7680xf32, #tpu.memory_space<vmem>>, vector<16xf32>,
    %add3A_1279 = arith.addf %add3A_1273, %get3A_1278 : vector<16xf32>
    %get3A_1280 = arith.constant 3376 : index
    %get3A_1281 = tpu.vector_load %arg15[%get3A_1280] {strides = array<i32>} : memref<7680xf32, #tpu.memory_space<vmem>>, vector<16xf32>,
    %add3A_1282 = arith.addf %add3A_1276, %get3A_1281 : vector<16xf32>
    %get3A_1283 = arith.constant 3616 : index
    %get3A_1284 = tpu.vector_load %arg15[%get3A_1283] {strides = array<i32>} : memref<7680xf32, #tpu.memory_space<vmem>>, vector<16xf32>,
    %add3A_1285 = arith.addf %add3A_1279, %get3A_1284 : vector<16xf32>
    %get3A_1286 = arith.constant 3856 : index
    %get3A_1287 = tpu.vector_load %arg15[%get3A_1286] {strides = array<i32>} : memref<7680xf32, #tpu.memory_space<vmem>>, vector<16xf32>,
    %add3A_1288 = arith.addf %add3A_1282, %get3A_1287 : vector<16xf32>
    %get3A_1289 = arith.constant 4096 : index
    %get3A_1290 = tpu.vector_load %arg15[%get3A_1289] {strides = array<i32>} : memref<7680xf32, #tpu.memory_space<vmem>>, vector<16xf32>,
    %add3A_1291 = arith.addf %add3A_1285, %get3A_1290 : vector<16xf32>
    %get3A_1292 = arith.constant 4336 : index
    %get3A_1293 = tpu.vector_load %arg15[%get3A_1292] {strides = array<i32>} : memref<7680xf32, #tpu.memory_space<vmem>>, vector<16xf32>,
    %add3A_1294 = arith.addf %add3A_1288, %get3A_1293 : vector<16xf32>
    %get3A_1295 = arith.constant 4576 : index
    %get3A_1296 = tpu.vector_load %arg15[%get3A_1295] {strides = array<i32>} : memref<7680xf32, #tpu.memory_space<vmem>>, vector<16xf32>,
    %add3A_1297 = arith.addf %add3A_1291, %get3A_1296 : vector<16xf32>
    %get3A_1298 = arith.constant 4816 : index
    %get3A_1299 = tpu.vector_load %arg15[%get3A_1298] {strides = array<i32>} : memref<7680xf32, #tpu.memory_space<vmem>>, vector<16xf32>,
    %add3A_1300 = arith.addf %add3A_1294, %get3A_1299 : vector<16xf32>
    %get3A_1301 = arith.constant 5056 : index
    %get3A_1302 = tpu.vector_load %arg15[%get3A_1301] {strides = array<i32>} : memref<7680xf32, #tpu.memory_space<vmem>>, vector<16xf32>,
    %add3A_1303 = arith.addf %add3A_1297, %get3A_1302 : vector<16xf32>
    %get3A_1304 = arith.constant 5296 : index
    %get3A_1305 = tpu.vector_load %arg15[%get3A_1304] {strides = array<i32>} : memref<7680xf32, #tpu.memory_space<vmem>>, vector<16xf32>,
    %add3A_1306 = arith.addf %add3A_1300, %get3A_1305 : vector<16xf32>
    %get3A_1307 = arith.constant 5536 : index
    %get3A_1308 = tpu.vector_load %arg15[%get3A_1307] {strides = array<i32>} : memref<7680xf32, #tpu.memory_space<vmem>>, vector<16xf32>,
    %add3A_1309 = arith.addf %add3A_1303, %get3A_1308 : vector<16xf32>
    %get3A_1310 = arith.constant 5776 : index
    %get3A_1311 = tpu.vector_load %arg15[%get3A_1310] {strides = array<i32>} : memref<7680xf32, #tpu.memory_space<vmem>>, vector<16xf32>,
    %add3A_1312 = arith.addf %add3A_1306, %get3A_1311 : vector<16xf32>
    %get3A_1313 = arith.constant 6016 : index
    %get3A_1314 = tpu.vector_load %arg15[%get3A_1313] {strides = array<i32>} : memref<7680xf32, #tpu.memory_space<vmem>>, vector<16xf32>,
    %add3A_1315 = arith.addf %add3A_1309, %get3A_1314 : vector<16xf32>
    %get3A_1316 = arith.constant 6256 : index
    %get3A_1317 = tpu.vector_load %arg15[%get3A_1316] {strides = array<i32>} : memref<7680xf32, #tpu.memory_space<vmem>>, vector<16xf32>,
    %add3A_1318 = arith.addf %add3A_1312, %get3A_1317 : vector<16xf32>
    %get3A_1319 = arith.constant 6496 : index
    %get3A_1320 = tpu.vector_load %arg15[%get3A_1319] {strides = array<i32>} : memref<7680xf32, #tpu.memory_space<vmem>>, vector<16xf32>,
    %add3A_1321 = arith.addf %add3A_1315, %get3A_1320 : vector<16xf32>
    %get3A_1322 = arith.constant 6736 : index
    %get3A_1323 = tpu.vector_load %arg15[%get3A_1322] {strides = array<i32>} : memref<7680xf32, #tpu.memory_space<vmem>>, vector<16xf32>,
    %add3A_1324 = arith.addf %add3A_1318, %get3A_1323 : vector<16xf32>
    %get3A_1325 = arith.constant 6976 : index
    %get3A_1326 = tpu.vector_load %arg15[%get3A_1325] {strides = array<i32>} : memref<7680xf32, #tpu.memory_space<vmem>>, vector<16xf32>,
    %add3A_1327 = arith.addf %add3A_1321, %get3A_1326 : vector<16xf32>
    %get3A_1328 = arith.constant 7216 : index
    %get3A_1329 = tpu.vector_load %arg15[%get3A_1328] {strides = array<i32>} : memref<7680xf32, #tpu.memory_space<vmem>>, vector<16xf32>,
    %add3A_1330 = arith.addf %add3A_1324, %get3A_1329 : vector<16xf32>
    %get3A_1331 = arith.constant 7456 : index
    %get3A_1332 = tpu.vector_load %arg15[%get3A_1331] {strides = array<i32>} : memref<7680xf32, #tpu.memory_space<vmem>>, vector<16xf32>,
    %add3A_1333 = arith.addf %add3A_1327, %get3A_1332 : vector<16xf32>
    %reduce_sum3A_1334 = arith.constant true
    %reduce_sum3A_1335 = vector.broadcast %reduce_sum3A_1334 : i1 to vector<16xi1>
    %reduce_sum3A_1336 = tpu.scan <sum>, %add3A_1330 masked %reduce_sum3A_1335 : vector<16xf32>, vector<16xi1> -> vector<16xf32>
    %reduce_sum3A_1337 = vector.extract %reduce_sum3A_1336[15] : f32 from vector<16xf32>
    %reduce_sum3A_1338 = arith.constant true
    %reduce_sum3A_1339 = vector.broadcast %reduce_sum3A_1338 : i1 to vector<16xi1>
    %reduce_sum3A_1340 = tpu.scan <sum>, %add3A_1333 masked %reduce_sum3A_1339 : vector<16xf32>, vector<16xi1> -> vector<16xf32>
    %reduce_sum3A_1341 = vector.extract %reduce_sum3A_1340[15] : f32 from vector<16xf32>
    %sub3A_1342 = arith.subf %reduce_sum3A_1337, %reduce_sum3A_1341 : f32
    %abs3A_1343 = math.absf %sub3A_1342 : f32
    %add3A_1344 = arith.addf %add3A_1237, %abs3A_1343 : f32
    %get3A_1345 = arith.constant 32 : index
    %get3A_1346 = tpu.vector_load %arg15[%get3A_1345] {strides = array<i32>} : memref<7680xf32, #tpu.memory_space<vmem>>, vector<16xf32>,
    %add3A_1347 = arith.addf %broadcast_in_dim3A_0, %get3A_1346 : vector<16xf32>
    %get3A_1348 = arith.constant 272 : index
    %get3A_1349 = tpu.vector_load %arg15[%get3A_1348] {strides = array<i32>} : memref<7680xf32, #tpu.memory_space<vmem>>, vector<16xf32>,
    %add3A_1350 = arith.addf %broadcast_in_dim3A_0, %get3A_1349 : vector<16xf32>
    %get3A_1351 = arith.constant 512 : index
    %get3A_1352 = tpu.vector_load %arg15[%get3A_1351] {strides = array<i32>} : memref<7680xf32, #tpu.memory_space<vmem>>, vector<16xf32>,
    %add3A_1353 = arith.addf %add3A_1347, %get3A_1352 : vector<16xf32>
    %get3A_1354 = arith.constant 752 : index
    %get3A_1355 = tpu.vector_load %arg15[%get3A_1354] {strides = array<i32>} : memref<7680xf32, #tpu.memory_space<vmem>>, vector<16xf32>,
    %add3A_1356 = arith.addf %add3A_1350, %get3A_1355 : vector<16xf32>
    %get3A_1357 = arith.constant 992 : index
    %get3A_1358 = tpu.vector_load %arg15[%get3A_1357] {strides = array<i32>} : memref<7680xf32, #tpu.memory_space<vmem>>, vector<16xf32>,
    %add3A_1359 = arith.addf %add3A_1353, %get3A_1358 : vector<16xf32>
    %get3A_1360 = arith.constant 1232 : index
    %get3A_1361 = tpu.vector_load %arg15[%get3A_1360] {strides = array<i32>} : memref<7680xf32, #tpu.memory_space<vmem>>, vector<16xf32>,
    %add3A_1362 = arith.addf %add3A_1356, %get3A_1361 : vector<16xf32>
    %get3A_1363 = arith.constant 1472 : index
    %get3A_1364 = tpu.vector_load %arg15[%get3A_1363] {strides = array<i32>} : memref<7680xf32, #tpu.memory_space<vmem>>, vector<16xf32>,
    %add3A_1365 = arith.addf %add3A_1359, %get3A_1364 : vector<16xf32>
    %get3A_1366 = arith.constant 1712 : index
    %get3A_1367 = tpu.vector_load %arg15[%get3A_1366] {strides = array<i32>} : memref<7680xf32, #tpu.memory_space<vmem>>, vector<16xf32>,
    %add3A_1368 = arith.addf %add3A_1362, %get3A_1367 : vector<16xf32>
    %get3A_1369 = arith.constant 1952 : index
    %get3A_1370 = tpu.vector_load %arg15[%get3A_1369] {strides = array<i32>} : memref<7680xf32, #tpu.memory_space<vmem>>, vector<16xf32>,
    %add3A_1371 = arith.addf %add3A_1365, %get3A_1370 : vector<16xf32>
    %get3A_1372 = arith.constant 2192 : index
    %get3A_1373 = tpu.vector_load %arg15[%get3A_1372] {strides = array<i32>} : memref<7680xf32, #tpu.memory_space<vmem>>, vector<16xf32>,
    %add3A_1374 = arith.addf %add3A_1368, %get3A_1373 : vector<16xf32>
    %get3A_1375 = arith.constant 2432 : index
    %get3A_1376 = tpu.vector_load %arg15[%get3A_1375] {strides = array<i32>} : memref<7680xf32, #tpu.memory_space<vmem>>, vector<16xf32>,
    %add3A_1377 = arith.addf %add3A_1371, %get3A_1376 : vector<16xf32>
    %get3A_1378 = arith.constant 2672 : index
    %get3A_1379 = tpu.vector_load %arg15[%get3A_1378] {strides = array<i32>} : memref<7680xf32, #tpu.memory_space<vmem>>, vector<16xf32>,
    %add3A_1380 = arith.addf %add3A_1374, %get3A_1379 : vector<16xf32>
    %get3A_1381 = arith.constant 2912 : index
    %get3A_1382 = tpu.vector_load %arg15[%get3A_1381] {strides = array<i32>} : memref<7680xf32, #tpu.memory_space<vmem>>, vector<16xf32>,
    %add3A_1383 = arith.addf %add3A_1377, %get3A_1382 : vector<16xf32>
    %get3A_1384 = arith.constant 3152 : index
    %get3A_1385 = tpu.vector_load %arg15[%get3A_1384] {strides = array<i32>} : memref<7680xf32, #tpu.memory_space<vmem>>, vector<16xf32>,
    %add3A_1386 = arith.addf %add3A_1380, %get3A_1385 : vector<16xf32>
    %get3A_1387 = arith.constant 3392 : index
    %get3A_1388 = tpu.vector_load %arg15[%get3A_1387] {strides = array<i32>} : memref<7680xf32, #tpu.memory_space<vmem>>, vector<16xf32>,
    %add3A_1389 = arith.addf %add3A_1383, %get3A_1388 : vector<16xf32>
    %get3A_1390 = arith.constant 3632 : index
    %get3A_1391 = tpu.vector_load %arg15[%get3A_1390] {strides = array<i32>} : memref<7680xf32, #tpu.memory_space<vmem>>, vector<16xf32>,
    %add3A_1392 = arith.addf %add3A_1386, %get3A_1391 : vector<16xf32>
    %get3A_1393 = arith.constant 3872 : index
    %get3A_1394 = tpu.vector_load %arg15[%get3A_1393] {strides = array<i32>} : memref<7680xf32, #tpu.memory_space<vmem>>, vector<16xf32>,
    %add3A_1395 = arith.addf %add3A_1389, %get3A_1394 : vector<16xf32>
    %get3A_1396 = arith.constant 4112 : index
    %get3A_1397 = tpu.vector_load %arg15[%get3A_1396] {strides = array<i32>} : memref<7680xf32, #tpu.memory_space<vmem>>, vector<16xf32>,
    %add3A_1398 = arith.addf %add3A_1392, %get3A_1397 : vector<16xf32>
    %get3A_1399 = arith.constant 4352 : index
    %get3A_1400 = tpu.vector_load %arg15[%get3A_1399] {strides = array<i32>} : memref<7680xf32, #tpu.memory_space<vmem>>, vector<16xf32>,
    %add3A_1401 = arith.addf %add3A_1395, %get3A_1400 : vector<16xf32>
    %get3A_1402 = arith.constant 4592 : index
    %get3A_1403 = tpu.vector_load %arg15[%get3A_1402] {strides = array<i32>} : memref<7680xf32, #tpu.memory_space<vmem>>, vector<16xf32>,
    %add3A_1404 = arith.addf %add3A_1398, %get3A_1403 : vector<16xf32>
    %get3A_1405 = arith.constant 4832 : index
    %get3A_1406 = tpu.vector_load %arg15[%get3A_1405] {strides = array<i32>} : memref<7680xf32, #tpu.memory_space<vmem>>, vector<16xf32>,
    %add3A_1407 = arith.addf %add3A_1401, %get3A_1406 : vector<16xf32>
    %get3A_1408 = arith.constant 5072 : index
    %get3A_1409 = tpu.vector_load %arg15[%get3A_1408] {strides = array<i32>} : memref<7680xf32, #tpu.memory_space<vmem>>, vector<16xf32>,
    %add3A_1410 = arith.addf %add3A_1404, %get3A_1409 : vector<16xf32>
    %get3A_1411 = arith.constant 5312 : index
    %get3A_1412 = tpu.vector_load %arg15[%get3A_1411] {strides = array<i32>} : memref<7680xf32, #tpu.memory_space<vmem>>, vector<16xf32>,
    %add3A_1413 = arith.addf %add3A_1407, %get3A_1412 : vector<16xf32>
    %get3A_1414 = arith.constant 5552 : index
    %get3A_1415 = tpu.vector_load %arg15[%get3A_1414] {strides = array<i32>} : memref<7680xf32, #tpu.memory_space<vmem>>, vector<16xf32>,
    %add3A_1416 = arith.addf %add3A_1410, %get3A_1415 : vector<16xf32>
    %get3A_1417 = arith.constant 5792 : index
    %get3A_1418 = tpu.vector_load %arg15[%get3A_1417] {strides = array<i32>} : memref<7680xf32, #tpu.memory_space<vmem>>, vector<16xf32>,
    %add3A_1419 = arith.addf %add3A_1413, %get3A_1418 : vector<16xf32>
    %get3A_1420 = arith.constant 6032 : index
    %get3A_1421 = tpu.vector_load %arg15[%get3A_1420] {strides = array<i32>} : memref<7680xf32, #tpu.memory_space<vmem>>, vector<16xf32>,
    %add3A_1422 = arith.addf %add3A_1416, %get3A_1421 : vector<16xf32>
    %get3A_1423 = arith.constant 6272 : index
    %get3A_1424 = tpu.vector_load %arg15[%get3A_1423] {strides = array<i32>} : memref<7680xf32, #tpu.memory_space<vmem>>, vector<16xf32>,
    %add3A_1425 = arith.addf %add3A_1419, %get3A_1424 : vector<16xf32>
    %get3A_1426 = arith.constant 6512 : index
    %get3A_1427 = tpu.vector_load %arg15[%get3A_1426] {strides = array<i32>} : memref<7680xf32, #tpu.memory_space<vmem>>, vector<16xf32>,
    %add3A_1428 = arith.addf %add3A_1422, %get3A_1427 : vector<16xf32>
    %get3A_1429 = arith.constant 6752 : index
    %get3A_1430 = tpu.vector_load %arg15[%get3A_1429] {strides = array<i32>} : memref<7680xf32, #tpu.memory_space<vmem>>, vector<16xf32>,
    %add3A_1431 = arith.addf %add3A_1425, %get3A_1430 : vector<16xf32>
    %get3A_1432 = arith.constant 6992 : index
    %get3A_1433 = tpu.vector_load %arg15[%get3A_1432] {strides = array<i32>} : memref<7680xf32, #tpu.memory_space<vmem>>, vector<16xf32>,
    %add3A_1434 = arith.addf %add3A_1428, %get3A_1433 : vector<16xf32>
    %get3A_1435 = arith.constant 7232 : index
    %get3A_1436 = tpu.vector_load %arg15[%get3A_1435] {strides = array<i32>} : memref<7680xf32, #tpu.memory_space<vmem>>, vector<16xf32>,
    %add3A_1437 = arith.addf %add3A_1431, %get3A_1436 : vector<16xf32>
    %get3A_1438 = arith.constant 7472 : index
    %get3A_1439 = tpu.vector_load %arg15[%get3A_1438] {strides = array<i32>} : memref<7680xf32, #tpu.memory_space<vmem>>, vector<16xf32>,
    %add3A_1440 = arith.addf %add3A_1434, %get3A_1439 : vector<16xf32>
    %reduce_sum3A_1441 = arith.constant true
    %reduce_sum3A_1442 = vector.broadcast %reduce_sum3A_1441 : i1 to vector<16xi1>
    %reduce_sum3A_1443 = tpu.scan <sum>, %add3A_1437 masked %reduce_sum3A_1442 : vector<16xf32>, vector<16xi1> -> vector<16xf32>
    %reduce_sum3A_1444 = vector.extract %reduce_sum3A_1443[15] : f32 from vector<16xf32>
    %reduce_sum3A_1445 = arith.constant true
    %reduce_sum3A_1446 = vector.broadcast %reduce_sum3A_1445 : i1 to vector<16xi1>
    %reduce_sum3A_1447 = tpu.scan <sum>, %add3A_1440 masked %reduce_sum3A_1446 : vector<16xf32>, vector<16xi1> -> vector<16xf32>
    %reduce_sum3A_1448 = vector.extract %reduce_sum3A_1447[15] : f32 from vector<16xf32>
    %sub3A_1449 = arith.subf %reduce_sum3A_1444, %reduce_sum3A_1448 : f32
    %abs3A_1450 = math.absf %sub3A_1449 : f32
    %add3A_1451 = arith.addf %add3A_1344, %abs3A_1450 : f32
    %get3A_1452 = arith.constant 48 : index
    %get3A_1453 = tpu.vector_load %arg15[%get3A_1452] {strides = array<i32>} : memref<7680xf32, #tpu.memory_space<vmem>>, vector<16xf32>,
    %add3A_1454 = arith.addf %broadcast_in_dim3A_0, %get3A_1453 : vector<16xf32>
    %get3A_1455 = arith.constant 288 : index
    %get3A_1456 = tpu.vector_load %arg15[%get3A_1455] {strides = array<i32>} : memref<7680xf32, #tpu.memory_space<vmem>>, vector<16xf32>,
    %add3A_1457 = arith.addf %broadcast_in_dim3A_0, %get3A_1456 : vector<16xf32>
    %get3A_1458 = arith.constant 528 : index
    %get3A_1459 = tpu.vector_load %arg15[%get3A_1458] {strides = array<i32>} : memref<7680xf32, #tpu.memory_space<vmem>>, vector<16xf32>,
    %add3A_1460 = arith.addf %add3A_1454, %get3A_1459 : vector<16xf32>
    %get3A_1461 = arith.constant 768 : index
    %get3A_1462 = tpu.vector_load %arg15[%get3A_1461] {strides = array<i32>} : memref<7680xf32, #tpu.memory_space<vmem>>, vector<16xf32>,
    %add3A_1463 = arith.addf %add3A_1457, %get3A_1462 : vector<16xf32>
    %get3A_1464 = arith.constant 1008 : index
    %get3A_1465 = tpu.vector_load %arg15[%get3A_1464] {strides = array<i32>} : memref<7680xf32, #tpu.memory_space<vmem>>, vector<16xf32>,
    %add3A_1466 = arith.addf %add3A_1460, %get3A_1465 : vector<16xf32>
    %get3A_1467 = arith.constant 1248 : index
    %get3A_1468 = tpu.vector_load %arg15[%get3A_1467] {strides = array<i32>} : memref<7680xf32, #tpu.memory_space<vmem>>, vector<16xf32>,
    %add3A_1469 = arith.addf %add3A_1463, %get3A_1468 : vector<16xf32>
    %get3A_1470 = arith.constant 1488 : index
    %get3A_1471 = tpu.vector_load %arg15[%get3A_1470] {strides = array<i32>} : memref<7680xf32, #tpu.memory_space<vmem>>, vector<16xf32>,
    %add3A_1472 = arith.addf %add3A_1466, %get3A_1471 : vector<16xf32>
    %get3A_1473 = arith.constant 1728 : index
    %get3A_1474 = tpu.vector_load %arg15[%get3A_1473] {strides = array<i32>} : memref<7680xf32, #tpu.memory_space<vmem>>, vector<16xf32>,
    %add3A_1475 = arith.addf %add3A_1469, %get3A_1474 : vector<16xf32>
    %get3A_1476 = arith.constant 1968 : index
    %get3A_1477 = tpu.vector_load %arg15[%get3A_1476] {strides = array<i32>} : memref<7680xf32, #tpu.memory_space<vmem>>, vector<16xf32>,
    %add3A_1478 = arith.addf %add3A_1472, %get3A_1477 : vector<16xf32>
    %get3A_1479 = arith.constant 2208 : index
    %get3A_1480 = tpu.vector_load %arg15[%get3A_1479] {strides = array<i32>} : memref<7680xf32, #tpu.memory_space<vmem>>, vector<16xf32>,
    %add3A_1481 = arith.addf %add3A_1475, %get3A_1480 : vector<16xf32>
    %get3A_1482 = arith.constant 2448 : index
    %get3A_1483 = tpu.vector_load %arg15[%get3A_1482] {strides = array<i32>} : memref<7680xf32, #tpu.memory_space<vmem>>, vector<16xf32>,
    %add3A_1484 = arith.addf %add3A_1478, %get3A_1483 : vector<16xf32>
    %get3A_1485 = arith.constant 2688 : index
    %get3A_1486 = tpu.vector_load %arg15[%get3A_1485] {strides = array<i32>} : memref<7680xf32, #tpu.memory_space<vmem>>, vector<16xf32>,
    %add3A_1487 = arith.addf %add3A_1481, %get3A_1486 : vector<16xf32>
    %get3A_1488 = arith.constant 2928 : index
    %get3A_1489 = tpu.vector_load %arg15[%get3A_1488] {strides = array<i32>} : memref<7680xf32, #tpu.memory_space<vmem>>, vector<16xf32>,
    %add3A_1490 = arith.addf %add3A_1484, %get3A_1489 : vector<16xf32>
    %get3A_1491 = arith.constant 3168 : index
    %get3A_1492 = tpu.vector_load %arg15[%get3A_1491] {strides = array<i32>} : memref<7680xf32, #tpu.memory_space<vmem>>, vector<16xf32>,
    %add3A_1493 = arith.addf %add3A_1487, %get3A_1492 : vector<16xf32>
    %get3A_1494 = arith.constant 3408 : index
    %get3A_1495 = tpu.vector_load %arg15[%get3A_1494] {strides = array<i32>} : memref<7680xf32, #tpu.memory_space<vmem>>, vector<16xf32>,
    %add3A_1496 = arith.addf %add3A_1490, %get3A_1495 : vector<16xf32>
    %get3A_1497 = arith.constant 3648 : index
    %get3A_1498 = tpu.vector_load %arg15[%get3A_1497] {strides = array<i32>} : memref<7680xf32, #tpu.memory_space<vmem>>, vector<16xf32>,
    %add3A_1499 = arith.addf %add3A_1493, %get3A_1498 : vector<16xf32>
    %get3A_1500 = arith.constant 3888 : index
    %get3A_1501 = tpu.vector_load %arg15[%get3A_1500] {strides = array<i32>} : memref<7680xf32, #tpu.memory_space<vmem>>, vector<16xf32>,
    %add3A_1502 = arith.addf %add3A_1496, %get3A_1501 : vector<16xf32>
    %get3A_1503 = arith.constant 4128 : index
    %get3A_1504 = tpu.vector_load %arg15[%get3A_1503] {strides = array<i32>} : memref<7680xf32, #tpu.memory_space<vmem>>, vector<16xf32>,
    %add3A_1505 = arith.addf %add3A_1499, %get3A_1504 : vector<16xf32>
    %get3A_1506 = arith.constant 4368 : index
    %get3A_1507 = tpu.vector_load %arg15[%get3A_1506] {strides = array<i32>} : memref<7680xf32, #tpu.memory_space<vmem>>, vector<16xf32>,
    %add3A_1508 = arith.addf %add3A_1502, %get3A_1507 : vector<16xf32>
    %get3A_1509 = arith.constant 4608 : index
    %get3A_1510 = tpu.vector_load %arg15[%get3A_1509] {strides = array<i32>} : memref<7680xf32, #tpu.memory_space<vmem>>, vector<16xf32>,
    %add3A_1511 = arith.addf %add3A_1505, %get3A_1510 : vector<16xf32>
    %get3A_1512 = arith.constant 4848 : index
    %get3A_1513 = tpu.vector_load %arg15[%get3A_1512] {strides = array<i32>} : memref<7680xf32, #tpu.memory_space<vmem>>, vector<16xf32>,
    %add3A_1514 = arith.addf %add3A_1508, %get3A_1513 : vector<16xf32>
    %get3A_1515 = arith.constant 5088 : index
    %get3A_1516 = tpu.vector_load %arg15[%get3A_1515] {strides = array<i32>} : memref<7680xf32, #tpu.memory_space<vmem>>, vector<16xf32>,
    %add3A_1517 = arith.addf %add3A_1511, %get3A_1516 : vector<16xf32>
    %get3A_1518 = arith.constant 5328 : index
    %get3A_1519 = tpu.vector_load %arg15[%get3A_1518] {strides = array<i32>} : memref<7680xf32, #tpu.memory_space<vmem>>, vector<16xf32>,
    %add3A_1520 = arith.addf %add3A_1514, %get3A_1519 : vector<16xf32>
    %get3A_1521 = arith.constant 5568 : index
    %get3A_1522 = tpu.vector_load %arg15[%get3A_1521] {strides = array<i32>} : memref<7680xf32, #tpu.memory_space<vmem>>, vector<16xf32>,
    %add3A_1523 = arith.addf %add3A_1517, %get3A_1522 : vector<16xf32>
    %get3A_1524 = arith.constant 5808 : index
    %get3A_1525 = tpu.vector_load %arg15[%get3A_1524] {strides = array<i32>} : memref<7680xf32, #tpu.memory_space<vmem>>, vector<16xf32>,
    %add3A_1526 = arith.addf %add3A_1520, %get3A_1525 : vector<16xf32>
    %get3A_1527 = arith.constant 6048 : index
    %get3A_1528 = tpu.vector_load %arg15[%get3A_1527] {strides = array<i32>} : memref<7680xf32, #tpu.memory_space<vmem>>, vector<16xf32>,
    %add3A_1529 = arith.addf %add3A_1523, %get3A_1528 : vector<16xf32>
    %get3A_1530 = arith.constant 6288 : index
    %get3A_1531 = tpu.vector_load %arg15[%get3A_1530] {strides = array<i32>} : memref<7680xf32, #tpu.memory_space<vmem>>, vector<16xf32>,
    %add3A_1532 = arith.addf %add3A_1526, %get3A_1531 : vector<16xf32>
    %get3A_1533 = arith.constant 6528 : index
    %get3A_1534 = tpu.vector_load %arg15[%get3A_1533] {strides = array<i32>} : memref<7680xf32, #tpu.memory_space<vmem>>, vector<16xf32>,
    %add3A_1535 = arith.addf %add3A_1529, %get3A_1534 : vector<16xf32>
    %get3A_1536 = arith.constant 6768 : index
    %get3A_1537 = tpu.vector_load %arg15[%get3A_1536] {strides = array<i32>} : memref<7680xf32, #tpu.memory_space<vmem>>, vector<16xf32>,
    %add3A_1538 = arith.addf %add3A_1532, %get3A_1537 : vector<16xf32>
    %get3A_1539 = arith.constant 7008 : index
    %get3A_1540 = tpu.vector_load %arg15[%get3A_1539] {strides = array<i32>} : memref<7680xf32, #tpu.memory_space<vmem>>, vector<16xf32>,
    %add3A_1541 = arith.addf %add3A_1535, %get3A_1540 : vector<16xf32>
    %get3A_1542 = arith.constant 7248 : index
    %get3A_1543 = tpu.vector_load %arg15[%get3A_1542] {strides = array<i32>} : memref<7680xf32, #tpu.memory_space<vmem>>, vector<16xf32>,
    %add3A_1544 = arith.addf %add3A_1538, %get3A_1543 : vector<16xf32>
    %get3A_1545 = arith.constant 7488 : index
    %get3A_1546 = tpu.vector_load %arg15[%get3A_1545] {strides = array<i32>} : memref<7680xf32, #tpu.memory_space<vmem>>, vector<16xf32>,
    %add3A_1547 = arith.addf %add3A_1541, %get3A_1546 : vector<16xf32>
    %reduce_sum3A_1548 = arith.constant true
    %reduce_sum3A_1549 = vector.broadcast %reduce_sum3A_1548 : i1 to vector<16xi1>
    %reduce_sum3A_1550 = tpu.scan <sum>, %add3A_1544 masked %reduce_sum3A_1549 : vector<16xf32>, vector<16xi1> -> vector<16xf32>
    %reduce_sum3A_1551 = vector.extract %reduce_sum3A_1550[15] : f32 from vector<16xf32>
    %reduce_sum3A_1552 = arith.constant true
    %reduce_sum3A_1553 = vector.broadcast %reduce_sum3A_1552 : i1 to vector<16xi1>
    %reduce_sum3A_1554 = tpu.scan <sum>, %add3A_1547 masked %reduce_sum3A_1553 : vector<16xf32>, vector<16xi1> -> vector<16xf32>
    %reduce_sum3A_1555 = vector.extract %reduce_sum3A_1554[15] : f32 from vector<16xf32>
    %sub3A_1556 = arith.subf %reduce_sum3A_1551, %reduce_sum3A_1555 : f32
    %abs3A_1557 = math.absf %sub3A_1556 : f32
    %add3A_1558 = arith.addf %add3A_1451, %abs3A_1557 : f32
    %get3A_1559 = arith.constant 64 : index
    %get3A_1560 = tpu.vector_load %arg15[%get3A_1559] {strides = array<i32>} : memref<7680xf32, #tpu.memory_space<vmem>>, vector<16xf32>,
    %add3A_1561 = arith.addf %broadcast_in_dim3A_0, %get3A_1560 : vector<16xf32>
    %get3A_1562 = arith.constant 304 : index
    %get3A_1563 = tpu.vector_load %arg15[%get3A_1562] {strides = array<i32>} : memref<7680xf32, #tpu.memory_space<vmem>>, vector<16xf32>,
    %add3A_1564 = arith.addf %broadcast_in_dim3A_0, %get3A_1563 : vector<16xf32>
    %get3A_1565 = arith.constant 544 : index
    %get3A_1566 = tpu.vector_load %arg15[%get3A_1565] {strides = array<i32>} : memref<7680xf32, #tpu.memory_space<vmem>>, vector<16xf32>,
    %add3A_1567 = arith.addf %add3A_1561, %get3A_1566 : vector<16xf32>
    %get3A_1568 = arith.constant 784 : index
    %get3A_1569 = tpu.vector_load %arg15[%get3A_1568] {strides = array<i32>} : memref<7680xf32, #tpu.memory_space<vmem>>, vector<16xf32>,
    %add3A_1570 = arith.addf %add3A_1564, %get3A_1569 : vector<16xf32>
    %get3A_1571 = arith.constant 1024 : index
    %get3A_1572 = tpu.vector_load %arg15[%get3A_1571] {strides = array<i32>} : memref<7680xf32, #tpu.memory_space<vmem>>, vector<16xf32>,
    %add3A_1573 = arith.addf %add3A_1567, %get3A_1572 : vector<16xf32>
    %get3A_1574 = arith.constant 1264 : index
    %get3A_1575 = tpu.vector_load %arg15[%get3A_1574] {strides = array<i32>} : memref<7680xf32, #tpu.memory_space<vmem>>, vector<16xf32>,
    %add3A_1576 = arith.addf %add3A_1570, %get3A_1575 : vector<16xf32>
    %get3A_1577 = arith.constant 1504 : index
    %get3A_1578 = tpu.vector_load %arg15[%get3A_1577] {strides = array<i32>} : memref<7680xf32, #tpu.memory_space<vmem>>, vector<16xf32>,
    %add3A_1579 = arith.addf %add3A_1573, %get3A_1578 : vector<16xf32>
    %get3A_1580 = arith.constant 1744 : index
    %get3A_1581 = tpu.vector_load %arg15[%get3A_1580] {strides = array<i32>} : memref<7680xf32, #tpu.memory_space<vmem>>, vector<16xf32>,
    %add3A_1582 = arith.addf %add3A_1576, %get3A_1581 : vector<16xf32>
    %get3A_1583 = arith.constant 1984 : index
    %get3A_1584 = tpu.vector_load %arg15[%get3A_1583] {strides = array<i32>} : memref<7680xf32, #tpu.memory_space<vmem>>, vector<16xf32>,
    %add3A_1585 = arith.addf %add3A_1579, %get3A_1584 : vector<16xf32>
    %get3A_1586 = arith.constant 2224 : index
    %get3A_1587 = tpu.vector_load %arg15[%get3A_1586] {strides = array<i32>} : memref<7680xf32, #tpu.memory_space<vmem>>, vector<16xf32>,
    %add3A_1588 = arith.addf %add3A_1582, %get3A_1587 : vector<16xf32>
    %get3A_1589 = arith.constant 2464 : index
    %get3A_1590 = tpu.vector_load %arg15[%get3A_1589] {strides = array<i32>} : memref<7680xf32, #tpu.memory_space<vmem>>, vector<16xf32>,
    %add3A_1591 = arith.addf %add3A_1585, %get3A_1590 : vector<16xf32>
    %get3A_1592 = arith.constant 2704 : index
    %get3A_1593 = tpu.vector_load %arg15[%get3A_1592] {strides = array<i32>} : memref<7680xf32, #tpu.memory_space<vmem>>, vector<16xf32>,
    %add3A_1594 = arith.addf %add3A_1588, %get3A_1593 : vector<16xf32>
    %get3A_1595 = arith.constant 2944 : index
    %get3A_1596 = tpu.vector_load %arg15[%get3A_1595] {strides = array<i32>} : memref<7680xf32, #tpu.memory_space<vmem>>, vector<16xf32>,
    %add3A_1597 = arith.addf %add3A_1591, %get3A_1596 : vector<16xf32>
    %get3A_1598 = arith.constant 3184 : index
    %get3A_1599 = tpu.vector_load %arg15[%get3A_1598] {strides = array<i32>} : memref<7680xf32, #tpu.memory_space<vmem>>, vector<16xf32>,
    %add3A_1600 = arith.addf %add3A_1594, %get3A_1599 : vector<16xf32>
    %get3A_1601 = arith.constant 3424 : index
    %get3A_1602 = tpu.vector_load %arg15[%get3A_1601] {strides = array<i32>} : memref<7680xf32, #tpu.memory_space<vmem>>, vector<16xf32>,
    %add3A_1603 = arith.addf %add3A_1597, %get3A_1602 : vector<16xf32>
    %get3A_1604 = arith.constant 3664 : index
    %get3A_1605 = tpu.vector_load %arg15[%get3A_1604] {strides = array<i32>} : memref<7680xf32, #tpu.memory_space<vmem>>, vector<16xf32>,
    %add3A_1606 = arith.addf %add3A_1600, %get3A_1605 : vector<16xf32>
    %get3A_1607 = arith.constant 3904 : index
    %get3A_1608 = tpu.vector_load %arg15[%get3A_1607] {strides = array<i32>} : memref<7680xf32, #tpu.memory_space<vmem>>, vector<16xf32>,
    %add3A_1609 = arith.addf %add3A_1603, %get3A_1608 : vector<16xf32>
    %get3A_1610 = arith.constant 4144 : index
    %get3A_1611 = tpu.vector_load %arg15[%get3A_1610] {strides = array<i32>} : memref<7680xf32, #tpu.memory_space<vmem>>, vector<16xf32>,
    %add3A_1612 = arith.addf %add3A_1606, %get3A_1611 : vector<16xf32>
    %get3A_1613 = arith.constant 4384 : index
    %get3A_1614 = tpu.vector_load %arg15[%get3A_1613] {strides = array<i32>} : memref<7680xf32, #tpu.memory_space<vmem>>, vector<16xf32>,
    %add3A_1615 = arith.addf %add3A_1609, %get3A_1614 : vector<16xf32>
    %get3A_1616 = arith.constant 4624 : index
    %get3A_1617 = tpu.vector_load %arg15[%get3A_1616] {strides = array<i32>} : memref<7680xf32, #tpu.memory_space<vmem>>, vector<16xf32>,
    %add3A_1618 = arith.addf %add3A_1612, %get3A_1617 : vector<16xf32>
    %get3A_1619 = arith.constant 4864 : index
    %get3A_1620 = tpu.vector_load %arg15[%get3A_1619] {strides = array<i32>} : memref<7680xf32, #tpu.memory_space<vmem>>, vector<16xf32>,
    %add3A_1621 = arith.addf %add3A_1615, %get3A_1620 : vector<16xf32>
    %get3A_1622 = arith.constant 5104 : index
    %get3A_1623 = tpu.vector_load %arg15[%get3A_1622] {strides = array<i32>} : memref<7680xf32, #tpu.memory_space<vmem>>, vector<16xf32>,
    %add3A_1624 = arith.addf %add3A_1618, %get3A_1623 : vector<16xf32>
    %get3A_1625 = arith.constant 5344 : index
    %get3A_1626 = tpu.vector_load %arg15[%get3A_1625] {strides = array<i32>} : memref<7680xf32, #tpu.memory_space<vmem>>, vector<16xf32>,
    %add3A_1627 = arith.addf %add3A_1621, %get3A_1626 : vector<16xf32>
    %get3A_1628 = arith.constant 5584 : index
    %get3A_1629 = tpu.vector_load %arg15[%get3A_1628] {strides = array<i32>} : memref<7680xf32, #tpu.memory_space<vmem>>, vector<16xf32>,
    %add3A_1630 = arith.addf %add3A_1624, %get3A_1629 : vector<16xf32>
    %get3A_1631 = arith.constant 5824 : index
    %get3A_1632 = tpu.vector_load %arg15[%get3A_1631] {strides = array<i32>} : memref<7680xf32, #tpu.memory_space<vmem>>, vector<16xf32>,
    %add3A_1633 = arith.addf %add3A_1627, %get3A_1632 : vector<16xf32>
    %get3A_1634 = arith.constant 6064 : index
    %get3A_1635 = tpu.vector_load %arg15[%get3A_1634] {strides = array<i32>} : memref<7680xf32, #tpu.memory_space<vmem>>, vector<16xf32>,
    %add3A_1636 = arith.addf %add3A_1630, %get3A_1635 : vector<16xf32>
    %get3A_1637 = arith.constant 6304 : index
    %get3A_1638 = tpu.vector_load %arg15[%get3A_1637] {strides = array<i32>} : memref<7680xf32, #tpu.memory_space<vmem>>, vector<16xf32>,
    %add3A_1639 = arith.addf %add3A_1633, %get3A_1638 : vector<16xf32>
    %get3A_1640 = arith.constant 6544 : index
    %get3A_1641 = tpu.vector_load %arg15[%get3A_1640] {strides = array<i32>} : memref<7680xf32, #tpu.memory_space<vmem>>, vector<16xf32>,
    %add3A_1642 = arith.addf %add3A_1636, %get3A_1641 : vector<16xf32>
    %get3A_1643 = arith.constant 6784 : index
    %get3A_1644 = tpu.vector_load %arg15[%get3A_1643] {strides = array<i32>} : memref<7680xf32, #tpu.memory_space<vmem>>, vector<16xf32>,
    %add3A_1645 = arith.addf %add3A_1639, %get3A_1644 : vector<16xf32>
    %get3A_1646 = arith.constant 7024 : index
    %get3A_1647 = tpu.vector_load %arg15[%get3A_1646] {strides = array<i32>} : memref<7680xf32, #tpu.memory_space<vmem>>, vector<16xf32>,
    %add3A_1648 = arith.addf %add3A_1642, %get3A_1647 : vector<16xf32>
    %get3A_1649 = arith.constant 7264 : index
    %get3A_1650 = tpu.vector_load %arg15[%get3A_1649] {strides = array<i32>} : memref<7680xf32, #tpu.memory_space<vmem>>, vector<16xf32>,
    %add3A_1651 = arith.addf %add3A_1645, %get3A_1650 : vector<16xf32>
    %get3A_1652 = arith.constant 7504 : index
    %get3A_1653 = tpu.vector_load %arg15[%get3A_1652] {strides = array<i32>} : memref<7680xf32, #tpu.memory_space<vmem>>, vector<16xf32>,
    %add3A_1654 = arith.addf %add3A_1648, %get3A_1653 : vector<16xf32>
    %reduce_sum3A_1655 = arith.constant true
    %reduce_sum3A_1656 = vector.broadcast %reduce_sum3A_1655 : i1 to vector<16xi1>
    %reduce_sum3A_1657 = tpu.scan <sum>, %add3A_1651 masked %reduce_sum3A_1656 : vector<16xf32>, vector<16xi1> -> vector<16xf32>
    %reduce_sum3A_1658 = vector.extract %reduce_sum3A_1657[15] : f32 from vector<16xf32>
    %reduce_sum3A_1659 = arith.constant true
    %reduce_sum3A_1660 = vector.broadcast %reduce_sum3A_1659 : i1 to vector<16xi1>
    %reduce_sum3A_1661 = tpu.scan <sum>, %add3A_1654 masked %reduce_sum3A_1660 : vector<16xf32>, vector<16xi1> -> vector<16xf32>
    %reduce_sum3A_1662 = vector.extract %reduce_sum3A_1661[15] : f32 from vector<16xf32>
    %sub3A_1663 = arith.subf %reduce_sum3A_1658, %reduce_sum3A_1662 : f32
    %abs3A_1664 = math.absf %sub3A_1663 : f32
    %add3A_1665 = arith.addf %add3A_1558, %abs3A_1664 : f32
    %get3A_1666 = arith.constant 80 : index
    %get3A_1667 = tpu.vector_load %arg15[%get3A_1666] {strides = array<i32>} : memref<7680xf32, #tpu.memory_space<vmem>>, vector<16xf32>,
    %add3A_1668 = arith.addf %broadcast_in_dim3A_0, %get3A_1667 : vector<16xf32>
    %get3A_1669 = arith.constant 320 : index
    %get3A_1670 = tpu.vector_load %arg15[%get3A_1669] {strides = array<i32>} : memref<7680xf32, #tpu.memory_space<vmem>>, vector<16xf32>,
    %add3A_1671 = arith.addf %broadcast_in_dim3A_0, %get3A_1670 : vector<16xf32>
    %get3A_1672 = arith.constant 560 : index
    %get3A_1673 = tpu.vector_load %arg15[%get3A_1672] {strides = array<i32>} : memref<7680xf32, #tpu.memory_space<vmem>>, vector<16xf32>,
    %add3A_1674 = arith.addf %add3A_1668, %get3A_1673 : vector<16xf32>
    %get3A_1675 = arith.constant 800 : index
    %get3A_1676 = tpu.vector_load %arg15[%get3A_1675] {strides = array<i32>} : memref<7680xf32, #tpu.memory_space<vmem>>, vector<16xf32>,
    %add3A_1677 = arith.addf %add3A_1671, %get3A_1676 : vector<16xf32>
    %get3A_1678 = arith.constant 1040 : index
    %get3A_1679 = tpu.vector_load %arg15[%get3A_1678] {strides = array<i32>} : memref<7680xf32, #tpu.memory_space<vmem>>, vector<16xf32>,
    %add3A_1680 = arith.addf %add3A_1674, %get3A_1679 : vector<16xf32>
    %get3A_1681 = arith.constant 1280 : index
    %get3A_1682 = tpu.vector_load %arg15[%get3A_1681] {strides = array<i32>} : memref<7680xf32, #tpu.memory_space<vmem>>, vector<16xf32>,
    %add3A_1683 = arith.addf %add3A_1677, %get3A_1682 : vector<16xf32>
    %get3A_1684 = arith.constant 1520 : index
    %get3A_1685 = tpu.vector_load %arg15[%get3A_1684] {strides = array<i32>} : memref<7680xf32, #tpu.memory_space<vmem>>, vector<16xf32>,
    %add3A_1686 = arith.addf %add3A_1680, %get3A_1685 : vector<16xf32>
    %get3A_1687 = arith.constant 1760 : index
    %get3A_1688 = tpu.vector_load %arg15[%get3A_1687] {strides = array<i32>} : memref<7680xf32, #tpu.memory_space<vmem>>, vector<16xf32>,
    %add3A_1689 = arith.addf %add3A_1683, %get3A_1688 : vector<16xf32>
    %get3A_1690 = arith.constant 2000 : index
    %get3A_1691 = tpu.vector_load %arg15[%get3A_1690] {strides = array<i32>} : memref<7680xf32, #tpu.memory_space<vmem>>, vector<16xf32>,
    %add3A_1692 = arith.addf %add3A_1686, %get3A_1691 : vector<16xf32>
    %get3A_1693 = arith.constant 2240 : index
    %get3A_1694 = tpu.vector_load %arg15[%get3A_1693] {strides = array<i32>} : memref<7680xf32, #tpu.memory_space<vmem>>, vector<16xf32>,
    %add3A_1695 = arith.addf %add3A_1689, %get3A_1694 : vector<16xf32>
    %get3A_1696 = arith.constant 2480 : index
    %get3A_1697 = tpu.vector_load %arg15[%get3A_1696] {strides = array<i32>} : memref<7680xf32, #tpu.memory_space<vmem>>, vector<16xf32>,
    %add3A_1698 = arith.addf %add3A_1692, %get3A_1697 : vector<16xf32>
    %get3A_1699 = arith.constant 2720 : index
    %get3A_1700 = tpu.vector_load %arg15[%get3A_1699] {strides = array<i32>} : memref<7680xf32, #tpu.memory_space<vmem>>, vector<16xf32>,
    %add3A_1701 = arith.addf %add3A_1695, %get3A_1700 : vector<16xf32>
    %get3A_1702 = arith.constant 2960 : index
    %get3A_1703 = tpu.vector_load %arg15[%get3A_1702] {strides = array<i32>} : memref<7680xf32, #tpu.memory_space<vmem>>, vector<16xf32>,
    %add3A_1704 = arith.addf %add3A_1698, %get3A_1703 : vector<16xf32>
    %get3A_1705 = arith.constant 3200 : index
    %get3A_1706 = tpu.vector_load %arg15[%get3A_1705] {strides = array<i32>} : memref<7680xf32, #tpu.memory_space<vmem>>, vector<16xf32>,
    %add3A_1707 = arith.addf %add3A_1701, %get3A_1706 : vector<16xf32>
    %get3A_1708 = arith.constant 3440 : index
    %get3A_1709 = tpu.vector_load %arg15[%get3A_1708] {strides = array<i32>} : memref<7680xf32, #tpu.memory_space<vmem>>, vector<16xf32>,
    %add3A_1710 = arith.addf %add3A_1704, %get3A_1709 : vector<16xf32>
    %get3A_1711 = arith.constant 3680 : index
    %get3A_1712 = tpu.vector_load %arg15[%get3A_1711] {strides = array<i32>} : memref<7680xf32, #tpu.memory_space<vmem>>, vector<16xf32>,
    %add3A_1713 = arith.addf %add3A_1707, %get3A_1712 : vector<16xf32>
    %get3A_1714 = arith.constant 3920 : index
    %get3A_1715 = tpu.vector_load %arg15[%get3A_1714] {strides = array<i32>} : memref<7680xf32, #tpu.memory_space<vmem>>, vector<16xf32>,
    %add3A_1716 = arith.addf %add3A_1710, %get3A_1715 : vector<16xf32>
    %get3A_1717 = arith.constant 4160 : index
    %get3A_1718 = tpu.vector_load %arg15[%get3A_1717] {strides = array<i32>} : memref<7680xf32, #tpu.memory_space<vmem>>, vector<16xf32>,
    %add3A_1719 = arith.addf %add3A_1713, %get3A_1718 : vector<16xf32>
    %get3A_1720 = arith.constant 4400 : index
    %get3A_1721 = tpu.vector_load %arg15[%get3A_1720] {strides = array<i32>} : memref<7680xf32, #tpu.memory_space<vmem>>, vector<16xf32>,
    %add3A_1722 = arith.addf %add3A_1716, %get3A_1721 : vector<16xf32>
    %get3A_1723 = arith.constant 4640 : index
    %get3A_1724 = tpu.vector_load %arg15[%get3A_1723] {strides = array<i32>} : memref<7680xf32, #tpu.memory_space<vmem>>, vector<16xf32>,
    %add3A_1725 = arith.addf %add3A_1719, %get3A_1724 : vector<16xf32>
    %get3A_1726 = arith.constant 4880 : index
    %get3A_1727 = tpu.vector_load %arg15[%get3A_1726] {strides = array<i32>} : memref<7680xf32, #tpu.memory_space<vmem>>, vector<16xf32>,
    %add3A_1728 = arith.addf %add3A_1722, %get3A_1727 : vector<16xf32>
    %get3A_1729 = arith.constant 5120 : index
    %get3A_1730 = tpu.vector_load %arg15[%get3A_1729] {strides = array<i32>} : memref<7680xf32, #tpu.memory_space<vmem>>, vector<16xf32>,
    %add3A_1731 = arith.addf %add3A_1725, %get3A_1730 : vector<16xf32>
    %get3A_1732 = arith.constant 5360 : index
    %get3A_1733 = tpu.vector_load %arg15[%get3A_1732] {strides = array<i32>} : memref<7680xf32, #tpu.memory_space<vmem>>, vector<16xf32>,
    %add3A_1734 = arith.addf %add3A_1728, %get3A_1733 : vector<16xf32>
    %get3A_1735 = arith.constant 5600 : index
    %get3A_1736 = tpu.vector_load %arg15[%get3A_1735] {strides = array<i32>} : memref<7680xf32, #tpu.memory_space<vmem>>, vector<16xf32>,
    %add3A_1737 = arith.addf %add3A_1731, %get3A_1736 : vector<16xf32>
    %get3A_1738 = arith.constant 5840 : index
    %get3A_1739 = tpu.vector_load %arg15[%get3A_1738] {strides = array<i32>} : memref<7680xf32, #tpu.memory_space<vmem>>, vector<16xf32>,
    %add3A_1740 = arith.addf %add3A_1734, %get3A_1739 : vector<16xf32>
    %get3A_1741 = arith.constant 6080 : index
    %get3A_1742 = tpu.vector_load %arg15[%get3A_1741] {strides = array<i32>} : memref<7680xf32, #tpu.memory_space<vmem>>, vector<16xf32>,
    %add3A_1743 = arith.addf %add3A_1737, %get3A_1742 : vector<16xf32>
    %get3A_1744 = arith.constant 6320 : index
    %get3A_1745 = tpu.vector_load %arg15[%get3A_1744] {strides = array<i32>} : memref<7680xf32, #tpu.memory_space<vmem>>, vector<16xf32>,
    %add3A_1746 = arith.addf %add3A_1740, %get3A_1745 : vector<16xf32>
    %get3A_1747 = arith.constant 6560 : index
    %get3A_1748 = tpu.vector_load %arg15[%get3A_1747] {strides = array<i32>} : memref<7680xf32, #tpu.memory_space<vmem>>, vector<16xf32>,
    %add3A_1749 = arith.addf %add3A_1743, %get3A_1748 : vector<16xf32>
    %get3A_1750 = arith.constant 6800 : index
    %get3A_1751 = tpu.vector_load %arg15[%get3A_1750] {strides = array<i32>} : memref<7680xf32, #tpu.memory_space<vmem>>, vector<16xf32>,
    %add3A_1752 = arith.addf %add3A_1746, %get3A_1751 : vector<16xf32>
    %get3A_1753 = arith.constant 7040 : index
    %get3A_1754 = tpu.vector_load %arg15[%get3A_1753] {strides = array<i32>} : memref<7680xf32, #tpu.memory_space<vmem>>, vector<16xf32>,
    %add3A_1755 = arith.addf %add3A_1749, %get3A_1754 : vector<16xf32>
    %get3A_1756 = arith.constant 7280 : index
    %get3A_1757 = tpu.vector_load %arg15[%get3A_1756] {strides = array<i32>} : memref<7680xf32, #tpu.memory_space<vmem>>, vector<16xf32>,
    %add3A_1758 = arith.addf %add3A_1752, %get3A_1757 : vector<16xf32>
    %get3A_1759 = arith.constant 7520 : index
    %get3A_1760 = tpu.vector_load %arg15[%get3A_1759] {strides = array<i32>} : memref<7680xf32, #tpu.memory_space<vmem>>, vector<16xf32>,
    %add3A_1761 = arith.addf %add3A_1755, %get3A_1760 : vector<16xf32>
    %reduce_sum3A_1762 = arith.constant true
    %reduce_sum3A_1763 = vector.broadcast %reduce_sum3A_1762 : i1 to vector<16xi1>
    %reduce_sum3A_1764 = tpu.scan <sum>, %add3A_1758 masked %reduce_sum3A_1763 : vector<16xf32>, vector<16xi1> -> vector<16xf32>
    %reduce_sum3A_1765 = vector.extract %reduce_sum3A_1764[15] : f32 from vector<16xf32>
    %reduce_sum3A_1766 = arith.constant true
    %reduce_sum3A_1767 = vector.broadcast %reduce_sum3A_1766 : i1 to vector<16xi1>
    %reduce_sum3A_1768 = tpu.scan <sum>, %add3A_1761 masked %reduce_sum3A_1767 : vector<16xf32>, vector<16xi1> -> vector<16xf32>
    %reduce_sum3A_1769 = vector.extract %reduce_sum3A_1768[15] : f32 from vector<16xf32>
    %sub3A_1770 = arith.subf %reduce_sum3A_1765, %reduce_sum3A_1769 : f32
    %abs3A_1771 = math.absf %sub3A_1770 : f32
    %add3A_1772 = arith.addf %add3A_1665, %abs3A_1771 : f32
    %get3A_1773 = arith.constant 96 : index
    %get3A_1774 = tpu.vector_load %arg15[%get3A_1773] {strides = array<i32>} : memref<7680xf32, #tpu.memory_space<vmem>>, vector<16xf32>,
    %add3A_1775 = arith.addf %broadcast_in_dim3A_0, %get3A_1774 : vector<16xf32>
    %get3A_1776 = arith.constant 336 : index
    %get3A_1777 = tpu.vector_load %arg15[%get3A_1776] {strides = array<i32>} : memref<7680xf32, #tpu.memory_space<vmem>>, vector<16xf32>,
    %add3A_1778 = arith.addf %broadcast_in_dim3A_0, %get3A_1777 : vector<16xf32>
    %get3A_1779 = arith.constant 576 : index
    %get3A_1780 = tpu.vector_load %arg15[%get3A_1779] {strides = array<i32>} : memref<7680xf32, #tpu.memory_space<vmem>>, vector<16xf32>,
    %add3A_1781 = arith.addf %add3A_1775, %get3A_1780 : vector<16xf32>
    %get3A_1782 = arith.constant 816 : index
    %get3A_1783 = tpu.vector_load %arg15[%get3A_1782] {strides = array<i32>} : memref<7680xf32, #tpu.memory_space<vmem>>, vector<16xf32>,
    %add3A_1784 = arith.addf %add3A_1778, %get3A_1783 : vector<16xf32>
    %get3A_1785 = arith.constant 1056 : index
    %get3A_1786 = tpu.vector_load %arg15[%get3A_1785] {strides = array<i32>} : memref<7680xf32, #tpu.memory_space<vmem>>, vector<16xf32>,
    %add3A_1787 = arith.addf %add3A_1781, %get3A_1786 : vector<16xf32>
    %get3A_1788 = arith.constant 1296 : index
    %get3A_1789 = tpu.vector_load %arg15[%get3A_1788] {strides = array<i32>} : memref<7680xf32, #tpu.memory_space<vmem>>, vector<16xf32>,
    %add3A_1790 = arith.addf %add3A_1784, %get3A_1789 : vector<16xf32>
    %get3A_1791 = arith.constant 1536 : index
    %get3A_1792 = tpu.vector_load %arg15[%get3A_1791] {strides = array<i32>} : memref<7680xf32, #tpu.memory_space<vmem>>, vector<16xf32>,
    %add3A_1793 = arith.addf %add3A_1787, %get3A_1792 : vector<16xf32>
    %get3A_1794 = arith.constant 1776 : index
    %get3A_1795 = tpu.vector_load %arg15[%get3A_1794] {strides = array<i32>} : memref<7680xf32, #tpu.memory_space<vmem>>, vector<16xf32>,
    %add3A_1796 = arith.addf %add3A_1790, %get3A_1795 : vector<16xf32>
    %get3A_1797 = arith.constant 2016 : index
    %get3A_1798 = tpu.vector_load %arg15[%get3A_1797] {strides = array<i32>} : memref<7680xf32, #tpu.memory_space<vmem>>, vector<16xf32>,
    %add3A_1799 = arith.addf %add3A_1793, %get3A_1798 : vector<16xf32>
    %get3A_1800 = arith.constant 2256 : index
    %get3A_1801 = tpu.vector_load %arg15[%get3A_1800] {strides = array<i32>} : memref<7680xf32, #tpu.memory_space<vmem>>, vector<16xf32>,
    %add3A_1802 = arith.addf %add3A_1796, %get3A_1801 : vector<16xf32>
    %get3A_1803 = arith.constant 2496 : index
    %get3A_1804 = tpu.vector_load %arg15[%get3A_1803] {strides = array<i32>} : memref<7680xf32, #tpu.memory_space<vmem>>, vector<16xf32>,
    %add3A_1805 = arith.addf %add3A_1799, %get3A_1804 : vector<16xf32>
    %get3A_1806 = arith.constant 2736 : index
    %get3A_1807 = tpu.vector_load %arg15[%get3A_1806] {strides = array<i32>} : memref<7680xf32, #tpu.memory_space<vmem>>, vector<16xf32>,
    %add3A_1808 = arith.addf %add3A_1802, %get3A_1807 : vector<16xf32>
    %get3A_1809 = arith.constant 2976 : index
    %get3A_1810 = tpu.vector_load %arg15[%get3A_1809] {strides = array<i32>} : memref<7680xf32, #tpu.memory_space<vmem>>, vector<16xf32>,
    %add3A_1811 = arith.addf %add3A_1805, %get3A_1810 : vector<16xf32>
    %get3A_1812 = arith.constant 3216 : index
    %get3A_1813 = tpu.vector_load %arg15[%get3A_1812] {strides = array<i32>} : memref<7680xf32, #tpu.memory_space<vmem>>, vector<16xf32>,
    %add3A_1814 = arith.addf %add3A_1808, %get3A_1813 : vector<16xf32>
    %get3A_1815 = arith.constant 3456 : index
    %get3A_1816 = tpu.vector_load %arg15[%get3A_1815] {strides = array<i32>} : memref<7680xf32, #tpu.memory_space<vmem>>, vector<16xf32>,
    %add3A_1817 = arith.addf %add3A_1811, %get3A_1816 : vector<16xf32>
    %get3A_1818 = arith.constant 3696 : index
    %get3A_1819 = tpu.vector_load %arg15[%get3A_1818] {strides = array<i32>} : memref<7680xf32, #tpu.memory_space<vmem>>, vector<16xf32>,
    %add3A_1820 = arith.addf %add3A_1814, %get3A_1819 : vector<16xf32>
    %get3A_1821 = arith.constant 3936 : index
    %get3A_1822 = tpu.vector_load %arg15[%get3A_1821] {strides = array<i32>} : memref<7680xf32, #tpu.memory_space<vmem>>, vector<16xf32>,
    %add3A_1823 = arith.addf %add3A_1817, %get3A_1822 : vector<16xf32>
    %get3A_1824 = arith.constant 4176 : index
    %get3A_1825 = tpu.vector_load %arg15[%get3A_1824] {strides = array<i32>} : memref<7680xf32, #tpu.memory_space<vmem>>, vector<16xf32>,
    %add3A_1826 = arith.addf %add3A_1820, %get3A_1825 : vector<16xf32>
    %get3A_1827 = arith.constant 4416 : index
    %get3A_1828 = tpu.vector_load %arg15[%get3A_1827] {strides = array<i32>} : memref<7680xf32, #tpu.memory_space<vmem>>, vector<16xf32>,
    %add3A_1829 = arith.addf %add3A_1823, %get3A_1828 : vector<16xf32>
    %get3A_1830 = arith.constant 4656 : index
    %get3A_1831 = tpu.vector_load %arg15[%get3A_1830] {strides = array<i32>} : memref<7680xf32, #tpu.memory_space<vmem>>, vector<16xf32>,
    %add3A_1832 = arith.addf %add3A_1826, %get3A_1831 : vector<16xf32>
    %get3A_1833 = arith.constant 4896 : index
    %get3A_1834 = tpu.vector_load %arg15[%get3A_1833] {strides = array<i32>} : memref<7680xf32, #tpu.memory_space<vmem>>, vector<16xf32>,
    %add3A_1835 = arith.addf %add3A_1829, %get3A_1834 : vector<16xf32>
    %get3A_1836 = arith.constant 5136 : index
    %get3A_1837 = tpu.vector_load %arg15[%get3A_1836] {strides = array<i32>} : memref<7680xf32, #tpu.memory_space<vmem>>, vector<16xf32>,
    %add3A_1838 = arith.addf %add3A_1832, %get3A_1837 : vector<16xf32>
    %get3A_1839 = arith.constant 5376 : index
    %get3A_1840 = tpu.vector_load %arg15[%get3A_1839] {strides = array<i32>} : memref<7680xf32, #tpu.memory_space<vmem>>, vector<16xf32>,
    %add3A_1841 = arith.addf %add3A_1835, %get3A_1840 : vector<16xf32>
    %get3A_1842 = arith.constant 5616 : index
    %get3A_1843 = tpu.vector_load %arg15[%get3A_1842] {strides = array<i32>} : memref<7680xf32, #tpu.memory_space<vmem>>, vector<16xf32>,
    %add3A_1844 = arith.addf %add3A_1838, %get3A_1843 : vector<16xf32>
    %get3A_1845 = arith.constant 5856 : index
    %get3A_1846 = tpu.vector_load %arg15[%get3A_1845] {strides = array<i32>} : memref<7680xf32, #tpu.memory_space<vmem>>, vector<16xf32>,
    %add3A_1847 = arith.addf %add3A_1841, %get3A_1846 : vector<16xf32>
    %get3A_1848 = arith.constant 6096 : index
    %get3A_1849 = tpu.vector_load %arg15[%get3A_1848] {strides = array<i32>} : memref<7680xf32, #tpu.memory_space<vmem>>, vector<16xf32>,
    %add3A_1850 = arith.addf %add3A_1844, %get3A_1849 : vector<16xf32>
    %get3A_1851 = arith.constant 6336 : index
    %get3A_1852 = tpu.vector_load %arg15[%get3A_1851] {strides = array<i32>} : memref<7680xf32, #tpu.memory_space<vmem>>, vector<16xf32>,
    %add3A_1853 = arith.addf %add3A_1847, %get3A_1852 : vector<16xf32>
    %get3A_1854 = arith.constant 6576 : index
    %get3A_1855 = tpu.vector_load %arg15[%get3A_1854] {strides = array<i32>} : memref<7680xf32, #tpu.memory_space<vmem>>, vector<16xf32>,
    %add3A_1856 = arith.addf %add3A_1850, %get3A_1855 : vector<16xf32>
    %get3A_1857 = arith.constant 6816 : index
    %get3A_1858 = tpu.vector_load %arg15[%get3A_1857] {strides = array<i32>} : memref<7680xf32, #tpu.memory_space<vmem>>, vector<16xf32>,
    %add3A_1859 = arith.addf %add3A_1853, %get3A_1858 : vector<16xf32>
    %get3A_1860 = arith.constant 7056 : index
    %get3A_1861 = tpu.vector_load %arg15[%get3A_1860] {strides = array<i32>} : memref<7680xf32, #tpu.memory_space<vmem>>, vector<16xf32>,
    %add3A_1862 = arith.addf %add3A_1856, %get3A_1861 : vector<16xf32>
    %get3A_1863 = arith.constant 7296 : index
    %get3A_1864 = tpu.vector_load %arg15[%get3A_1863] {strides = array<i32>} : memref<7680xf32, #tpu.memory_space<vmem>>, vector<16xf32>,
    %add3A_1865 = arith.addf %add3A_1859, %get3A_1864 : vector<16xf32>
    %get3A_1866 = arith.constant 7536 : index
    %get3A_1867 = tpu.vector_load %arg15[%get3A_1866] {strides = array<i32>} : memref<7680xf32, #tpu.memory_space<vmem>>, vector<16xf32>,
    %add3A_1868 = arith.addf %add3A_1862, %get3A_1867 : vector<16xf32>
    %reduce_sum3A_1869 = arith.constant true
    %reduce_sum3A_1870 = vector.broadcast %reduce_sum3A_1869 : i1 to vector<16xi1>
    %reduce_sum3A_1871 = tpu.scan <sum>, %add3A_1865 masked %reduce_sum3A_1870 : vector<16xf32>, vector<16xi1> -> vector<16xf32>
    %reduce_sum3A_1872 = vector.extract %reduce_sum3A_1871[15] : f32 from vector<16xf32>
    %reduce_sum3A_1873 = arith.constant true
    %reduce_sum3A_1874 = vector.broadcast %reduce_sum3A_1873 : i1 to vector<16xi1>
    %reduce_sum3A_1875 = tpu.scan <sum>, %add3A_1868 masked %reduce_sum3A_1874 : vector<16xf32>, vector<16xi1> -> vector<16xf32>
    %reduce_sum3A_1876 = vector.extract %reduce_sum3A_1875[15] : f32 from vector<16xf32>
    %sub3A_1877 = arith.subf %reduce_sum3A_1872, %reduce_sum3A_1876 : f32
    %abs3A_1878 = math.absf %sub3A_1877 : f32
    %add3A_1879 = arith.addf %add3A_1772, %abs3A_1878 : f32
    %get3A_1880 = arith.constant 112 : index
    %get3A_1881 = tpu.vector_load %arg15[%get3A_1880] {strides = array<i32>} : memref<7680xf32, #tpu.memory_space<vmem>>, vector<16xf32>,
    %add3A_1882 = arith.addf %broadcast_in_dim3A_0, %get3A_1881 : vector<16xf32>
    %get3A_1883 = arith.constant 352 : index
    %get3A_1884 = tpu.vector_load %arg15[%get3A_1883] {strides = array<i32>} : memref<7680xf32, #tpu.memory_space<vmem>>, vector<16xf32>,
    %add3A_1885 = arith.addf %broadcast_in_dim3A_0, %get3A_1884 : vector<16xf32>
    %get3A_1886 = arith.constant 592 : index
    %get3A_1887 = tpu.vector_load %arg15[%get3A_1886] {strides = array<i32>} : memref<7680xf32, #tpu.memory_space<vmem>>, vector<16xf32>,
    %add3A_1888 = arith.addf %add3A_1882, %get3A_1887 : vector<16xf32>
    %get3A_1889 = arith.constant 832 : index
    %get3A_1890 = tpu.vector_load %arg15[%get3A_1889] {strides = array<i32>} : memref<7680xf32, #tpu.memory_space<vmem>>, vector<16xf32>,
    %add3A_1891 = arith.addf %add3A_1885, %get3A_1890 : vector<16xf32>
    %get3A_1892 = arith.constant 1072 : index
    %get3A_1893 = tpu.vector_load %arg15[%get3A_1892] {strides = array<i32>} : memref<7680xf32, #tpu.memory_space<vmem>>, vector<16xf32>,
    %add3A_1894 = arith.addf %add3A_1888, %get3A_1893 : vector<16xf32>
    %get3A_1895 = arith.constant 1312 : index
    %get3A_1896 = tpu.vector_load %arg15[%get3A_1895] {strides = array<i32>} : memref<7680xf32, #tpu.memory_space<vmem>>, vector<16xf32>,
    %add3A_1897 = arith.addf %add3A_1891, %get3A_1896 : vector<16xf32>
    %get3A_1898 = arith.constant 1552 : index
    %get3A_1899 = tpu.vector_load %arg15[%get3A_1898] {strides = array<i32>} : memref<7680xf32, #tpu.memory_space<vmem>>, vector<16xf32>,
    %add3A_1900 = arith.addf %add3A_1894, %get3A_1899 : vector<16xf32>
    %get3A_1901 = arith.constant 1792 : index
    %get3A_1902 = tpu.vector_load %arg15[%get3A_1901] {strides = array<i32>} : memref<7680xf32, #tpu.memory_space<vmem>>, vector<16xf32>,
    %add3A_1903 = arith.addf %add3A_1897, %get3A_1902 : vector<16xf32>
    %get3A_1904 = arith.constant 2032 : index
    %get3A_1905 = tpu.vector_load %arg15[%get3A_1904] {strides = array<i32>} : memref<7680xf32, #tpu.memory_space<vmem>>, vector<16xf32>,
    %add3A_1906 = arith.addf %add3A_1900, %get3A_1905 : vector<16xf32>
    %get3A_1907 = arith.constant 2272 : index
    %get3A_1908 = tpu.vector_load %arg15[%get3A_1907] {strides = array<i32>} : memref<7680xf32, #tpu.memory_space<vmem>>, vector<16xf32>,
    %add3A_1909 = arith.addf %add3A_1903, %get3A_1908 : vector<16xf32>
    %get3A_1910 = arith.constant 2512 : index
    %get3A_1911 = tpu.vector_load %arg15[%get3A_1910] {strides = array<i32>} : memref<7680xf32, #tpu.memory_space<vmem>>, vector<16xf32>,
    %add3A_1912 = arith.addf %add3A_1906, %get3A_1911 : vector<16xf32>
    %get3A_1913 = arith.constant 2752 : index
    %get3A_1914 = tpu.vector_load %arg15[%get3A_1913] {strides = array<i32>} : memref<7680xf32, #tpu.memory_space<vmem>>, vector<16xf32>,
    %add3A_1915 = arith.addf %add3A_1909, %get3A_1914 : vector<16xf32>
    %get3A_1916 = arith.constant 2992 : index
    %get3A_1917 = tpu.vector_load %arg15[%get3A_1916] {strides = array<i32>} : memref<7680xf32, #tpu.memory_space<vmem>>, vector<16xf32>,
    %add3A_1918 = arith.addf %add3A_1912, %get3A_1917 : vector<16xf32>
    %get3A_1919 = arith.constant 3232 : index
    %get3A_1920 = tpu.vector_load %arg15[%get3A_1919] {strides = array<i32>} : memref<7680xf32, #tpu.memory_space<vmem>>, vector<16xf32>,
    %add3A_1921 = arith.addf %add3A_1915, %get3A_1920 : vector<16xf32>
    %get3A_1922 = arith.constant 3472 : index
    %get3A_1923 = tpu.vector_load %arg15[%get3A_1922] {strides = array<i32>} : memref<7680xf32, #tpu.memory_space<vmem>>, vector<16xf32>,
    %add3A_1924 = arith.addf %add3A_1918, %get3A_1923 : vector<16xf32>
    %get3A_1925 = arith.constant 3712 : index
    %get3A_1926 = tpu.vector_load %arg15[%get3A_1925] {strides = array<i32>} : memref<7680xf32, #tpu.memory_space<vmem>>, vector<16xf32>,
    %add3A_1927 = arith.addf %add3A_1921, %get3A_1926 : vector<16xf32>
    %get3A_1928 = arith.constant 3952 : index
    %get3A_1929 = tpu.vector_load %arg15[%get3A_1928] {strides = array<i32>} : memref<7680xf32, #tpu.memory_space<vmem>>, vector<16xf32>,
    %add3A_1930 = arith.addf %add3A_1924, %get3A_1929 : vector<16xf32>
    %get3A_1931 = arith.constant 4192 : index
    %get3A_1932 = tpu.vector_load %arg15[%get3A_1931] {strides = array<i32>} : memref<7680xf32, #tpu.memory_space<vmem>>, vector<16xf32>,
    %add3A_1933 = arith.addf %add3A_1927, %get3A_1932 : vector<16xf32>
    %get3A_1934 = arith.constant 4432 : index
    %get3A_1935 = tpu.vector_load %arg15[%get3A_1934] {strides = array<i32>} : memref<7680xf32, #tpu.memory_space<vmem>>, vector<16xf32>,
    %add3A_1936 = arith.addf %add3A_1930, %get3A_1935 : vector<16xf32>
    %get3A_1937 = arith.constant 4672 : index
    %get3A_1938 = tpu.vector_load %arg15[%get3A_1937] {strides = array<i32>} : memref<7680xf32, #tpu.memory_space<vmem>>, vector<16xf32>,
    %add3A_1939 = arith.addf %add3A_1933, %get3A_1938 : vector<16xf32>
    %get3A_1940 = arith.constant 4912 : index
    %get3A_1941 = tpu.vector_load %arg15[%get3A_1940] {strides = array<i32>} : memref<7680xf32, #tpu.memory_space<vmem>>, vector<16xf32>,
    %add3A_1942 = arith.addf %add3A_1936, %get3A_1941 : vector<16xf32>
    %get3A_1943 = arith.constant 5152 : index
    %get3A_1944 = tpu.vector_load %arg15[%get3A_1943] {strides = array<i32>} : memref<7680xf32, #tpu.memory_space<vmem>>, vector<16xf32>,
    %add3A_1945 = arith.addf %add3A_1939, %get3A_1944 : vector<16xf32>
    %get3A_1946 = arith.constant 5392 : index
    %get3A_1947 = tpu.vector_load %arg15[%get3A_1946] {strides = array<i32>} : memref<7680xf32, #tpu.memory_space<vmem>>, vector<16xf32>,
    %add3A_1948 = arith.addf %add3A_1942, %get3A_1947 : vector<16xf32>
    %get3A_1949 = arith.constant 5632 : index
    %get3A_1950 = tpu.vector_load %arg15[%get3A_1949] {strides = array<i32>} : memref<7680xf32, #tpu.memory_space<vmem>>, vector<16xf32>,
    %add3A_1951 = arith.addf %add3A_1945, %get3A_1950 : vector<16xf32>
    %get3A_1952 = arith.constant 5872 : index
    %get3A_1953 = tpu.vector_load %arg15[%get3A_1952] {strides = array<i32>} : memref<7680xf32, #tpu.memory_space<vmem>>, vector<16xf32>,
    %add3A_1954 = arith.addf %add3A_1948, %get3A_1953 : vector<16xf32>
    %get3A_1955 = arith.constant 6112 : index
    %get3A_1956 = tpu.vector_load %arg15[%get3A_1955] {strides = array<i32>} : memref<7680xf32, #tpu.memory_space<vmem>>, vector<16xf32>,
    %add3A_1957 = arith.addf %add3A_1951, %get3A_1956 : vector<16xf32>
    %get3A_1958 = arith.constant 6352 : index
    %get3A_1959 = tpu.vector_load %arg15[%get3A_1958] {strides = array<i32>} : memref<7680xf32, #tpu.memory_space<vmem>>, vector<16xf32>,
    %add3A_1960 = arith.addf %add3A_1954, %get3A_1959 : vector<16xf32>
    %get3A_1961 = arith.constant 6592 : index
    %get3A_1962 = tpu.vector_load %arg15[%get3A_1961] {strides = array<i32>} : memref<7680xf32, #tpu.memory_space<vmem>>, vector<16xf32>,
    %add3A_1963 = arith.addf %add3A_1957, %get3A_1962 : vector<16xf32>
    %get3A_1964 = arith.constant 6832 : index
    %get3A_1965 = tpu.vector_load %arg15[%get3A_1964] {strides = array<i32>} : memref<7680xf32, #tpu.memory_space<vmem>>, vector<16xf32>,
    %add3A_1966 = arith.addf %add3A_1960, %get3A_1965 : vector<16xf32>
    %get3A_1967 = arith.constant 7072 : index
    %get3A_1968 = tpu.vector_load %arg15[%get3A_1967] {strides = array<i32>} : memref<7680xf32, #tpu.memory_space<vmem>>, vector<16xf32>,
    %add3A_1969 = arith.addf %add3A_1963, %get3A_1968 : vector<16xf32>
    %get3A_1970 = arith.constant 7312 : index
    %get3A_1971 = tpu.vector_load %arg15[%get3A_1970] {strides = array<i32>} : memref<7680xf32, #tpu.memory_space<vmem>>, vector<16xf32>,
    %add3A_1972 = arith.addf %add3A_1966, %get3A_1971 : vector<16xf32>
    %get3A_1973 = arith.constant 7552 : index
    %get3A_1974 = tpu.vector_load %arg15[%get3A_1973] {strides = array<i32>} : memref<7680xf32, #tpu.memory_space<vmem>>, vector<16xf32>,
    %add3A_1975 = arith.addf %add3A_1969, %get3A_1974 : vector<16xf32>
    %reduce_sum3A_1976 = arith.constant true
    %reduce_sum3A_1977 = vector.broadcast %reduce_sum3A_1976 : i1 to vector<16xi1>
    %reduce_sum3A_1978 = tpu.scan <sum>, %add3A_1972 masked %reduce_sum3A_1977 : vector<16xf32>, vector<16xi1> -> vector<16xf32>
    %reduce_sum3A_1979 = vector.extract %reduce_sum3A_1978[15] : f32 from vector<16xf32>
    %reduce_sum3A_1980 = arith.constant true
    %reduce_sum3A_1981 = vector.broadcast %reduce_sum3A_1980 : i1 to vector<16xi1>
    %reduce_sum3A_1982 = tpu.scan <sum>, %add3A_1975 masked %reduce_sum3A_1981 : vector<16xf32>, vector<16xi1> -> vector<16xf32>
    %reduce_sum3A_1983 = vector.extract %reduce_sum3A_1982[15] : f32 from vector<16xf32>
    %sub3A_1984 = arith.subf %reduce_sum3A_1979, %reduce_sum3A_1983 : f32
    %abs3A_1985 = math.absf %sub3A_1984 : f32
    %add3A_1986 = arith.addf %add3A_1879, %abs3A_1985 : f32
    %get3A_1987 = arith.constant 128 : index
    %get3A_1988 = tpu.vector_load %arg15[%get3A_1987] {strides = array<i32>} : memref<7680xf32, #tpu.memory_space<vmem>>, vector<16xf32>,
    %add3A_1989 = arith.addf %broadcast_in_dim3A_0, %get3A_1988 : vector<16xf32>
    %get3A_1990 = arith.constant 368 : index
    %get3A_1991 = tpu.vector_load %arg15[%get3A_1990] {strides = array<i32>} : memref<7680xf32, #tpu.memory_space<vmem>>, vector<16xf32>,
    %add3A_1992 = arith.addf %broadcast_in_dim3A_0, %get3A_1991 : vector<16xf32>
    %get3A_1993 = arith.constant 608 : index
    %get3A_1994 = tpu.vector_load %arg15[%get3A_1993] {strides = array<i32>} : memref<7680xf32, #tpu.memory_space<vmem>>, vector<16xf32>,
    %add3A_1995 = arith.addf %add3A_1989, %get3A_1994 : vector<16xf32>
    %get3A_1996 = arith.constant 848 : index
    %get3A_1997 = tpu.vector_load %arg15[%get3A_1996] {strides = array<i32>} : memref<7680xf32, #tpu.memory_space<vmem>>, vector<16xf32>,
    %add3A_1998 = arith.addf %add3A_1992, %get3A_1997 : vector<16xf32>
    %get3A_1999 = arith.constant 1088 : index
    %get3A_2000 = tpu.vector_load %arg15[%get3A_1999] {strides = array<i32>} : memref<7680xf32, #tpu.memory_space<vmem>>, vector<16xf32>,
    %add3A_2001 = arith.addf %add3A_1995, %get3A_2000 : vector<16xf32>
    %get3A_2002 = arith.constant 1328 : index
    %get3A_2003 = tpu.vector_load %arg15[%get3A_2002] {strides = array<i32>} : memref<7680xf32, #tpu.memory_space<vmem>>, vector<16xf32>,
    %add3A_2004 = arith.addf %add3A_1998, %get3A_2003 : vector<16xf32>
    %get3A_2005 = arith.constant 1568 : index
    %get3A_2006 = tpu.vector_load %arg15[%get3A_2005] {strides = array<i32>} : memref<7680xf32, #tpu.memory_space<vmem>>, vector<16xf32>,
    %add3A_2007 = arith.addf %add3A_2001, %get3A_2006 : vector<16xf32>
    %get3A_2008 = arith.constant 1808 : index
    %get3A_2009 = tpu.vector_load %arg15[%get3A_2008] {strides = array<i32>} : memref<7680xf32, #tpu.memory_space<vmem>>, vector<16xf32>,
    %add3A_2010 = arith.addf %add3A_2004, %get3A_2009 : vector<16xf32>
    %get3A_2011 = arith.constant 2048 : index
    %get3A_2012 = tpu.vector_load %arg15[%get3A_2011] {strides = array<i32>} : memref<7680xf32, #tpu.memory_space<vmem>>, vector<16xf32>,
    %add3A_2013 = arith.addf %add3A_2007, %get3A_2012 : vector<16xf32>
    %get3A_2014 = arith.constant 2288 : index
    %get3A_2015 = tpu.vector_load %arg15[%get3A_2014] {strides = array<i32>} : memref<7680xf32, #tpu.memory_space<vmem>>, vector<16xf32>,
    %add3A_2016 = arith.addf %add3A_2010, %get3A_2015 : vector<16xf32>
    %get3A_2017 = arith.constant 2528 : index
    %get3A_2018 = tpu.vector_load %arg15[%get3A_2017] {strides = array<i32>} : memref<7680xf32, #tpu.memory_space<vmem>>, vector<16xf32>,
    %add3A_2019 = arith.addf %add3A_2013, %get3A_2018 : vector<16xf32>
    %get3A_2020 = arith.constant 2768 : index
    %get3A_2021 = tpu.vector_load %arg15[%get3A_2020] {strides = array<i32>} : memref<7680xf32, #tpu.memory_space<vmem>>, vector<16xf32>,
    %add3A_2022 = arith.addf %add3A_2016, %get3A_2021 : vector<16xf32>
    %get3A_2023 = arith.constant 3008 : index
    %get3A_2024 = tpu.vector_load %arg15[%get3A_2023] {strides = array<i32>} : memref<7680xf32, #tpu.memory_space<vmem>>, vector<16xf32>,
    %add3A_2025 = arith.addf %add3A_2019, %get3A_2024 : vector<16xf32>
    %get3A_2026 = arith.constant 3248 : index
    %get3A_2027 = tpu.vector_load %arg15[%get3A_2026] {strides = array<i32>} : memref<7680xf32, #tpu.memory_space<vmem>>, vector<16xf32>,
    %add3A_2028 = arith.addf %add3A_2022, %get3A_2027 : vector<16xf32>
    %get3A_2029 = arith.constant 3488 : index
    %get3A_2030 = tpu.vector_load %arg15[%get3A_2029] {strides = array<i32>} : memref<7680xf32, #tpu.memory_space<vmem>>, vector<16xf32>,
    %add3A_2031 = arith.addf %add3A_2025, %get3A_2030 : vector<16xf32>
    %get3A_2032 = arith.constant 3728 : index
    %get3A_2033 = tpu.vector_load %arg15[%get3A_2032] {strides = array<i32>} : memref<7680xf32, #tpu.memory_space<vmem>>, vector<16xf32>,
    %add3A_2034 = arith.addf %add3A_2028, %get3A_2033 : vector<16xf32>
    %get3A_2035 = arith.constant 3968 : index
    %get3A_2036 = tpu.vector_load %arg15[%get3A_2035] {strides = array<i32>} : memref<7680xf32, #tpu.memory_space<vmem>>, vector<16xf32>,
    %add3A_2037 = arith.addf %add3A_2031, %get3A_2036 : vector<16xf32>
    %get3A_2038 = arith.constant 4208 : index
    %get3A_2039 = tpu.vector_load %arg15[%get3A_2038] {strides = array<i32>} : memref<7680xf32, #tpu.memory_space<vmem>>, vector<16xf32>,
    %add3A_2040 = arith.addf %add3A_2034, %get3A_2039 : vector<16xf32>
    %get3A_2041 = arith.constant 4448 : index
    %get3A_2042 = tpu.vector_load %arg15[%get3A_2041] {strides = array<i32>} : memref<7680xf32, #tpu.memory_space<vmem>>, vector<16xf32>,
    %add3A_2043 = arith.addf %add3A_2037, %get3A_2042 : vector<16xf32>
    %get3A_2044 = arith.constant 4688 : index
    %get3A_2045 = tpu.vector_load %arg15[%get3A_2044] {strides = array<i32>} : memref<7680xf32, #tpu.memory_space<vmem>>, vector<16xf32>,
    %add3A_2046 = arith.addf %add3A_2040, %get3A_2045 : vector<16xf32>
    %get3A_2047 = arith.constant 4928 : index
    %get3A_2048 = tpu.vector_load %arg15[%get3A_2047] {strides = array<i32>} : memref<7680xf32, #tpu.memory_space<vmem>>, vector<16xf32>,
    %add3A_2049 = arith.addf %add3A_2043, %get3A_2048 : vector<16xf32>
    %get3A_2050 = arith.constant 5168 : index
    %get3A_2051 = tpu.vector_load %arg15[%get3A_2050] {strides = array<i32>} : memref<7680xf32, #tpu.memory_space<vmem>>, vector<16xf32>,
    %add3A_2052 = arith.addf %add3A_2046, %get3A_2051 : vector<16xf32>
    %get3A_2053 = arith.constant 5408 : index
    %get3A_2054 = tpu.vector_load %arg15[%get3A_2053] {strides = array<i32>} : memref<7680xf32, #tpu.memory_space<vmem>>, vector<16xf32>,
    %add3A_2055 = arith.addf %add3A_2049, %get3A_2054 : vector<16xf32>
    %get3A_2056 = arith.constant 5648 : index
    %get3A_2057 = tpu.vector_load %arg15[%get3A_2056] {strides = array<i32>} : memref<7680xf32, #tpu.memory_space<vmem>>, vector<16xf32>,
    %add3A_2058 = arith.addf %add3A_2052, %get3A_2057 : vector<16xf32>
    %get3A_2059 = arith.constant 5888 : index
    %get3A_2060 = tpu.vector_load %arg15[%get3A_2059] {strides = array<i32>} : memref<7680xf32, #tpu.memory_space<vmem>>, vector<16xf32>,
    %add3A_2061 = arith.addf %add3A_2055, %get3A_2060 : vector<16xf32>
    %get3A_2062 = arith.constant 6128 : index
    %get3A_2063 = tpu.vector_load %arg15[%get3A_2062] {strides = array<i32>} : memref<7680xf32, #tpu.memory_space<vmem>>, vector<16xf32>,
    %add3A_2064 = arith.addf %add3A_2058, %get3A_2063 : vector<16xf32>
    %get3A_2065 = arith.constant 6368 : index
    %get3A_2066 = tpu.vector_load %arg15[%get3A_2065] {strides = array<i32>} : memref<7680xf32, #tpu.memory_space<vmem>>, vector<16xf32>,
    %add3A_2067 = arith.addf %add3A_2061, %get3A_2066 : vector<16xf32>
    %get3A_2068 = arith.constant 6608 : index
    %get3A_2069 = tpu.vector_load %arg15[%get3A_2068] {strides = array<i32>} : memref<7680xf32, #tpu.memory_space<vmem>>, vector<16xf32>,
    %add3A_2070 = arith.addf %add3A_2064, %get3A_2069 : vector<16xf32>
    %get3A_2071 = arith.constant 6848 : index
    %get3A_2072 = tpu.vector_load %arg15[%get3A_2071] {strides = array<i32>} : memref<7680xf32, #tpu.memory_space<vmem>>, vector<16xf32>,
    %add3A_2073 = arith.addf %add3A_2067, %get3A_2072 : vector<16xf32>
    %get3A_2074 = arith.constant 7088 : index
    %get3A_2075 = tpu.vector_load %arg15[%get3A_2074] {strides = array<i32>} : memref<7680xf32, #tpu.memory_space<vmem>>, vector<16xf32>,
    %add3A_2076 = arith.addf %add3A_2070, %get3A_2075 : vector<16xf32>
    %get3A_2077 = arith.constant 7328 : index
    %get3A_2078 = tpu.vector_load %arg15[%get3A_2077] {strides = array<i32>} : memref<7680xf32, #tpu.memory_space<vmem>>, vector<16xf32>,
    %add3A_2079 = arith.addf %add3A_2073, %get3A_2078 : vector<16xf32>
    %get3A_2080 = arith.constant 7568 : index
    %get3A_2081 = tpu.vector_load %arg15[%get3A_2080] {strides = array<i32>} : memref<7680xf32, #tpu.memory_space<vmem>>, vector<16xf32>,
    %add3A_2082 = arith.addf %add3A_2076, %get3A_2081 : vector<16xf32>
    %reduce_sum3A_2083 = arith.constant true
    %reduce_sum3A_2084 = vector.broadcast %reduce_sum3A_2083 : i1 to vector<16xi1>
    %reduce_sum3A_2085 = tpu.scan <sum>, %add3A_2079 masked %reduce_sum3A_2084 : vector<16xf32>, vector<16xi1> -> vector<16xf32>
    %reduce_sum3A_2086 = vector.extract %reduce_sum3A_2085[15] : f32 from vector<16xf32>
    %reduce_sum3A_2087 = arith.constant true
    %reduce_sum3A_2088 = vector.broadcast %reduce_sum3A_2087 : i1 to vector<16xi1>
    %reduce_sum3A_2089 = tpu.scan <sum>, %add3A_2082 masked %reduce_sum3A_2088 : vector<16xf32>, vector<16xi1> -> vector<16xf32>
    %reduce_sum3A_2090 = vector.extract %reduce_sum3A_2089[15] : f32 from vector<16xf32>
    %sub3A_2091 = arith.subf %reduce_sum3A_2086, %reduce_sum3A_2090 : f32
    %abs3A_2092 = math.absf %sub3A_2091 : f32
    %add3A_2093 = arith.addf %add3A_1986, %abs3A_2092 : f32
    %get3A_2094 = arith.constant 144 : index
    %get3A_2095 = tpu.vector_load %arg15[%get3A_2094] {strides = array<i32>} : memref<7680xf32, #tpu.memory_space<vmem>>, vector<16xf32>,
    %add3A_2096 = arith.addf %broadcast_in_dim3A_0, %get3A_2095 : vector<16xf32>
    %get3A_2097 = arith.constant 384 : index
    %get3A_2098 = tpu.vector_load %arg15[%get3A_2097] {strides = array<i32>} : memref<7680xf32, #tpu.memory_space<vmem>>, vector<16xf32>,
    %add3A_2099 = arith.addf %broadcast_in_dim3A_0, %get3A_2098 : vector<16xf32>
    %get3A_2100 = arith.constant 624 : index
    %get3A_2101 = tpu.vector_load %arg15[%get3A_2100] {strides = array<i32>} : memref<7680xf32, #tpu.memory_space<vmem>>, vector<16xf32>,
    %add3A_2102 = arith.addf %add3A_2096, %get3A_2101 : vector<16xf32>
    %get3A_2103 = arith.constant 864 : index
    %get3A_2104 = tpu.vector_load %arg15[%get3A_2103] {strides = array<i32>} : memref<7680xf32, #tpu.memory_space<vmem>>, vector<16xf32>,
    %add3A_2105 = arith.addf %add3A_2099, %get3A_2104 : vector<16xf32>
    %get3A_2106 = arith.constant 1104 : index
    %get3A_2107 = tpu.vector_load %arg15[%get3A_2106] {strides = array<i32>} : memref<7680xf32, #tpu.memory_space<vmem>>, vector<16xf32>,
    %add3A_2108 = arith.addf %add3A_2102, %get3A_2107 : vector<16xf32>
    %get3A_2109 = arith.constant 1344 : index
    %get3A_2110 = tpu.vector_load %arg15[%get3A_2109] {strides = array<i32>} : memref<7680xf32, #tpu.memory_space<vmem>>, vector<16xf32>,
    %add3A_2111 = arith.addf %add3A_2105, %get3A_2110 : vector<16xf32>
    %get3A_2112 = arith.constant 1584 : index
    %get3A_2113 = tpu.vector_load %arg15[%get3A_2112] {strides = array<i32>} : memref<7680xf32, #tpu.memory_space<vmem>>, vector<16xf32>,
    %add3A_2114 = arith.addf %add3A_2108, %get3A_2113 : vector<16xf32>
    %get3A_2115 = arith.constant 1824 : index
    %get3A_2116 = tpu.vector_load %arg15[%get3A_2115] {strides = array<i32>} : memref<7680xf32, #tpu.memory_space<vmem>>, vector<16xf32>,
    %add3A_2117 = arith.addf %add3A_2111, %get3A_2116 : vector<16xf32>
    %get3A_2118 = arith.constant 2064 : index
    %get3A_2119 = tpu.vector_load %arg15[%get3A_2118] {strides = array<i32>} : memref<7680xf32, #tpu.memory_space<vmem>>, vector<16xf32>,
    %add3A_2120 = arith.addf %add3A_2114, %get3A_2119 : vector<16xf32>
    %get3A_2121 = arith.constant 2304 : index
    %get3A_2122 = tpu.vector_load %arg15[%get3A_2121] {strides = array<i32>} : memref<7680xf32, #tpu.memory_space<vmem>>, vector<16xf32>,
    %add3A_2123 = arith.addf %add3A_2117, %get3A_2122 : vector<16xf32>
    %get3A_2124 = arith.constant 2544 : index
    %get3A_2125 = tpu.vector_load %arg15[%get3A_2124] {strides = array<i32>} : memref<7680xf32, #tpu.memory_space<vmem>>, vector<16xf32>,
    %add3A_2126 = arith.addf %add3A_2120, %get3A_2125 : vector<16xf32>
    %get3A_2127 = arith.constant 2784 : index
    %get3A_2128 = tpu.vector_load %arg15[%get3A_2127] {strides = array<i32>} : memref<7680xf32, #tpu.memory_space<vmem>>, vector<16xf32>,
    %add3A_2129 = arith.addf %add3A_2123, %get3A_2128 : vector<16xf32>
    %get3A_2130 = arith.constant 3024 : index
    %get3A_2131 = tpu.vector_load %arg15[%get3A_2130] {strides = array<i32>} : memref<7680xf32, #tpu.memory_space<vmem>>, vector<16xf32>,
    %add3A_2132 = arith.addf %add3A_2126, %get3A_2131 : vector<16xf32>
    %get3A_2133 = arith.constant 3264 : index
    %get3A_2134 = tpu.vector_load %arg15[%get3A_2133] {strides = array<i32>} : memref<7680xf32, #tpu.memory_space<vmem>>, vector<16xf32>,
    %add3A_2135 = arith.addf %add3A_2129, %get3A_2134 : vector<16xf32>
    %get3A_2136 = arith.constant 3504 : index
    %get3A_2137 = tpu.vector_load %arg15[%get3A_2136] {strides = array<i32>} : memref<7680xf32, #tpu.memory_space<vmem>>, vector<16xf32>,
    %add3A_2138 = arith.addf %add3A_2132, %get3A_2137 : vector<16xf32>
    %get3A_2139 = arith.constant 3744 : index
    %get3A_2140 = tpu.vector_load %arg15[%get3A_2139] {strides = array<i32>} : memref<7680xf32, #tpu.memory_space<vmem>>, vector<16xf32>,
    %add3A_2141 = arith.addf %add3A_2135, %get3A_2140 : vector<16xf32>
    %get3A_2142 = arith.constant 3984 : index
    %get3A_2143 = tpu.vector_load %arg15[%get3A_2142] {strides = array<i32>} : memref<7680xf32, #tpu.memory_space<vmem>>, vector<16xf32>,
    %add3A_2144 = arith.addf %add3A_2138, %get3A_2143 : vector<16xf32>
    %get3A_2145 = arith.constant 4224 : index
    %get3A_2146 = tpu.vector_load %arg15[%get3A_2145] {strides = array<i32>} : memref<7680xf32, #tpu.memory_space<vmem>>, vector<16xf32>,
    %add3A_2147 = arith.addf %add3A_2141, %get3A_2146 : vector<16xf32>
    %get3A_2148 = arith.constant 4464 : index
    %get3A_2149 = tpu.vector_load %arg15[%get3A_2148] {strides = array<i32>} : memref<7680xf32, #tpu.memory_space<vmem>>, vector<16xf32>,
    %add3A_2150 = arith.addf %add3A_2144, %get3A_2149 : vector<16xf32>
    %get3A_2151 = arith.constant 4704 : index
    %get3A_2152 = tpu.vector_load %arg15[%get3A_2151] {strides = array<i32>} : memref<7680xf32, #tpu.memory_space<vmem>>, vector<16xf32>,
    %add3A_2153 = arith.addf %add3A_2147, %get3A_2152 : vector<16xf32>
    %get3A_2154 = arith.constant 4944 : index
    %get3A_2155 = tpu.vector_load %arg15[%get3A_2154] {strides = array<i32>} : memref<7680xf32, #tpu.memory_space<vmem>>, vector<16xf32>,
    %add3A_2156 = arith.addf %add3A_2150, %get3A_2155 : vector<16xf32>
    %get3A_2157 = arith.constant 5184 : index
    %get3A_2158 = tpu.vector_load %arg15[%get3A_2157] {strides = array<i32>} : memref<7680xf32, #tpu.memory_space<vmem>>, vector<16xf32>,
    %add3A_2159 = arith.addf %add3A_2153, %get3A_2158 : vector<16xf32>
    %get3A_2160 = arith.constant 5424 : index
    %get3A_2161 = tpu.vector_load %arg15[%get3A_2160] {strides = array<i32>} : memref<7680xf32, #tpu.memory_space<vmem>>, vector<16xf32>,
    %add3A_2162 = arith.addf %add3A_2156, %get3A_2161 : vector<16xf32>
    %get3A_2163 = arith.constant 5664 : index
    %get3A_2164 = tpu.vector_load %arg15[%get3A_2163] {strides = array<i32>} : memref<7680xf32, #tpu.memory_space<vmem>>, vector<16xf32>,
    %add3A_2165 = arith.addf %add3A_2159, %get3A_2164 : vector<16xf32>
    %get3A_2166 = arith.constant 5904 : index
    %get3A_2167 = tpu.vector_load %arg15[%get3A_2166] {strides = array<i32>} : memref<7680xf32, #tpu.memory_space<vmem>>, vector<16xf32>,
    %add3A_2168 = arith.addf %add3A_2162, %get3A_2167 : vector<16xf32>
    %get3A_2169 = arith.constant 6144 : index
    %get3A_2170 = tpu.vector_load %arg15[%get3A_2169] {strides = array<i32>} : memref<7680xf32, #tpu.memory_space<vmem>>, vector<16xf32>,
    %add3A_2171 = arith.addf %add3A_2165, %get3A_2170 : vector<16xf32>
    %get3A_2172 = arith.constant 6384 : index
    %get3A_2173 = tpu.vector_load %arg15[%get3A_2172] {strides = array<i32>} : memref<7680xf32, #tpu.memory_space<vmem>>, vector<16xf32>,
    %add3A_2174 = arith.addf %add3A_2168, %get3A_2173 : vector<16xf32>
    %get3A_2175 = arith.constant 6624 : index
    %get3A_2176 = tpu.vector_load %arg15[%get3A_2175] {strides = array<i32>} : memref<7680xf32, #tpu.memory_space<vmem>>, vector<16xf32>,
    %add3A_2177 = arith.addf %add3A_2171, %get3A_2176 : vector<16xf32>
    %get3A_2178 = arith.constant 6864 : index
    %get3A_2179 = tpu.vector_load %arg15[%get3A_2178] {strides = array<i32>} : memref<7680xf32, #tpu.memory_space<vmem>>, vector<16xf32>,
    %add3A_2180 = arith.addf %add3A_2174, %get3A_2179 : vector<16xf32>
    %get3A_2181 = arith.constant 7104 : index
    %get3A_2182 = tpu.vector_load %arg15[%get3A_2181] {strides = array<i32>} : memref<7680xf32, #tpu.memory_space<vmem>>, vector<16xf32>,
    %add3A_2183 = arith.addf %add3A_2177, %get3A_2182 : vector<16xf32>
    %get3A_2184 = arith.constant 7344 : index
    %get3A_2185 = tpu.vector_load %arg15[%get3A_2184] {strides = array<i32>} : memref<7680xf32, #tpu.memory_space<vmem>>, vector<16xf32>,
    %add3A_2186 = arith.addf %add3A_2180, %get3A_2185 : vector<16xf32>
    %get3A_2187 = arith.constant 7584 : index
    %get3A_2188 = tpu.vector_load %arg15[%get3A_2187] {strides = array<i32>} : memref<7680xf32, #tpu.memory_space<vmem>>, vector<16xf32>,
    %add3A_2189 = arith.addf %add3A_2183, %get3A_2188 : vector<16xf32>
    %reduce_sum3A_2190 = arith.constant true
    %reduce_sum3A_2191 = vector.broadcast %reduce_sum3A_2190 : i1 to vector<16xi1>
    %reduce_sum3A_2192 = tpu.scan <sum>, %add3A_2186 masked %reduce_sum3A_2191 : vector<16xf32>, vector<16xi1> -> vector<16xf32>
    %reduce_sum3A_2193 = vector.extract %reduce_sum3A_2192[15] : f32 from vector<16xf32>
    %reduce_sum3A_2194 = arith.constant true
    %reduce_sum3A_2195 = vector.broadcast %reduce_sum3A_2194 : i1 to vector<16xi1>
    %reduce_sum3A_2196 = tpu.scan <sum>, %add3A_2189 masked %reduce_sum3A_2195 : vector<16xf32>, vector<16xi1> -> vector<16xf32>
    %reduce_sum3A_2197 = vector.extract %reduce_sum3A_2196[15] : f32 from vector<16xf32>
    %sub3A_2198 = arith.subf %reduce_sum3A_2193, %reduce_sum3A_2197 : f32
    %abs3A_2199 = math.absf %sub3A_2198 : f32
    %add3A_2200 = arith.addf %add3A_2093, %abs3A_2199 : f32
    %get3A_2201 = arith.constant 160 : index
    %get3A_2202 = tpu.vector_load %arg15[%get3A_2201] {strides = array<i32>} : memref<7680xf32, #tpu.memory_space<vmem>>, vector<16xf32>,
    %add3A_2203 = arith.addf %broadcast_in_dim3A_0, %get3A_2202 : vector<16xf32>
    %get3A_2204 = arith.constant 400 : index
    %get3A_2205 = tpu.vector_load %arg15[%get3A_2204] {strides = array<i32>} : memref<7680xf32, #tpu.memory_space<vmem>>, vector<16xf32>,
    %add3A_2206 = arith.addf %broadcast_in_dim3A_0, %get3A_2205 : vector<16xf32>
    %get3A_2207 = arith.constant 640 : index
    %get3A_2208 = tpu.vector_load %arg15[%get3A_2207] {strides = array<i32>} : memref<7680xf32, #tpu.memory_space<vmem>>, vector<16xf32>,
    %add3A_2209 = arith.addf %add3A_2203, %get3A_2208 : vector<16xf32>
    %get3A_2210 = arith.constant 880 : index
    %get3A_2211 = tpu.vector_load %arg15[%get3A_2210] {strides = array<i32>} : memref<7680xf32, #tpu.memory_space<vmem>>, vector<16xf32>,
    %add3A_2212 = arith.addf %add3A_2206, %get3A_2211 : vector<16xf32>
    %get3A_2213 = arith.constant 1120 : index
    %get3A_2214 = tpu.vector_load %arg15[%get3A_2213] {strides = array<i32>} : memref<7680xf32, #tpu.memory_space<vmem>>, vector<16xf32>,
    %add3A_2215 = arith.addf %add3A_2209, %get3A_2214 : vector<16xf32>
    %get3A_2216 = arith.constant 1360 : index
    %get3A_2217 = tpu.vector_load %arg15[%get3A_2216] {strides = array<i32>} : memref<7680xf32, #tpu.memory_space<vmem>>, vector<16xf32>,
    %add3A_2218 = arith.addf %add3A_2212, %get3A_2217 : vector<16xf32>
    %get3A_2219 = arith.constant 1600 : index
    %get3A_2220 = tpu.vector_load %arg15[%get3A_2219] {strides = array<i32>} : memref<7680xf32, #tpu.memory_space<vmem>>, vector<16xf32>,
    %add3A_2221 = arith.addf %add3A_2215, %get3A_2220 : vector<16xf32>
    %get3A_2222 = arith.constant 1840 : index
    %get3A_2223 = tpu.vector_load %arg15[%get3A_2222] {strides = array<i32>} : memref<7680xf32, #tpu.memory_space<vmem>>, vector<16xf32>,
    %add3A_2224 = arith.addf %add3A_2218, %get3A_2223 : vector<16xf32>
    %get3A_2225 = arith.constant 2080 : index
    %get3A_2226 = tpu.vector_load %arg15[%get3A_2225] {strides = array<i32>} : memref<7680xf32, #tpu.memory_space<vmem>>, vector<16xf32>,
    %add3A_2227 = arith.addf %add3A_2221, %get3A_2226 : vector<16xf32>
    %get3A_2228 = arith.constant 2320 : index
    %get3A_2229 = tpu.vector_load %arg15[%get3A_2228] {strides = array<i32>} : memref<7680xf32, #tpu.memory_space<vmem>>, vector<16xf32>,
    %add3A_2230 = arith.addf %add3A_2224, %get3A_2229 : vector<16xf32>
    %get3A_2231 = arith.constant 2560 : index
    %get3A_2232 = tpu.vector_load %arg15[%get3A_2231] {strides = array<i32>} : memref<7680xf32, #tpu.memory_space<vmem>>, vector<16xf32>,
    %add3A_2233 = arith.addf %add3A_2227, %get3A_2232 : vector<16xf32>
    %get3A_2234 = arith.constant 2800 : index
    %get3A_2235 = tpu.vector_load %arg15[%get3A_2234] {strides = array<i32>} : memref<7680xf32, #tpu.memory_space<vmem>>, vector<16xf32>,
    %add3A_2236 = arith.addf %add3A_2230, %get3A_2235 : vector<16xf32>
    %get3A_2237 = arith.constant 3040 : index
    %get3A_2238 = tpu.vector_load %arg15[%get3A_2237] {strides = array<i32>} : memref<7680xf32, #tpu.memory_space<vmem>>, vector<16xf32>,
    %add3A_2239 = arith.addf %add3A_2233, %get3A_2238 : vector<16xf32>
    %get3A_2240 = arith.constant 3280 : index
    %get3A_2241 = tpu.vector_load %arg15[%get3A_2240] {strides = array<i32>} : memref<7680xf32, #tpu.memory_space<vmem>>, vector<16xf32>,
    %add3A_2242 = arith.addf %add3A_2236, %get3A_2241 : vector<16xf32>
    %get3A_2243 = arith.constant 3520 : index
    %get3A_2244 = tpu.vector_load %arg15[%get3A_2243] {strides = array<i32>} : memref<7680xf32, #tpu.memory_space<vmem>>, vector<16xf32>,
    %add3A_2245 = arith.addf %add3A_2239, %get3A_2244 : vector<16xf32>
    %get3A_2246 = arith.constant 3760 : index
    %get3A_2247 = tpu.vector_load %arg15[%get3A_2246] {strides = array<i32>} : memref<7680xf32, #tpu.memory_space<vmem>>, vector<16xf32>,
    %add3A_2248 = arith.addf %add3A_2242, %get3A_2247 : vector<16xf32>
    %get3A_2249 = arith.constant 4000 : index
    %get3A_2250 = tpu.vector_load %arg15[%get3A_2249] {strides = array<i32>} : memref<7680xf32, #tpu.memory_space<vmem>>, vector<16xf32>,
    %add3A_2251 = arith.addf %add3A_2245, %get3A_2250 : vector<16xf32>
    %get3A_2252 = arith.constant 4240 : index
    %get3A_2253 = tpu.vector_load %arg15[%get3A_2252] {strides = array<i32>} : memref<7680xf32, #tpu.memory_space<vmem>>, vector<16xf32>,
    %add3A_2254 = arith.addf %add3A_2248, %get3A_2253 : vector<16xf32>
    %get3A_2255 = arith.constant 4480 : index
    %get3A_2256 = tpu.vector_load %arg15[%get3A_2255] {strides = array<i32>} : memref<7680xf32, #tpu.memory_space<vmem>>, vector<16xf32>,
    %add3A_2257 = arith.addf %add3A_2251, %get3A_2256 : vector<16xf32>
    %get3A_2258 = arith.constant 4720 : index
    %get3A_2259 = tpu.vector_load %arg15[%get3A_2258] {strides = array<i32>} : memref<7680xf32, #tpu.memory_space<vmem>>, vector<16xf32>,
    %add3A_2260 = arith.addf %add3A_2254, %get3A_2259 : vector<16xf32>
    %get3A_2261 = arith.constant 4960 : index
    %get3A_2262 = tpu.vector_load %arg15[%get3A_2261] {strides = array<i32>} : memref<7680xf32, #tpu.memory_space<vmem>>, vector<16xf32>,
    %add3A_2263 = arith.addf %add3A_2257, %get3A_2262 : vector<16xf32>
    %get3A_2264 = arith.constant 5200 : index
    %get3A_2265 = tpu.vector_load %arg15[%get3A_2264] {strides = array<i32>} : memref<7680xf32, #tpu.memory_space<vmem>>, vector<16xf32>,
    %add3A_2266 = arith.addf %add3A_2260, %get3A_2265 : vector<16xf32>
    %get3A_2267 = arith.constant 5440 : index
    %get3A_2268 = tpu.vector_load %arg15[%get3A_2267] {strides = array<i32>} : memref<7680xf32, #tpu.memory_space<vmem>>, vector<16xf32>,
    %add3A_2269 = arith.addf %add3A_2263, %get3A_2268 : vector<16xf32>
    %get3A_2270 = arith.constant 5680 : index
    %get3A_2271 = tpu.vector_load %arg15[%get3A_2270] {strides = array<i32>} : memref<7680xf32, #tpu.memory_space<vmem>>, vector<16xf32>,
    %add3A_2272 = arith.addf %add3A_2266, %get3A_2271 : vector<16xf32>
    %get3A_2273 = arith.constant 5920 : index
    %get3A_2274 = tpu.vector_load %arg15[%get3A_2273] {strides = array<i32>} : memref<7680xf32, #tpu.memory_space<vmem>>, vector<16xf32>,
    %add3A_2275 = arith.addf %add3A_2269, %get3A_2274 : vector<16xf32>
    %get3A_2276 = arith.constant 6160 : index
    %get3A_2277 = tpu.vector_load %arg15[%get3A_2276] {strides = array<i32>} : memref<7680xf32, #tpu.memory_space<vmem>>, vector<16xf32>,
    %add3A_2278 = arith.addf %add3A_2272, %get3A_2277 : vector<16xf32>
    %get3A_2279 = arith.constant 6400 : index
    %get3A_2280 = tpu.vector_load %arg15[%get3A_2279] {strides = array<i32>} : memref<7680xf32, #tpu.memory_space<vmem>>, vector<16xf32>,
    %add3A_2281 = arith.addf %add3A_2275, %get3A_2280 : vector<16xf32>
    %get3A_2282 = arith.constant 6640 : index
    %get3A_2283 = tpu.vector_load %arg15[%get3A_2282] {strides = array<i32>} : memref<7680xf32, #tpu.memory_space<vmem>>, vector<16xf32>,
    %add3A_2284 = arith.addf %add3A_2278, %get3A_2283 : vector<16xf32>
    %get3A_2285 = arith.constant 6880 : index
    %get3A_2286 = tpu.vector_load %arg15[%get3A_2285] {strides = array<i32>} : memref<7680xf32, #tpu.memory_space<vmem>>, vector<16xf32>,
    %add3A_2287 = arith.addf %add3A_2281, %get3A_2286 : vector<16xf32>
    %get3A_2288 = arith.constant 7120 : index
    %get3A_2289 = tpu.vector_load %arg15[%get3A_2288] {strides = array<i32>} : memref<7680xf32, #tpu.memory_space<vmem>>, vector<16xf32>,
    %add3A_2290 = arith.addf %add3A_2284, %get3A_2289 : vector<16xf32>
    %get3A_2291 = arith.constant 7360 : index
    %get3A_2292 = tpu.vector_load %arg15[%get3A_2291] {strides = array<i32>} : memref<7680xf32, #tpu.memory_space<vmem>>, vector<16xf32>,
    %add3A_2293 = arith.addf %add3A_2287, %get3A_2292 : vector<16xf32>
    %get3A_2294 = arith.constant 7600 : index
    %get3A_2295 = tpu.vector_load %arg15[%get3A_2294] {strides = array<i32>} : memref<7680xf32, #tpu.memory_space<vmem>>, vector<16xf32>,
    %add3A_2296 = arith.addf %add3A_2290, %get3A_2295 : vector<16xf32>
    %reduce_sum3A_2297 = arith.constant true
    %reduce_sum3A_2298 = vector.broadcast %reduce_sum3A_2297 : i1 to vector<16xi1>
    %reduce_sum3A_2299 = tpu.scan <sum>, %add3A_2293 masked %reduce_sum3A_2298 : vector<16xf32>, vector<16xi1> -> vector<16xf32>
    %reduce_sum3A_2300 = vector.extract %reduce_sum3A_2299[15] : f32 from vector<16xf32>
    %reduce_sum3A_2301 = arith.constant true
    %reduce_sum3A_2302 = vector.broadcast %reduce_sum3A_2301 : i1 to vector<16xi1>
    %reduce_sum3A_2303 = tpu.scan <sum>, %add3A_2296 masked %reduce_sum3A_2302 : vector<16xf32>, vector<16xi1> -> vector<16xf32>
    %reduce_sum3A_2304 = vector.extract %reduce_sum3A_2303[15] : f32 from vector<16xf32>
    %sub3A_2305 = arith.subf %reduce_sum3A_2300, %reduce_sum3A_2304 : f32
    %abs3A_2306 = math.absf %sub3A_2305 : f32
    %add3A_2307 = arith.addf %add3A_2200, %abs3A_2306 : f32
    %get3A_2308 = arith.constant 176 : index
    %get3A_2309 = tpu.vector_load %arg15[%get3A_2308] {strides = array<i32>} : memref<7680xf32, #tpu.memory_space<vmem>>, vector<16xf32>,
    %add3A_2310 = arith.addf %broadcast_in_dim3A_0, %get3A_2309 : vector<16xf32>
    %get3A_2311 = arith.constant 416 : index
    %get3A_2312 = tpu.vector_load %arg15[%get3A_2311] {strides = array<i32>} : memref<7680xf32, #tpu.memory_space<vmem>>, vector<16xf32>,
    %add3A_2313 = arith.addf %broadcast_in_dim3A_0, %get3A_2312 : vector<16xf32>
    %get3A_2314 = arith.constant 656 : index
    %get3A_2315 = tpu.vector_load %arg15[%get3A_2314] {strides = array<i32>} : memref<7680xf32, #tpu.memory_space<vmem>>, vector<16xf32>,
    %add3A_2316 = arith.addf %add3A_2310, %get3A_2315 : vector<16xf32>
    %get3A_2317 = arith.constant 896 : index
    %get3A_2318 = tpu.vector_load %arg15[%get3A_2317] {strides = array<i32>} : memref<7680xf32, #tpu.memory_space<vmem>>, vector<16xf32>,
    %add3A_2319 = arith.addf %add3A_2313, %get3A_2318 : vector<16xf32>
    %get3A_2320 = arith.constant 1136 : index
    %get3A_2321 = tpu.vector_load %arg15[%get3A_2320] {strides = array<i32>} : memref<7680xf32, #tpu.memory_space<vmem>>, vector<16xf32>,
    %add3A_2322 = arith.addf %add3A_2316, %get3A_2321 : vector<16xf32>
    %get3A_2323 = arith.constant 1376 : index
    %get3A_2324 = tpu.vector_load %arg15[%get3A_2323] {strides = array<i32>} : memref<7680xf32, #tpu.memory_space<vmem>>, vector<16xf32>,
    %add3A_2325 = arith.addf %add3A_2319, %get3A_2324 : vector<16xf32>
    %get3A_2326 = arith.constant 1616 : index
    %get3A_2327 = tpu.vector_load %arg15[%get3A_2326] {strides = array<i32>} : memref<7680xf32, #tpu.memory_space<vmem>>, vector<16xf32>,
    %add3A_2328 = arith.addf %add3A_2322, %get3A_2327 : vector<16xf32>
    %get3A_2329 = arith.constant 1856 : index
    %get3A_2330 = tpu.vector_load %arg15[%get3A_2329] {strides = array<i32>} : memref<7680xf32, #tpu.memory_space<vmem>>, vector<16xf32>,
    %add3A_2331 = arith.addf %add3A_2325, %get3A_2330 : vector<16xf32>
    %get3A_2332 = arith.constant 2096 : index
    %get3A_2333 = tpu.vector_load %arg15[%get3A_2332] {strides = array<i32>} : memref<7680xf32, #tpu.memory_space<vmem>>, vector<16xf32>,
    %add3A_2334 = arith.addf %add3A_2328, %get3A_2333 : vector<16xf32>
    %get3A_2335 = arith.constant 2336 : index
    %get3A_2336 = tpu.vector_load %arg15[%get3A_2335] {strides = array<i32>} : memref<7680xf32, #tpu.memory_space<vmem>>, vector<16xf32>,
    %add3A_2337 = arith.addf %add3A_2331, %get3A_2336 : vector<16xf32>
    %get3A_2338 = arith.constant 2576 : index
    %get3A_2339 = tpu.vector_load %arg15[%get3A_2338] {strides = array<i32>} : memref<7680xf32, #tpu.memory_space<vmem>>, vector<16xf32>,
    %add3A_2340 = arith.addf %add3A_2334, %get3A_2339 : vector<16xf32>
    %get3A_2341 = arith.constant 2816 : index
    %get3A_2342 = tpu.vector_load %arg15[%get3A_2341] {strides = array<i32>} : memref<7680xf32, #tpu.memory_space<vmem>>, vector<16xf32>,
    %add3A_2343 = arith.addf %add3A_2337, %get3A_2342 : vector<16xf32>
    %get3A_2344 = arith.constant 3056 : index
    %get3A_2345 = tpu.vector_load %arg15[%get3A_2344] {strides = array<i32>} : memref<7680xf32, #tpu.memory_space<vmem>>, vector<16xf32>,
    %add3A_2346 = arith.addf %add3A_2340, %get3A_2345 : vector<16xf32>
    %get3A_2347 = arith.constant 3296 : index
    %get3A_2348 = tpu.vector_load %arg15[%get3A_2347] {strides = array<i32>} : memref<7680xf32, #tpu.memory_space<vmem>>, vector<16xf32>,
    %add3A_2349 = arith.addf %add3A_2343, %get3A_2348 : vector<16xf32>
    %get3A_2350 = arith.constant 3536 : index
    %get3A_2351 = tpu.vector_load %arg15[%get3A_2350] {strides = array<i32>} : memref<7680xf32, #tpu.memory_space<vmem>>, vector<16xf32>,
    %add3A_2352 = arith.addf %add3A_2346, %get3A_2351 : vector<16xf32>
    %get3A_2353 = arith.constant 3776 : index
    %get3A_2354 = tpu.vector_load %arg15[%get3A_2353] {strides = array<i32>} : memref<7680xf32, #tpu.memory_space<vmem>>, vector<16xf32>,
    %add3A_2355 = arith.addf %add3A_2349, %get3A_2354 : vector<16xf32>
    %get3A_2356 = arith.constant 4016 : index
    %get3A_2357 = tpu.vector_load %arg15[%get3A_2356] {strides = array<i32>} : memref<7680xf32, #tpu.memory_space<vmem>>, vector<16xf32>,
    %add3A_2358 = arith.addf %add3A_2352, %get3A_2357 : vector<16xf32>
    %get3A_2359 = arith.constant 4256 : index
    %get3A_2360 = tpu.vector_load %arg15[%get3A_2359] {strides = array<i32>} : memref<7680xf32, #tpu.memory_space<vmem>>, vector<16xf32>,
    %add3A_2361 = arith.addf %add3A_2355, %get3A_2360 : vector<16xf32>
    %get3A_2362 = arith.constant 4496 : index
    %get3A_2363 = tpu.vector_load %arg15[%get3A_2362] {strides = array<i32>} : memref<7680xf32, #tpu.memory_space<vmem>>, vector<16xf32>,
    %add3A_2364 = arith.addf %add3A_2358, %get3A_2363 : vector<16xf32>
    %get3A_2365 = arith.constant 4736 : index
    %get3A_2366 = tpu.vector_load %arg15[%get3A_2365] {strides = array<i32>} : memref<7680xf32, #tpu.memory_space<vmem>>, vector<16xf32>,
    %add3A_2367 = arith.addf %add3A_2361, %get3A_2366 : vector<16xf32>
    %get3A_2368 = arith.constant 4976 : index
    %get3A_2369 = tpu.vector_load %arg15[%get3A_2368] {strides = array<i32>} : memref<7680xf32, #tpu.memory_space<vmem>>, vector<16xf32>,
    %add3A_2370 = arith.addf %add3A_2364, %get3A_2369 : vector<16xf32>
    %get3A_2371 = arith.constant 5216 : index
    %get3A_2372 = tpu.vector_load %arg15[%get3A_2371] {strides = array<i32>} : memref<7680xf32, #tpu.memory_space<vmem>>, vector<16xf32>,
    %add3A_2373 = arith.addf %add3A_2367, %get3A_2372 : vector<16xf32>
    %get3A_2374 = arith.constant 5456 : index
    %get3A_2375 = tpu.vector_load %arg15[%get3A_2374] {strides = array<i32>} : memref<7680xf32, #tpu.memory_space<vmem>>, vector<16xf32>,
    %add3A_2376 = arith.addf %add3A_2370, %get3A_2375 : vector<16xf32>
    %get3A_2377 = arith.constant 5696 : index
    %get3A_2378 = tpu.vector_load %arg15[%get3A_2377] {strides = array<i32>} : memref<7680xf32, #tpu.memory_space<vmem>>, vector<16xf32>,
    %add3A_2379 = arith.addf %add3A_2373, %get3A_2378 : vector<16xf32>
    %get3A_2380 = arith.constant 5936 : index
    %get3A_2381 = tpu.vector_load %arg15[%get3A_2380] {strides = array<i32>} : memref<7680xf32, #tpu.memory_space<vmem>>, vector<16xf32>,
    %add3A_2382 = arith.addf %add3A_2376, %get3A_2381 : vector<16xf32>
    %get3A_2383 = arith.constant 6176 : index
    %get3A_2384 = tpu.vector_load %arg15[%get3A_2383] {strides = array<i32>} : memref<7680xf32, #tpu.memory_space<vmem>>, vector<16xf32>,
    %add3A_2385 = arith.addf %add3A_2379, %get3A_2384 : vector<16xf32>
    %get3A_2386 = arith.constant 6416 : index
    %get3A_2387 = tpu.vector_load %arg15[%get3A_2386] {strides = array<i32>} : memref<7680xf32, #tpu.memory_space<vmem>>, vector<16xf32>,
    %add3A_2388 = arith.addf %add3A_2382, %get3A_2387 : vector<16xf32>
    %get3A_2389 = arith.constant 6656 : index
    %get3A_2390 = tpu.vector_load %arg15[%get3A_2389] {strides = array<i32>} : memref<7680xf32, #tpu.memory_space<vmem>>, vector<16xf32>,
    %add3A_2391 = arith.addf %add3A_2385, %get3A_2390 : vector<16xf32>
    %get3A_2392 = arith.constant 6896 : index
    %get3A_2393 = tpu.vector_load %arg15[%get3A_2392] {strides = array<i32>} : memref<7680xf32, #tpu.memory_space<vmem>>, vector<16xf32>,
    %add3A_2394 = arith.addf %add3A_2388, %get3A_2393 : vector<16xf32>
    %get3A_2395 = arith.constant 7136 : index
    %get3A_2396 = tpu.vector_load %arg15[%get3A_2395] {strides = array<i32>} : memref<7680xf32, #tpu.memory_space<vmem>>, vector<16xf32>,
    %add3A_2397 = arith.addf %add3A_2391, %get3A_2396 : vector<16xf32>
    %get3A_2398 = arith.constant 7376 : index
    %get3A_2399 = tpu.vector_load %arg15[%get3A_2398] {strides = array<i32>} : memref<7680xf32, #tpu.memory_space<vmem>>, vector<16xf32>,
    %add3A_2400 = arith.addf %add3A_2394, %get3A_2399 : vector<16xf32>
    %get3A_2401 = arith.constant 7616 : index
    %get3A_2402 = tpu.vector_load %arg15[%get3A_2401] {strides = array<i32>} : memref<7680xf32, #tpu.memory_space<vmem>>, vector<16xf32>,
    %add3A_2403 = arith.addf %add3A_2397, %get3A_2402 : vector<16xf32>
    %reduce_sum3A_2404 = arith.constant true
    %reduce_sum3A_2405 = vector.broadcast %reduce_sum3A_2404 : i1 to vector<16xi1>
    %reduce_sum3A_2406 = tpu.scan <sum>, %add3A_2400 masked %reduce_sum3A_2405 : vector<16xf32>, vector<16xi1> -> vector<16xf32>
    %reduce_sum3A_2407 = vector.extract %reduce_sum3A_2406[15] : f32 from vector<16xf32>
    %reduce_sum3A_2408 = arith.constant true
    %reduce_sum3A_2409 = vector.broadcast %reduce_sum3A_2408 : i1 to vector<16xi1>
    %reduce_sum3A_2410 = tpu.scan <sum>, %add3A_2403 masked %reduce_sum3A_2409 : vector<16xf32>, vector<16xi1> -> vector<16xf32>
    %reduce_sum3A_2411 = vector.extract %reduce_sum3A_2410[15] : f32 from vector<16xf32>
    %sub3A_2412 = arith.subf %reduce_sum3A_2407, %reduce_sum3A_2411 : f32
    %abs3A_2413 = math.absf %sub3A_2412 : f32
    %add3A_2414 = arith.addf %add3A_2307, %abs3A_2413 : f32
    %get3A_2415 = arith.constant 192 : index
    %get3A_2416 = tpu.vector_load %arg15[%get3A_2415] {strides = array<i32>} : memref<7680xf32, #tpu.memory_space<vmem>>, vector<16xf32>,
    %add3A_2417 = arith.addf %broadcast_in_dim3A_0, %get3A_2416 : vector<16xf32>
    %get3A_2418 = arith.constant 432 : index
    %get3A_2419 = tpu.vector_load %arg15[%get3A_2418] {strides = array<i32>} : memref<7680xf32, #tpu.memory_space<vmem>>, vector<16xf32>,
    %add3A_2420 = arith.addf %broadcast_in_dim3A_0, %get3A_2419 : vector<16xf32>
    %get3A_2421 = arith.constant 672 : index
    %get3A_2422 = tpu.vector_load %arg15[%get3A_2421] {strides = array<i32>} : memref<7680xf32, #tpu.memory_space<vmem>>, vector<16xf32>,
    %add3A_2423 = arith.addf %add3A_2417, %get3A_2422 : vector<16xf32>
    %get3A_2424 = arith.constant 912 : index
    %get3A_2425 = tpu.vector_load %arg15[%get3A_2424] {strides = array<i32>} : memref<7680xf32, #tpu.memory_space<vmem>>, vector<16xf32>,
    %add3A_2426 = arith.addf %add3A_2420, %get3A_2425 : vector<16xf32>
    %get3A_2427 = arith.constant 1152 : index
    %get3A_2428 = tpu.vector_load %arg15[%get3A_2427] {strides = array<i32>} : memref<7680xf32, #tpu.memory_space<vmem>>, vector<16xf32>,
    %add3A_2429 = arith.addf %add3A_2423, %get3A_2428 : vector<16xf32>
    %get3A_2430 = arith.constant 1392 : index
    %get3A_2431 = tpu.vector_load %arg15[%get3A_2430] {strides = array<i32>} : memref<7680xf32, #tpu.memory_space<vmem>>, vector<16xf32>,
    %add3A_2432 = arith.addf %add3A_2426, %get3A_2431 : vector<16xf32>
    %get3A_2433 = arith.constant 1632 : index
    %get3A_2434 = tpu.vector_load %arg15[%get3A_2433] {strides = array<i32>} : memref<7680xf32, #tpu.memory_space<vmem>>, vector<16xf32>,
    %add3A_2435 = arith.addf %add3A_2429, %get3A_2434 : vector<16xf32>
    %get3A_2436 = arith.constant 1872 : index
    %get3A_2437 = tpu.vector_load %arg15[%get3A_2436] {strides = array<i32>} : memref<7680xf32, #tpu.memory_space<vmem>>, vector<16xf32>,
    %add3A_2438 = arith.addf %add3A_2432, %get3A_2437 : vector<16xf32>
    %get3A_2439 = arith.constant 2112 : index
    %get3A_2440 = tpu.vector_load %arg15[%get3A_2439] {strides = array<i32>} : memref<7680xf32, #tpu.memory_space<vmem>>, vector<16xf32>,
    %add3A_2441 = arith.addf %add3A_2435, %get3A_2440 : vector<16xf32>
    %get3A_2442 = arith.constant 2352 : index
    %get3A_2443 = tpu.vector_load %arg15[%get3A_2442] {strides = array<i32>} : memref<7680xf32, #tpu.memory_space<vmem>>, vector<16xf32>,
    %add3A_2444 = arith.addf %add3A_2438, %get3A_2443 : vector<16xf32>
    %get3A_2445 = arith.constant 2592 : index
    %get3A_2446 = tpu.vector_load %arg15[%get3A_2445] {strides = array<i32>} : memref<7680xf32, #tpu.memory_space<vmem>>, vector<16xf32>,
    %add3A_2447 = arith.addf %add3A_2441, %get3A_2446 : vector<16xf32>
    %get3A_2448 = arith.constant 2832 : index
    %get3A_2449 = tpu.vector_load %arg15[%get3A_2448] {strides = array<i32>} : memref<7680xf32, #tpu.memory_space<vmem>>, vector<16xf32>,
    %add3A_2450 = arith.addf %add3A_2444, %get3A_2449 : vector<16xf32>
    %get3A_2451 = arith.constant 3072 : index
    %get3A_2452 = tpu.vector_load %arg15[%get3A_2451] {strides = array<i32>} : memref<7680xf32, #tpu.memory_space<vmem>>, vector<16xf32>,
    %add3A_2453 = arith.addf %add3A_2447, %get3A_2452 : vector<16xf32>
    %get3A_2454 = arith.constant 3312 : index
    %get3A_2455 = tpu.vector_load %arg15[%get3A_2454] {strides = array<i32>} : memref<7680xf32, #tpu.memory_space<vmem>>, vector<16xf32>,
    %add3A_2456 = arith.addf %add3A_2450, %get3A_2455 : vector<16xf32>
    %get3A_2457 = arith.constant 3552 : index
    %get3A_2458 = tpu.vector_load %arg15[%get3A_2457] {strides = array<i32>} : memref<7680xf32, #tpu.memory_space<vmem>>, vector<16xf32>,
    %add3A_2459 = arith.addf %add3A_2453, %get3A_2458 : vector<16xf32>
    %get3A_2460 = arith.constant 3792 : index
    %get3A_2461 = tpu.vector_load %arg15[%get3A_2460] {strides = array<i32>} : memref<7680xf32, #tpu.memory_space<vmem>>, vector<16xf32>,
    %add3A_2462 = arith.addf %add3A_2456, %get3A_2461 : vector<16xf32>
    %get3A_2463 = arith.constant 4032 : index
    %get3A_2464 = tpu.vector_load %arg15[%get3A_2463] {strides = array<i32>} : memref<7680xf32, #tpu.memory_space<vmem>>, vector<16xf32>,
    %add3A_2465 = arith.addf %add3A_2459, %get3A_2464 : vector<16xf32>
    %get3A_2466 = arith.constant 4272 : index
    %get3A_2467 = tpu.vector_load %arg15[%get3A_2466] {strides = array<i32>} : memref<7680xf32, #tpu.memory_space<vmem>>, vector<16xf32>,
    %add3A_2468 = arith.addf %add3A_2462, %get3A_2467 : vector<16xf32>
    %get3A_2469 = arith.constant 4512 : index
    %get3A_2470 = tpu.vector_load %arg15[%get3A_2469] {strides = array<i32>} : memref<7680xf32, #tpu.memory_space<vmem>>, vector<16xf32>,
    %add3A_2471 = arith.addf %add3A_2465, %get3A_2470 : vector<16xf32>
    %get3A_2472 = arith.constant 4752 : index
    %get3A_2473 = tpu.vector_load %arg15[%get3A_2472] {strides = array<i32>} : memref<7680xf32, #tpu.memory_space<vmem>>, vector<16xf32>,
    %add3A_2474 = arith.addf %add3A_2468, %get3A_2473 : vector<16xf32>
    %get3A_2475 = arith.constant 4992 : index
    %get3A_2476 = tpu.vector_load %arg15[%get3A_2475] {strides = array<i32>} : memref<7680xf32, #tpu.memory_space<vmem>>, vector<16xf32>,
    %add3A_2477 = arith.addf %add3A_2471, %get3A_2476 : vector<16xf32>
    %get3A_2478 = arith.constant 5232 : index
    %get3A_2479 = tpu.vector_load %arg15[%get3A_2478] {strides = array<i32>} : memref<7680xf32, #tpu.memory_space<vmem>>, vector<16xf32>,
    %add3A_2480 = arith.addf %add3A_2474, %get3A_2479 : vector<16xf32>
    %get3A_2481 = arith.constant 5472 : index
    %get3A_2482 = tpu.vector_load %arg15[%get3A_2481] {strides = array<i32>} : memref<7680xf32, #tpu.memory_space<vmem>>, vector<16xf32>,
    %add3A_2483 = arith.addf %add3A_2477, %get3A_2482 : vector<16xf32>
    %get3A_2484 = arith.constant 5712 : index
    %get3A_2485 = tpu.vector_load %arg15[%get3A_2484] {strides = array<i32>} : memref<7680xf32, #tpu.memory_space<vmem>>, vector<16xf32>,
    %add3A_2486 = arith.addf %add3A_2480, %get3A_2485 : vector<16xf32>
    %get3A_2487 = arith.constant 5952 : index
    %get3A_2488 = tpu.vector_load %arg15[%get3A_2487] {strides = array<i32>} : memref<7680xf32, #tpu.memory_space<vmem>>, vector<16xf32>,
    %add3A_2489 = arith.addf %add3A_2483, %get3A_2488 : vector<16xf32>
    %get3A_2490 = arith.constant 6192 : index
    %get3A_2491 = tpu.vector_load %arg15[%get3A_2490] {strides = array<i32>} : memref<7680xf32, #tpu.memory_space<vmem>>, vector<16xf32>,
    %add3A_2492 = arith.addf %add3A_2486, %get3A_2491 : vector<16xf32>
    %get3A_2493 = arith.constant 6432 : index
    %get3A_2494 = tpu.vector_load %arg15[%get3A_2493] {strides = array<i32>} : memref<7680xf32, #tpu.memory_space<vmem>>, vector<16xf32>,
    %add3A_2495 = arith.addf %add3A_2489, %get3A_2494 : vector<16xf32>
    %get3A_2496 = arith.constant 6672 : index
    %get3A_2497 = tpu.vector_load %arg15[%get3A_2496] {strides = array<i32>} : memref<7680xf32, #tpu.memory_space<vmem>>, vector<16xf32>,
    %add3A_2498 = arith.addf %add3A_2492, %get3A_2497 : vector<16xf32>
    %get3A_2499 = arith.constant 6912 : index
    %get3A_2500 = tpu.vector_load %arg15[%get3A_2499] {strides = array<i32>} : memref<7680xf32, #tpu.memory_space<vmem>>, vector<16xf32>,
    %add3A_2501 = arith.addf %add3A_2495, %get3A_2500 : vector<16xf32>
    %get3A_2502 = arith.constant 7152 : index
    %get3A_2503 = tpu.vector_load %arg15[%get3A_2502] {strides = array<i32>} : memref<7680xf32, #tpu.memory_space<vmem>>, vector<16xf32>,
    %add3A_2504 = arith.addf %add3A_2498, %get3A_2503 : vector<16xf32>
    %get3A_2505 = arith.constant 7392 : index
    %get3A_2506 = tpu.vector_load %arg15[%get3A_2505] {strides = array<i32>} : memref<7680xf32, #tpu.memory_space<vmem>>, vector<16xf32>,
    %add3A_2507 = arith.addf %add3A_2501, %get3A_2506 : vector<16xf32>
    %get3A_2508 = arith.constant 7632 : index
    %get3A_2509 = tpu.vector_load %arg15[%get3A_2508] {strides = array<i32>} : memref<7680xf32, #tpu.memory_space<vmem>>, vector<16xf32>,
    %add3A_2510 = arith.addf %add3A_2504, %get3A_2509 : vector<16xf32>
    %reduce_sum3A_2511 = arith.constant true
    %reduce_sum3A_2512 = vector.broadcast %reduce_sum3A_2511 : i1 to vector<16xi1>
    %reduce_sum3A_2513 = tpu.scan <sum>, %add3A_2507 masked %reduce_sum3A_2512 : vector<16xf32>, vector<16xi1> -> vector<16xf32>
    %reduce_sum3A_2514 = vector.extract %reduce_sum3A_2513[15] : f32 from vector<16xf32>
    %reduce_sum3A_2515 = arith.constant true
    %reduce_sum3A_2516 = vector.broadcast %reduce_sum3A_2515 : i1 to vector<16xi1>
    %reduce_sum3A_2517 = tpu.scan <sum>, %add3A_2510 masked %reduce_sum3A_2516 : vector<16xf32>, vector<16xi1> -> vector<16xf32>
    %reduce_sum3A_2518 = vector.extract %reduce_sum3A_2517[15] : f32 from vector<16xf32>
    %sub3A_2519 = arith.subf %reduce_sum3A_2514, %reduce_sum3A_2518 : f32
    %abs3A_2520 = math.absf %sub3A_2519 : f32
    %add3A_2521 = arith.addf %add3A_2414, %abs3A_2520 : f32
    %get3A_2522 = arith.constant 208 : index
    %get3A_2523 = tpu.vector_load %arg15[%get3A_2522] {strides = array<i32>} : memref<7680xf32, #tpu.memory_space<vmem>>, vector<16xf32>,
    %add3A_2524 = arith.addf %broadcast_in_dim3A_0, %get3A_2523 : vector<16xf32>
    %get3A_2525 = arith.constant 448 : index
    %get3A_2526 = tpu.vector_load %arg15[%get3A_2525] {strides = array<i32>} : memref<7680xf32, #tpu.memory_space<vmem>>, vector<16xf32>,
    %add3A_2527 = arith.addf %broadcast_in_dim3A_0, %get3A_2526 : vector<16xf32>
    %get3A_2528 = arith.constant 688 : index
    %get3A_2529 = tpu.vector_load %arg15[%get3A_2528] {strides = array<i32>} : memref<7680xf32, #tpu.memory_space<vmem>>, vector<16xf32>,
    %add3A_2530 = arith.addf %add3A_2524, %get3A_2529 : vector<16xf32>
    %get3A_2531 = arith.constant 928 : index
    %get3A_2532 = tpu.vector_load %arg15[%get3A_2531] {strides = array<i32>} : memref<7680xf32, #tpu.memory_space<vmem>>, vector<16xf32>,
    %add3A_2533 = arith.addf %add3A_2527, %get3A_2532 : vector<16xf32>
    %get3A_2534 = arith.constant 1168 : index
    %get3A_2535 = tpu.vector_load %arg15[%get3A_2534] {strides = array<i32>} : memref<7680xf32, #tpu.memory_space<vmem>>, vector<16xf32>,
    %add3A_2536 = arith.addf %add3A_2530, %get3A_2535 : vector<16xf32>
    %get3A_2537 = arith.constant 1408 : index
    %get3A_2538 = tpu.vector_load %arg15[%get3A_2537] {strides = array<i32>} : memref<7680xf32, #tpu.memory_space<vmem>>, vector<16xf32>,
    %add3A_2539 = arith.addf %add3A_2533, %get3A_2538 : vector<16xf32>
    %get3A_2540 = arith.constant 1648 : index
    %get3A_2541 = tpu.vector_load %arg15[%get3A_2540] {strides = array<i32>} : memref<7680xf32, #tpu.memory_space<vmem>>, vector<16xf32>,
    %add3A_2542 = arith.addf %add3A_2536, %get3A_2541 : vector<16xf32>
    %get3A_2543 = arith.constant 1888 : index
    %get3A_2544 = tpu.vector_load %arg15[%get3A_2543] {strides = array<i32>} : memref<7680xf32, #tpu.memory_space<vmem>>, vector<16xf32>,
    %add3A_2545 = arith.addf %add3A_2539, %get3A_2544 : vector<16xf32>
    %get3A_2546 = arith.constant 2128 : index
    %get3A_2547 = tpu.vector_load %arg15[%get3A_2546] {strides = array<i32>} : memref<7680xf32, #tpu.memory_space<vmem>>, vector<16xf32>,
    %add3A_2548 = arith.addf %add3A_2542, %get3A_2547 : vector<16xf32>
    %get3A_2549 = arith.constant 2368 : index
    %get3A_2550 = tpu.vector_load %arg15[%get3A_2549] {strides = array<i32>} : memref<7680xf32, #tpu.memory_space<vmem>>, vector<16xf32>,
    %add3A_2551 = arith.addf %add3A_2545, %get3A_2550 : vector<16xf32>
    %get3A_2552 = arith.constant 2608 : index
    %get3A_2553 = tpu.vector_load %arg15[%get3A_2552] {strides = array<i32>} : memref<7680xf32, #tpu.memory_space<vmem>>, vector<16xf32>,
    %add3A_2554 = arith.addf %add3A_2548, %get3A_2553 : vector<16xf32>
    %get3A_2555 = arith.constant 2848 : index
    %get3A_2556 = tpu.vector_load %arg15[%get3A_2555] {strides = array<i32>} : memref<7680xf32, #tpu.memory_space<vmem>>, vector<16xf32>,
    %add3A_2557 = arith.addf %add3A_2551, %get3A_2556 : vector<16xf32>
    %get3A_2558 = arith.constant 3088 : index
    %get3A_2559 = tpu.vector_load %arg15[%get3A_2558] {strides = array<i32>} : memref<7680xf32, #tpu.memory_space<vmem>>, vector<16xf32>,
    %add3A_2560 = arith.addf %add3A_2554, %get3A_2559 : vector<16xf32>
    %get3A_2561 = arith.constant 3328 : index
    %get3A_2562 = tpu.vector_load %arg15[%get3A_2561] {strides = array<i32>} : memref<7680xf32, #tpu.memory_space<vmem>>, vector<16xf32>,
    %add3A_2563 = arith.addf %add3A_2557, %get3A_2562 : vector<16xf32>
    %get3A_2564 = arith.constant 3568 : index
    %get3A_2565 = tpu.vector_load %arg15[%get3A_2564] {strides = array<i32>} : memref<7680xf32, #tpu.memory_space<vmem>>, vector<16xf32>,
    %add3A_2566 = arith.addf %add3A_2560, %get3A_2565 : vector<16xf32>
    %get3A_2567 = arith.constant 3808 : index
    %get3A_2568 = tpu.vector_load %arg15[%get3A_2567] {strides = array<i32>} : memref<7680xf32, #tpu.memory_space<vmem>>, vector<16xf32>,
    %add3A_2569 = arith.addf %add3A_2563, %get3A_2568 : vector<16xf32>
    %get3A_2570 = arith.constant 4048 : index
    %get3A_2571 = tpu.vector_load %arg15[%get3A_2570] {strides = array<i32>} : memref<7680xf32, #tpu.memory_space<vmem>>, vector<16xf32>,
    %add3A_2572 = arith.addf %add3A_2566, %get3A_2571 : vector<16xf32>
    %get3A_2573 = arith.constant 4288 : index
    %get3A_2574 = tpu.vector_load %arg15[%get3A_2573] {strides = array<i32>} : memref<7680xf32, #tpu.memory_space<vmem>>, vector<16xf32>,
    %add3A_2575 = arith.addf %add3A_2569, %get3A_2574 : vector<16xf32>
    %get3A_2576 = arith.constant 4528 : index
    %get3A_2577 = tpu.vector_load %arg15[%get3A_2576] {strides = array<i32>} : memref<7680xf32, #tpu.memory_space<vmem>>, vector<16xf32>,
    %add3A_2578 = arith.addf %add3A_2572, %get3A_2577 : vector<16xf32>
    %get3A_2579 = arith.constant 4768 : index
    %get3A_2580 = tpu.vector_load %arg15[%get3A_2579] {strides = array<i32>} : memref<7680xf32, #tpu.memory_space<vmem>>, vector<16xf32>,
    %add3A_2581 = arith.addf %add3A_2575, %get3A_2580 : vector<16xf32>
    %get3A_2582 = arith.constant 5008 : index
    %get3A_2583 = tpu.vector_load %arg15[%get3A_2582] {strides = array<i32>} : memref<7680xf32, #tpu.memory_space<vmem>>, vector<16xf32>,
    %add3A_2584 = arith.addf %add3A_2578, %get3A_2583 : vector<16xf32>
    %get3A_2585 = arith.constant 5248 : index
    %get3A_2586 = tpu.vector_load %arg15[%get3A_2585] {strides = array<i32>} : memref<7680xf32, #tpu.memory_space<vmem>>, vector<16xf32>,
    %add3A_2587 = arith.addf %add3A_2581, %get3A_2586 : vector<16xf32>
    %get3A_2588 = arith.constant 5488 : index
    %get3A_2589 = tpu.vector_load %arg15[%get3A_2588] {strides = array<i32>} : memref<7680xf32, #tpu.memory_space<vmem>>, vector<16xf32>,
    %add3A_2590 = arith.addf %add3A_2584, %get3A_2589 : vector<16xf32>
    %get3A_2591 = arith.constant 5728 : index
    %get3A_2592 = tpu.vector_load %arg15[%get3A_2591] {strides = array<i32>} : memref<7680xf32, #tpu.memory_space<vmem>>, vector<16xf32>,
    %add3A_2593 = arith.addf %add3A_2587, %get3A_2592 : vector<16xf32>
    %get3A_2594 = arith.constant 5968 : index
    %get3A_2595 = tpu.vector_load %arg15[%get3A_2594] {strides = array<i32>} : memref<7680xf32, #tpu.memory_space<vmem>>, vector<16xf32>,
    %add3A_2596 = arith.addf %add3A_2590, %get3A_2595 : vector<16xf32>
    %get3A_2597 = arith.constant 6208 : index
    %get3A_2598 = tpu.vector_load %arg15[%get3A_2597] {strides = array<i32>} : memref<7680xf32, #tpu.memory_space<vmem>>, vector<16xf32>,
    %add3A_2599 = arith.addf %add3A_2593, %get3A_2598 : vector<16xf32>
    %get3A_2600 = arith.constant 6448 : index
    %get3A_2601 = tpu.vector_load %arg15[%get3A_2600] {strides = array<i32>} : memref<7680xf32, #tpu.memory_space<vmem>>, vector<16xf32>,
    %add3A_2602 = arith.addf %add3A_2596, %get3A_2601 : vector<16xf32>
    %get3A_2603 = arith.constant 6688 : index
    %get3A_2604 = tpu.vector_load %arg15[%get3A_2603] {strides = array<i32>} : memref<7680xf32, #tpu.memory_space<vmem>>, vector<16xf32>,
    %add3A_2605 = arith.addf %add3A_2599, %get3A_2604 : vector<16xf32>
    %get3A_2606 = arith.constant 6928 : index
    %get3A_2607 = tpu.vector_load %arg15[%get3A_2606] {strides = array<i32>} : memref<7680xf32, #tpu.memory_space<vmem>>, vector<16xf32>,
    %add3A_2608 = arith.addf %add3A_2602, %get3A_2607 : vector<16xf32>
    %get3A_2609 = arith.constant 7168 : index
    %get3A_2610 = tpu.vector_load %arg15[%get3A_2609] {strides = array<i32>} : memref<7680xf32, #tpu.memory_space<vmem>>, vector<16xf32>,
    %add3A_2611 = arith.addf %add3A_2605, %get3A_2610 : vector<16xf32>
    %get3A_2612 = arith.constant 7408 : index
    %get3A_2613 = tpu.vector_load %arg15[%get3A_2612] {strides = array<i32>} : memref<7680xf32, #tpu.memory_space<vmem>>, vector<16xf32>,
    %add3A_2614 = arith.addf %add3A_2608, %get3A_2613 : vector<16xf32>
    %get3A_2615 = arith.constant 7648 : index
    %get3A_2616 = tpu.vector_load %arg15[%get3A_2615] {strides = array<i32>} : memref<7680xf32, #tpu.memory_space<vmem>>, vector<16xf32>,
    %add3A_2617 = arith.addf %add3A_2611, %get3A_2616 : vector<16xf32>
    %reduce_sum3A_2618 = arith.constant true
    %reduce_sum3A_2619 = vector.broadcast %reduce_sum3A_2618 : i1 to vector<16xi1>
    %reduce_sum3A_2620 = tpu.scan <sum>, %add3A_2614 masked %reduce_sum3A_2619 : vector<16xf32>, vector<16xi1> -> vector<16xf32>
    %reduce_sum3A_2621 = vector.extract %reduce_sum3A_2620[15] : f32 from vector<16xf32>
    %reduce_sum3A_2622 = arith.constant true
    %reduce_sum3A_2623 = vector.broadcast %reduce_sum3A_2622 : i1 to vector<16xi1>
    %reduce_sum3A_2624 = tpu.scan <sum>, %add3A_2617 masked %reduce_sum3A_2623 : vector<16xf32>, vector<16xi1> -> vector<16xf32>
    %reduce_sum3A_2625 = vector.extract %reduce_sum3A_2624[15] : f32 from vector<16xf32>
    %sub3A_2626 = arith.subf %reduce_sum3A_2621, %reduce_sum3A_2625 : f32
    %abs3A_2627 = math.absf %sub3A_2626 : f32
    %add3A_2628 = arith.addf %add3A_2521, %abs3A_2627 : f32
    %get3A_2629 = arith.constant 224 : index
    %get3A_2630 = tpu.vector_load %arg15[%get3A_2629] {strides = array<i32>} : memref<7680xf32, #tpu.memory_space<vmem>>, vector<16xf32>,
    %add3A_2631 = arith.addf %broadcast_in_dim3A_0, %get3A_2630 : vector<16xf32>
    %get3A_2632 = arith.constant 464 : index
    %get3A_2633 = tpu.vector_load %arg15[%get3A_2632] {strides = array<i32>} : memref<7680xf32, #tpu.memory_space<vmem>>, vector<16xf32>,
    %add3A_2634 = arith.addf %broadcast_in_dim3A_0, %get3A_2633 : vector<16xf32>
    %get3A_2635 = arith.constant 704 : index
    %get3A_2636 = tpu.vector_load %arg15[%get3A_2635] {strides = array<i32>} : memref<7680xf32, #tpu.memory_space<vmem>>, vector<16xf32>,
    %add3A_2637 = arith.addf %add3A_2631, %get3A_2636 : vector<16xf32>
    %get3A_2638 = arith.constant 944 : index
    %get3A_2639 = tpu.vector_load %arg15[%get3A_2638] {strides = array<i32>} : memref<7680xf32, #tpu.memory_space<vmem>>, vector<16xf32>,
    %add3A_2640 = arith.addf %add3A_2634, %get3A_2639 : vector<16xf32>
    %get3A_2641 = arith.constant 1184 : index
    %get3A_2642 = tpu.vector_load %arg15[%get3A_2641] {strides = array<i32>} : memref<7680xf32, #tpu.memory_space<vmem>>, vector<16xf32>,
    %add3A_2643 = arith.addf %add3A_2637, %get3A_2642 : vector<16xf32>
    %get3A_2644 = arith.constant 1424 : index
    %get3A_2645 = tpu.vector_load %arg15[%get3A_2644] {strides = array<i32>} : memref<7680xf32, #tpu.memory_space<vmem>>, vector<16xf32>,
    %add3A_2646 = arith.addf %add3A_2640, %get3A_2645 : vector<16xf32>
    %get3A_2647 = arith.constant 1664 : index
    %get3A_2648 = tpu.vector_load %arg15[%get3A_2647] {strides = array<i32>} : memref<7680xf32, #tpu.memory_space<vmem>>, vector<16xf32>,
    %add3A_2649 = arith.addf %add3A_2643, %get3A_2648 : vector<16xf32>
    %get3A_2650 = arith.constant 1904 : index
    %get3A_2651 = tpu.vector_load %arg15[%get3A_2650] {strides = array<i32>} : memref<7680xf32, #tpu.memory_space<vmem>>, vector<16xf32>,
    %add3A_2652 = arith.addf %add3A_2646, %get3A_2651 : vector<16xf32>
    %get3A_2653 = arith.constant 2144 : index
    %get3A_2654 = tpu.vector_load %arg15[%get3A_2653] {strides = array<i32>} : memref<7680xf32, #tpu.memory_space<vmem>>, vector<16xf32>,
    %add3A_2655 = arith.addf %add3A_2649, %get3A_2654 : vector<16xf32>
    %get3A_2656 = arith.constant 2384 : index
    %get3A_2657 = tpu.vector_load %arg15[%get3A_2656] {strides = array<i32>} : memref<7680xf32, #tpu.memory_space<vmem>>, vector<16xf32>,
    %add3A_2658 = arith.addf %add3A_2652, %get3A_2657 : vector<16xf32>
    %get3A_2659 = arith.constant 2624 : index
    %get3A_2660 = tpu.vector_load %arg15[%get3A_2659] {strides = array<i32>} : memref<7680xf32, #tpu.memory_space<vmem>>, vector<16xf32>,
    %add3A_2661 = arith.addf %add3A_2655, %get3A_2660 : vector<16xf32>
    %get3A_2662 = arith.constant 2864 : index
    %get3A_2663 = tpu.vector_load %arg15[%get3A_2662] {strides = array<i32>} : memref<7680xf32, #tpu.memory_space<vmem>>, vector<16xf32>,
    %add3A_2664 = arith.addf %add3A_2658, %get3A_2663 : vector<16xf32>
    %get3A_2665 = arith.constant 3104 : index
    %get3A_2666 = tpu.vector_load %arg15[%get3A_2665] {strides = array<i32>} : memref<7680xf32, #tpu.memory_space<vmem>>, vector<16xf32>,
    %add3A_2667 = arith.addf %add3A_2661, %get3A_2666 : vector<16xf32>
    %get3A_2668 = arith.constant 3344 : index
    %get3A_2669 = tpu.vector_load %arg15[%get3A_2668] {strides = array<i32>} : memref<7680xf32, #tpu.memory_space<vmem>>, vector<16xf32>,
    %add3A_2670 = arith.addf %add3A_2664, %get3A_2669 : vector<16xf32>
    %get3A_2671 = arith.constant 3584 : index
    %get3A_2672 = tpu.vector_load %arg15[%get3A_2671] {strides = array<i32>} : memref<7680xf32, #tpu.memory_space<vmem>>, vector<16xf32>,
    %add3A_2673 = arith.addf %add3A_2667, %get3A_2672 : vector<16xf32>
    %get3A_2674 = arith.constant 3824 : index
    %get3A_2675 = tpu.vector_load %arg15[%get3A_2674] {strides = array<i32>} : memref<7680xf32, #tpu.memory_space<vmem>>, vector<16xf32>,
    %add3A_2676 = arith.addf %add3A_2670, %get3A_2675 : vector<16xf32>
    %get3A_2677 = arith.constant 4064 : index
    %get3A_2678 = tpu.vector_load %arg15[%get3A_2677] {strides = array<i32>} : memref<7680xf32, #tpu.memory_space<vmem>>, vector<16xf32>,
    %add3A_2679 = arith.addf %add3A_2673, %get3A_2678 : vector<16xf32>
    %get3A_2680 = arith.constant 4304 : index
    %get3A_2681 = tpu.vector_load %arg15[%get3A_2680] {strides = array<i32>} : memref<7680xf32, #tpu.memory_space<vmem>>, vector<16xf32>,
    %add3A_2682 = arith.addf %add3A_2676, %get3A_2681 : vector<16xf32>
    %get3A_2683 = arith.constant 4544 : index
    %get3A_2684 = tpu.vector_load %arg15[%get3A_2683] {strides = array<i32>} : memref<7680xf32, #tpu.memory_space<vmem>>, vector<16xf32>,
    %add3A_2685 = arith.addf %add3A_2679, %get3A_2684 : vector<16xf32>
    %get3A_2686 = arith.constant 4784 : index
    %get3A_2687 = tpu.vector_load %arg15[%get3A_2686] {strides = array<i32>} : memref<7680xf32, #tpu.memory_space<vmem>>, vector<16xf32>,
    %add3A_2688 = arith.addf %add3A_2682, %get3A_2687 : vector<16xf32>
    %get3A_2689 = arith.constant 5024 : index
    %get3A_2690 = tpu.vector_load %arg15[%get3A_2689] {strides = array<i32>} : memref<7680xf32, #tpu.memory_space<vmem>>, vector<16xf32>,
    %add3A_2691 = arith.addf %add3A_2685, %get3A_2690 : vector<16xf32>
    %get3A_2692 = arith.constant 5264 : index
    %get3A_2693 = tpu.vector_load %arg15[%get3A_2692] {strides = array<i32>} : memref<7680xf32, #tpu.memory_space<vmem>>, vector<16xf32>,
    %add3A_2694 = arith.addf %add3A_2688, %get3A_2693 : vector<16xf32>
    %get3A_2695 = arith.constant 5504 : index
    %get3A_2696 = tpu.vector_load %arg15[%get3A_2695] {strides = array<i32>} : memref<7680xf32, #tpu.memory_space<vmem>>, vector<16xf32>,
    %add3A_2697 = arith.addf %add3A_2691, %get3A_2696 : vector<16xf32>
    %get3A_2698 = arith.constant 5744 : index
    %get3A_2699 = tpu.vector_load %arg15[%get3A_2698] {strides = array<i32>} : memref<7680xf32, #tpu.memory_space<vmem>>, vector<16xf32>,
    %add3A_2700 = arith.addf %add3A_2694, %get3A_2699 : vector<16xf32>
    %get3A_2701 = arith.constant 5984 : index
    %get3A_2702 = tpu.vector_load %arg15[%get3A_2701] {strides = array<i32>} : memref<7680xf32, #tpu.memory_space<vmem>>, vector<16xf32>,
    %add3A_2703 = arith.addf %add3A_2697, %get3A_2702 : vector<16xf32>
    %get3A_2704 = arith.constant 6224 : index
    %get3A_2705 = tpu.vector_load %arg15[%get3A_2704] {strides = array<i32>} : memref<7680xf32, #tpu.memory_space<vmem>>, vector<16xf32>,
    %add3A_2706 = arith.addf %add3A_2700, %get3A_2705 : vector<16xf32>
    %get3A_2707 = arith.constant 6464 : index
    %get3A_2708 = tpu.vector_load %arg15[%get3A_2707] {strides = array<i32>} : memref<7680xf32, #tpu.memory_space<vmem>>, vector<16xf32>,
    %add3A_2709 = arith.addf %add3A_2703, %get3A_2708 : vector<16xf32>
    %get3A_2710 = arith.constant 6704 : index
    %get3A_2711 = tpu.vector_load %arg15[%get3A_2710] {strides = array<i32>} : memref<7680xf32, #tpu.memory_space<vmem>>, vector<16xf32>,
    %add3A_2712 = arith.addf %add3A_2706, %get3A_2711 : vector<16xf32>
    %get3A_2713 = arith.constant 6944 : index
    %get3A_2714 = tpu.vector_load %arg15[%get3A_2713] {strides = array<i32>} : memref<7680xf32, #tpu.memory_space<vmem>>, vector<16xf32>,
    %add3A_2715 = arith.addf %add3A_2709, %get3A_2714 : vector<16xf32>
    %get3A_2716 = arith.constant 7184 : index
    %get3A_2717 = tpu.vector_load %arg15[%get3A_2716] {strides = array<i32>} : memref<7680xf32, #tpu.memory_space<vmem>>, vector<16xf32>,
    %add3A_2718 = arith.addf %add3A_2712, %get3A_2717 : vector<16xf32>
    %get3A_2719 = arith.constant 7424 : index
    %get3A_2720 = tpu.vector_load %arg15[%get3A_2719] {strides = array<i32>} : memref<7680xf32, #tpu.memory_space<vmem>>, vector<16xf32>,
    %add3A_2721 = arith.addf %add3A_2715, %get3A_2720 : vector<16xf32>
    %get3A_2722 = arith.constant 7664 : index
    %get3A_2723 = tpu.vector_load %arg15[%get3A_2722] {strides = array<i32>} : memref<7680xf32, #tpu.memory_space<vmem>>, vector<16xf32>,
    %add3A_2724 = arith.addf %add3A_2718, %get3A_2723 : vector<16xf32>
    %reduce_sum3A_2725 = arith.constant true
    %reduce_sum3A_2726 = vector.broadcast %reduce_sum3A_2725 : i1 to vector<16xi1>
    %reduce_sum3A_2727 = tpu.scan <sum>, %add3A_2721 masked %reduce_sum3A_2726 : vector<16xf32>, vector<16xi1> -> vector<16xf32>
    %reduce_sum3A_2728 = vector.extract %reduce_sum3A_2727[15] : f32 from vector<16xf32>
    %reduce_sum3A_2729 = arith.constant true
    %reduce_sum3A_2730 = vector.broadcast %reduce_sum3A_2729 : i1 to vector<16xi1>
    %reduce_sum3A_2731 = tpu.scan <sum>, %add3A_2724 masked %reduce_sum3A_2730 : vector<16xf32>, vector<16xi1> -> vector<16xf32>
    %reduce_sum3A_2732 = vector.extract %reduce_sum3A_2731[15] : f32 from vector<16xf32>
    %sub3A_2733 = arith.subf %reduce_sum3A_2728, %reduce_sum3A_2732 : f32
    %abs3A_2734 = math.absf %sub3A_2733 : f32
    %add3A_2735 = arith.addf %add3A_2628, %abs3A_2734 : f32
    %mul3A_2736 = arith.constant 9.99999974E-6 : f32
    %mul3A_2737 = arith.mulf %add3A_2735, %mul3A_2736 : f32
    %broadcast_in_dim3A_2738 = vector.broadcast %mul3A_2737 : f32 to vector<16xf32>
    %swap3A_2739 = arith.constant 0 : index
    %swap3A_2740 = tpu.vector_load %arg16[%swap3A_2739] {strides = array<i32>} : memref<16xf32, #tpu.memory_space<vmem>>, vector<16xf32>,
    tpu.vector_store %arg16[%swap3A_2739], %broadcast_in_dim3A_2738 {strides = array<i32>} : memref<16xf32, #tpu.memory_space<vmem>>, vector<16xf32>,
    %eq3A_2741 = arith.constant 0 : i32
    %eq3A_2742 = arith.cmpi eq, %arg1, %eq3A_2741 : i32
    %eq3A_2743 = arith.constant 0 : i32
    %eq3A_2744 = arith.cmpi eq, %arg0, %eq3A_2743 : i32
    %and3A = arith.andi %eq3A_2742, %eq3A_2744 : i1
    %convert_element_type3A_2745 = arith.extui %and3A : i1 to i32
    %cond3A_2746 = arith.constant 0 : i32
    %cond3A_2747 = arith.cmpi ne, %convert_element_type3A_2745, %cond3A_2746 : i32
    scf.if %cond3A_2747 {
      "tpu.region"() ({
        %run_scoped3A = tpu.sem_alloc : memref<!tpu.dma_semaphore, #tpu.memory_space<semaphore_mem>>
        tpu.enqueue_dma source(%arg16 : memref<16xf32, #tpu.memory_space<vmem>>) target(%arg4 : memref<16xf32, #tpu.memory_space<hbm>>) target_semaphore(%run_scoped3A : memref<!tpu.dma_semaphore, #tpu.memory_space<semaphore_mem>>)
        tpu.wait_dma2 semaphore(%run_scoped3A : memref<!tpu.dma_semaphore, #tpu.memory_space<semaphore_mem>>) src(%arg16 : memref<16xf32, #tpu.memory_space<vmem>>) dst(%arg4 : memref<16xf32, #tpu.memory_space<hbm>>)
        tpu.yield
      }) : () -> ()
    } else {
    }
    return
  }
}

module attributes {stable_mosaic.version = 14 : i64} {
  func.func @_conf_acc_body(%arg0: i32, %arg1: memref<2000x1000xf32, #tpu.memory_space<vmem>>, %arg2: memref<1x1x2000xi32, #tpu.memory_space<vmem>>, %arg3: memref<1x1x2000xf32, #tpu.memory_space<vmem>>, %arg4: memref<1x1x2000xf32, #tpu.memory_space<vmem>>) attributes {dimension_semantics = [#tpu.dimension_semantics<arbitrary>], iteration_bounds = array<i64: 50>, scalar_prefetch = 0 : i64, scratch_operands = 0 : i64, tpu.core_type = #tpu.core_type<tc>, window_params = [{transform_indices = @transform_0, window_bounds = array<i64: 2000, 1000>}, {transform_indices = @transform_1, window_bounds = array<i64: 1, 1, 2000>}, {transform_indices = @transform_2, window_bounds = array<i64: 1, 1, 2000>}, {transform_indices = @transform_3, window_bounds = array<i64: 1, 1, 2000>}]} {
    %get3A = arith.constant 0 : index
    %get3A_0 = arith.constant 0 : index
    %get3A_1 = vector.load %arg1[%get3A, %get3A_0] : memref<2000x1000xf32, #tpu.memory_space<vmem>>, vector<2000x1000xf32>
    %reduce_max3A = arith.constant dense<0xFF800000> : vector<2000xf32>
    %reduce_max3A_2 = vector.multi_reduction <maximumf>, %get3A_1, %reduce_max3A [1] : vector<2000x1000xf32> to vector<2000xf32>
    %broadcast_in_dim3A = vector.shape_cast %reduce_max3A_2 : vector<2000xf32> to vector<2000x1xf32>
    %sub3A = vector.broadcast %broadcast_in_dim3A : vector<2000x1xf32> to vector<2000x1000xf32>
    %sub3A_3 = arith.subf %get3A_1, %sub3A : vector<2000x1000xf32>
    %exp3A = math.exp %sub3A_3 : vector<2000x1000xf32>
    %reduce_sum3A = arith.constant dense<0.000000e+00> : vector<2000xf32>
    %reduce_sum3A_4 = vector.multi_reduction <add>, %exp3A, %reduce_sum3A [1] : vector<2000x1000xf32> to vector<2000xf32>
    %iota3A = tpu.iota {dimensions = array<i32: 1>} : vector<2000x1000xi32>
    %eq3A = vector.broadcast %broadcast_in_dim3A : vector<2000x1xf32> to vector<2000x1000xf32>
    %eq3A_5 = arith.cmpf oeq, %get3A_1, %eq3A : vector<2000x1000xf32>
    %jit3A = arith.constant 1000 : i32
    %broadcast_in_dim3A_6 = vector.broadcast %jit3A : i32 to vector<2000x1000xi32>
    %select_n3A = arith.select %eq3A_5, %iota3A, %broadcast_in_dim3A_6 : vector<2000x1000xi1>, vector<2000x1000xi32>
    %reduce_min3A = arith.constant dense<2147483647> : vector<2000xi32>
    %reduce_min3A_7 = vector.multi_reduction <minsi>, %select_n3A, %reduce_min3A [1] : vector<2000x1000xi32> to vector<2000xi32>
    %get3A_8 = arith.constant 0 : index
    %get3A_9 = arith.constant 0 : index
    %get3A_10 = arith.constant 0 : index
    %get3A_11 = vector.load %arg2[%get3A_8, %get3A_9, %get3A_10] : memref<1x1x2000xi32, #tpu.memory_space<vmem>>, vector<1x1x2000xi32>
    %get3A_12 = vector.shape_cast %get3A_11 : vector<1x1x2000xi32> to vector<2000xi32>
    %div3A = arith.constant 1.000000e+00 : f32
    %div3A_13 = vector.broadcast %div3A : f32 to vector<2000xf32>
    %div3A_14 = arith.divf %div3A_13, %reduce_sum3A_4 : vector<2000xf32>
    %swap3A = arith.constant 0 : index
    %swap3A_15 = arith.constant 0 : index
    %swap3A_16 = arith.constant 0 : index
    %swap3A_17 = vector.load %arg3[%swap3A, %swap3A_15, %swap3A_16] : memref<1x1x2000xf32, #tpu.memory_space<vmem>>, vector<1x1x2000xf32>
    %swap3A_18 = vector.shape_cast %swap3A_17 : vector<1x1x2000xf32> to vector<2000xf32>
    %swap3A_19 = vector.shape_cast %div3A_14 : vector<2000xf32> to vector<1x1x2000xf32>
    tpu.vector_store %arg3[%swap3A, %swap3A_15, %swap3A_16], %swap3A_19 {strides = array<i32>} : memref<1x1x2000xf32, #tpu.memory_space<vmem>>, vector<1x1x2000xf32>,
    %eq3A_20 = arith.cmpi eq, %reduce_min3A_7, %get3A_12 : vector<2000xi32>
    %convert_element_type3A = arith.extui %eq3A_20 : vector<2000xi1> to vector<2000xi32>
    %convert_element_type3A_21 = arith.sitofp %convert_element_type3A : vector<2000xi32> to vector<2000xf32>
    %swap3A_22 = arith.constant 0 : index
    %swap3A_23 = arith.constant 0 : index
    %swap3A_24 = arith.constant 0 : index
    %swap3A_25 = vector.load %arg4[%swap3A_22, %swap3A_23, %swap3A_24] : memref<1x1x2000xf32, #tpu.memory_space<vmem>>, vector<1x1x2000xf32>
    %swap3A_26 = vector.shape_cast %swap3A_25 : vector<1x1x2000xf32> to vector<2000xf32>
    %swap3A_27 = vector.shape_cast %convert_element_type3A_21 : vector<2000xf32> to vector<1x1x2000xf32>
    tpu.vector_store %arg4[%swap3A_22, %swap3A_23, %swap3A_24], %swap3A_27 {strides = array<i32>} : memref<1x1x2000xf32, #tpu.memory_space<vmem>>, vector<1x1x2000xf32>,
    return
  }
  func.func @transform_0(%arg0: i32) -> (i32, i32) {
    %c0_i32 = arith.constant 0 : i32
    %c0_i32_0 = arith.constant 0 : i32
    return %arg0, %c0_i32 : i32, i32
  }
  func.func @transform_1(%arg0: i32) -> (i32, i32, i32) {
    %c0_i32 = arith.constant 0 : i32
    %c0_i32_0 = arith.constant 0 : i32
    %c0_i32_1 = arith.constant 0 : i32
    return %arg0, %c0_i32, %c0_i32_0 : i32, i32, i32
  }
  func.func @transform_2(%arg0: i32) -> (i32, i32, i32) {
    %c0_i32 = arith.constant 0 : i32
    %c0_i32_0 = arith.constant 0 : i32
    %c0_i32_1 = arith.constant 0 : i32
    return %arg0, %c0_i32, %c0_i32_0 : i32, i32, i32
  }
  func.func @transform_3(%arg0: i32) -> (i32, i32, i32) {
    %c0_i32 = arith.constant 0 : i32
    %c0_i32_0 = arith.constant 0 : i32
    %c0_i32_1 = arith.constant 0 : i32
    return %arg0, %c0_i32, %c0_i32_0 : i32, i32, i32
  }
}

</mosaic_0001>

<sc_bundles>
// kernel: kernel.4.cloned.1.call-start
scs
__scs_entry_jumppad:
0x0: {  	(pc) =	sbr.rel $0x88, $3  }
0x1: {  	(tag) =	ssettag $0x0;
	lr =	simm.s32 $0x1  }
0x2: {  	[smem:$0x3F9F] =	sst lr;
	_ =	strace $0xD0000000  }
0x3: {  	_ = 	snop  }
0x4: {  	_ = 	snop  }
0x5: {  	_ = 	snop  }
0x6: {  	_ = 	snop  }
0x7: {  	_ = 	snop  }
__scs_overlays_trampoline_lowered:
0x8: {  	[smem:$0x3FAE] =	sst s0  }
0x9: {  	[smem:$0x3FAF] =	sst s1  }
0xa: {  	[smem:$0x3FB0] =	sst s2  }
0xb: {  	[smem:$0x3FB1] =	sst s3  }
0xc: {  	[smem:$0x3FB2] =	sst s4  }
0xd: {  	[smem:$0x3FB3] =	sst s5  }
0xe: {  	[smem:$0x3FB4] =	sst s6  }
0xf: {  	[smem:$0x3FB5] =	sst s7  }
0x10: {  	[smem:$0x3FB6] =	sst s8  }
0x11: {  	[smem:$0x3FB7] =	sst s9;
	s0 =	simm.s32 @!p0 $0x0  }
0x12: {  	s1 =	sld [smem:$0x3F9D];
	s0 =	simm.s32 @p0 $0x1  }
0x13: {  	[smem:$0x3FB8] =	sst s0;
	s0 =	simm.s32 @!p1 $0x0  }
0x14: {  	s2 =	sld [smem:$0x3F9C];
	s0 =	simm.s32 @p1 $0x1  }
0x15: {  	[smem:$0x3FB9] =	sst s0;
	s0 =	simm.s32 @!p2 $0x0  }
0x16: {  	s3 =	sld [smem:$0x3FDB];
	s0 =	simm.s32 @p2 $0x1  }
0x17: {  	s4 =	simm.s32 $0x1BF5;
	[smem:$0x3FBB] =	sst s0  }
0x18: {  	s0 =	sld [smem:$0x3F9E];
	_ =	swait.ge [sflag:s4], $0x0  }
0x19: {  	s7 =	sld [smem:$0x3F9F]  }
0x1a: {  	s8 =	sadd.s32 $0xFFFFE003, lr  }
0x1b: {  	s9 =	sadd.s32 $0xFFFFFEF7, lr;
	s5 =	simm.s32 $0xFFFFFFFF;
	p2 =	slt.u32 s8, $0xFFFFF086  }
0x1c: {  	p1 =	slt.u32 s9, $0xF7A;
	s5 =	simm.s32 @!p2 $0x0  }
0x1d: {  	s5 =	simm.s32 @p1 $0x1;
	p0 =	seq.s32 s7, s2  }
0x1e: {  	s7 =	smul.u32 @!p0 $0xF7A, s2;
	p2 =	seq.s32 @!p0 s5, $0x0  }
0x1f: {  	s9 =	smul.u32 $0xF7A, s1;
	s8 =	simm.s32 @!p0 $0x1BF5;
	p2 =	por !p2, p0  }
0x20: {  	[sflag:s8] =	ssyncset.s32 @!p0 $0xFFFFF086;
	s6 =	sadd.s32 @!p0 s3, s7;
	s7 =	simm.s32 @!p0 $0x108  }
0x21: {  	s3 =	sadd.s32 s3, s9;
	s6 =	sadd.s32 @!p0 $0x88, s6;
	s7 =	simm.s32 @p2 $0x1082  }
0x22: {  	[simem:s7], [sflag:s8] =	dma.local @!p0 [hbm:s6], $0xF7A  }
0x23: {  	s9 =	sor.u32 $0xD0000000, s2;
	s6 =	simm.s32 $0x108;
	_ =	swait.ge @!p0 [sflag:s8], $0x0  }
0x24: {  	s3 =	sadd.s32 $0x88, s3;
	s6 =	simm.s32 @!p1 $0x1082;
	[sflag:s4] =	ssyncset.s32 $0xFFFFF086  }
0x25: {  	[simem:s6], [sflag:s4] =	dma.local [hbm:s3], $0xF7A  }
0x26: {  	[smem:$0x3F9F] =	sst s1;
	(tag) =	ssettag s2;
	_ =	strace s9  }
0x27: {  	s1 =	sld [smem:$0x3FAF]  }
0x28: {  	s2 =	sld [smem:$0x3FB0]  }
0x29: {  	s4 =	sld [smem:$0x3FB2]  }
0x2a: {  	p0 =	seq.s32 s5, $0x0;
	s5 =	sld [smem:$0x3FB3]  }
0x2b: {  	s6 =	sld [smem:$0x3FB4]  }
0x2c: {  	s7 =	sld [smem:$0x3FB5]  }
0x2d: {  	s3 =	simm.s32 $0x108;
	s8 =	sld [smem:$0x3FB6]  }
0x2e: {  	s3 =	simm.s32 @!p0 $0x1082;
	s9 =	sld [smem:$0x3FB7]  }
0x2f: {  	lr =	sadd.s32 s0, s3;
	s0 =	sld [smem:$0x3FAE]  }
0x30: {  	s3 =	sld [smem:$0x3FB1]  }
0x31: {  	[smem:$0x3FBA] =	sst s10  }
0x32: {  	s10 =	sld [smem:$0x3FB8];
	_ =	sdelay $0x3  }
0x33: {  	p0 =	seq.s32 s10, $0x1;
	s10 =	sld [smem:$0x3FBA];
	_ =	sdelay $0x3  }
0x34: {  	[smem:$0x3FBA] =	sst s10  }
0x35: {  	s10 =	sld [smem:$0x3FB9];
	_ =	sdelay $0x3  }
0x36: {  	p1 =	seq.s32 s10, $0x1;
	s10 =	sld [smem:$0x3FBA];
	_ =	sdelay $0x3  }
0x37: {  	[smem:$0x3FBA] =	sst s10  }
0x38: {  	s10 =	sld [smem:$0x3FBB]  }
0x39: {  	_ = 	snop;
	(pc) =	sbr.ind lr, $3  }
0x3a: {  	_ = 	snop  }
0x3b: {  	_ = 	snop  }
0x3c: {  	p2 =	seq.s32 s10, $0x1;
	s10 =	sld [smem:$0x3FBA]  }
0x3d: {  	_ =	shalt  }
0x3e: {  	_ =	shalt  }
0x3f: {  	_ =	shalt  }
0x40: {  	_ =	shalt  }
0x41: {  	_ =	shalt  }
0x42: {  	_ =	shalt  }
0x43: {  	_ =	shalt  }
0x44: {  	_ =	shalt  }
0x45: {  	_ =	shalt  }
0x46: {  	_ =	shalt  }
0x47: {  	_ =	shalt  }
0x48: {  	_ =	shalt  }
0x49: {  	_ =	shalt  }
0x4a: {  	_ =	shalt  }
0x4b: {  	_ =	shalt  }
0x4c: {  	_ =	shalt  }
0x4d: {  	_ =	shalt  }
0x4e: {  	_ =	shalt  }
0x4f: {  	_ =	shalt  }
0x50: {  	_ =	shalt  }
0x51: {  	_ =	shalt  }
0x52: {  	_ =	shalt  }
0x53: {  	_ =	shalt  }
0x54: {  	_ =	shalt  }
0x55: {  	_ =	shalt  }
0x56: {  	_ =	shalt  }
0x57: {  	_ =	shalt  }
0x58: {  	_ =	shalt  }
0x59: {  	_ =	shalt  }
0x5a: {  	_ =	shalt  }
0x5b: {  	_ =	shalt  }
0x5c: {  	_ =	shalt  }
0x5d: {  	_ =	shalt  }
0x5e: {  	_ =	shalt  }
0x5f: {  	_ =	shalt  }
0x60: {  	_ =	shalt  }
0x61: {  	_ =	shalt  }
0x62: {  	_ =	shalt  }
0x63: {  	_ =	shalt  }
0x64: {  	_ =	shalt  }
0x65: {  	_ =	shalt  }
0x66: {  	_ =	shalt  }
0x67: {  	_ =	shalt  }
0x68: {  	_ =	shalt  }
0x69: {  	_ =	shalt  }
0x6a: {  	_ =	shalt  }
0x6b: {  	_ =	shalt  }
0x6c: {  	_ =	shalt  }
0x6d: {  	_ =	shalt  }
0x6e: {  	_ =	shalt  }
0x6f: {  	_ =	shalt  }
0x70: {  	_ =	shalt  }
0x71: {  	_ =	shalt  }
0x72: {  	_ =	shalt  }
0x73: {  	_ =	shalt  }
0x74: {  	_ =	shalt  }
0x75: {  	_ =	shalt  }
0x76: {  	_ =	shalt  }
0x77: {  	_ =	shalt  }
0x78: {  	_ =	shalt  }
0x79: {  	_ =	shalt  }
0x7a: {  	_ =	shalt  }
0x7b: {  	_ =	shalt  }
0x7c: {  	_ =	shalt  }
0x7d: {  	_ =	shalt  }
0x7e: {  	_ =	shalt  }
0x7f: {  	_ =	shalt  }
0x80: {  	_ =	shalt  }
0x81: {  	_ =	shalt  }
0x82: {  	_ =	shalt  }
0x83: {  	_ =	shalt  }
0x84: {  	_ =	shalt  }
0x85: {  	_ =	shalt  }
0x86: {  	_ =	shalt  }
0x87: {  	_ =	shalt  }
.Lfunc_end0:
.L_simem_size_0:
called_computation_lowered:
.L_overlay_start_0:
0x88: {  	s0 =	sld [smem:$0x3FD9]  }
0x89: {  	s1 =	sld [smem:$0x3FFE];
	_ =	sdelay $0x3  }
0x8a: {  	s0 =	sadd.s32 s1, s0  }
0x8b: {  	[smem:$0x3FC6] =	sst s0  }
0x8c: {  	_ = 	snop  }
0x8d: {  	s0 =	sld [smem:$0x3FD0];
	(tm) =	ssettm $0x1  }
0x8e: {  	s16 =	sld [smem:$0x3FFB];
	_ =	sdelay $0x3  }
0x8f: {  	_ =	strace s16  }
0x90: {  	s1 =	sld [smem:$0x3FFC];
	_ =	sdelay $0x3  }
0x91: {  	_ =	strace s1  }
0x92: {  	s1 =	sld [smem:$0x3FFD];
	_ =	sdelay $0x3  }
0x93: {  	_ =	strace s1  }
0x94: {  	_ =	strace $0x8FFFFFFF  }
0x95: {  	s17 =	sld [smem:$0x3FDB];
	_ =	sdelay $0x1  }
0x96: {  	s2 =	simm.s32 $_scs_section_size  }
0x97: {  	s3 =	simm.s32 $_size__tile_overlayer_lowered;
	s4 =	simm.s32 $_tile_overlayer_lowered  }
0x98: {  	s20 =	simm.s32 $0x1BFF;
	s19 =	sshll.u32 s4, $0x1;
	s1 =	sadd.s32 s2, s17  }
0x99: {  	s5 =	simm.s32 $0x0;
	s18 =	sshll.u32 s3, $0x1;
	s3 =	sadd.s32 s19, s1  }
0x9a: {  	[timem:s5], [sflag:s20] =	dma.local [hbm:s3], s18  }
0x9b: {  	_ =	swait.ge [sflag:s20], s18  }
0x9c: {  	s2 =	ssub.s32 $0x0, s18;
	[sflag:s20] =	ssyncset.done $0x0  }
0x9d: {  	[sflag:s20] =	ssyncadd.s32 s2;
	_ =	sdelay $0x1  }
0x9e: {  	s21 =	simm.s32 $0x1B8B  }
0x9f: {  	_ =	swait.ge [sflag:s21], $0x1  }
0xa0: {  	[sflag:s21] =	ssyncset.done $0x0  }
0xa1: {  	s23 =	simm.s32 $0x1B8E;
	s22 =	sld [smem:$0x3FFE];
	[sflag:s21] =	ssyncadd.s32 $0xFFFFFFFF  }
0xa2: {  	s24 =	simm.s32 $execute0_lowered;
	[smem:$0x3FD2] =	sst s23  }
0xa3: {  	s3 =	sshll.u32 s24, $0x1;
	_ =	strace $0x80000046;
	[dreg:$0x1] =	wrdreg $0xFFFFFFFF  }
0xa4: {  	s25 =	simm.s32 $_size_execute0_lowered;
	s1 =	sadd.s32 s1, s3;
	[dreg:$0x0] =	wrdreg $0x0  }
0xa5: {  	s3 =	sshll.u32 s25, $0x1;
	[dreg:$0x2] =	wrdreg s1  }
0xa6: {  	[dreg:$0x3] =	wrdreg s3  }
0xa7: {  	[dreg:$0x4] =	wrdreg $0xC0  }
0xa8: {  	_ =	task [dreg:s5], $0x5FFFF  }
0xa9: {  	[dreg:$0x1] =	wrdreg $0xFFFFFFFF  }
0xaa: {  	[dreg:$0x0] =	wrdreg $0x60  }
0xab: {  	[dreg:$0x2] =	wrdreg s22  }
0xac: {  	[dreg:$0x3] =	wrdreg s0  }
0xad: {  	[dreg:$0x4] =	wrdreg $0x116000  }
0xae: {  	[dreg:$0x5] =	wrdreg $0x11C600  }
0xaf: {  	[dreg:$0x6] =	wrdreg $0x11C800  }
0xb0: {  	[dreg:$0x7] =	wrdreg $0x9  }
0xb1: {  	_ =	task.clear_ibuf [dreg:s5], $0x8FFFF;
	_ =	strace $0x90000046  }
0xb2: {  	s26 =	simm.s32 $0x9;
	_ =	strace $0x80000048  }
0xb3: {  	_ =	swait.ge [sflag:s26], $0x1  }
0xb4: {  	[sflag:s26] =	ssyncadd.s32 $0xFFFFFFFF  }
0xb5: {  	_ =	strace $0x90000048  }
0xb6: {  	_ =	sfence  }
0xb7: {  	s28 =	sld [smem:$0x0];
	_ =	sdelay $0x1  }
0xb8: {  	s29 =	srdreg.scid  }
0xb9: {  	s30 =	sshll.u32 s29, $0xD;
	s31 =	sshrl.u32 s29, $0x2  }
0xba: {  	s2 =	sand.u32 $0x4000, s30;
	s1 =	sand.u32 $0x1, s29;
	s0 =	sadd.s32 s31, s28  }
0xbb: {  	s1 =	sor.u32 s2, s1;
	s0 =	sshll.u32 s0, $0x11  }
0xbc: {  	s0 =	sor.u32 s0, s1  }
0xbd: {  	s0 =	sadd.s32 $0x8F2B, s0  }
0xbe: {  	[sflag:s0] =	ssyncadd.remote.s32 $0x1  }
0xbf: {  	_ =	sfence.sel $0xFFFF  }
0xc0: {  	[dreg:$0x0] =	wrdreg $0xFFFFFFFF;
	(pc) =	sbr.abs _section_cstart, $3  }
0xc1: {  	[dreg:$0x1] =	wrdreg $0xFFFFFFFF  }
0xc2: {  	_ =	task.clear_ibuf [dreg:s5], $0x2FFFF;
	_ =	strace $0x9FFFFFFF  }
0xc3: {  	(tm) =	ssettm $0x7FFFFFFF  }
tec
execute0_lowered:
.L_overlay_start_1:
0x0: {  	(tag) =	ssettag $0x1  }
0x1: {  	s3 =	rddreg [dreg:$0x0]  }
0x2: {  	s1 =	rddreg [dreg:$0x1]  }
0x3: {  	s12 =	rddreg [dreg:$0x2]  }
0x4: {  	s4 =	rddreg [dreg:$0x3]  }
0x5: {  	s2 =	rddreg [dreg:$0x4]  }
0x6: {  	s0 =	rddreg [dreg:$0x5];
	s5 =	simm.s32 $0x0;
	s6 =	stileid.u32  }
0x7: {  	[smem:$0x7FF] =	sst s5;
	p0 =	seq.s32 s6, $0xF  }
0x8: {  	_ =	strace $0x80000047;
	s5 =	sadd.s32 @p0 $0x2DF0, s3;
	s7 =	simm.s32 @p0 $0x0  }
0x9: {  	[tilespmem:s7], [sflag:$0x1] =	stream.linear.gather @p0 [hbm4b:s5+s7], $0x1720, $0x38;
	[tilespmem:$0x11E60] =	vst v63  }
0xa: {  	s5 =	simm.s32 @p0 $0x1  }
0xb: {  	_ =	swait.ge @p0 [sflag:s5], $0x1720  }
0xc: {  	s8 =	sadd.s32 $0x3200, s3;
	[sflag:s5] =	ssyncset.done @p0 $0x0  }
0xd: {  	s9 =	sadd.s32 @p0 $0x2DF0, s8;
	s10 =	simm.s32 @p0 $0x1880;
	[sflag:s5] =	ssyncadd.s32 @p0 $0xFFFFE8E0  }
0xe: {  	[tilespmem:s10], [sflag:$0x1] =	stream.linear.gather @p0 [hbm4b:s9+s7], $0x1720, $0x38;
	[tilespmem:$0x11E60] =	vst v63  }
0xf: {  	s7 =	smul.u32 @!p0 $0x310, s6;
	_ =	swait.ge @p0 [sflag:s5], $0x1720  }
0x10: {  	[sflag:s5] =	ssyncset.done @p0 $0x0  }
0x11: {  	s3 =	sadd.s32 @!p0 s3, s7;
	[sflag:s5] =	ssyncadd.s32 @p0 $0xFFFFE8E0;
	s5 =	simm.s32 @!p0 $0x0  }
0x12: {  	[tilespmem:s5], [sflag:$0x1] =	stream.linear.gather @!p0 [hbm4b:s3+s5], $0x1880, $0x38;
	[tilespmem:$0x11E60] =	vst v63  }
0x13: {  	s3 =	simm.s32 @!p0 $0x1  }
0x14: {  	_ =	swait.ge @!p0 [sflag:s3], $0x1880  }
0x15: {  	[sflag:s3] =	ssyncset.done @!p0 $0x0  }
0x16: {  	s7 =	sadd.s32 @!p0 s8, s7;
	s8 =	simm.s32 @!p0 $0x1880;
	[sflag:s3] =	ssyncadd.s32 @!p0 $0xFFFFE780  }
0x17: {  	[tilespmem:s8], [sflag:$0x1] =	stream.linear.gather @!p0 [hbm4b:s7+s5], $0x1880, $0x38;
	[tilespmem:$0x11E60] =	vst v63  }
0x18: {  	_ =	swait.ge @!p0 [sflag:s3], $0x1880  }
0x19: {  	[sflag:s3] =	ssyncset.done @!p0 $0x0  }
0x1a: {  	s28 =	simm.s32 $0x3140;
	v0 =	vimm.f32 $0.0e+00;
	[sflag:s3] =	ssyncadd.s32 @!p0 $0xFFFFE780  }
0x1b: {  	s16 =	simm.s32 $0x51C0;
	[tilespmem:s28+$0xFFFFFFC0] =	vst v0  }
0x1c: {  	s17 =	simm.s32 $0x7240;
	[tilespmem:s16+$0xFFFFFFC0] =	vst v0  }
0x1d: {  	[tilespmem:s17+$0xFFFFFFC0] =	vst v0  }
0x1e: {  	[tilespmem:s28+$0xFFFFFFD0] =	vst v0  }
0x1f: {  	[tilespmem:s16+$0xFFFFFFD0] =	vst v0  }
0x20: {  	[tilespmem:s17+$0xFFFFFFD0] =	vst v0  }
0x21: {  	[tilespmem:s28+$0xFFFFFFE0] =	vst v0  }
0x22: {  	[tilespmem:s16+$0xFFFFFFE0] =	vst v0  }
0x23: {  	[tilespmem:s17+$0xFFFFFFE0] =	vst v0  }
0x24: {  	[tilespmem:s28+$0xFFFFFFF0] =	vst v0  }
0x25: {  	[tilespmem:s16+$0xFFFFFFF0] =	vst v0  }
0x26: {  	[tilespmem:s17+$0xFFFFFFF0] =	vst v0  }
0x27: {  	[tilespmem:s28+$0x0] =	vst v0  }
0x28: {  	[tilespmem:s16+$0x0] =	vst v0  }
0x29: {  	[tilespmem:s17+$0x0] =	vst v0  }
0x2a: {  	[tilespmem:s28+$0x10] =	vst v0  }
0x2b: {  	[tilespmem:s16+$0x10] =	vst v0  }
0x2c: {  	[tilespmem:s17+$0x10] =	vst v0  }
0x2d: {  	s18 =	smul.u32 $0x780, s6;
	s10 =	sshll.u32 s6, $0x5;
	[tilespmem:s28+$0x20] =	vst v0  }
0x2e: {  	s19 =	simm.s32 $0x31C0;
	s29 =	smul.u32 $0x1800, s6;
	s30 =	sadd.s32 s10, s12;
	[tilespmem:s16+$0x20] =	vst v0  }
0x2f: {  	s31 =	sshrl.u32 s18, $0x2;
	s18 =	simm.s32 $0x0;
	s11 =	sadd.s32 $0x6000, s30;
	[tilespmem:s17+$0x20] =	vst v0  }
0x30: {  	s9 =	sadd.s32 $0x6200, s30;
	s5 =	sshrl.u32 s29, $0x2;
	s8 =	sadd.s32 $0x6400, s30;
	[tilespmem:s28+$0x30] =	vst v0  }
0x31: {  	s7 =	sadd.s32 $0x6000, s12;
	s15 =	sadd.s32 s5, s12;
	s5 =	sadd.s32 s10, s4;
	[tilespmem:s16+$0x30] =	vst v0  }
0x32: {  	s14 =	sadd.s32 $0x200, s15;
	s13 =	sadd.s32 $0x400, s15;
	s3 =	sadd.s32 s31, s2;
	[tilespmem:s17+$0x30] =	vst v0  }
.LBB2_1:
0x33: {  	[tilespmem:s19+$0xFFFFFFC0] =	vst v0;
	s16 =	sadd.s32 $0x80, s16  }
0x34: {  	s17 =	sadd.s32 $0x80, s17;
	[tilespmem:s16+$0xFFFFFFC0] =	vst v0  }
0x35: {  	[tilespmem:s17+$0xFFFFFFC0] =	vst v0  }
0x36: {  	[tilespmem:s19+$0xFFFFFFD0] =	vst v0  }
0x37: {  	[tilespmem:s16+$0xFFFFFFD0] =	vst v0  }
0x38: {  	[tilespmem:s17+$0xFFFFFFD0] =	vst v0  }
0x39: {  	[tilespmem:s19+$0xFFFFFFE0] =	vst v0  }
0x3a: {  	[tilespmem:s16+$0xFFFFFFE0] =	vst v0  }
0x3b: {  	[tilespmem:s17+$0xFFFFFFE0] =	vst v0  }
0x3c: {  	[tilespmem:s19+$0xFFFFFFF0] =	vst v0  }
0x3d: {  	[tilespmem:s16+$0xFFFFFFF0] =	vst v0  }
0x3e: {  	[tilespmem:s17+$0xFFFFFFF0] =	vst v0  }
0x3f: {  	[tilespmem:s19+$0x0] =	vst v0  }
0x40: {  	[tilespmem:s16+$0x0] =	vst v0  }
0x41: {  	[tilespmem:s17+$0x0] =	vst v0  }
0x42: {  	[tilespmem:s19+$0x10] =	vst v0  }
0x43: {  	[tilespmem:s16+$0x10] =	vst v0  }
0x44: {  	s18 =	sadd.s32 $0x8, s18;
	[tilespmem:s17+$0x10] =	vst v0  }
0x45: {  	p1 =	slt.u32 s18, $0x1F8;
	[tilespmem:s19+$0x20] =	vst v0  }
.Ltmp0:
0x46: {  	[tilespmem:s16+$0x20] =	vst v0;
	(pc) =	sbr.rel @p1 .LBB2_1-.Ltmp0, $4  }
0x47: {  	[tilespmem:s17+$0x20] =	vst v0  }
0x48: {  	[tilespmem:s19+$0x30] =	vst v0  }
0x49: {  	[tilespmem:s16+$0x30] =	vst v0  }
0x4a: {  	s19 =	sadd.s32 $0x80, s19;
	[tilespmem:s17+$0x30] =	vst v0  }
.Ltmp1:
0x4b: {  	v0 =	vimm.f32 $0.0e+00;
	(pc) =	sbr.rel @!p0 .LBB2_3-.Ltmp1, $4  }
0x4c: {  	[tilespmem:$0x5100] =	vst v0  }
0x4d: {  	[tilespmem:$0x7180] =	vst v0  }
0x4e: {  	[tilespmem:$0x9200] =	vst v0;
	v0 =	vlaneseq.u32  }
0x4f: {  	v0 =	vmul.u32 $0x201, v0  }
0x50: {  	s16 =	simm.s32 $0xFFFFFFFE;
	s17 =	simm.s32 $0x1890;
	s18 =	simm.s32 $0x10  }
0x51: {  	v1 =	vimm.f32 $1.000000000e+00;
	s19 =	simm.s32 $0x3100;
	s20 =	simm.s32 $0x5180;
	s21 =	simm.s32 $0x7200;
	v0 =	vadd.s32 $0xFFFFF160, v0  }
.LBB2_6:
0x52: {  	v2 =	vld [tilespmem:s18+$0xFFFFFFF0];
	_ =	sdelay $0x4  }
0x53: {  	v3 =	vshra.s32 v2, $0x12  }
0x54: {  	vm0 =	vgt.s32 v3, $0xEA0  }
0x55: {  	v3 =	vnsel vm0, $0xEA0, v3  }
0x56: {  	v3 =	vmin.u32 v3, $0x109F  }
0x57: {  	v3 =	vadd.s32 v0, v3;
	_ =	sdelay $0x1  }
0x58: {  	v4 =	vld [tilespmem:s17+$0xFFFFFFF0];
	_ =	sdelay $0x2  }
0x59: {  	[tilespmem:v3+s19+$0x0] =	vst.idx.add.f32.msk $0xffff, v1  }
0x5a: {  	[tilespmem:v3+s20+$0x0] =	vst.idx.add.f32.msk $0xffff, v2  }
0x5b: {  	[tilespmem:v3+s21+$0x0] =	vst.idx.add.f32.msk $0xffff, v4  }
0x5c: {  	v2 =	vld [tilespmem:s18+$0x0];
	_ =	sdelay $0x4  }
0x5d: {  	v3 =	vshra.s32 v2, $0x12  }
0x5e: {  	vm15 =	vgt.s32 v3, $0xEA0  }
0x5f: {  	v3 =	vnsel vm15, $0xEA0, v3  }
0x60: {  	v3 =	vmin.u32 v3, $0x109F  }
0x61: {  	v3 =	vadd.s32 v0, v3  }
0x62: {  	s16 =	sadd.s32 $0x2, s16  }
0x63: {  	p0 =	slt.u32 s16, $0x170;
	v4 =	vld [tilespmem:s17+$0x0]  }
.Ltmp2:
0x64: {  	_ = 	snop;
	(pc) =	sbr.rel @p0 .LBB2_6-.Ltmp2, $4  }
0x65: {  	_ = 	snop  }
0x66: {  	[tilespmem:v3+s19+$0x0] =	vst.idx.add.f32.msk $0xffff, v1  }
0x67: {  	[tilespmem:v3+s20+$0x0] =	vst.idx.add.f32.msk $0xffff, v2  }
0x68: {  	s17 =	sadd.s32 $0x20, s17;
	s18 =	sadd.s32 $0x20, s18;
	[tilespmem:v3+s21+$0x0] =	vst.idx.add.f32.msk $0xffff, v4  }
.Ltmp3:
0x69: {  	_ = 	snop;
	(pc) =	sbr.rel .LBB2_7-.Ltmp3, $1  }
0x6a: {  	_ =	sdelay $0x3  }
.LBB2_3:
0x6b: {  	s16 =	simm.s32 $0xFFFFFFFC;
	s17 =	simm.s32 $0x18A0;
	s18 =	simm.s32 $0x20  }
0x6c: {  	v1 =	vimm.f32 $1.000000000e+00;
	s19 =	simm.s32 $0x3100;
	s20 =	simm.s32 $0x5180;
	s21 =	simm.s32 $0x7200;
	v0 =	vadd.s32 $0xFFFFF160, v0  }
.LBB2_4:
0x6d: {  	v2 =	vld [tilespmem:s18+$0xFFFFFFE0];
	_ =	sdelay $0x4  }
0x6e: {  	v3 =	vshra.s32 v2, $0x12  }
0x6f: {  	vm0 =	vgt.s32 v3, $0xEA0  }
0x70: {  	v3 =	vnsel vm0, $0xEA0, v3  }
0x71: {  	v3 =	vmin.u32 v3, $0x109F  }
0x72: {  	v3 =	vadd.s32 v0, v3;
	_ =	sdelay $0x1  }
0x73: {  	v4 =	vld [tilespmem:s17+$0xFFFFFFE0];
	_ =	sdelay $0x2  }
0x74: {  	[tilespmem:v3+s19+$0x0] =	vst.idx.add.f32.msk $0xffff, v1  }
0x75: {  	[tilespmem:v3+s20+$0x0] =	vst.idx.add.f32.msk $0xffff, v2  }
0x76: {  	[tilespmem:v3+s21+$0x0] =	vst.idx.add.f32.msk $0xffff, v4  }
0x77: {  	v2 =	vld [tilespmem:s18+$0xFFFFFFF0];
	_ =	sdelay $0x4  }
0x78: {  	v3 =	vshra.s32 v2, $0x12  }
0x79: {  	vm13 =	vgt.s32 v3, $0xEA0  }
0x7a: {  	v3 =	vnsel vm13, $0xEA0, v3  }
0x7b: {  	v3 =	vmin.u32 v3, $0x109F  }
0x7c: {  	v3 =	vadd.s32 v0, v3;
	_ =	sdelay $0x1  }
0x7d: {  	v4 =	vld [tilespmem:s17+$0xFFFFFFF0];
	_ =	sdelay $0x2  }
0x7e: {  	[tilespmem:v3+s19+$0x0] =	vst.idx.add.f32.msk $0xffff, v1  }
0x7f: {  	[tilespmem:v3+s20+$0x0] =	vst.idx.add.f32.msk $0xffff, v2  }
0x80: {  	[tilespmem:v3+s21+$0x0] =	vst.idx.add.f32.msk $0xffff, v4  }
0x81: {  	v2 =	vld [tilespmem:s18+$0x0];
	_ =	sdelay $0x4  }
0x82: {  	v3 =	vshra.s32 v2, $0x12  }
0x83: {  	vm14 =	vgt.s32 v3, $0xEA0  }
0x84: {  	v3 =	vnsel vm14, $0xEA0, v3  }
0x85: {  	v3 =	vmin.u32 v3, $0x109F  }
0x86: {  	v3 =	vadd.s32 v0, v3;
	_ =	sdelay $0x1  }
0x87: {  	v4 =	vld [tilespmem:s17+$0x0];
	_ =	sdelay $0x2  }
0x88: {  	[tilespmem:v3+s19+$0x0] =	vst.idx.add.f32.msk $0xffff, v1  }
0x89: {  	[tilespmem:v3+s20+$0x0] =	vst.idx.add.f32.msk $0xffff, v2  }
0x8a: {  	[tilespmem:v3+s21+$0x0] =	vst.idx.add.f32.msk $0xffff, v4  }
0x8b: {  	v2 =	vld [tilespmem:s18+$0x10];
	_ =	sdelay $0x4  }
0x8c: {  	v3 =	vshra.s32 v2, $0x12  }
0x8d: {  	vm15 =	vgt.s32 v3, $0xEA0  }
0x8e: {  	v3 =	vnsel vm15, $0xEA0, v3  }
0x8f: {  	v3 =	vmin.u32 v3, $0x109F  }
0x90: {  	v3 =	vadd.s32 v0, v3  }
0x91: {  	s16 =	sadd.s32 $0x4, s16  }
0x92: {  	p0 =	slt.u32 s16, $0x184;
	v4 =	vld [tilespmem:s17+$0x10]  }
.Ltmp4:
0x93: {  	_ = 	snop;
	(pc) =	sbr.rel @p0 .LBB2_4-.Ltmp4, $4  }
0x94: {  	_ = 	snop  }
0x95: {  	[tilespmem:v3+s19+$0x0] =	vst.idx.add.f32.msk $0xffff, v1  }
0x96: {  	[tilespmem:v3+s20+$0x0] =	vst.idx.add.f32.msk $0xffff, v2  }
0x97: {  	s17 =	sadd.s32 $0x40, s17;
	s18 =	sadd.s32 $0x40, s18;
	[tilespmem:v3+s21+$0x0] =	vst.idx.add.f32.msk $0xffff, v4  }
.LBB2_7:
0x98: {  	s16 =	simm.s32 $0x4108  }
0x99: {  	v0 =	vld [tilespmem:s16+$0xFFFFF1F9]  }
0x9a: {  	v1 =	vld [tilespmem:s16+$0xFFFFEFF8];
	_ =	sdelay $0x1  }
0x9b: {  	v2 =	vld [tilespmem:s16+$0xFFFFF3FA];
	_ =	sdelay $0x1  }
0x9c: {  	v3 =	vld [tilespmem:s16+$0xFFFFF5FB]  }
0x9d: {  	v0 =	vadd.f32 v0, v1  }
0x9e: {  	v1 =	vld [tilespmem:s16+$0xFFFFF7FC]  }
0x9f: {  	v0 =	vadd.f32 v2, v0  }
0xa0: {  	v2 =	vld [tilespmem:s16+$0xFFFFF9FD]  }
0xa1: {  	v0 =	vadd.f32 v3, v0  }
0xa2: {  	v3 =	vld [tilespmem:s16+$0xFFFFFBFE]  }
0xa3: {  	v0 =	vadd.f32 v1, v0  }
0xa4: {  	v1 =	vld [tilespmem:s16+$0xFFFFFDFF]  }
0xa5: {  	v0 =	vadd.f32 v2, v0  }
0xa6: {  	v2 =	vld [tilespmem:s16+$0x0]  }
0xa7: {  	v0 =	vadd.f32 v3, v0  }
0xa8: {  	v3 =	vld [tilespmem:s16+$0x201]  }
0xa9: {  	v0 =	vadd.f32 v1, v0  }
0xaa: {  	v1 =	vld [tilespmem:s16+$0x402]  }
0xab: {  	v0 =	vadd.f32 v2, v0  }
0xac: {  	v2 =	vld [tilespmem:s16+$0x603]  }
0xad: {  	v0 =	vadd.f32 v3, v0  }
0xae: {  	v3 =	vld [tilespmem:s16+$0x804]  }
0xaf: {  	v0 =	vadd.f32 v1, v0  }
0xb0: {  	v1 =	vld [tilespmem:s16+$0xA05]  }
0xb1: {  	v0 =	vadd.f32 v2, v0  }
0xb2: {  	v2 =	vld [tilespmem:s16+$0xC06]  }
0xb3: {  	v0 =	vadd.f32 v3, v0  }
0xb4: {  	v3 =	vld [tilespmem:s16+$0xE07]  }
0xb5: {  	v0 =	vadd.f32 v1, v0;
	_ =	sdelay $0x1  }
0xb6: {  	v0 =	vadd.f32 v2, v0;
	_ =	sdelay $0x1  }
0xb7: {  	v0 =	vadd.f32 v3, v0;
	_ =	sdelay $0x1  }
0xb8: {  	s17 =	simm.s32 $0x6188;
	[tilespmem:s16+$0xFFFFEFF8] =	vst v0  }
0xb9: {  	v0 =	vld [tilespmem:s17+$0xFFFFEFF8]  }
0xba: {  	v1 =	vld [tilespmem:s17+$0xFFFFF1F9];
	_ =	sdelay $0x1  }
0xbb: {  	v2 =	vld [tilespmem:s17+$0xFFFFF3FA];
	_ =	sdelay $0x1  }
0xbc: {  	v3 =	vld [tilespmem:s17+$0xFFFFF5FB]  }
0xbd: {  	v0 =	vadd.f32 v1, v0  }
0xbe: {  	v1 =	vld [tilespmem:s17+$0xFFFFF7FC]  }
0xbf: {  	v0 =	vadd.f32 v2, v0  }
0xc0: {  	v2 =	vld [tilespmem:s17+$0xFFFFF9FD]  }
0xc1: {  	v0 =	vadd.f32 v3, v0  }
0xc2: {  	v3 =	vld [tilespmem:s17+$0xFFFFFBFE]  }
0xc3: {  	v0 =	vadd.f32 v1, v0  }
0xc4: {  	v1 =	vld [tilespmem:s17+$0xFFFFFDFF]  }
0xc5: {  	v0 =	vadd.f32 v2, v0  }
0xc6: {  	v2 =	vld [tilespmem:s17+$0x0]  }
0xc7: {  	v0 =	vadd.f32 v3, v0  }
0xc8: {  	v3 =	vld [tilespmem:s17+$0x201]  }
0xc9: {  	v0 =	vadd.f32 v1, v0  }
0xca: {  	v1 =	vld [tilespmem:s17+$0x402]  }
0xcb: {  	v0 =	vadd.f32 v2, v0  }
0xcc: {  	v2 =	vld [tilespmem:s17+$0x603]  }
0xcd: {  	v0 =	vadd.f32 v3, v0  }
0xce: {  	v3 =	vld [tilespmem:s17+$0x804]  }
0xcf: {  	v0 =	vadd.f32 v1, v0  }
0xd0: {  	v1 =	vld [tilespmem:s17+$0xA05]  }
0xd1: {  	v0 =	vadd.f32 v2, v0  }
0xd2: {  	v2 =	vld [tilespmem:s17+$0xC06]  }
0xd3: {  	v0 =	vadd.f32 v3, v0  }
0xd4: {  	v3 =	vld [tilespmem:s17+$0xE07]  }
0xd5: {  	v0 =	vadd.f32 v1, v0;
	_ =	sdelay $0x1  }
0xd6: {  	v0 =	vadd.f32 v2, v0;
	_ =	sdelay $0x1  }
0xd7: {  	v0 =	vadd.f32 v3, v0;
	_ =	sdelay $0x1  }
0xd8: {  	s18 =	simm.s32 $0x8208;
	[tilespmem:s17+$0xFFFFEFF8] =	vst v0  }
0xd9: {  	v0 =	vld [tilespmem:s18+$0xFFFFEFF8]  }
0xda: {  	v1 =	vld [tilespmem:s18+$0xFFFFF1F9];
	_ =	sdelay $0x1  }
0xdb: {  	v2 =	vld [tilespmem:s18+$0xFFFFF3FA];
	_ =	sdelay $0x1  }
0xdc: {  	v3 =	vld [tilespmem:s18+$0xFFFFF5FB]  }
0xdd: {  	v0 =	vadd.f32 v1, v0  }
0xde: {  	v1 =	vld [tilespmem:s18+$0xFFFFF7FC]  }
0xdf: {  	v0 =	vadd.f32 v2, v0  }
0xe0: {  	v2 =	vld [tilespmem:s18+$0xFFFFF9FD]  }
0xe1: {  	v0 =	vadd.f32 v3, v0  }
0xe2: {  	v3 =	vld [tilespmem:s18+$0xFFFFFBFE]  }
0xe3: {  	v0 =	vadd.f32 v1, v0  }
0xe4: {  	v1 =	vld [tilespmem:s18+$0xFFFFFDFF]  }
0xe5: {  	v0 =	vadd.f32 v2, v0  }
0xe6: {  	v2 =	vld [tilespmem:s18+$0x0]  }
0xe7: {  	v0 =	vadd.f32 v3, v0  }
0xe8: {  	v3 =	vld [tilespmem:s18+$0x201]  }
0xe9: {  	v0 =	vadd.f32 v1, v0  }
0xea: {  	v1 =	vld [tilespmem:s18+$0x402]  }
0xeb: {  	v0 =	vadd.f32 v2, v0  }
0xec: {  	v2 =	vld [tilespmem:s18+$0x603]  }
0xed: {  	v0 =	vadd.f32 v3, v0  }
0xee: {  	v3 =	vld [tilespmem:s18+$0x804]  }
0xef: {  	v0 =	vadd.f32 v1, v0  }
0xf0: {  	v1 =	vld [tilespmem:s18+$0xA05]  }
0xf1: {  	v0 =	vadd.f32 v2, v0  }
0xf2: {  	v2 =	vld [tilespmem:s18+$0xC06]  }
0xf3: {  	v0 =	vadd.f32 v3, v0  }
0xf4: {  	v3 =	vld [tilespmem:s18+$0xE07]  }
0xf5: {  	v0 =	vadd.f32 v1, v0;
	_ =	sdelay $0x1  }
0xf6: {  	v0 =	vadd.f32 v2, v0;
	_ =	sdelay $0x1  }
0xf7: {  	v0 =	vadd.f32 v3, v0;
	_ =	sdelay $0x1  }
0xf8: {  	[tilespmem:s18+$0xFFFFEFF8] =	vst v0  }
0xf9: {  	v0 =	vld [tilespmem:s16+$0xFFFFF008]  }
0xfa: {  	v1 =	vld [tilespmem:s16+$0xFFFFF209];
	_ =	sdelay $0x1  }
0xfb: {  	v2 =	vld [tilespmem:s16+$0xFFFFF40A];
	_ =	sdelay $0x1  }
0xfc: {  	v3 =	vld [tilespmem:s16+$0xFFFFF60B]  }
0xfd: {  	v0 =	vadd.f32 v1, v0  }
0xfe: {  	v1 =	vld [tilespmem:s16+$0xFFFFF80C]  }
0xff: {  	v0 =	vadd.f32 v2, v0  }
0x100: {  	v2 =	vld [tilespmem:s16+$0xFFFFFA0D]  }
0x101: {  	v0 =	vadd.f32 v3, v0  }
0x102: {  	v3 =	vld [tilespmem:s16+$0xFFFFFC0E]  }
0x103: {  	v0 =	vadd.f32 v1, v0  }
0x104: {  	v1 =	vld [tilespmem:s16+$0xFFFFFE0F]  }
0x105: {  	v0 =	vadd.f32 v2, v0  }
0x106: {  	v2 =	vld [tilespmem:s16+$0x10]  }
0x107: {  	v0 =	vadd.f32 v3, v0  }
0x108: {  	v3 =	vld [tilespmem:s16+$0x211]  }
0x109: {  	v0 =	vadd.f32 v1, v0  }
0x10a: {  	v1 =	vld [tilespmem:s16+$0x412]  }
0x10b: {  	v0 =	vadd.f32 v2, v0  }
0x10c: {  	v2 =	vld [tilespmem:s16+$0x613]  }
0x10d: {  	v0 =	vadd.f32 v3, v0  }
0x10e: {  	v3 =	vld [tilespmem:s16+$0x814]  }
0x10f: {  	v0 =	vadd.f32 v1, v0  }
0x110: {  	v1 =	vld [tilespmem:s16+$0xA15]  }
0x111: {  	v0 =	vadd.f32 v2, v0  }
0x112: {  	v2 =	vld [tilespmem:s16+$0xC16]  }
0x113: {  	v0 =	vadd.f32 v3, v0  }
0x114: {  	v3 =	vld [tilespmem:s16+$0xE17]  }
0x115: {  	v0 =	vadd.f32 v1, v0;
	_ =	sdelay $0x1  }
0x116: {  	v0 =	vadd.f32 v2, v0;
	_ =	sdelay $0x1  }
0x117: {  	v0 =	vadd.f32 v3, v0;
	_ =	sdelay $0x1  }
0x118: {  	[tilespmem:s16+$0xFFFFF008] =	vst v0  }
0x119: {  	v0 =	vld [tilespmem:s17+$0xFFFFF008]  }
0x11a: {  	v1 =	vld [tilespmem:s17+$0xFFFFF209];
	_ =	sdelay $0x1  }
0x11b: {  	v2 =	vld [tilespmem:s17+$0xFFFFF40A];
	_ =	sdelay $0x1  }
0x11c: {  	v3 =	vld [tilespmem:s17+$0xFFFFF60B]  }
0x11d: {  	v0 =	vadd.f32 v1, v0  }
0x11e: {  	v1 =	vld [tilespmem:s17+$0xFFFFF80C]  }
0x11f: {  	v0 =	vadd.f32 v2, v0  }
0x120: {  	v2 =	vld [tilespmem:s17+$0xFFFFFA0D]  }
0x121: {  	v0 =	vadd.f32 v3, v0  }
0x122: {  	v3 =	vld [tilespmem:s17+$0xFFFFFC0E]  }
0x123: {  	v0 =	vadd.f32 v1, v0  }
0x124: {  	v1 =	vld [tilespmem:s17+$0xFFFFFE0F]  }
0x125: {  	v0 =	vadd.f32 v2, v0  }
0x126: {  	v2 =	vld [tilespmem:s17+$0x10]  }
0x127: {  	v0 =	vadd.f32 v3, v0  }
0x128: {  	v3 =	vld [tilespmem:s17+$0x211]  }
0x129: {  	v0 =	vadd.f32 v1, v0  }
0x12a: {  	v1 =	vld [tilespmem:s17+$0x412]  }
0x12b: {  	v0 =	vadd.f32 v2, v0  }
0x12c: {  	v2 =	vld [tilespmem:s17+$0x613]  }
0x12d: {  	v0 =	vadd.f32 v3, v0  }
0x12e: {  	v3 =	vld [tilespmem:s17+$0x814]  }
0x12f: {  	v0 =	vadd.f32 v1, v0  }
0x130: {  	v1 =	vld [tilespmem:s17+$0xA15]  }
0x131: {  	v0 =	vadd.f32 v2, v0  }
0x132: {  	v2 =	vld [tilespmem:s17+$0xC16]  }
0x133: {  	v0 =	vadd.f32 v3, v0  }
0x134: {  	v3 =	vld [tilespmem:s17+$0xE17]  }
0x135: {  	v0 =	vadd.f32 v1, v0;
	_ =	sdelay $0x1  }
0x136: {  	v0 =	vadd.f32 v2, v0;
	_ =	sdelay $0x1  }
0x137: {  	v0 =	vadd.f32 v3, v0;
	_ =	sdelay $0x1  }
0x138: {  	[tilespmem:s17+$0xFFFFF008] =	vst v0  }
0x139: {  	v0 =	vld [tilespmem:s18+$0xFFFFF008]  }
0x13a: {  	v1 =	vld [tilespmem:s18+$0xFFFFF209];
	_ =	sdelay $0x1  }
0x13b: {  	v2 =	vld [tilespmem:s18+$0xFFFFF40A];
	_ =	sdelay $0x1  }
0x13c: {  	v3 =	vld [tilespmem:s18+$0xFFFFF60B]  }
0x13d: {  	v0 =	vadd.f32 v1, v0  }
0x13e: {  	v1 =	vld [tilespmem:s18+$0xFFFFF80C]  }
0x13f: {  	v0 =	vadd.f32 v2, v0  }
0x140: {  	v2 =	vld [tilespmem:s18+$0xFFFFFA0D]  }
0x141: {  	v0 =	vadd.f32 v3, v0  }
0x142: {  	v3 =	vld [tilespmem:s18+$0xFFFFFC0E]  }
0x143: {  	v0 =	vadd.f32 v1, v0  }
0x144: {  	v1 =	vld [tilespmem:s18+$0xFFFFFE0F]  }
0x145: {  	v0 =	vadd.f32 v2, v0  }
0x146: {  	v2 =	vld [tilespmem:s18+$0x10]  }
0x147: {  	v0 =	vadd.f32 v3, v0  }
0x148: {  	v3 =	vld [tilespmem:s18+$0x211]  }
0x149: {  	v0 =	vadd.f32 v1, v0  }
0x14a: {  	v1 =	vld [tilespmem:s18+$0x412]  }
0x14b: {  	v0 =	vadd.f32 v2, v0  }
0x14c: {  	v4 =	vld [tilespmem:s18+$0x613]  }
0x14d: {  	v0 =	vadd.f32 v3, v0  }
0x14e: {  	v3 =	vld [tilespmem:s18+$0x814]  }
0x14f: {  	v0 =	vadd.f32 v1, v0  }
0x150: {  	v2 =	vld [tilespmem:s18+$0xA15]  }
0x151: {  	v4 =	vadd.f32 v4, v0  }
0x152: {  	v0 =	vld [tilespmem:s18+$0xC16]  }
0x153: {  	v3 =	vadd.f32 v3, v4  }
0x154: {  	s19 =	simm.s32 $0x0;
	s20 =	simm.s32 $0x8228;
	v1 =	vld [tilespmem:s18+$0xE17]  }
.LBB2_8:
0x155: {  	s19 =	sadd.s32 $0x2, s19;
	v2 =	vadd.f32 v2, v3;
	s16 =	sadd.s32 $0x20, s16;
	s17 =	sadd.s32 $0x20, s17  }
0x156: {  	p0 =	slt.u32 s19, $0x1E  }
0x157: {  	v0 =	vadd.f32 v0, v2;
	_ =	sdelay $0x1  }
0x158: {  	v0 =	vadd.f32 v1, v0;
	_ =	sdelay $0x1  }
0x159: {  	[tilespmem:s18+$0xFFFFF008] =	vst v0;
	s18 =	smov.u32 s20  }
0x15a: {  	v0 =	vld [tilespmem:s16+$0xFFFFF1F9]  }
0x15b: {  	v1 =	vld [tilespmem:s16+$0xFFFFEFF8];
	_ =	sdelay $0x1  }
0x15c: {  	v2 =	vld [tilespmem:s16+$0xFFFFF3FA];
	_ =	sdelay $0x1  }
0x15d: {  	v3 =	vld [tilespmem:s16+$0xFFFFF5FB]  }
0x15e: {  	v0 =	vadd.f32 v0, v1  }
0x15f: {  	v1 =	vld [tilespmem:s16+$0xFFFFF7FC]  }
0x160: {  	v0 =	vadd.f32 v2, v0  }
0x161: {  	v2 =	vld [tilespmem:s16+$0xFFFFF9FD]  }
0x162: {  	v0 =	vadd.f32 v3, v0  }
0x163: {  	v3 =	vld [tilespmem:s16+$0xFFFFFBFE]  }
0x164: {  	v0 =	vadd.f32 v1, v0  }
0x165: {  	v1 =	vld [tilespmem:s16+$0xFFFFFDFF]  }
0x166: {  	v0 =	vadd.f32 v2, v0  }
0x167: {  	v2 =	vld [tilespmem:s16+$0x0]  }
0x168: {  	v0 =	vadd.f32 v3, v0  }
0x169: {  	v3 =	vld [tilespmem:s16+$0x201]  }
0x16a: {  	v0 =	vadd.f32 v1, v0  }
0x16b: {  	v1 =	vld [tilespmem:s16+$0x402]  }
0x16c: {  	v0 =	vadd.f32 v2, v0  }
0x16d: {  	v2 =	vld [tilespmem:s16+$0x603]  }
0x16e: {  	v0 =	vadd.f32 v3, v0  }
0x16f: {  	v3 =	vld [tilespmem:s16+$0x804]  }
0x170: {  	v0 =	vadd.f32 v1, v0  }
0x171: {  	v1 =	vld [tilespmem:s16+$0xA05]  }
0x172: {  	v0 =	vadd.f32 v2, v0  }
0x173: {  	v2 =	vld [tilespmem:s16+$0xC06]  }
0x174: {  	v0 =	vadd.f32 v3, v0  }
0x175: {  	v3 =	vld [tilespmem:s16+$0xE07]  }
0x176: {  	v0 =	vadd.f32 v1, v0;
	_ =	sdelay $0x1  }
0x177: {  	v0 =	vadd.f32 v2, v0;
	_ =	sdelay $0x1  }
0x178: {  	v0 =	vadd.f32 v3, v0;
	_ =	sdelay $0x1  }
0x179: {  	[tilespmem:s16+$0xFFFFEFF8] =	vst v0  }
0x17a: {  	v0 =	vld [tilespmem:s17+$0xFFFFEFF8]  }
0x17b: {  	v1 =	vld [tilespmem:s17+$0xFFFFF1F9];
	_ =	sdelay $0x1  }
0x17c: {  	v2 =	vld [tilespmem:s17+$0xFFFFF3FA];
	_ =	sdelay $0x1  }
0x17d: {  	v3 =	vld [tilespmem:s17+$0xFFFFF5FB]  }
0x17e: {  	v0 =	vadd.f32 v1, v0  }
0x17f: {  	v1 =	vld [tilespmem:s17+$0xFFFFF7FC]  }
0x180: {  	v0 =	vadd.f32 v2, v0  }
0x181: {  	v2 =	vld [tilespmem:s17+$0xFFFFF9FD]  }
0x182: {  	v0 =	vadd.f32 v3, v0  }
0x183: {  	v3 =	vld [tilespmem:s17+$0xFFFFFBFE]  }
0x184: {  	v0 =	vadd.f32 v1, v0  }
0x185: {  	v1 =	vld [tilespmem:s17+$0xFFFFFDFF]  }
0x186: {  	v0 =	vadd.f32 v2, v0  }
0x187: {  	v2 =	vld [tilespmem:s17+$0x0]  }
0x188: {  	v0 =	vadd.f32 v3, v0  }
0x189: {  	v3 =	vld [tilespmem:s17+$0x201]  }
0x18a: {  	v0 =	vadd.f32 v1, v0  }
0x18b: {  	v1 =	vld [tilespmem:s17+$0x402]  }
0x18c: {  	v0 =	vadd.f32 v2, v0  }
0x18d: {  	v2 =	vld [tilespmem:s17+$0x603]  }
0x18e: {  	v0 =	vadd.f32 v3, v0  }
0x18f: {  	v3 =	vld [tilespmem:s17+$0x804]  }
0x190: {  	v0 =	vadd.f32 v1, v0  }
0x191: {  	v1 =	vld [tilespmem:s17+$0xA05]  }
0x192: {  	v0 =	vadd.f32 v2, v0  }
0x193: {  	v2 =	vld [tilespmem:s17+$0xC06]  }
0x194: {  	v0 =	vadd.f32 v3, v0  }
0x195: {  	v3 =	vld [tilespmem:s17+$0xE07]  }
0x196: {  	v0 =	vadd.f32 v1, v0;
	_ =	sdelay $0x1  }
0x197: {  	v0 =	vadd.f32 v2, v0;
	_ =	sdelay $0x1  }
0x198: {  	v0 =	vadd.f32 v3, v0;
	_ =	sdelay $0x1  }
0x199: {  	[tilespmem:s17+$0xFFFFEFF8] =	vst v0  }
0x19a: {  	v0 =	vld [tilespmem:s20+$0xFFFFEFF8]  }
0x19b: {  	v1 =	vld [tilespmem:s20+$0xFFFFF1F9];
	_ =	sdelay $0x1  }
0x19c: {  	v2 =	vld [tilespmem:s20+$0xFFFFF3FA];
	_ =	sdelay $0x1  }
0x19d: {  	v3 =	vld [tilespmem:s20+$0xFFFFF5FB]  }
0x19e: {  	v0 =	vadd.f32 v1, v0  }
0x19f: {  	v1 =	vld [tilespmem:s20+$0xFFFFF7FC]  }
0x1a0: {  	v0 =	vadd.f32 v2, v0  }
0x1a1: {  	v2 =	vld [tilespmem:s20+$0xFFFFF9FD]  }
0x1a2: {  	v0 =	vadd.f32 v3, v0  }
0x1a3: {  	v3 =	vld [tilespmem:s20+$0xFFFFFBFE]  }
0x1a4: {  	v0 =	vadd.f32 v1, v0  }
0x1a5: {  	v1 =	vld [tilespmem:s20+$0xFFFFFDFF]  }
0x1a6: {  	v0 =	vadd.f32 v2, v0  }
0x1a7: {  	v2 =	vld [tilespmem:s20+$0x0]  }
0x1a8: {  	v0 =	vadd.f32 v3, v0  }
0x1a9: {  	v3 =	vld [tilespmem:s20+$0x201]  }
0x1aa: {  	v0 =	vadd.f32 v1, v0  }
0x1ab: {  	v1 =	vld [tilespmem:s20+$0x402]  }
0x1ac: {  	v0 =	vadd.f32 v2, v0  }
0x1ad: {  	v2 =	vld [tilespmem:s20+$0x603]  }
0x1ae: {  	v0 =	vadd.f32 v3, v0  }
0x1af: {  	v3 =	vld [tilespmem:s20+$0x804]  }
0x1b0: {  	v0 =	vadd.f32 v1, v0  }
0x1b1: {  	v1 =	vld [tilespmem:s20+$0xA05]  }
0x1b2: {  	v0 =	vadd.f32 v2, v0  }
0x1b3: {  	v2 =	vld [tilespmem:s20+$0xC06]  }
0x1b4: {  	v0 =	vadd.f32 v3, v0  }
0x1b5: {  	v3 =	vld [tilespmem:s20+$0xE07]  }
0x1b6: {  	v0 =	vadd.f32 v1, v0;
	_ =	sdelay $0x1  }
0x1b7: {  	v0 =	vadd.f32 v2, v0;
	_ =	sdelay $0x1  }
0x1b8: {  	v0 =	vadd.f32 v3, v0;
	_ =	sdelay $0x1  }
0x1b9: {  	[tilespmem:s20+$0xFFFFEFF8] =	vst v0  }
0x1ba: {  	v0 =	vld [tilespmem:s16+$0xFFFFF008]  }
0x1bb: {  	v1 =	vld [tilespmem:s16+$0xFFFFF209];
	_ =	sdelay $0x1  }
0x1bc: {  	v2 =	vld [tilespmem:s16+$0xFFFFF40A];
	_ =	sdelay $0x1  }
0x1bd: {  	v3 =	vld [tilespmem:s16+$0xFFFFF60B]  }
0x1be: {  	v0 =	vadd.f32 v1, v0  }
0x1bf: {  	v1 =	vld [tilespmem:s16+$0xFFFFF80C]  }
0x1c0: {  	v0 =	vadd.f32 v2, v0  }
0x1c1: {  	v2 =	vld [tilespmem:s16+$0xFFFFFA0D]  }
0x1c2: {  	v0 =	vadd.f32 v3, v0  }
0x1c3: {  	v3 =	vld [tilespmem:s16+$0xFFFFFC0E]  }
0x1c4: {  	v0 =	vadd.f32 v1, v0  }
0x1c5: {  	v1 =	vld [tilespmem:s16+$0xFFFFFE0F]  }
0x1c6: {  	v0 =	vadd.f32 v2, v0  }
0x1c7: {  	v2 =	vld [tilespmem:s16+$0x10]  }
0x1c8: {  	v0 =	vadd.f32 v3, v0  }
0x1c9: {  	v3 =	vld [tilespmem:s16+$0x211]  }
0x1ca: {  	v0 =	vadd.f32 v1, v0  }
0x1cb: {  	v1 =	vld [tilespmem:s16+$0x412]  }
0x1cc: {  	v0 =	vadd.f32 v2, v0  }
0x1cd: {  	v2 =	vld [tilespmem:s16+$0x613]  }
0x1ce: {  	v0 =	vadd.f32 v3, v0  }
0x1cf: {  	v3 =	vld [tilespmem:s16+$0x814]  }
0x1d0: {  	v0 =	vadd.f32 v1, v0  }
0x1d1: {  	v1 =	vld [tilespmem:s16+$0xA15]  }
0x1d2: {  	v0 =	vadd.f32 v2, v0  }
0x1d3: {  	v2 =	vld [tilespmem:s16+$0xC16]  }
0x1d4: {  	v0 =	vadd.f32 v3, v0  }
0x1d5: {  	v3 =	vld [tilespmem:s16+$0xE17]  }
0x1d6: {  	v0 =	vadd.f32 v1, v0;
	_ =	sdelay $0x1  }
0x1d7: {  	v0 =	vadd.f32 v2, v0;
	_ =	sdelay $0x1  }
0x1d8: {  	v0 =	vadd.f32 v3, v0;
	_ =	sdelay $0x1  }
0x1d9: {  	[tilespmem:s16+$0xFFFFF008] =	vst v0  }
0x1da: {  	v0 =	vld [tilespmem:s17+$0xFFFFF008]  }
0x1db: {  	v1 =	vld [tilespmem:s17+$0xFFFFF209]  }
0x1dc: {  	v2 =	vld [tilespmem:s17+$0xFFFFF40A]  }
0x1dd: {  	v3 =	vld [tilespmem:s17+$0xFFFFF60B]  }
0x1de: {  	v4 =	vld [tilespmem:s17+$0xFFFFF80C]  }
0x1df: {  	v5 =	vld [tilespmem:s17+$0xFFFFFA0D]  }
0x1e0: {  	v0 =	vadd.f32 v1, v0;
	v1 =	vld [tilespmem:s17+$0xFFFFFC0E]  }
0x1e1: {  	v6 =	vld [tilespmem:s17+$0xFFFFFE0F]  }
0x1e2: {  	v0 =	vadd.f32 v2, v0;
	v2 =	vld [tilespmem:s17+$0x10]  }
0x1e3: {  	v7 =	vld [tilespmem:s17+$0x211]  }
0x1e4: {  	v0 =	vadd.f32 v3, v0;
	v3 =	vld [tilespmem:s17+$0x412]  }
0x1e5: {  	v8 =	vld [tilespmem:s17+$0x613]  }
0x1e6: {  	v0 =	vadd.f32 v4, v0;
	v4 =	vld [tilespmem:s17+$0x814]  }
0x1e7: {  	v9 =	vld [tilespmem:s17+$0xA15]  }
0x1e8: {  	v0 =	vadd.f32 v5, v0;
	v5 =	vld [tilespmem:s17+$0xC16]  }
0x1e9: {  	v10 =	vld [tilespmem:s17+$0xE17]  }
0x1ea: {  	v0 =	vadd.f32 v1, v0;
	_ =	sdelay $0x1  }
0x1eb: {  	v0 =	vadd.f32 v6, v0;
	_ =	sdelay $0x1  }
0x1ec: {  	v0 =	vadd.f32 v2, v0;
	_ =	sdelay $0x1  }
0x1ed: {  	v0 =	vadd.f32 v7, v0;
	_ =	sdelay $0x1  }
0x1ee: {  	v0 =	vadd.f32 v3, v0;
	_ =	sdelay $0x1  }
0x1ef: {  	v0 =	vadd.f32 v8, v0;
	_ =	sdelay $0x1  }
0x1f0: {  	v0 =	vadd.f32 v4, v0;
	_ =	sdelay $0x1  }
0x1f1: {  	v0 =	vadd.f32 v9, v0;
	_ =	sdelay $0x1  }
0x1f2: {  	v0 =	vadd.f32 v5, v0;
	_ =	sdelay $0x1  }
0x1f3: {  	v0 =	vadd.f32 v10, v0;
	_ =	sdelay $0x1  }
0x1f4: {  	[tilespmem:s17+$0xFFFFF008] =	vst v0  }
0x1f5: {  	v0 =	vld [tilespmem:s20+$0xFFFFF008]  }
0x1f6: {  	v1 =	vld [tilespmem:s20+$0xFFFFF209]  }
0x1f7: {  	v2 =	vld [tilespmem:s20+$0xFFFFF40A]  }
0x1f8: {  	v3 =	vld [tilespmem:s20+$0xFFFFF60B]  }
0x1f9: {  	v4 =	vld [tilespmem:s20+$0xFFFFF80C]  }
0x1fa: {  	v5 =	vld [tilespmem:s20+$0xFFFFFA0D]  }
0x1fb: {  	v0 =	vadd.f32 v1, v0;
	v6 =	vld [tilespmem:s20+$0xFFFFFC0E]  }
0x1fc: {  	v7 =	vld [tilespmem:s20+$0xFFFFFE0F]  }
0x1fd: {  	v0 =	vadd.f32 v2, v0;
	v8 =	vld [tilespmem:s20+$0x10]  }
0x1fe: {  	v9 =	vld [tilespmem:s20+$0x211]  }
0x1ff: {  	v0 =	vadd.f32 v3, v0;
	v3 =	vld [tilespmem:s20+$0x412]  }
0x200: {  	v10 =	vld [tilespmem:s20+$0x613]  }
0x201: {  	v0 =	vadd.f32 v4, v0;
	v4 =	vld [tilespmem:s20+$0x814]  }
0x202: {  	v2 =	vld [tilespmem:s20+$0xA15]  }
0x203: {  	v5 =	vadd.f32 v5, v0;
	v0 =	vld [tilespmem:s20+$0xC16]  }
0x204: {  	v1 =	vld [tilespmem:s20+$0xE17]  }
0x205: {  	v5 =	vadd.f32 v6, v5;
	_ =	sdelay $0x1  }
0x206: {  	v5 =	vadd.f32 v7, v5;
	_ =	sdelay $0x1  }
0x207: {  	v5 =	vadd.f32 v8, v5;
	_ =	sdelay $0x1  }
0x208: {  	v5 =	vadd.f32 v9, v5;
	_ =	sdelay $0x1  }
0x209: {  	v3 =	vadd.f32 v3, v5  }
.Ltmp5:
0x20a: {  	(pc) =	sbr.rel @p0 .LBB2_8-.Ltmp5, $3  }
0x20b: {  	v3 =	vadd.f32 v10, v3;
	_ =	sdelay $0x1  }
0x20c: {  	v3 =	vadd.f32 v4, v3  }
0x20d: {  	s20 =	sadd.s32 $0x20, s20  }
0x20e: {  	v2 =	vadd.f32 v2, v3;
	_ =	sdelay $0x1  }
0x20f: {  	v0 =	vadd.f32 v0, v2;
	_ =	sdelay $0x1  }
0x210: {  	v0 =	vadd.f32 v1, v0;
	_ =	sdelay $0x1  }
0x211: {  	s16 =	simm.s32 $0x3100;
	[tilespmem:s18+$0xFFFFF008] =	vst v0  }
0x212: {  	[spmem:s15] =	stream.linear.scatter [tilespmem:s16], [sflag:$0x1], $0x200, $0x38;
	[tilespmem:$0x11E60] =	vst v63  }
0x213: {  	s15 =	simm.s32 $0x1  }
0x214: {  	_ =	swait.ge [sflag:s15], $0x200  }
0x215: {  	[sflag:s15] =	ssyncset.done $0x0  }
0x216: {  	s25 =	simm.s32 $0x5180;
	[sflag:s15] =	ssyncadd.s32 $0xFFFFFE00  }
0x217: {  	[spmem:s14] =	stream.linear.scatter [tilespmem:s25], [sflag:$0x1], $0x200, $0x38;
	[tilespmem:$0x11E60] =	vst v63  }
0x218: {  	_ =	swait.ge [sflag:s15], $0x200  }
0x219: {  	[sflag:s15] =	ssyncset.done $0x0  }
0x21a: {  	s26 =	simm.s32 $0x7200;
	[sflag:s15] =	ssyncadd.s32 $0xFFFFFE00  }
0x21b: {  	[spmem:s13] =	stream.linear.scatter [tilespmem:s26], [sflag:$0x1], $0x200, $0x38;
	[tilespmem:$0x11E60] =	vst v63  }
0x21c: {  	_ =	swait.ge [sflag:s15], $0x200  }
0x21d: {  	[sflag:s15] =	ssyncset.done $0x0  }
0x21e: {  	[sflag:s15] =	ssyncadd.s32 $0xFFFFFE00  }
0x21f: {  	s28 =	simm.s32 $0x9280;
	[bflag:$0x0] =	sbarrier.arrive $0xFFFF  }
0x220: {  	[tilespmem:s28], [sflag:$0x1] =	stream.linear.gather [spmem:s12], $0x6000, $0x38;
	[tilespmem:$0x11E60] =	vst v63  }
0x221: {  	_ =	swait.ge [sflag:s15], $0x6000  }
0x222: {  	[sflag:s15] =	ssyncset.done $0x0  }
0x223: {  	[sflag:s15] =	ssyncadd.s32 $0xFFFFA000  }
0x224: {  	v31 =	vld [tilespmem:s10+$0x9280]  }
0x225: {  	v32 =	vld [tilespmem:s10+$0x9880];
	_ =	sdelay $0x1  }
0x226: {  	v33 =	vld [tilespmem:s10+$0x9E80];
	_ =	sdelay $0x1  }
0x227: {  	v34 =	vld [tilespmem:s10+$0xA480]  }
0x228: {  	v0 =	vadd.f32 v32, v31  }
0x229: {  	v35 =	vld [tilespmem:s10+$0xAA80]  }
0x22a: {  	v0 =	vadd.f32 v33, v0  }
0x22b: {  	v36 =	vld [tilespmem:s10+$0xB080]  }
0x22c: {  	v0 =	vadd.f32 v34, v0  }
0x22d: {  	v37 =	vld [tilespmem:s10+$0xB680]  }
0x22e: {  	v0 =	vadd.f32 v35, v0  }
0x22f: {  	v38 =	vld [tilespmem:s10+$0xBC80]  }
0x230: {  	v0 =	vadd.f32 v36, v0  }
0x231: {  	v39 =	vld [tilespmem:s10+$0xC280]  }
0x232: {  	v0 =	vadd.f32 v37, v0  }
0x233: {  	v40 =	vld [tilespmem:s10+$0xC880]  }
0x234: {  	v0 =	vadd.f32 v38, v0  }
0x235: {  	v41 =	vld [tilespmem:s10+$0xCE80]  }
0x236: {  	v0 =	vadd.f32 v39, v0  }
0x237: {  	v42 =	vld [tilespmem:s10+$0xD480]  }
0x238: {  	v0 =	vadd.f32 v40, v0  }
0x239: {  	v43 =	vld [tilespmem:s10+$0xDA80]  }
0x23a: {  	v0 =	vadd.f32 v41, v0  }
0x23b: {  	v44 =	vld [tilespmem:s10+$0xE080]  }
0x23c: {  	v0 =	vadd.f32 v42, v0  }
0x23d: {  	v45 =	vld [tilespmem:s10+$0xE680]  }
0x23e: {  	v0 =	vadd.f32 v43, v0  }
0x23f: {  	v46 =	vld [tilespmem:s10+$0xEC80]  }
0x240: {  	v0 =	vadd.f32 v44, v0;
	_ =	sdelay $0x1  }
0x241: {  	v0 =	vadd.f32 v45, v0;
	_ =	sdelay $0x1  }
0x242: {  	v0 =	vadd.f32 v46, v0;
	_ =	sdelay $0x1  }
0x243: {  	[tilespmem:$0xF280] =	vst v0  }
0x244: {  	v0 =	vld [tilespmem:s10+$0x9290]  }
0x245: {  	v47 =	vld [tilespmem:s10+$0x9890];
	_ =	sdelay $0x1  }
0x246: {  	v48 =	vld [tilespmem:s10+$0x9E90];
	_ =	sdelay $0x1  }
0x247: {  	v49 =	vld [tilespmem:s10+$0xA490]  }
0x248: {  	v0 =	vadd.f32 v47, v0  }
0x249: {  	v50 =	vld [tilespmem:s10+$0xAA90]  }
0x24a: {  	v0 =	vadd.f32 v48, v0  }
0x24b: {  	v51 =	vld [tilespmem:s10+$0xB090]  }
0x24c: {  	v0 =	vadd.f32 v49, v0  }
0x24d: {  	v52 =	vld [tilespmem:s10+$0xB690]  }
0x24e: {  	v0 =	vadd.f32 v50, v0  }
0x24f: {  	v53 =	vld [tilespmem:s10+$0xBC90]  }
0x250: {  	v0 =	vadd.f32 v51, v0  }
0x251: {  	v54 =	vld [tilespmem:s10+$0xC290]  }
0x252: {  	v0 =	vadd.f32 v52, v0  }
0x253: {  	v55 =	vld [tilespmem:s10+$0xC890]  }
0x254: {  	v0 =	vadd.f32 v53, v0  }
0x255: {  	v56 =	vld [tilespmem:s10+$0xCE90]  }
0x256: {  	v0 =	vadd.f32 v54, v0  }
0x257: {  	v57 =	vld [tilespmem:s10+$0xD490]  }
0x258: {  	v0 =	vadd.f32 v55, v0  }
0x259: {  	v58 =	vld [tilespmem:s10+$0xDA90]  }
0x25a: {  	v0 =	vadd.f32 v56, v0  }
0x25b: {  	v59 =	vld [tilespmem:s10+$0xE090]  }
0x25c: {  	v0 =	vadd.f32 v57, v0  }
0x25d: {  	v60 =	vld [tilespmem:s10+$0xE690]  }
0x25e: {  	v0 =	vadd.f32 v58, v0  }
0x25f: {  	v61 =	vld [tilespmem:s10+$0xEC90]  }
0x260: {  	v0 =	vadd.f32 v59, v0;
	_ =	sdelay $0x1  }
0x261: {  	v0 =	vadd.f32 v60, v0;
	_ =	sdelay $0x1  }
0x262: {  	v0 =	vadd.f32 v61, v0;
	_ =	sdelay $0x1  }
0x263: {  	[tilespmem:$0xF290] =	vst v0  }
0x264: {  	v0 =	vld [tilespmem:s10+$0x9480]  }
0x265: {  	v62 =	vld [tilespmem:s10+$0x9A80];
	_ =	sdelay $0x1  }
0x266: {  	v63 =	vld [tilespmem:s10+$0xA080];
	_ =	sdelay $0x1  }
0x267: {  	v6 =	vld [tilespmem:s10+$0xA680]  }
0x268: {  	v0 =	vadd.f32 v62, v0  }
0x269: {  	v7 =	vld [tilespmem:s10+$0xAC80]  }
0x26a: {  	v0 =	vadd.f32 v63, v0  }
0x26b: {  	v8 =	vld [tilespmem:s10+$0xB280]  }
0x26c: {  	v0 =	vadd.f32 v6, v0  }
0x26d: {  	v9 =	vld [tilespmem:s10+$0xB880]  }
0x26e: {  	v0 =	vadd.f32 v7, v0  }
0x26f: {  	v10 =	vld [tilespmem:s10+$0xBE80]  }
0x270: {  	v0 =	vadd.f32 v8, v0  }
0x271: {  	v11 =	vld [tilespmem:s10+$0xC480]  }
0x272: {  	v0 =	vadd.f32 v9, v0  }
0x273: {  	v12 =	vld [tilespmem:s10+$0xCA80]  }
0x274: {  	v0 =	vadd.f32 v10, v0  }
0x275: {  	v13 =	vld [tilespmem:s10+$0xD080]  }
0x276: {  	v0 =	vadd.f32 v11, v0  }
0x277: {  	v14 =	vld [tilespmem:s10+$0xD680]  }
0x278: {  	v0 =	vadd.f32 v12, v0  }
0x279: {  	v15 =	vld [tilespmem:s10+$0xDC80]  }
0x27a: {  	v0 =	vadd.f32 v13, v0  }
0x27b: {  	v16 =	vld [tilespmem:s10+$0xE280]  }
0x27c: {  	v0 =	vadd.f32 v14, v0  }
0x27d: {  	v17 =	vld [tilespmem:s10+$0xE880]  }
0x27e: {  	v0 =	vadd.f32 v15, v0  }
0x27f: {  	v18 =	vld [tilespmem:s10+$0xEE80]  }
0x280: {  	v0 =	vadd.f32 v16, v0;
	_ =	sdelay $0x1  }
0x281: {  	v0 =	vadd.f32 v17, v0;
	_ =	sdelay $0x1  }
0x282: {  	v0 =	vadd.f32 v18, v0;
	_ =	sdelay $0x1  }
0x283: {  	[tilespmem:$0xF2A0] =	vst v0  }
0x284: {  	v0 =	vld [tilespmem:s10+$0x9490]  }
0x285: {  	v19 =	vld [tilespmem:s10+$0x9A90];
	_ =	sdelay $0x1  }
0x286: {  	v20 =	vld [tilespmem:s10+$0xA090];
	_ =	sdelay $0x1  }
0x287: {  	v21 =	vld [tilespmem:s10+$0xA690]  }
0x288: {  	v0 =	vadd.f32 v19, v0  }
0x289: {  	v22 =	vld [tilespmem:s10+$0xAC90]  }
0x28a: {  	v0 =	vadd.f32 v20, v0  }
0x28b: {  	v23 =	vld [tilespmem:s10+$0xB290]  }
0x28c: {  	v0 =	vadd.f32 v21, v0  }
0x28d: {  	v24 =	vld [tilespmem:s10+$0xB890]  }
0x28e: {  	v0 =	vadd.f32 v22, v0  }
0x28f: {  	v25 =	vld [tilespmem:s10+$0xBE90]  }
0x290: {  	v0 =	vadd.f32 v23, v0  }
0x291: {  	v26 =	vld [tilespmem:s10+$0xC490]  }
0x292: {  	v0 =	vadd.f32 v24, v0  }
0x293: {  	v27 =	vld [tilespmem:s10+$0xCA90]  }
0x294: {  	v0 =	vadd.f32 v25, v0  }
0x295: {  	v28 =	vld [tilespmem:s10+$0xD090]  }
0x296: {  	v0 =	vadd.f32 v26, v0  }
0x297: {  	v29 =	vld [tilespmem:s10+$0xD690]  }
0x298: {  	v0 =	vadd.f32 v27, v0  }
0x299: {  	v30 =	vld [tilespmem:s10+$0xDC90]  }
0x29a: {  	v0 =	vadd.f32 v28, v0  }
0x29b: {  	v31 =	vld [tilespmem:s10+$0xE290]  }
0x29c: {  	v0 =	vadd.f32 v29, v0  }
0x29d: {  	v32 =	vld [tilespmem:s10+$0xE890]  }
0x29e: {  	v0 =	vadd.f32 v30, v0  }
0x29f: {  	v33 =	vld [tilespmem:s10+$0xEE90]  }
0x2a0: {  	v0 =	vadd.f32 v31, v0;
	_ =	sdelay $0x1  }
0x2a1: {  	v0 =	vadd.f32 v32, v0;
	_ =	sdelay $0x1  }
0x2a2: {  	v0 =	vadd.f32 v33, v0;
	_ =	sdelay $0x1  }
0x2a3: {  	[tilespmem:$0xF2B0] =	vst v0  }
0x2a4: {  	v0 =	vld [tilespmem:s10+$0x9680]  }
0x2a5: {  	v34 =	vld [tilespmem:s10+$0x9C80];
	_ =	sdelay $0x1  }
0x2a6: {  	v35 =	vld [tilespmem:s10+$0xA280];
	_ =	sdelay $0x1  }
0x2a7: {  	v36 =	vld [tilespmem:s10+$0xA880]  }
0x2a8: {  	v0 =	vadd.f32 v34, v0  }
0x2a9: {  	v37 =	vld [tilespmem:s10+$0xAE80]  }
0x2aa: {  	v0 =	vadd.f32 v35, v0  }
0x2ab: {  	v38 =	vld [tilespmem:s10+$0xB480]  }
0x2ac: {  	v0 =	vadd.f32 v36, v0  }
0x2ad: {  	v39 =	vld [tilespmem:s10+$0xBA80]  }
0x2ae: {  	v0 =	vadd.f32 v37, v0  }
0x2af: {  	v40 =	vld [tilespmem:s10+$0xC080]  }
0x2b0: {  	v0 =	vadd.f32 v38, v0  }
0x2b1: {  	v41 =	vld [tilespmem:s10+$0xC680]  }
0x2b2: {  	v0 =	vadd.f32 v39, v0  }
0x2b3: {  	v42 =	vld [tilespmem:s10+$0xCC80]  }
0x2b4: {  	v0 =	vadd.f32 v40, v0  }
0x2b5: {  	v43 =	vld [tilespmem:s10+$0xD280]  }
0x2b6: {  	v0 =	vadd.f32 v41, v0  }
0x2b7: {  	v44 =	vld [tilespmem:s10+$0xD880]  }
0x2b8: {  	v0 =	vadd.f32 v42, v0  }
0x2b9: {  	v45 =	vld [tilespmem:s10+$0xDE80]  }
0x2ba: {  	v0 =	vadd.f32 v43, v0  }
0x2bb: {  	v46 =	vld [tilespmem:s10+$0xE480]  }
0x2bc: {  	v0 =	vadd.f32 v44, v0  }
0x2bd: {  	v47 =	vld [tilespmem:s10+$0xEA80]  }
0x2be: {  	v0 =	vadd.f32 v45, v0  }
0x2bf: {  	v48 =	vld [tilespmem:s10+$0xF080]  }
0x2c0: {  	v0 =	vadd.f32 v46, v0;
	_ =	sdelay $0x1  }
0x2c1: {  	v0 =	vadd.f32 v47, v0;
	_ =	sdelay $0x1  }
0x2c2: {  	v0 =	vadd.f32 v48, v0;
	_ =	sdelay $0x1  }
0x2c3: {  	[tilespmem:$0xF2C0] =	vst v0  }
0x2c4: {  	v0 =	vld [tilespmem:s10+$0x9690]  }
0x2c5: {  	v49 =	vld [tilespmem:s10+$0x9C90];
	_ =	sdelay $0x1  }
0x2c6: {  	v50 =	vld [tilespmem:s10+$0xA290];
	_ =	sdelay $0x1  }
0x2c7: {  	v51 =	vld [tilespmem:s10+$0xA890]  }
0x2c8: {  	v0 =	vadd.f32 v49, v0  }
0x2c9: {  	v52 =	vld [tilespmem:s10+$0xAE90]  }
0x2ca: {  	v0 =	vadd.f32 v50, v0  }
0x2cb: {  	v53 =	vld [tilespmem:s10+$0xB490]  }
0x2cc: {  	v0 =	vadd.f32 v51, v0  }
0x2cd: {  	v54 =	vld [tilespmem:s10+$0xBA90]  }
0x2ce: {  	v0 =	vadd.f32 v52, v0  }
0x2cf: {  	v55 =	vld [tilespmem:s10+$0xC090]  }
0x2d0: {  	v0 =	vadd.f32 v53, v0  }
0x2d1: {  	v56 =	vld [tilespmem:s10+$0xC690]  }
0x2d2: {  	v0 =	vadd.f32 v54, v0  }
0x2d3: {  	v57 =	vld [tilespmem:s10+$0xCC90]  }
0x2d4: {  	v0 =	vadd.f32 v55, v0  }
0x2d5: {  	v58 =	vld [tilespmem:s10+$0xD290]  }
0x2d6: {  	v0 =	vadd.f32 v56, v0  }
0x2d7: {  	v59 =	vld [tilespmem:s10+$0xD890]  }
0x2d8: {  	v0 =	vadd.f32 v57, v0  }
0x2d9: {  	v60 =	vld [tilespmem:s10+$0xDE90]  }
0x2da: {  	v0 =	vadd.f32 v58, v0  }
0x2db: {  	v61 =	vld [tilespmem:s10+$0xE490]  }
0x2dc: {  	v0 =	vadd.f32 v59, v0  }
0x2dd: {  	v62 =	vld [tilespmem:s10+$0xEA90]  }
0x2de: {  	v0 =	vadd.f32 v60, v0  }
0x2df: {  	v63 =	vld [tilespmem:s10+$0xF090]  }
0x2e0: {  	v0 =	vadd.f32 v61, v0;
	_ =	sdelay $0x1  }
0x2e1: {  	v0 =	vadd.f32 v62, v0;
	_ =	sdelay $0x1  }
0x2e2: {  	v0 =	vadd.f32 v63, v0;
	_ =	sdelay $0x1  }
0x2e3: {  	s29 =	simm.s32 $0xF280;
	[tilespmem:$0xF2D0] =	vst v0  }
0x2e4: {  	[spmem:s11] =	stream.linear.scatter [tilespmem:s29], [sflag:$0x1], $0x20, $0x38;
	[tilespmem:$0x11E60] =	vst v63  }
0x2e5: {  	_ =	swait.ge [sflag:s15], $0x20  }
0x2e6: {  	[sflag:s15] =	ssyncset.done $0x0  }
0x2e7: {  	s30 =	simm.s32 $0xF2A0;
	[sflag:s15] =	ssyncadd.s32 $0xFFFFFFE0  }
0x2e8: {  	[spmem:s9] =	stream.linear.scatter [tilespmem:s30], [sflag:$0x1], $0x20, $0x38;
	[tilespmem:$0x11E60] =	vst v63  }
0x2e9: {  	_ =	swait.ge [sflag:s15], $0x20  }
0x2ea: {  	[sflag:s15] =	ssyncset.done $0x0  }
0x2eb: {  	s31 =	simm.s32 $0xF2C0;
	p0 =	sne.s32 s6, $0x0;
	[sflag:s15] =	ssyncadd.s32 $0xFFFFFFE0  }
0x2ec: {  	[spmem:s8] =	stream.linear.scatter [tilespmem:s31], [sflag:$0x1], $0x20, $0x38;
	[tilespmem:$0x11E60] =	vst v63  }
.Ltmp6:
0x2ed: {  	_ =	swait.ge [sflag:s15], $0x20;
	(pc) =	sbr.rel @p0 .LBB2_13-.Ltmp6, $3  }
0x2ee: {  	[sflag:s15] =	ssyncset.done $0x0  }
0x2ef: {  	[sflag:s15] =	ssyncadd.s32 $0xFFFFFFE0  }
0x2f0: {  	[bflag:$0x0] =	sbarrier.arrive $0xFFFF;
	_ =	sdelay $0x1  }
0x2f1: {  	s6 =	simm.s32 $0xF300  }
0x2f2: {  	[tilespmem:s6], [sflag:$0x1] =	stream.linear.gather [spmem:s7], $0x200, $0x38;
	[tilespmem:$0x11E60] =	vst v63  }
0x2f3: {  	_ =	swait.ge [sflag:s15], $0x200  }
0x2f4: {  	[sflag:s15] =	ssyncset.done $0x0  }
0x2f5: {  	s9 =	simm.s32 $0x0;
	[sflag:s15] =	ssyncadd.s32 $0xFFFFFE00  }
0x2f6: {  	v0 =	vld [tilespmem:s9+$0xF300];
	_ =	sdelay $0x4  }
0x2f7: {  	(xrf2) =	vadd.scan.msk.f32 $0xffff, v0;
	_ =	sdelay $0x9  }
0x2f8: {  	s6 =	simm.f32 $0.0e+00;
	v1, _, _ =	vpop (xrf2)  }
0x2f9: {  	v2 =	vadd.f32 s6, v1;
	(v2sf) =	vpush v1, $0xF;
	_ =	sdelay $0x1  }
0x2fa: {  	v0 =	vsub.f32 v2, v0;
	_ =	sdelay $0x1  }
0x2fb: {  	s8 =	simm.s32 $0x80;
	s7 =	simm.s32 $0x10;
	[tilespmem:s9+$0xF300] =	vst v0  }
.LBB2_11:
0x2fc: {  	p1 =	sne.s32 s8, $0x7C0;
	v0 =	vld [tilespmem:s7+$0xF300];
	_ =	sdelay $0x4  }
0x2fd: {  	(xrf2) =	vadd.scan.msk.f32 $0xffff, v0;
	_ =	sdelay $0x4  }
0x2fe: {  	s9 =	spop (v2sf)  }
0x2ff: {  	s6 =	sadd.f32 s9, s6;
	_ =	sdelay $0x3  }
0x300: {  	v1, _, _ =	vpop (xrf2)  }
.Ltmp7:
0x301: {  	v2 =	vadd.f32 s6, v1;
	(v2sf) =	vpush v1, $0xF;
	(pc) =	sbr.rel @p1 .LBB2_11-.Ltmp7, $3  }
0x302: {  	_ = 	snop  }
0x303: {  	v0 =	vsub.f32 v2, v0;
	_ =	sdelay $0x1  }
0x304: {  	[tilespmem:s7+$0xF300] =	vst v0;
	s7 =	sshra.s32 s8, $0x2;
	s8 =	sadd.s32 $0x40, s8  }
0x305: {  	v0 =	vld [tilespmem:s7+$0xF300];
	_ =	sdelay $0x4  }
0x306: {  	(xrf2) =	vadd.scan.msk.f32 $0xffff, v0;
	_ =	sdelay $0x9  }
0x307: {  	v1, _, _ =	vpop (xrf2)  }
0x308: {  	(v2sf) =	vpush v1, $0xF;
	_ =	sdelay $0x5  }
0x309: {  	s8 =	spop (v2sf)  }
0x30a: {  	s6 =	sadd.f32 s8, s6;
	_ =	sdelay $0x1  }
0x30b: {  	v1 =	vadd.f32 s6, v1;
	_ =	sdelay $0x1  }
0x30c: {  	v0 =	vsub.f32 v1, v0;
	_ =	sdelay $0x1  }
0x30d: {  	s30 =	simm.s32 $0xF300;
	[tilespmem:s7+$0xF300] =	vst v0  }
0x30e: {  	[spmem:s4] =	stream.linear.scatter [tilespmem:s30], [sflag:$0x1], $0x200, $0x38;
	[tilespmem:$0x11E60] =	vst v63  }
0x30f: {  	s4 =	simm.s32 $0x1;
	s31 =	spop (v2sf)  }
0x310: {  	_ =	swait.ge [sflag:s4], $0x200  }
0x311: {  	[sflag:s4] =	ssyncset.done $0x0  }
0x312: {  	[sflag:s4] =	ssyncadd.s32 $0xFFFFFE00  }
.LBB2_13:
0x313: {  	[bflag:$0x0] =	sbarrier.arrive $0xFFFF;
	s4 =	simm.s32 $0xF500  }
0x314: {  	[tilespmem:s4], [sflag:$0x1] =	stream.linear.gather [spmem:s5], $0x20, $0x38;
	[tilespmem:$0x11E60] =	vst v63  }
0x315: {  	_ =	swait.ge [sflag:s15], $0x20  }
0x316: {  	[sflag:s15] =	ssyncset.done $0x0  }
0x317: {  	[sflag:s15] =	ssyncadd.s32 $0xFFFFFFE0  }
0x318: {  	v0 =	vld [tilespmem:$0xF280]  }
0x319: {  	v13 =	vld [tilespmem:$0xF500];
	_ =	sdelay $0x3  }
0x31a: {  	v1 =	vmax.f32 v0, $1.000000000e+00  }
0x31b: {  	v18 =	vadd.f32 v0, v13;
	v3 =	vmax.f32 v13, $0.0e+00;
	v5 =	vmax.f32 v13, $6.666000000e+03  }
0x31c: {  	v7 =	vmax.f32 v13, $1.333200000e+04;
	v8 =	vmax.f32 v13, $1.999800000e+04;
	v39 =	vmax.f32 v13, $2.666400000e+04  }
0x31d: {  	v9 =	vmax.f32 v13, $3.333000000e+04;
	v50 =	vmax.f32 v13, $3.999600000e+04;
	v54 =	vmax.f32 v13, $4.666200000e+04  }
0x31e: {  	v59 =	vmax.f32 v13, $5.332800000e+04;
	v61 =	vmax.f32 v13, $5.999400000e+04;
	(erf) = vrcp.f32 v1  }
0x31f: {  	v14 =	vmax.f32 v13, $6.666000000e+04;
	v10 =	vmax.f32 v13, $7.332600000e+04;
	v2 =	vmin.f32 v18, $6.666000000e+03  }
0x320: {  	v4 =	vmin.f32 v18, $1.333200000e+04;
	v6 =	vmin.f32 v18, $1.999800000e+04;
	v31 =	vmin.f32 v18, $2.666400000e+04  }
0x321: {  	v38 =	vmin.f32 v18, $3.333000000e+04;
	v43 =	vmin.f32 v18, $3.999600000e+04;
	v49 =	vmin.f32 v18, $4.666200000e+04  }
0x322: {  	v53 =	vmin.f32 v18, $5.332800000e+04;
	v6 =	vsub.f32 v6, v7;
	v7 =	vsub.f32 v38, v39;
	v38 =	vld [tilespmem:$0xF290]  }
0x323: {  	v58 =	vmin.f32 v18, $5.999400000e+04;
	v3 =	vsub.f32 v2, v3;
	v4 =	vsub.f32 v4, v5  }
0x324: {  	v60 =	vmin.f32 v18, $6.666000000e+04;
	v36 =	vsub.f32 v31, v8;
	v45 =	vsub.f32 v43, v9  }
0x325: {  	v0 =	vld [tilespmem:$0xF2C0];
	v12 =	vmin.f32 v18, $7.332600000e+04;
	v51 =	vsub.f32 v49, v50;
	v56 =	vsub.f32 v53, v54  }
0x326: {  	v1 =	vld [tilespmem:$0xF2A0];
	v62 =	vsub.f32 v60, v61;
	v39 =	vmin.f32 v18, $7.999200000e+04;
	v3 =	vmax.f32 v3, $0.0e+00  }
0x327: {  	v4 =	vmax.f32 v4, $0.0e+00;
	v6 =	vmax.f32 v6, $0.0e+00;
	v11 =	vmax.f32 v38, $1.000000000e+00;
	v2 =	vpop (erf)  }
0x328: {  	v5 =	vmax.f32 v36, $0.0e+00;
	(erf) = vrcp.f32 v11;
	v3 =	vmul.f32 v3, v2  }
0x329: {  	v7 =	vmax.f32 v7, $0.0e+00;
	v4 =	vmul.f32 v4, v2;
	v6 =	vmul.f32 v6, v2  }
0x32a: {  	v49 =	vmin.f32 v18, $9.332400000e+04;
	v5 =	vmul.f32 v5, v2;
	v44 =	vmul.f32 v7, v2  }
0x32b: {  	v50 =	vmax.f32 v13, $8.665800000e+04;
	v30 =	vmul.f32 v3, v1;
	v3 =	vmul.f32 v3, v0  }
0x32c: {  	v48 =	vmax.f32 v45, $0.0e+00;
	v37 =	vmul.f32 v4, v1;
	v4 =	vmul.f32 v4, v0  }
0x32d: {  	v45 =	vmin.f32 v18, $8.665800000e+04;
	v40 =	vmul.f32 v6, v1;
	v41 =	vmul.f32 v6, v0  }
0x32e: {  	v18 =	vmin.f32 v18, $1.000000000e+05;
	v42 =	vmul.f32 v5, v1;
	v46 =	vmul.f32 v5, v0  }
0x32f: {  	v7 =	vsub.f32 v12, v14;
	v47 =	vmul.f32 v44, v1;
	v6 =	vmul.f32 v48, v2  }
0x330: {  	v5 =	vmax.f32 v62, $0.0e+00;
	v34 =	vadd.f32 $0.0e+00, v30;
	v29 =	vadd.f32 $0.0e+00, v3  }
0x331: {  	v7 =	vmax.f32 v7, $0.0e+00;
	v35 =	vadd.f32 $0.0e+00, v37;
	v32 =	vadd.f32 $0.0e+00, v4  }
0x332: {  	v5 =	vmul.f32 v5, v2;
	v36 =	vadd.f32 $0.0e+00, v40;
	v37 =	vadd.f32 $0.0e+00, v41  }
0x333: {  	v27 =	vadd.f32 $0.0e+00, v42;
	v33 =	vadd.f32 $0.0e+00, v46;
	v3 =	vmul.f32 v44, v0  }
0x334: {  	v25 =	vadd.f32 $0.0e+00, v47;
	v52 =	vmul.f32 v6, v1;
	v6 =	vmul.f32 v6, v0  }
0x335: {  	v4 =	vmax.f32 v51, $0.0e+00;
	v40 =	vmul.f32 v7, v2;
	v41 =	vsub.f32 v39, v10  }
0x336: {  	v46 =	vmax.f32 v13, $7.999200000e+04;
	v13 =	vmax.f32 v13, $9.332400000e+04;
	v55 =	vmul.f32 v4, v2  }
0x337: {  	v4 =	vmax.f32 v56, $0.0e+00;
	v17 =	vmul.f32 v5, v1;
	v9 =	vsub.f32 v45, v46  }
0x338: {  	v42 =	vmul.f32 v5, v0;
	v13 =	vsub.f32 v18, v13;
	v30 =	vadd.f32 $0.0e+00, v3  }
0x339: {  	v23 =	vadd.f32 $0.0e+00, v52;
	v19 =	vadd.f32 $0.0e+00, v6;
	v4 =	vmul.f32 v4, v2  }
0x33a: {  	v6 =	vsub.f32 v58, v59;
	v7 =	vmax.f32 v41, $0.0e+00;
	v57 =	vmul.f32 v55, v1  }
0x33b: {  	v3 =	vmul.f32 v55, v0;
	v7 =	vmul.f32 v7, v2;
	v24 =	vadd.f32 $0.0e+00, v42  }
0x33c: {  	v48 =	vmax.f32 v9, $0.0e+00;
	v63 =	vmul.f32 v4, v1;
	v6 =	vmax.f32 v6, $0.0e+00  }
0x33d: {  	v4 =	vmul.f32 v4, v0;
	v5 =	vmul.f32 v48, v2;
	v31 =	vadd.f32 $0.0e+00, v57  }
0x33e: {  	v20 =	vadd.f32 $0.0e+00, v3;
	v6 =	vmul.f32 v6, v2;
	v47 =	vmul.f32 v7, v1  }
0x33f: {  	v51 =	vmul.f32 v7, v0;
	v28 =	vadd.f32 $0.0e+00, v63;
	v52 =	vmul.f32 v5, v1  }
0x340: {  	v21 =	vadd.f32 $0.0e+00, v4;
	v5 =	vmul.f32 v5, v0;
	v15 =	vmul.f32 v6, v1  }
0x341: {  	v3 =	vld [tilespmem:$0xF510];
	v16 =	vmul.f32 v6, v0;
	v6 =	vsub.f32 v49, v50;
	v7 =	vadd.f32 $0.0e+00, v47  }
0x342: {  	v43 =	vmul.f32 v40, v1;
	v9 =	vadd.f32 $0.0e+00, v51;
	v10 =	vadd.f32 $0.0e+00, v52  }
0x343: {  	v44 =	vmul.f32 v40, v0;
	v5 =	vadd.f32 $0.0e+00, v5;
	v22 =	vadd.f32 $0.0e+00, v15  }
0x344: {  	v13 =	vmax.f32 v13, $0.0e+00;
	v26 =	vadd.f32 $0.0e+00, v16;
	v16 =	vadd.f32 $0.0e+00, v17  }
0x345: {  	v17 =	vadd.f32 $0.0e+00, v43;
	v15 =	vadd.f32 $0.0e+00, v44;
	v53 =	vmax.f32 v6, $0.0e+00  }
0x346: {  	v14 =	vadd.f32 v38, v3;
	v55 =	vmax.f32 v3, $0.0e+00;
	v12 =	vmul.f32 v53, v2  }
0x347: {  	v41 =	vmax.f32 v3, $6.666000000e+03;
	v42 =	vmax.f32 v3, $1.333200000e+04;
	v63 =	vmax.f32 v3, $1.999800000e+04  }
0x348: {  	v49 =	vmax.f32 v3, $2.666400000e+04;
	v43 =	vmax.f32 v3, $5.332800000e+04;
	v2 =	vmul.f32 v13, v2  }
0x349: {  	v54 =	vmin.f32 v14, $6.666000000e+03;
	v56 =	vmul.f32 v12, v1;
	v38 =	vmul.f32 v12, v0  }
0x34a: {  	v4 =	vld [tilespmem:$0xF2B0];
	v40 =	vmin.f32 v14, $1.333200000e+04;
	v58 =	vmin.f32 v14, $1.999800000e+04;
	v6 =	vsub.f32 v54, v55  }
0x34b: {  	v62 =	vmin.f32 v14, $2.666400000e+04;
	v48 =	vmin.f32 v14, $3.333000000e+04;
	v40 =	vsub.f32 v40, v41  }
0x34c: {  	v41 =	vsub.f32 v58, v42;
	v46 =	vsub.f32 v62, v63;
	v12 =	vpop (erf);
	v6 =	vmax.f32 v6, $0.0e+00  }
0x34d: {  	v51 =	vsub.f32 v48, v49;
	v40 =	vmax.f32 v40, $0.0e+00;
	v39 =	vmul.f32 v6, v12;
	v6 =	vld [tilespmem:$0xF2D0]  }
0x34e: {  	v54 =	vmin.f32 v14, $3.999600000e+04;
	v55 =	vmax.f32 v3, $3.333000000e+04;
	v40 =	vmul.f32 v40, v12  }
0x34f: {  	v42 =	vmax.f32 v3, $8.665800000e+04;
	v11 =	vadd.f32 $0.0e+00, v56;
	v57 =	vmul.f32 v39, v4  }
0x350: {  	v8 =	vadd.f32 $0.0e+00, v38;
	v56 =	vmin.f32 v14, $4.666200000e+04;
	v60 =	vmul.f32 v40, v4  }
0x351: {  	v61 =	vmax.f32 v41, $0.0e+00;
	v53 =	vmax.f32 v51, $0.0e+00;
	v18 =	vadd.f32 v57, v34  }
0x352: {  	v35 =	vadd.f32 v60, v35;
	v57 =	vmax.f32 v3, $3.999600000e+04;
	v59 =	vmul.f32 v39, v6  }
0x353: {  	v60 =	vmin.f32 v14, $5.332800000e+04;
	v39 =	vmul.f32 v61, v12;
	v45 =	vmul.f32 v40, v6  }
0x354: {  	v40 =	vmax.f32 v46, $0.0e+00;
	v58 =	vsub.f32 v56, v57;
	v61 =	vmax.f32 v3, $4.666200000e+04  }
0x355: {  	v46 =	vmin.f32 v14, $5.999400000e+04;
	v50 =	vmul.f32 v40, v12;
	v40 =	vsub.f32 v54, v55  }
0x356: {  	v41 =	vsub.f32 v60, v61;
	v49 =	vsub.f32 v46, v43;
	[tilespmem:$0xF590] =	vst v35;
	v54 =	vmin.f32 v14, $6.666000000e+04  }
0x357: {  	v55 =	vmax.f32 v3, $5.999400000e+04;
	v60 =	vmax.f32 v3, $6.666000000e+04;
	v35 =	vmin.f32 v14, $7.999200000e+04  }
0x358: {  	v29 =	vadd.f32 v59, v29;
	v47 =	vmul.f32 v39, v4;
	v39 =	vmul.f32 v39, v6  }
0x359: {  	v32 =	vadd.f32 v45, v32;
	v38 =	vmax.f32 v58, $0.0e+00;
	v56 =	vsub.f32 v54, v55  }
0x35a: {  	v52 =	vmul.f32 v50, v4;
	v34 =	vmul.f32 v50, v6;
	v40 =	vmax.f32 v40, $0.0e+00  }
0x35b: {  	v38 =	vmul.f32 v38, v12;
	v41 =	vmax.f32 v41, $0.0e+00;
	v36 =	vadd.f32 v47, v36  }
0x35c: {  	v37 =	vadd.f32 v39, v37;
	v39 =	vmul.f32 v53, v12;
	v40 =	vmul.f32 v40, v12  }
0x35d: {  	[tilespmem:$0xF580] =	vst v18;
	v48 =	vmul.f32 v41, v12;
	v58 =	vmax.f32 v56, $0.0e+00;
	v45 =	vmul.f32 v38, v4  }
0x35e: {  	[tilespmem:$0xF670] =	vst v29;
	v27 =	vadd.f32 v52, v27;
	v51 =	vmul.f32 v38, v6;
	v61 =	vmul.f32 v58, v12  }
0x35f: {  	[tilespmem:$0xF680] =	vst v32;
	v33 =	vadd.f32 v34, v33;
	v59 =	vmul.f32 v39, v4;
	v39 =	vmul.f32 v39, v6  }
0x360: {  	v34 =	vmax.f32 v49, $0.0e+00;
	v62 =	vmul.f32 v40, v4;
	v63 =	vmul.f32 v40, v6;
	[tilespmem:$0xF5A0] =	vst v36  }
0x361: {  	v41 =	vmin.f32 v14, $9.332400000e+04;
	v52 =	vmul.f32 v48, v4;
	v53 =	vmul.f32 v34, v12;
	[tilespmem:$0xF690] =	vst v37  }
0x362: {  	v36 =	vmax.f32 v3, $7.332600000e+04;
	v50 =	vadd.f32 v45, v31;
	v20 =	vadd.f32 v51, v20;
	[tilespmem:$0xF5B0] =	vst v27  }
0x363: {  	v40 =	vmax.f32 v3, $7.999200000e+04;
	[tilespmem:$0xF6A0] =	vst v33;
	v37 =	vsub.f32 v35, v36;
	v25 =	vadd.f32 v59, v25  }
0x364: {  	v3 =	vmax.f32 v3, $9.332400000e+04;
	v30 =	vadd.f32 v39, v30;
	v47 =	vadd.f32 v62, v23;
	[tilespmem:$0xF5E0] =	vst v50  }
0x365: {  	v19 =	vadd.f32 v63, v19;
	v23 =	vmul.f32 v48, v6;
	v59 =	vmin.f32 v14, $7.332600000e+04;
	[tilespmem:$0xF6D0] =	vst v20  }
0x366: {  	v32 =	vmul.f32 v53, v6;
	v39 =	vmin.f32 v14, $8.665800000e+04;
	v62 =	vsub.f32 v59, v60;
	[tilespmem:$0xF5C0] =	vst v25  }
0x367: {  	v28 =	vadd.f32 v52, v28;
	v57 =	vmul.f32 v53, v4;
	v20 =	vsub.f32 v39, v40;
	[tilespmem:$0xF6B0] =	vst v30  }
0x368: {  	v21 =	vadd.f32 v23, v21;
	v31 =	vadd.f32 v32, v26;
	[tilespmem:$0xF5D0] =	vst v47;
	v33 =	vmax.f32 v62, $0.0e+00  }
0x369: {  	v32 =	vmul.f32 v61, v4;
	[tilespmem:$0xF6C0] =	vst v19;
	v19 =	vmax.f32 v37, $0.0e+00;
	v34 =	vmul.f32 v33, v12  }
0x36a: {  	v63 =	vadd.f32 v57, v22;
	v23 =	vmul.f32 v61, v6;
	[tilespmem:$0xF5F0] =	vst v28;
	v19 =	vmul.f32 v19, v12  }
0x36b: {  	v14 =	vmin.f32 v14, $1.000000000e+05;
	v20 =	vmax.f32 v20, $0.0e+00;
	[tilespmem:$0xF6E0] =	vst v21;
	v18 =	vmul.f32 v34, v6  }
0x36c: {  	v16 =	vadd.f32 v32, v16;
	v23 =	vadd.f32 v23, v24;
	[tilespmem:$0xF600] =	vst v63;
	v43 =	vmul.f32 v19, v4  }
0x36d: {  	[tilespmem:$0xF6F0] =	vst v31;
	v44 =	vmul.f32 v19, v6;
	v15 =	vadd.f32 v18, v15;
	v18 =	vsub.f32 v41, v42  }
0x36e: {  	v20 =	vmul.f32 v20, v12;
	v38 =	vmul.f32 v34, v4;
	[tilespmem:$0xF610] =	vst v16;
	v7 =	vadd.f32 v43, v7  }
0x36f: {  	v3 =	vsub.f32 v14, v3;
	[tilespmem:$0xF700] =	vst v23;
	v9 =	vadd.f32 v44, v9;
	v18 =	vmax.f32 v18, $0.0e+00  }
0x370: {  	v45 =	vmul.f32 v20, v4;
	v17 =	vadd.f32 v38, v17;
	[tilespmem:$0xF630] =	vst v7;
	v46 =	vmul.f32 v18, v12  }
0x371: {  	v1 =	vmul.f32 v2, v1;
	v3 =	vmax.f32 v3, $0.0e+00;
	v47 =	vmul.f32 v20, v6;
	[tilespmem:$0xF720] =	vst v9  }
0x372: {  	v3 =	vmul.f32 v3, v12;
	v10 =	vadd.f32 v45, v10;
	[tilespmem:$0xF620] =	vst v17;
	v48 =	vmul.f32 v46, v4  }
0x373: {  	v0 =	vmul.f32 v2, v0;
	v49 =	vadd.f32 v47, v5;
	[tilespmem:$0xF710] =	vst v15;
	v50 =	vmul.f32 v46, v6  }
0x374: {  	v1 =	vadd.f32 $0.0e+00, v1;
	[tilespmem:$0xF640] =	vst v10;
	v4 =	vmul.f32 v3, v4;
	v51 =	vadd.f32 v48, v11  }
0x375: {  	v0 =	vadd.f32 $0.0e+00, v0;
	[tilespmem:$0xF730] =	vst v49;
	v3 =	vmul.f32 v3, v6;
	v5 =	vadd.f32 v50, v8  }
0x376: {  	v1 =	vadd.f32 v4, v1;
	[tilespmem:$0xF650] =	vst v51  }
0x377: {  	v0 =	vadd.f32 v3, v0;
	[tilespmem:$0xF740] =	vst v5  }
0x378: {  	[tilespmem:$0xF660] =	vst v1  }
0x379: {  	s25 =	simm.s32 $0xF580;
	[tilespmem:$0xF750] =	vst v0  }
0x37a: {  	[spmem:s3] =	stream.linear.scatter [tilespmem:s25], [sflag:$0x1], $0x1E0, $0x38;
	[tilespmem:$0x11E60] =	vst v63  }
0x37b: {  	_ =	swait.ge [sflag:s15], $0x1E0  }
0x37c: {  	[sflag:s15] =	ssyncset.done $0x0  }
0x37d: {  	[sflag:s15] =	ssyncadd.s32 $0xFFFFFE20  }
0x37e: {  	s26 =	simm.s32 $0xF780;
	[bflag:$0x0] =	sbarrier.arrive $0xFFFF  }
0x37f: {  	[tilespmem:s26], [sflag:$0x1] =	stream.linear.gather [spmem:s2], $0x1E00, $0x38;
	[tilespmem:$0x11E60] =	vst v63  }
0x380: {  	_ =	swait.ge [sflag:s15], $0x1E00  }
0x381: {  	[sflag:s15] =	ssyncset.done $0x0  }
0x382: {  	[sflag:s15] =	ssyncadd.s32 $0xFFFFE200  }
0x383: {  	v52 =	vld [tilespmem:$0xF780]  }
0x384: {  	v53 =	vld [tilespmem:$0xF870]  }
0x385: {  	v54 =	vld [tilespmem:$0xF960]  }
0x386: {  	v55 =	vld [tilespmem:$0xFA50]  }
0x387: {  	v56 =	vld [tilespmem:$0xFB40]  }
0x388: {  	v57 =	vld [tilespmem:$0xFC30]  }
0x389: {  	v58 =	vld [tilespmem:$0xFD20]  }
0x38a: {  	v59 =	vld [tilespmem:$0xFE10]  }
0x38b: {  	v60 =	vld [tilespmem:$0xFF00]  }
0x38c: {  	v61 =	vld [tilespmem:$0xFFF0]  }
0x38d: {  	v62 =	vld [tilespmem:$0x100E0]  }
0x38e: {  	v63 =	vld [tilespmem:$0x101D0]  }
0x38f: {  	v12 =	vld [tilespmem:$0x102C0]  }
0x390: {  	v13 =	vld [tilespmem:$0x103B0]  }
0x391: {  	v14 =	vld [tilespmem:$0x104A0]  }
0x392: {  	v15 =	vld [tilespmem:$0x10590]  }
0x393: {  	v16 =	vld [tilespmem:$0x10680]  }
0x394: {  	v17 =	vld [tilespmem:$0x10770]  }
0x395: {  	v18 =	vld [tilespmem:$0x10860]  }
0x396: {  	v19 =	vld [tilespmem:$0x10950]  }
0x397: {  	v20 =	vld [tilespmem:$0x10A40]  }
0x398: {  	v21 =	vld [tilespmem:$0x10B30]  }
0x399: {  	v22 =	vld [tilespmem:$0x10C20]  }
0x39a: {  	v23 =	vld [tilespmem:$0x10D10]  }
0x39b: {  	v24 =	vld [tilespmem:$0x10E00]  }
0x39c: {  	v40 =	vld [tilespmem:$0x10EF0]  }
0x39d: {  	v41 =	vld [tilespmem:$0x10FE0]  }
0x39e: {  	v42 =	vld [tilespmem:$0x110D0]  }
0x39f: {  	v43 =	vld [tilespmem:$0x111C0];
	v0 =	vadd.f32 $0.0e+00, v52  }
0x3a0: {  	v44 =	vld [tilespmem:$0x112B0]  }
0x3a1: {  	v45 =	vld [tilespmem:$0x113A0];
	v0 =	vadd.f32 v54, v0  }
0x3a2: {  	v46 =	vld [tilespmem:$0x11490]  }
0x3a3: {  	v47 =	vld [tilespmem:$0xF790];
	v0 =	vadd.f32 v56, v0  }
0x3a4: {  	v48 =	vld [tilespmem:$0xF880]  }
0x3a5: {  	v49 =	vld [tilespmem:$0xF970];
	v0 =	vadd.f32 v58, v0  }
0x3a6: {  	v50 =	vld [tilespmem:$0xFA60];
	v1 =	vadd.f32 $0.0e+00, v53  }
0x3a7: {  	v51 =	vld [tilespmem:$0xFB50];
	v0 =	vadd.f32 v60, v0  }
0x3a8: {  	v52 =	vadd.f32 $0.0e+00, v47;
	v53 =	vld [tilespmem:$0xFC40];
	v1 =	vadd.f32 v55, v1  }
0x3a9: {  	v54 =	vadd.f32 $0.0e+00, v48;
	v55 =	vld [tilespmem:$0xFD30];
	v0 =	vadd.f32 v62, v0  }
0x3aa: {  	v2 =	vadd.f32 v49, v52;
	v56 =	vld [tilespmem:$0xFE20];
	v1 =	vadd.f32 v57, v1  }
0x3ab: {  	v3 =	vadd.f32 v50, v54;
	v57 =	vld [tilespmem:$0xFF10];
	v0 =	vadd.f32 v12, v0  }
0x3ac: {  	v2 =	vadd.f32 v51, v2;
	v58 =	vld [tilespmem:$0x10000];
	v1 =	vadd.f32 v59, v1  }
0x3ad: {  	v3 =	vadd.f32 v53, v3;
	v59 =	vld [tilespmem:$0x100F0];
	v0 =	vadd.f32 v14, v0  }
0x3ae: {  	v2 =	vadd.f32 v55, v2;
	v60 =	vld [tilespmem:$0x101E0];
	v1 =	vadd.f32 v61, v1  }
0x3af: {  	v61 =	vld [tilespmem:$0x102D0];
	v3 =	vadd.f32 v56, v3;
	v0 =	vadd.f32 v16, v0  }
0x3b0: {  	v2 =	vadd.f32 v57, v2;
	v62 =	vld [tilespmem:$0x103C0];
	v1 =	vadd.f32 v63, v1  }
0x3b1: {  	v63 =	vld [tilespmem:$0x104B0];
	v3 =	vadd.f32 v58, v3;
	v0 =	vadd.f32 v18, v0  }
0x3b2: {  	v2 =	vadd.f32 v59, v2;
	v12 =	vld [tilespmem:$0x105A0];
	v1 =	vadd.f32 v13, v1  }
0x3b3: {  	v13 =	vld [tilespmem:$0x10690];
	v3 =	vadd.f32 v60, v3;
	v0 =	vadd.f32 v20, v0  }
0x3b4: {  	v2 =	vadd.f32 v61, v2;
	v14 =	vld [tilespmem:$0x10780];
	v1 =	vadd.f32 v15, v1  }
0x3b5: {  	v15 =	vld [tilespmem:$0x10870];
	v3 =	vadd.f32 v62, v3;
	v0 =	vadd.f32 v22, v0  }
0x3b6: {  	v2 =	vadd.f32 v63, v2;
	v16 =	vld [tilespmem:$0x10960];
	v1 =	vadd.f32 v17, v1  }
0x3b7: {  	v17 =	vld [tilespmem:$0x10A50];
	v3 =	vadd.f32 v12, v3;
	v0 =	vadd.f32 v24, v0  }
0x3b8: {  	v2 =	vadd.f32 v13, v2;
	v18 =	vld [tilespmem:$0x10B40];
	v1 =	vadd.f32 v19, v1  }
0x3b9: {  	v19 =	vld [tilespmem:$0x10C30];
	v3 =	vadd.f32 v14, v3;
	v0 =	vadd.f32 v41, v0  }
0x3ba: {  	v2 =	vadd.f32 v15, v2;
	v20 =	vld [tilespmem:$0x10D20];
	v1 =	vadd.f32 v21, v1  }
0x3bb: {  	v21 =	vld [tilespmem:$0x10E10];
	v3 =	vadd.f32 v16, v3;
	v0 =	vadd.f32 v43, v0  }
0x3bc: {  	v2 =	vadd.f32 v17, v2;
	v22 =	vld [tilespmem:$0x10F00];
	v1 =	vadd.f32 v23, v1  }
0x3bd: {  	v23 =	vld [tilespmem:$0x10FF0];
	v3 =	vadd.f32 v18, v3;
	v0 =	vadd.f32 v45, v0  }
0x3be: {  	v2 =	vadd.f32 v19, v2;
	v24 =	vld [tilespmem:$0x110E0]  }
0x3bf: {  	v25 =	vld [tilespmem:$0x111D0];
	v1 =	vadd.f32 v40, v1;
	v3 =	vadd.f32 v20, v3;
	(xrf2) =	vadd.scan.msk.f32 $0xffff, v0  }
0x3c0: {  	v26 =	vld [tilespmem:$0x112C0];
	v2 =	vadd.f32 v21, v2  }
0x3c1: {  	v32 =	vld [tilespmem:$0x113B0];
	v1 =	vadd.f32 v42, v1;
	v3 =	vadd.f32 v22, v3  }
0x3c2: {  	v33 =	vld [tilespmem:$0x114A0];
	v2 =	vadd.f32 v23, v2  }
0x3c3: {  	v1 =	vadd.f32 v44, v1;
	v3 =	vadd.f32 v24, v3  }
0x3c4: {  	v2 =	vadd.f32 v25, v2  }
0x3c5: {  	v12 =	vld [tilespmem:$0xF7A0];
	v1 =	vadd.f32 v46, v1;
	v3 =	vadd.f32 v26, v3  }
0x3c6: {  	v16 =	vld [tilespmem:$0xF890];
	v34 =	vadd.f32 v32, v2  }
0x3c7: {  	v18 =	vld [tilespmem:$0xF980];
	(xrf2) =	vadd.scan.msk.f32 $0xffff, v1;
	v35 =	vadd.f32 v33, v3  }
0x3c8: {  	v21 =	vld [tilespmem:$0xFA70];
	(xrf2) =	vadd.scan.msk.f32 $0xffff, v34  }
0x3c9: {  	v24 =	vld [tilespmem:$0xFB60];
	(xrf2) =	vadd.scan.msk.f32 $0xffff, v35;
	v36, _, _ =	vpop (xrf2)  }
0x3ca: {  	v25 =	vld [tilespmem:$0xFC50];
	(v2sf) =	vpush v36, $0xF  }
0x3cb: {  	v62 =	vld [tilespmem:$0x10030];
	_ =	sdelay $0x4  }
0x3cc: {  	[tilespmem:$0x1F1F0] =	vst v62;
	v62 =	vld [tilespmem:$0x10120];
	_ =	sdelay $0x4  }
0x3cd: {  	[tilespmem:$0x1F200] =	vst v62;
	v62 =	vld [tilespmem:$0x10210];
	_ =	sdelay $0x4  }
0x3ce: {  	[tilespmem:$0x1F210] =	vst v62;
	v62 =	vld [tilespmem:$0x10300];
	_ =	sdelay $0x4  }
0x3cf: {  	[tilespmem:$0x1F220] =	vst v62;
	v62 =	vld [tilespmem:$0x103F0];
	_ =	sdelay $0x4  }
0x3d0: {  	[tilespmem:$0x1F230] =	vst v62;
	v62 =	vld [tilespmem:$0x104E0];
	_ =	sdelay $0x4  }
0x3d1: {  	[tilespmem:$0x1F240] =	vst v62;
	v62 =	vld [tilespmem:$0x105D0];
	_ =	sdelay $0x4  }
0x3d2: {  	[tilespmem:$0x1F250] =	vst v62;
	v62 =	vld [tilespmem:$0x106C0];
	_ =	sdelay $0x4  }
0x3d3: {  	[tilespmem:$0x1F260] =	vst v62;
	v62 =	vld [tilespmem:$0x107B0];
	_ =	sdelay $0x4  }
0x3d4: {  	[tilespmem:$0x1F270] =	vst v62;
	v62 =	vld [tilespmem:$0x108A0];
	_ =	sdelay $0x4  }
0x3d5: {  	[tilespmem:$0x1F280] =	vst v62;
	v62 =	vld [tilespmem:$0x10990];
	_ =	sdelay $0x4  }
0x3d6: {  	[tilespmem:$0x1F290] =	vst v62;
	v62 =	vld [tilespmem:$0x10A80];
	_ =	sdelay $0x4  }
0x3d7: {  	[tilespmem:$0x1F2A0] =	vst v62;
	v62 =	vld [tilespmem:$0x10B70];
	_ =	sdelay $0x4  }
0x3d8: {  	[tilespmem:$0x1F2B0] =	vst v62;
	v62 =	vld [tilespmem:$0x10C60];
	_ =	sdelay $0x4  }
0x3d9: {  	[tilespmem:$0x1F2C0] =	vst v62;
	v62 =	vld [tilespmem:$0x10D50];
	_ =	sdelay $0x4  }
0x3da: {  	[tilespmem:$0x1F2D0] =	vst v62;
	v62 =	vld [tilespmem:$0x10E40];
	_ =	sdelay $0x4  }
0x3db: {  	[tilespmem:$0x1F2F0] =	vst v62;
	v62 =	vld [tilespmem:$0x10F30];
	_ =	sdelay $0x4  }
0x3dc: {  	[tilespmem:$0x1F310] =	vst v62;
	v62 =	vld [tilespmem:$0x11020];
	_ =	sdelay $0x4  }
0x3dd: {  	[tilespmem:$0x1F330] =	vst v62;
	v62 =	vld [tilespmem:$0x11110];
	_ =	sdelay $0x4  }
0x3de: {  	[tilespmem:$0x1F350] =	vst v62;
	v62 =	vld [tilespmem:$0x11200];
	_ =	sdelay $0x4  }
0x3df: {  	[tilespmem:$0x1F370] =	vst v62;
	v62 =	vld [tilespmem:$0x112F0];
	_ =	sdelay $0x4  }
0x3e0: {  	[tilespmem:$0x1F390] =	vst v62;
	v62 =	vld [tilespmem:$0x113E0];
	_ =	sdelay $0x4  }
0x3e1: {  	[tilespmem:$0x1F3B0] =	vst v62;
	v62 =	vld [tilespmem:$0x114D0];
	_ =	sdelay $0x4  }
0x3e2: {  	[tilespmem:$0x1F3D0] =	vst v62;
	v62 =	vld [tilespmem:$0xF7D0];
	_ =	sdelay $0x4  }
0x3e3: {  	[tilespmem:$0x1F2E0] =	vst v62;
	v62 =	vld [tilespmem:$0xF8C0];
	_ =	sdelay $0x4  }
0x3e4: {  	[tilespmem:$0x1F300] =	vst v62;
	v62 =	vld [tilespmem:$0xF9B0];
	_ =	sdelay $0x4  }
0x3e5: {  	[tilespmem:$0x1F320] =	vst v62;
	v62 =	vld [tilespmem:$0xFAA0];
	_ =	sdelay $0x4  }
0x3e6: {  	[tilespmem:$0x1F340] =	vst v62;
	v62 =	vld [tilespmem:$0xFB90];
	_ =	sdelay $0x4  }
0x3e7: {  	[tilespmem:$0x1F360] =	vst v62;
	v62 =	vld [tilespmem:$0xFC80];
	_ =	sdelay $0x4  }
0x3e8: {  	[tilespmem:$0x1F380] =	vst v62;
	v62 =	vld [tilespmem:$0xFD70];
	_ =	sdelay $0x4  }
0x3e9: {  	[tilespmem:$0x1F3A0] =	vst v62;
	v62 =	vld [tilespmem:$0xFE60];
	_ =	sdelay $0x4  }
0x3ea: {  	[tilespmem:$0x1F3C0] =	vst v62;
	v62 =	vld [tilespmem:$0xFF50];
	_ =	sdelay $0x4  }
0x3eb: {  	[tilespmem:$0x1F3E0] =	vst v62;
	v62 =	vld [tilespmem:$0x10040];
	_ =	sdelay $0x4  }
0x3ec: {  	[tilespmem:$0x1F3F0] =	vst v62;
	v62 =	vld [tilespmem:$0x10130];
	_ =	sdelay $0x4  }
0x3ed: {  	[tilespmem:$0x1F410] =	vst v62;
	v62 =	vld [tilespmem:$0x10220];
	_ =	sdelay $0x4  }
0x3ee: {  	[tilespmem:$0x1F430] =	vst v62;
	v62 =	vld [tilespmem:$0x10310];
	_ =	sdelay $0x4  }
0x3ef: {  	[tilespmem:$0x1F450] =	vst v62;
	v62 =	vld [tilespmem:$0x10400];
	_ =	sdelay $0x4  }
0x3f0: {  	[tilespmem:$0x1F470] =	vst v62;
	v62 =	vld [tilespmem:$0x104F0];
	_ =	sdelay $0x4  }
0x3f1: {  	[tilespmem:$0x1F490] =	vst v62;
	v62 =	vld [tilespmem:$0x105E0];
	_ =	sdelay $0x4  }
0x3f2: {  	[tilespmem:$0x1F4B0] =	vst v62;
	v62 =	vld [tilespmem:$0x106D0];
	_ =	sdelay $0x4  }
0x3f3: {  	[tilespmem:$0x1F4D0] =	vst v62;
	v62 =	vld [tilespmem:$0x107C0];
	_ =	sdelay $0x4  }
0x3f4: {  	[tilespmem:$0x1F4F0] =	vst v62;
	v62 =	vld [tilespmem:$0x108B0];
	_ =	sdelay $0x4  }
0x3f5: {  	[tilespmem:$0x1F510] =	vst v62;
	v62 =	vld [tilespmem:$0x109A0];
	_ =	sdelay $0x4  }
0x3f6: {  	[tilespmem:$0x1F530] =	vst v62;
	v62 =	vld [tilespmem:$0x10A90];
	_ =	sdelay $0x4  }
0x3f7: {  	[tilespmem:$0x1F550] =	vst v62;
	v62 =	vld [tilespmem:$0x10B80];
	_ =	sdelay $0x4  }
0x3f8: {  	[tilespmem:$0x1F570] =	vst v62;
	v62 =	vld [tilespmem:$0x10C70];
	_ =	sdelay $0x4  }
0x3f9: {  	[tilespmem:$0x1F590] =	vst v62;
	v62 =	vld [tilespmem:$0x10D60];
	_ =	sdelay $0x4  }
0x3fa: {  	[tilespmem:$0x1F5B0] =	vst v62;
	v62 =	vld [tilespmem:$0x10E50];
	_ =	sdelay $0x4  }
0x3fb: {  	[tilespmem:$0x1F5D0] =	vst v62;
	v62 =	vld [tilespmem:$0x10F40];
	_ =	sdelay $0x4  }
0x3fc: {  	[tilespmem:$0x1F5F0] =	vst v62;
	v62 =	vld [tilespmem:$0x11030];
	_ =	sdelay $0x4  }
0x3fd: {  	[tilespmem:$0x1F610] =	vst v62;
	v62 =	vld [tilespmem:$0x11120];
	_ =	sdelay $0x4  }
0x3fe: {  	[tilespmem:$0x1F650] =	vst v62;
	v62 =	vld [tilespmem:$0x11210];
	_ =	sdelay $0x4  }
0x3ff: {  	[tilespmem:$0x1F690] =	vst v62;
	v62 =	vld [tilespmem:$0x11300];
	_ =	sdelay $0x4  }
0x400: {  	[tilespmem:$0x1F6D0] =	vst v62;
	v62 =	vld [tilespmem:$0x113F0];
	_ =	sdelay $0x4  }
0x401: {  	[tilespmem:$0x1F710] =	vst v62;
	v62 =	vld [tilespmem:$0x114E0];
	_ =	sdelay $0x4  }
0x402: {  	[tilespmem:$0x1F750] =	vst v62;
	v62 =	vld [tilespmem:$0xF7E0];
	_ =	sdelay $0x4  }
0x403: {  	[tilespmem:$0x1F400] =	vst v62;
	v62 =	vld [tilespmem:$0xF8D0];
	_ =	sdelay $0x4  }
0x404: {  	[tilespmem:$0x1F420] =	vst v62;
	v62 =	vld [tilespmem:$0xF9C0];
	_ =	sdelay $0x4  }
0x405: {  	[tilespmem:$0x1F440] =	vst v62;
	v62 =	vld [tilespmem:$0xFAB0];
	_ =	sdelay $0x4  }
0x406: {  	[tilespmem:$0x1F460] =	vst v62;
	v62 =	vld [tilespmem:$0xFBA0];
	_ =	sdelay $0x4  }
0x407: {  	[tilespmem:$0x1F480] =	vst v62;
	v62 =	vld [tilespmem:$0xFC90];
	_ =	sdelay $0x4  }
0x408: {  	[tilespmem:$0x1F4A0] =	vst v62;
	v62 =	vld [tilespmem:$0xFD80];
	_ =	sdelay $0x4  }
0x409: {  	[tilespmem:$0x1F4C0] =	vst v62;
	v62 =	vld [tilespmem:$0xFE70];
	_ =	sdelay $0x4  }
0x40a: {  	[tilespmem:$0x1F4E0] =	vst v62;
	v62 =	vld [tilespmem:$0xFF60];
	_ =	sdelay $0x4  }
0x40b: {  	[tilespmem:$0x1F500] =	vst v62;
	v62 =	vld [tilespmem:$0x10050];
	_ =	sdelay $0x4  }
0x40c: {  	[tilespmem:$0x1F520] =	vst v62;
	v62 =	vld [tilespmem:$0x10140];
	_ =	sdelay $0x4  }
0x40d: {  	[tilespmem:$0x1F540] =	vst v62;
	v62 =	vld [tilespmem:$0x10230];
	_ =	sdelay $0x4  }
0x40e: {  	[tilespmem:$0x1F560] =	vst v62;
	v62 =	vld [tilespmem:$0x10320];
	_ =	sdelay $0x4  }
0x40f: {  	[tilespmem:$0x1F580] =	vst v62;
	v62 =	vld [tilespmem:$0x10410];
	_ =	sdelay $0x4  }
0x410: {  	[tilespmem:$0x1F5A0] =	vst v62;
	v62 =	vld [tilespmem:$0x10500];
	_ =	sdelay $0x4  }
0x411: {  	[tilespmem:$0x1F5C0] =	vst v62;
	v62 =	vld [tilespmem:$0x105F0];
	_ =	sdelay $0x4  }
0x412: {  	[tilespmem:$0x1F5E0] =	vst v62;
	v62 =	vld [tilespmem:$0x106E0];
	_ =	sdelay $0x4  }
0x413: {  	[tilespmem:$0x1F600] =	vst v62;
	v62 =	vld [tilespmem:$0x107D0];
	_ =	sdelay $0x4  }
0x414: {  	[tilespmem:$0x1F620] =	vst v62;
	v62 =	vld [tilespmem:$0x108C0];
	_ =	sdelay $0x4  }
0x415: {  	[tilespmem:$0x1F630] =	vst v62;
	v62 =	vld [tilespmem:$0x109B0];
	_ =	sdelay $0x4  }
0x416: {  	[tilespmem:$0x1F660] =	vst v62;
	v62 =	vld [tilespmem:$0x10AA0];
	_ =	sdelay $0x4  }
0x417: {  	[tilespmem:$0x1F670] =	vst v62;
	v62 =	vld [tilespmem:$0x10B90];
	_ =	sdelay $0x4  }
0x418: {  	[tilespmem:$0x1F6A0] =	vst v62;
	v62 =	vld [tilespmem:$0x10C80];
	_ =	sdelay $0x4  }
0x419: {  	[tilespmem:$0x1F6B0] =	vst v62;
	v62 =	vld [tilespmem:$0x10D70];
	_ =	sdelay $0x4  }
0x41a: {  	[tilespmem:$0x1F6E0] =	vst v62;
	v62 =	vld [tilespmem:$0x10E60];
	_ =	sdelay $0x4  }
0x41b: {  	[tilespmem:$0x1F6F0] =	vst v62;
	v62 =	vld [tilespmem:$0x10F50];
	_ =	sdelay $0x4  }
0x41c: {  	[tilespmem:$0x1F720] =	vst v62;
	v62 =	vld [tilespmem:$0x11040];
	_ =	sdelay $0x4  }
0x41d: {  	[tilespmem:$0x1F730] =	vst v62;
	v62 =	vld [tilespmem:$0x11130];
	_ =	sdelay $0x4  }
0x41e: {  	[tilespmem:$0x1F760] =	vst v62;
	v62 =	vld [tilespmem:$0x11220];
	_ =	sdelay $0x4  }
0x41f: {  	[tilespmem:$0x1F770] =	vst v62;
	v62 =	vld [tilespmem:$0x11310];
	_ =	sdelay $0x4  }
0x420: {  	[tilespmem:$0x1F790] =	vst v62;
	v62 =	vld [tilespmem:$0x11400];
	_ =	sdelay $0x4  }
0x421: {  	[tilespmem:$0x1F7B0] =	vst v62;
	v62 =	vld [tilespmem:$0x114F0];
	_ =	sdelay $0x4  }
0x422: {  	[tilespmem:$0x1F7D0] =	vst v62;
	v62 =	vld [tilespmem:$0xF7F0];
	_ =	sdelay $0x4  }
0x423: {  	[tilespmem:$0x1F640] =	vst v62;
	v62 =	vld [tilespmem:$0xF8E0];
	_ =	sdelay $0x4  }
0x424: {  	[tilespmem:$0x1F7A0] =	vst v62;
	v62 =	vld [tilespmem:$0xF9D0];
	_ =	sdelay $0x4  }
0x425: {  	[tilespmem:$0x1F680] =	vst v62;
	v62 =	vld [tilespmem:$0xFAC0];
	_ =	sdelay $0x4  }
0x426: {  	[tilespmem:$0x1F7E0] =	vst v62;
	v62 =	vld [tilespmem:$0xFBB0]  }
0x427: {  	v22 =	vld [tilespmem:$0xFD40]  }
0x428: {  	v19 =	vld [tilespmem:$0xFE30]  }
0x429: {  	v13 =	vld [tilespmem:$0xFF20]  }
0x42a: {  	v14 =	vld [tilespmem:$0x10010]  }
0x42b: {  	[tilespmem:$0x1F6C0] =	vst v62;
	v62 =	vld [tilespmem:$0xFCA0]  }
0x42c: {  	v17 =	vld [tilespmem:$0x10100]  }
0x42d: {  	v23 =	vld [tilespmem:$0x101F0]  }
0x42e: {  	v27 =	vld [tilespmem:$0x102E0]  }
0x42f: {  	v29 =	vld [tilespmem:$0x103D0]  }
0x430: {  	[tilespmem:$0x1F810] =	vst v62;
	v62 =	vld [tilespmem:$0xFD90]  }
0x431: {  	v31 =	vld [tilespmem:$0x104C0]  }
0x432: {  	v34 =	vld [tilespmem:$0x105B0]  }
0x433: {  	v40 =	vld [tilespmem:$0x10790]  }
0x434: {  	v43 =	vld [tilespmem:$0x10880]  }
0x435: {  	[tilespmem:$0x1F700] =	vst v62;
	v62 =	vld [tilespmem:$0xFE80]  }
0x436: {  	v46 =	vld [tilespmem:$0x10970]  }
0x437: {  	v50 =	vld [tilespmem:$0x10A60]  }
0x438: {  	v52 =	vld [tilespmem:$0x10B50]  }
0x439: {  	v54 =	vld [tilespmem:$0x10C40]  }
0x43a: {  	[tilespmem:$0x1F850] =	vst v62;
	v62 =	vld [tilespmem:$0xFF70]  }
0x43b: {  	v56 =	vld [tilespmem:$0x10D30]  }
0x43c: {  	v58 =	vld [tilespmem:$0x10E20]  }
0x43d: {  	v60 =	vld [tilespmem:$0x10F10]  }
0x43e: {  	v39 =	vld [tilespmem:$0x11000]  }
0x43f: {  	[tilespmem:$0x1F740] =	vst v62;
	v62 =	vld [tilespmem:$0x10060]  }
0x440: {  	v41 =	vld [tilespmem:$0x110F0]  }
0x441: {  	v42 =	vld [tilespmem:$0x111E0]  }
0x442: {  	v44 =	vld [tilespmem:$0x112D0]  }
0x443: {  	v45 =	vld [tilespmem:$0x113C0]  }
0x444: {  	[tilespmem:$0x1F890] =	vst v62;
	v62 =	vld [tilespmem:$0x10150]  }
0x445: {  	v47 =	vld [tilespmem:$0x114B0]  }
0x446: {  	v1 =	vld [tilespmem:$0xF8A0]  }
0x447: {  	v2 =	vld [tilespmem:$0xF990]  }
0x448: {  	v3 =	vld [tilespmem:$0xFA80]  }
0x449: {  	[tilespmem:$0x1F780] =	vst v62;
	v62 =	vld [tilespmem:$0x10240]  }
0x44a: {  	v4 =	vld [tilespmem:$0xFB70]  }
0x44b: {  	v5 =	vld [tilespmem:$0xFC60]  }
0x44c: {  	v6 =	vld [tilespmem:$0xFD50]  }
0x44d: {  	v7 =	vld [tilespmem:$0xFE40]  }
0x44e: {  	[tilespmem:$0x1F8D0] =	vst v62;
	v62 =	vld [tilespmem:$0x10330]  }
0x44f: {  	v8 =	vld [tilespmem:$0xFF30]  }
0x450: {  	v9 =	vld [tilespmem:$0x10020]  }
0x451: {  	v10 =	vld [tilespmem:$0x10110]  }
0x452: {  	v11 =	vld [tilespmem:$0x10200]  }
0x453: {  	[tilespmem:$0x1F7C0] =	vst v62;
	v62 =	vld [tilespmem:$0x10420]  }
0x454: {  	v15 =	vld [tilespmem:$0x102F0]  }
0x455: {  	v20 =	vld [tilespmem:$0x103E0]  }
0x456: {  	v26 =	vld [tilespmem:$0x104D0]  }
0x457: {  	v28 =	vld [tilespmem:$0x105C0]  }
0x458: {  	[tilespmem:$0x1F910] =	vst v62;
	v62 =	vld [tilespmem:$0x10510]  }
0x459: {  	v30 =	vld [tilespmem:$0x106B0]  }
0x45a: {  	v32 =	vld [tilespmem:$0x107A0]  }
0x45b: {  	v36 =	vld [tilespmem:$0x10890]  }
0x45c: {  	v49 =	vld [tilespmem:$0x10D40]  }
0x45d: {  	[tilespmem:$0x1F7F0] =	vst v62;
	v62 =	vld [tilespmem:$0x10600]  }
0x45e: {  	v53 =	vld [tilespmem:$0x10E30]  }
0x45f: {  	v57 =	vld [tilespmem:$0x10F20]  }
0x460: {  	v61 =	vld [tilespmem:$0x11010]  }
0x461: {  	v63 =	vld [tilespmem:$0x11100]  }
0x462: {  	[tilespmem:$0x1F950] =	vst v62;
	v62 =	vld [tilespmem:$0x106F0]  }
0x463: {  	v48 =	vld [tilespmem:$0x111F0]  }
0x464: {  	v51 =	vld [tilespmem:$0x112E0]  }
0x465: {  	v55 =	vld [tilespmem:$0x113D0]  }
0x466: {  	v59 =	vld [tilespmem:$0x114C0]  }
0x467: {  	v12 =	vadd.f32 $0.0e+00, v12;
	[tilespmem:$0x1F830] =	vst v62;
	v62 =	vld [tilespmem:$0x107E0]  }
0x468: {  	v16 =	vadd.f32 $0.0e+00, v16;
	v33 =	vld [tilespmem:$0xF7C0]  }
0x469: {  	v12 =	vadd.f32 v18, v12;
	v35 =	vld [tilespmem:$0xF8B0]  }
0x46a: {  	v16 =	vadd.f32 v21, v16;
	v21 =	vld [tilespmem:$0x10070]  }
0x46b: {  	v12 =	vadd.f32 v24, v12;
	v24 =	vld [tilespmem:$0x10160]  }
0x46c: {  	[tilespmem:$0x1F990] =	vst v62;
	v62 =	vld [tilespmem:$0x108D0]  }
0x46d: {  	v16 =	vadd.f32 v25, v16;
	v25 =	vld [tilespmem:$0x10250]  }
0x46e: {  	v0, _, _ =	vpop (xrf2);
	v18 =	vld [tilespmem:$0x109D0]  }
0x46f: {  	(v2sf) =	vpush v0, $0xF;
	v37, _, _ =	vpop (xrf2);
	v0 =	vld [tilespmem:$0xF7B0]  }
0x470: {  	(v2sf) =	vpush v37, $0xF;
	v37 =	vld [tilespmem:$0x106A0]  }
0x471: {  	v38, _, _ =	vpop (xrf2);
	[tilespmem:$0x1F870] =	vst v62;
	v62 =	vld [tilespmem:$0x109C0]  }
0x472: {  	(v2sf) =	vpush v38, $0xF;
	v38 =	vld [tilespmem:$0x10980]  }
0x473: {  	[tilespmem:$0x1F170] =	vst v42;
	v42 =	vld [tilespmem:$0x10A70]  }
0x474: {  	[tilespmem:$0x1F180] =	vst v44;
	v44 =	vld [tilespmem:$0x10B60]  }
0x475: {  	[tilespmem:$0x1F1A0] =	vst v47;
	v47 =	vld [tilespmem:$0x10C50]  }
0x476: {  	[tilespmem:$0x1F9D0] =	vst v62;
	v62 =	vld [tilespmem:$0x10AB0]  }
0x477: {  	[tilespmem:$0x1F150] =	vst v39;
	v39 =	vld [tilespmem:$0xF9A0]  }
0x478: {  	[tilespmem:$0x1F160] =	vst v41;
	v41 =	vld [tilespmem:$0xFA90]  }
0x479: {  	[tilespmem:$0x1F190] =	vst v45;
	v45 =	vld [tilespmem:$0xFB80]  }
0x47a: {  	[tilespmem:$0x1F1B0] =	vst v48;
	v48 =	vld [tilespmem:$0xFC70]  }
0x47b: {  	[tilespmem:$0x1F8B0] =	vst v62;
	v62 =	vld [tilespmem:$0x10BA0]  }
0x47c: {  	[tilespmem:$0x1F1C0] =	vst v51;
	v51 =	vld [tilespmem:$0xFD60]  }
0x47d: {  	[tilespmem:$0x1F1D0] =	vst v55;
	v55 =	vld [tilespmem:$0xFE50]  }
0x47e: {  	[tilespmem:$0x1F1E0] =	vst v59;
	v59 =	vld [tilespmem:$0xFF40]  }
0x47f: {  	v16 =	vadd.f32 v19, v16;
	v19 =	vld [tilespmem:$0x10430]  }
0x480: {  	[tilespmem:$0x1FA20] =	vst v62;
	v62 =	vld [tilespmem:$0x10C90]  }
0x481: {  	v12 =	vadd.f32 v22, v12;
	v22 =	vld [tilespmem:$0x10520]  }
0x482: {  	[tilespmem:$0x1F940] =	vst v24;
	v24 =	vld [tilespmem:$0x10610]  }
0x483: {  	[tilespmem:$0x1F960] =	vst v25;
	v25 =	vld [tilespmem:$0x10700]  }
0x484: {  	[tilespmem:$0x1F920] =	vst v21;
	v21 =	vadd.f32 v14, v16;
	v16 =	vld [tilespmem:$0x108E0]  }
0x485: {  	[tilespmem:$0x1F8F0] =	vst v62;
	v62 =	vld [tilespmem:$0x10D80]  }
0x486: {  	v12 =	vadd.f32 v13, v12;
	v13 =	vadd.f32 v23, v21;
	v21 =	vld [tilespmem:$0x10CA0]  }
0x487: {  	v23 =	vld [tilespmem:$0x10E80]  }
0x488: {  	v1 =	vadd.f32 $0.0e+00, v1;
	[tilespmem:$0x1F9A0] =	vst v19;
	v19 =	vld [tilespmem:$0x10AC0]  }
0x489: {  	[tilespmem:$0x1F9C0] =	vst v22;
	v22 =	vld [tilespmem:$0x10D90]  }
0x48a: {  	v1 =	vadd.f32 v3, v1;
	[tilespmem:$0x1FA50] =	vst v62;
	v62 =	vld [tilespmem:$0x10E70]  }
0x48b: {  	v12 =	vadd.f32 v17, v12;
	[tilespmem:$0x1F9E0] =	vst v24;
	v24 =	vld [tilespmem:$0x10F70]  }
0x48c: {  	v1 =	vadd.f32 v5, v1;
	[tilespmem:$0x1FA00] =	vst v25;
	v25 =	vld [tilespmem:$0x11060]  }
0x48d: {  	v12 =	vadd.f32 v27, v12;
	v27 =	vld [tilespmem:$0x11240]  }
0x48e: {  	v1 =	vadd.f32 v7, v1;
	v7 =	vld [tilespmem:$0x11330]  }
0x48f: {  	[tilespmem:$0x1F930] =	vst v62;
	v62 =	vld [tilespmem:$0x10F60]  }
0x490: {  	v14 =	vadd.f32 v29, v13;
	v29 =	vld [tilespmem:$0x1F150]  }
0x491: {  	v13 =	vld [tilespmem:$0x1F1E0]  }
0x492: {  	[tilespmem:$0x1FA30] =	vst v16;
	v16 =	vld [tilespmem:$0x1F200]  }
0x493: {  	v1 =	vadd.f32 v9, v1;
	v9 =	vld [tilespmem:$0x11150]  }
0x494: {  	v0 =	vadd.f32 $0.0e+00, v0;
	[tilespmem:$0x1FA70] =	vst v62;
	v62 =	vld [tilespmem:$0x11050]  }
0x495: {  	v17 =	vadd.f32 v31, v12;
	v31 =	vld [tilespmem:$0x1F160]  }
0x496: {  	v0 =	vadd.f32 v2, v0;
	v2 =	vadd.f32 v34, v14;
	v34 =	vld [tilespmem:$0x1F170]  }
0x497: {  	v12 =	vld [tilespmem:$0x10440]  }
0x498: {  	v14 =	vld [tilespmem:$0x1F1F0]  }
0x499: {  	[tilespmem:$0x1F970] =	vst v62;
	v62 =	vld [tilespmem:$0x11140]  }
0x49a: {  	[tilespmem:$0x1FA80] =	vst v21;
	v21 =	vld [tilespmem:$0x10800]  }
0x49b: {  	[tilespmem:$0x1FAB0] =	vst v23;
	v23 =	vld [tilespmem:$0x108F0]  }
0x49c: {  	v0 =	vadd.f32 v4, v0;
	v3 =	vadd.f32 v37, v17;
	v37 =	vld [tilespmem:$0x1F180]  }
0x49d: {  	v2 =	vadd.f32 v40, v2;
	v40 =	vld [tilespmem:$0x1F190]  }
0x49e: {  	v0 =	vadd.f32 v6, v0;
	[tilespmem:$0x1FAA0] =	vst v62;
	v62 =	vld [tilespmem:$0x11230]  }
0x49f: {  	v17 =	vld [tilespmem:$0x10620]  }
0x4a0: {  	v0 =	vadd.f32 v8, v0;
	[tilespmem:$0x1FA60] =	vst v19;
	v19 =	vld [tilespmem:$0x10710]  }
0x4a1: {  	[tilespmem:$0x1FAE0] =	vst v25;
	v25 =	vld [tilespmem:$0x109E0]  }
0x4a2: {  	v0 =	vadd.f32 v10, v0;
	v10 =	vld [tilespmem:$0x1F1D0]  }
0x4a3: {  	[tilespmem:$0x1F9B0] =	vst v62;
	v62 =	vld [tilespmem:$0x11320]  }
0x4a4: {  	[tilespmem:$0x1FA40] =	vst v18;
	v18 =	vld [tilespmem:$0x1F210]  }
0x4a5: {  	[tilespmem:$0x1FB00] =	vst v27;
	v27 =	vld [tilespmem:$0x10AD0]  }
0x4a6: {  	v1 =	vadd.f32 v11, v1;
	v3 =	vadd.f32 v43, v3;
	v43 =	vld [tilespmem:$0x1F1A0]  }
0x4a7: {  	v2 =	vadd.f32 v46, v2;
	v46 =	vadd.f32 $0.0e+00, v33;
	v33 =	vld [tilespmem:$0x10DA0]  }
0x4a8: {  	v1 =	vadd.f32 v20, v1;
	[tilespmem:$0x1FAD0] =	vst v62;
	v62 =	vld [tilespmem:$0x11410]  }
0x4a9: {  	v0 =	vadd.f32 v15, v0;
	v15 =	vld [tilespmem:$0x10530]  }
0x4aa: {  	v1 =	vadd.f32 v28, v1;
	v28 =	vld [tilespmem:$0x11420]  }
0x4ab: {  	v2 =	vadd.f32 v52, v2;
	v52 =	vld [tilespmem:$0xFDB0]  }
0x4ac: {  	v4 =	vadd.f32 v39, v46;
	v39 =	vld [tilespmem:$0x10F80]  }
0x4ad: {  	v3 =	vadd.f32 v50, v3;
	[tilespmem:$0x1F9F0] =	vst v62;
	v62 =	vld [tilespmem:$0x11500]  }
0x4ae: {  	v1 =	vadd.f32 v32, v1;
	v32 =	vld [tilespmem:$0xF810]  }
0x4af: {  	v3 =	vadd.f32 v54, v3;
	v54 =	vld [tilespmem:$0xFF90]  }
0x4b0: {  	v2 =	vadd.f32 v56, v2;
	v56 =	vld [tilespmem:$0x10080]  }
0x4b1: {  	v50 =	vadd.f32 $0.0e+00, v35;
	v20 =	vld [tilespmem:$0x1F220]  }
0x4b2: {  	v0 =	vadd.f32 v26, v0;
	[tilespmem:$0x1FAF0] =	vst v62;
	v62 =	vld [tilespmem:$0xF800]  }
0x4b3: {  	v5 =	vadd.f32 v41, v50;
	v50 =	vld [tilespmem:$0x11340]  }
0x4b4: {  	v0 =	vadd.f32 v30, v0;
	v30 =	vld [tilespmem:$0x11510]  }
0x4b5: {  	v1 =	vadd.f32 v38, v1;
	v38 =	vld [tilespmem:$0xF9F0]  }
0x4b6: {  	v3 =	vadd.f32 v58, v3;
	v58 =	vld [tilespmem:$0x1F1B0]  }
0x4b7: {  	[tilespmem:$0x1F800] =	vst v62;
	v62 =	vld [tilespmem:$0xF8F0]  }
0x4b8: {  	v2 =	vadd.f32 v60, v2;
	v60 =	vld [tilespmem:$0x10260]  }
0x4b9: {  	v4 =	vadd.f32 v45, v4;
	v0 =	vadd.f32 v36, v0;
	v36 =	vld [tilespmem:$0xF900]  }
0x4ba: {  	v1 =	vadd.f32 v44, v1;
	v44 =	vld [tilespmem:$0xFBD0]  }
0x4bb: {  	v4 =	vadd.f32 v51, v4;
	v3 =	vadd.f32 v29, v3;
	v29 =	vld [tilespmem:$0x10BC0]  }
0x4bc: {  	[tilespmem:$0x1F820] =	vst v62;
	v62 =	vld [tilespmem:$0xF9E0]  }
0x4bd: {  	[tilespmem:$0x1FA90] =	vst v22;
	v11 =	vadd.f32 v59, v4;
	v59 =	vld [tilespmem:$0xF820]  }
0x4be: {  	[tilespmem:$0x1FAC0] =	vst v24;
	v0 =	vadd.f32 v42, v0;
	v42 =	vld [tilespmem:$0xFAE0]  }
0x4bf: {  	[tilespmem:$0x1FC80] =	vst v12;
	v22 =	vld [tilespmem:$0x1F230]  }
0x4c0: {  	[tilespmem:$0x1FC10] =	vst v56;
	v56 =	vld [tilespmem:$0x11520]  }
0x4c1: {  	v1 =	vadd.f32 v49, v1;
	[tilespmem:$0x1F840] =	vst v62;
	v62 =	vld [tilespmem:$0xFAD0]  }
0x4c2: {  	[tilespmem:$0x1FD00] =	vst v21;
	v0 =	vadd.f32 v47, v0;
	v47 =	vld [tilespmem:$0xFCC0]  }
0x4c3: {  	[tilespmem:$0x1FD20] =	vst v23;
	v1 =	vadd.f32 v57, v1;
	v57 =	vld [tilespmem:$0x10170]  }
0x4c4: {  	[tilespmem:$0x1FB40] =	vst v36;
	v36 =	vld [tilespmem:$0x10E90]  }
0x4c5: {  	[tilespmem:$0x1FCC0] =	vst v17;
	v0 =	vadd.f32 v53, v0;
	v53 =	vld [tilespmem:$0xFEA0]  }
0x4c6: {  	[tilespmem:$0x1F860] =	vst v62;
	v62 =	vld [tilespmem:$0xFBC0]  }
0x4c7: {  	v2 =	vadd.f32 v31, v2;
	[tilespmem:$0x1FB90] =	vst v44;
	v44 =	vld [tilespmem:$0x11160]  }
0x4c8: {  	[tilespmem:$0x1FCE0] =	vst v19;
	v3 =	vadd.f32 v34, v3;
	v1 =	vadd.f32 v63, v1;
	v63 =	vld [tilespmem:$0x10350]  }
0x4c9: {  	[tilespmem:$0x1FD40] =	vst v25;
	v5 =	vadd.f32 v48, v5;
	v2 =	vadd.f32 v37, v2;
	v24 =	vld [tilespmem:$0x1F240]  }
0x4ca: {  	v3 =	vadd.f32 v40, v3;
	[tilespmem:$0x1FB70] =	vst v42;
	v42 =	vld [tilespmem:$0x11070]  }
0x4cb: {  	v5 =	vadd.f32 v55, v5;
	v2 =	vadd.f32 v43, v2;
	[tilespmem:$0x1F880] =	vst v62;
	v62 =	vld [tilespmem:$0xFCB0]  }
0x4cc: {  	[tilespmem:$0x1FD60] =	vst v27;
	(xrf2) =	vadd.scan.msk.f32 $0xffff, v3;
	v0 =	vadd.f32 v61, v0;
	v61 =	vld [tilespmem:$0x1F1C0]  }
0x4cd: {  	[tilespmem:$0x1FDB0] =	vst v33;
	(xrf2) =	vadd.scan.msk.f32 $0xffff, v2;
	v2 =	vadd.f32 v14, v5;
	v5 =	vld [tilespmem:$0x10CB0]  }
0x4ce: {  	[tilespmem:$0x1FBB0] =	vst v47;
	v47 =	vld [tilespmem:$0x11250]  }
0x4cf: {  	[tilespmem:$0x1FBE0] =	vst v53;
	v53 =	vld [tilespmem:$0x11430]  }
0x4d0: {  	[tilespmem:$0x1F8A0] =	vst v62;
	v62 =	vld [tilespmem:$0xFDA0]  }
0x4d1: {  	[tilespmem:$0x1FCA0] =	vst v15;
	v26 =	vld [tilespmem:$0x1F250]  }
0x4d2: {  	[tilespmem:$0x1FB10] =	vst v28;
	v28 =	vld [tilespmem:$0x1F260]  }
0x4d3: {  	[tilespmem:$0x1FB30] =	vst v30;
	v30 =	vld [tilespmem:$0x1F270]  }
0x4d4: {  	[tilespmem:$0x1FBC0] =	vst v52;
	v31 =	vld [tilespmem:$0x1F280]  }
0x4d5: {  	[tilespmem:$0x1F8C0] =	vst v62;
	v62 =	vld [tilespmem:$0xFE90]  }
0x4d6: {  	[tilespmem:$0x1FDF0] =	vst v39;
	v34 =	vld [tilespmem:$0x1F290]  }
0x4d7: {  	[tilespmem:$0x1FB20] =	vst v32;
	v37 =	vld [tilespmem:$0x1F2A0]  }
0x4d8: {  	[tilespmem:$0x1FBF0] =	vst v54;
	v40 =	vld [tilespmem:$0x1F2B0]  }
0x4d9: {  	[tilespmem:$0x1FE70] =	vst v50;
	v0 =	vadd.f32 v58, v0;
	v43 =	vld [tilespmem:$0x1F2C0]  }
0x4da: {  	v1 =	vadd.f32 v61, v1;
	[tilespmem:$0x1F8E0] =	vst v62;
	v62 =	vld [tilespmem:$0xFF80]  }
0x4db: {  	[tilespmem:$0x1FB50] =	vst v38;
	v0 =	vadd.f32 v10, v0;
	v45 =	vld [tilespmem:$0x1F2D0]  }
0x4dc: {  	[tilespmem:$0x1FC40] =	vst v60;
	v1 =	vadd.f32 v13, v1;
	v48 =	vld [tilespmem:$0x1F2F0]  }
0x4dd: {  	[tilespmem:$0x1FD80] =	vst v29;
	(xrf2) =	vadd.scan.msk.f32 $0xffff, v0;
	v51 =	vld [tilespmem:$0x1F310]  }
0x4de: {  	[tilespmem:$0x1FB60] =	vst v59;
	(xrf2) =	vadd.scan.msk.f32 $0xffff, v1;
	v54 =	vld [tilespmem:$0x1F330]  }
0x4df: {  	[tilespmem:$0x1F900] =	vst v62;
	v62 =	vld [tilespmem:$0x10340]  }
0x4e0: {  	[tilespmem:$0x1FC20] =	vst v57;
	v57 =	vld [tilespmem:$0x1F350]  }
0x4e1: {  	[tilespmem:$0x1FEB0] =	vst v56;
	v60 =	vld [tilespmem:$0x1F370]  }
0x4e2: {  	[tilespmem:$0x1FDD0] =	vst v36;
	v46 =	vld [tilespmem:$0x1F2E0]  }
0x4e3: {  	[tilespmem:$0x1FE30] =	vst v44;
	v49 =	vld [tilespmem:$0x1F300]  }
0x4e4: {  	s28 =	spop (v2sf);
	[tilespmem:$0x1F980] =	vst v62;
	v62 =	vld [tilespmem:$0x107F0]  }
0x4e5: {  	s29 =	spop (v2sf);
	[tilespmem:$0x1FC60] =	vst v63;
	v32, _, _ =	vpop (xrf2);
	v52 =	vld [tilespmem:$0x1F320]  }
0x4e6: {  	s30 =	spop (v2sf);
	[tilespmem:$0x1FE10] =	vst v42;
	(v2sf) =	vpush v32, $0xF;
	v35, _, _ =	vpop (xrf2);
	v55 =	vld [tilespmem:$0x1F340]  }
0x4e7: {  	s31 =	spop (v2sf);
	[tilespmem:$0x1FE50] =	vst v47;
	(v2sf) =	vpush v35, $0xF;
	v38, _, _ =	vpop (xrf2);
	v58 =	vld [tilespmem:$0x1F360]  }
0x4e8: {  	[tilespmem:$0x1FE90] =	vst v53;
	(v2sf) =	vpush v38, $0xF;
	v41, _, _ =	vpop (xrf2);
	v61 =	vld [tilespmem:$0x1F380]  }
0x4e9: {  	(v2sf) =	vpush v41, $0xF;
	[tilespmem:$0x1FA10] =	vst v62;
	v62 =	vld [tilespmem:$0x10BB0]  }
0x4ea: {  	v10 =	vld [tilespmem:$0xF910]  }
0x4eb: {  	v0 =	vadd.f32 v16, v11;
	v11 =	vld [tilespmem:$0x1F390]  }
0x4ec: {  	v12 =	vld [tilespmem:$0x1F3A0]  }
0x4ed: {  	v13 =	vld [tilespmem:$0xFA00]  }
0x4ee: {  	v14 =	vld [tilespmem:$0x1F3B0]  }
0x4ef: {  	v15 =	vld [tilespmem:$0x1F3C0]  }
0x4f0: {  	v6 =	vld [tilespmem:$0xFAF0]  }
0x4f1: {  	v17 =	vld [tilespmem:$0x1F3D0]  }
0x4f2: {  	v1 =	vadd.f32 v18, v2;
	v18 =	vld [tilespmem:$0x1F3E0]  }
0x4f3: {  	v19 =	vld [tilespmem:$0xFBE0]  }
0x4f4: {  	v0 =	vadd.f32 v20, v0;
	v20 =	vld [tilespmem:$0x1F3F0]  }
0x4f5: {  	v1 =	vadd.f32 v22, v1;
	v22 =	vld [tilespmem:$0x1F400]  }
0x4f6: {  	v8 =	vld [tilespmem:$0xFCD0]  }
0x4f7: {  	v0 =	vadd.f32 v24, v0;
	v24 =	vld [tilespmem:$0x1F410]  }
0x4f8: {  	v25 =	vld [tilespmem:$0x1F420]  }
0x4f9: {  	v1 =	vadd.f32 v26, v1;
	v27 =	vld [tilespmem:$0xFDC0]  }
0x4fa: {  	v0 =	vadd.f32 v28, v0;
	v28 =	vld [tilespmem:$0x1F430]  }
0x4fb: {  	v1 =	vadd.f32 v30, v1;
	v30 =	vld [tilespmem:$0x1F440]  }
0x4fc: {  	v32 =	vld [tilespmem:$0x1F450]  }
0x4fd: {  	v33 =	vld [tilespmem:$0x1F460]  }
0x4fe: {  	v35 =	vld [tilespmem:$0xFFA0]  }
0x4ff: {  	v36 =	vld [tilespmem:$0x1F470]  }
0x500: {  	v1 =	vadd.f32 v34, v1;
	v38 =	vld [tilespmem:$0x1F480]  }
0x501: {  	v0 =	vadd.f32 v31, v0;
	v39 =	vld [tilespmem:$0x10090]  }
0x502: {  	v1 =	vadd.f32 v40, v1;
	v40 =	vld [tilespmem:$0x1F490]  }
0x503: {  	v0 =	vadd.f32 v37, v0;
	v41 =	vld [tilespmem:$0x1F4A0]  }
0x504: {  	v42 =	vld [tilespmem:$0x10180]  }
0x505: {  	v0 =	vadd.f32 v43, v0;
	v43 =	vld [tilespmem:$0x1F4B0]  }
0x506: {  	v44 =	vld [tilespmem:$0x1F4C0]  }
0x507: {  	v2 =	vadd.f32 $0.0e+00, v46;
	v46 =	vld [tilespmem:$0x10270]  }
0x508: {  	v47 =	vld [tilespmem:$0x1F4D0]  }
0x509: {  	v1 =	vadd.f32 v45, v1;
	v0 =	vadd.f32 v48, v0;
	v48 =	vld [tilespmem:$0x1F4E0]  }
0x50a: {  	v50 =	vld [tilespmem:$0x10360]  }
0x50b: {  	v1 =	vadd.f32 v51, v1;
	v3 =	vadd.f32 $0.0e+00, v49;
	v51 =	vld [tilespmem:$0x1F4F0]  }
0x50c: {  	v53 =	vld [tilespmem:$0x1F500]  }
0x50d: {  	v4 =	vadd.f32 v55, v3;
	v55 =	vld [tilespmem:$0x10450]  }
0x50e: {  	v56 =	vld [tilespmem:$0x1F510]  }
0x50f: {  	v0 =	vadd.f32 v54, v0;
	v1 =	vadd.f32 v57, v1;
	v57 =	vld [tilespmem:$0x1F520]  }
0x510: {  	v59 =	vld [tilespmem:$0x10540]  }
0x511: {  	v0 =	vadd.f32 v60, v0;
	v60 =	vld [tilespmem:$0x1F530]  }
0x512: {  	v2 =	vadd.f32 v52, v2;
	v63 =	vadd.f32 v61, v4;
	v4 =	vld [tilespmem:$0x1FB00]  }
0x513: {  	[tilespmem:$0x1FB80] =	vst v10;
	v10 =	vld [tilespmem:$0xFEB0]  }
0x514: {  	v2 =	vadd.f32 v58, v2;
	v16 =	vadd.f32 v15, v63;
	v63 =	vld [tilespmem:$0x1F540]  }
0x515: {  	v1 =	vadd.f32 v11, v1;
	v11 =	vld [tilespmem:$0x10630]  }
0x516: {  	v2 =	vadd.f32 v12, v2;
	v12 =	vld [tilespmem:$0x1F550]  }
0x517: {  	[tilespmem:$0x1FBA0] =	vst v13;
	v13 =	vld [tilespmem:$0x1F560]  }
0x518: {  	[tilespmem:$0x1FBD0] =	vst v19;
	v19 =	vld [tilespmem:$0x1F590]  }
0x519: {  	[tilespmem:$0x1FC30] =	vst v35;
	v35 =	vld [tilespmem:$0x1F5E0]  }
0x51a: {  	[tilespmem:$0x1FC70] =	vst v42;
	v42 =	vld [tilespmem:$0x1F610]  }
0x51b: {  	[tilespmem:$0x1FCB0] =	vst v50;
	v50 =	vld [tilespmem:$0x1F650]  }
0x51c: {  	[tilespmem:$0x1FCD0] =	vst v55;
	v55 =	vld [tilespmem:$0x1F670]  }
0x51d: {  	[tilespmem:$0x1FCF0] =	vst v59;
	v59 =	vld [tilespmem:$0x1F690]  }
0x51e: {  	v26 =	vadd.f32 $0.0e+00, v25;
	v25 =	vld [tilespmem:$0x11440]  }
0x51f: {  	v23 =	vadd.f32 $0.0e+00, v22;
	v2 =	vadd.f32 v18, v2;
	v18 =	vld [tilespmem:$0x10810]  }
0x520: {  	v21 =	vadd.f32 v20, v16;
	v34 =	vadd.f32 v33, v26;
	v33 =	vld [tilespmem:$0x109F0]  }
0x521: {  	v31 =	vadd.f32 v30, v23;
	v23 =	vld [tilespmem:$0x1F710]  }
0x522: {  	v29 =	vadd.f32 v28, v21;
	v28 =	vld [tilespmem:$0x10900]  }
0x523: {  	v0 =	vadd.f32 v14, v0;
	v14 =	vadd.f32 v38, v31;
	v31 =	vld [tilespmem:$0x1F5C0]  }
0x524: {  	v15 =	vadd.f32 v41, v34;
	v34 =	vld [tilespmem:$0x1F5D0]  }
0x525: {  	v38 =	vld [tilespmem:$0x1F5F0]  }
0x526: {  	v41 =	vld [tilespmem:$0x10BD0]  }
0x527: {  	v2 =	vadd.f32 v24, v2;
	v24 =	vld [tilespmem:$0x1F720]  }
0x528: {  	[tilespmem:$0x1FD10] =	vst v11;
	v11 =	vld [tilespmem:$0x1F6C0]  }
0x529: {  	[tilespmem:$0x1FED0] =	vst v25;
	v25 =	vld [tilespmem:$0x1F860]  }
0x52a: {  	v45 =	vadd.f32 v44, v14;
	v14 =	vld [tilespmem:$0x10720]  }
0x52b: {  	v49 =	vadd.f32 v48, v15;
	v15 =	vld [tilespmem:$0x1F570]  }
0x52c: {  	v37 =	vadd.f32 v36, v29;
	v29 =	vld [tilespmem:$0x1F5B0]  }
0x52d: {  	v44 =	vld [tilespmem:$0x10CC0]  }
0x52e: {  	v2 =	vadd.f32 v32, v2;
	[tilespmem:$0x1FD50] =	vst v18;
	v18 =	vld [tilespmem:$0x11260]  }
0x52f: {  	v16 =	vadd.f32 v43, v37;
	v37 =	vld [tilespmem:$0x10AE0]  }
0x530: {  	v2 =	vadd.f32 v40, v2;
	v40 =	vld [tilespmem:$0x1F600]  }
0x531: {  	v43 =	vld [tilespmem:$0x1F620]  }
0x532: {  	v54 =	vadd.f32 v53, v45;
	v45 =	vld [tilespmem:$0x1F630]  }
0x533: {  	v58 =	vadd.f32 v57, v49;
	v49 =	vld [tilespmem:$0x10DB0]  }
0x534: {  	v57 =	vld [tilespmem:$0x1F680]  }
0x535: {  	v52 =	vadd.f32 v51, v16;
	v16 =	vld [tilespmem:$0x1F580]  }
0x536: {  	v2 =	vadd.f32 v47, v2;
	v47 =	vld [tilespmem:$0x1F640]  }
0x537: {  	v20 =	vadd.f32 v63, v54;
	v54 =	vld [tilespmem:$0x10EA0]  }
0x538: {  	v21 =	vadd.f32 v13, v58;
	v58 =	vld [tilespmem:$0x10F90]  }
0x539: {  	v63 =	vld [tilespmem:$0x1F6B0]  }
0x53a: {  	v13 =	vld [tilespmem:$0x11170]  }
0x53b: {  	[tilespmem:$0x1FD30] =	vst v14;
	v14 =	vld [tilespmem:$0x1F6D0]  }
0x53c: {  	[tilespmem:$0x1FDE0] =	vst v44;
	v44 =	vld [tilespmem:$0x1F780]  }
0x53d: {  	v61 =	vadd.f32 v60, v52;
	v52 =	vld [tilespmem:$0x1F660]  }
0x53e: {  	v60 =	vld [tilespmem:$0x1F6A0]  }
0x53f: {  	[tilespmem:$0x1FEA0] =	vst v18;
	v18 =	vld [tilespmem:$0x1F830]  }
0x540: {  	[tilespmem:$0x1FE00] =	vst v49;
	v49 =	vld [tilespmem:$0xFA10]  }
0x541: {  	v22 =	vadd.f32 v15, v61;
	v61 =	vld [tilespmem:$0x11080]  }
0x542: {  	v1 =	vadd.f32 v17, v1;
	v17 =	vadd.f32 v16, v20;
	v20 =	vld [tilespmem:$0x1F5A0]  }
0x543: {  	v2 =	vadd.f32 v56, v2;
	v16 =	vld [tilespmem:$0x1F6E0]  }
0x544: {  	v48 =	vadd.f32 $0.0e+00, v47;
	v47 =	vld [tilespmem:$0x1F7A0]  }
0x545: {  	v2 =	vadd.f32 v12, v2;
	[tilespmem:$0x1FE40] =	vst v58;
	v58 =	vld [tilespmem:$0x1F7E0]  }
0x546: {  	[tilespmem:$0x1FE80] =	vst v13;
	v13 =	vld [tilespmem:$0x1F810]  }
0x547: {  	v2 =	vadd.f32 v19, v2;
	v19 =	vld [tilespmem:$0x1F6F0]  }
0x548: {  	v30 =	vadd.f32 v29, v22;
	v22 =	vld [tilespmem:$0x11350]  }
0x549: {  	v29 =	vld [tilespmem:$0x11530]  }
0x54a: {  	v32 =	vadd.f32 v31, v17;
	v31 =	vld [tilespmem:$0x1F760]  }
0x54b: {  	[tilespmem:$0x1FC50] =	vst v39;
	v39 =	vadd.f32 v38, v30;
	v30 =	vadd.f32 v57, v48;
	v57 =	vld [tilespmem:$0x1F7D0]  }
0x54c: {  	v26 =	vadd.f32 v40, v32;
	v40 =	vld [tilespmem:$0x1F8E0]  }
0x54d: {  	v2 =	vadd.f32 v34, v2;
	v12 =	vadd.f32 v11, v30;
	v30 =	vld [tilespmem:$0x1F750]  }
0x54e: {  	v51 =	vadd.f32 v50, v39;
	v50 =	vld [tilespmem:$0x1F7B0]  }
0x54f: {  	v2 =	vadd.f32 v42, v2;
	v42 =	vld [tilespmem:$0x1F8F0]  }
0x550: {  	[tilespmem:$0x1FC90] =	vst v46;
	v46 =	vadd.f32 v45, v26;
	v26 =	vld [tilespmem:$0x1F730]  }
0x551: {  	v45 =	vld [tilespmem:$0xF920]  }
0x552: {  	v21 =	vadd.f32 v20, v21;
	[tilespmem:$0x1FEC0] =	vst v22;
	v22 =	vld [tilespmem:$0xFEC0]  }
0x553: {  	[tilespmem:$0x1FEF0] =	vst v29;
	v29 =	vld [tilespmem:$0x100A0]  }
0x554: {  	v36 =	vadd.f32 v35, v21;
	v21 =	vld [tilespmem:$0x1F700]  }
0x555: {  	v48 =	vadd.f32 $0.0e+00, v47;
	v15 =	vadd.f32 v14, v51;
	v51 =	vld [tilespmem:$0x1F7C0]  }
0x556: {  	v2 =	vadd.f32 v59, v2;
	v59 =	vld [tilespmem:$0xFBF0]  }
0x557: {  	[tilespmem:$0x1FDC0] =	vst v41;
	v41 =	vadd.f32 v58, v48;
	v58 =	vld [tilespmem:$0x1F940]  }
0x558: {  	v56 =	vadd.f32 v55, v46;
	v46 =	vld [tilespmem:$0x1F790]  }
0x559: {  	v55 =	vld [tilespmem:$0x10AF0]  }
0x55a: {  	v2 =	vadd.f32 v23, v2;
	v23 =	vld [tilespmem:$0x1F850]  }
0x55b: {  	v14 =	vadd.f32 v13, v41;
	v41 =	vld [tilespmem:$0x10370]  }
0x55c: {  	[tilespmem:$0x1FC00] =	vst v27;
	v27 =	vadd.f32 v43, v36;
	v43 =	vld [tilespmem:$0x1F900]  }
0x55d: {  	[tilespmem:$0x1FD90] =	vst v33;
	v33 =	vadd.f32 v63, v56;
	v56 =	vld [tilespmem:$0xFB00]  }
0x55e: {  	v63 =	vld [tilespmem:$0x1F800]  }
0x55f: {  	v53 =	vadd.f32 v52, v27;
	v27 =	vld [tilespmem:$0x1F740]  }
0x560: {  	v52 =	vadd.f32 v30, v15;
	v15 =	vld [tilespmem:$0x1F820]  }
0x561: {  	v30 =	vld [tilespmem:$0x1F890]  }
0x562: {  	[tilespmem:$0x1FF60] =	vst v22;
	v22 =	vld [tilespmem:$0x1FA10]  }
0x563: {  	[tilespmem:$0x1FF80] =	vst v29;
	v29 =	vld [tilespmem:$0x1FA60]  }
0x564: {  	v20 =	vadd.f32 v19, v33;
	v33 =	vld [tilespmem:$0xF830]  }
0x565: {  	(xrf2) =	vadd.scan.msk.f32 $0xffff, v0;
	v34 =	vadd.f32 v21, v12;
	v12 =	vld [tilespmem:$0xFCE0]  }
0x566: {  	(xrf2) =	vadd.scan.msk.f32 $0xffff, v1;
	[tilespmem:$0x1FF30] =	vst v59;
	v59 =	vld [tilespmem:$0x1F950]  }
0x567: {  	(xrf2) =	vadd.scan.msk.f32 $0xffff, v2;
	v32 =	vadd.f32 v60, v53;
	v60 =	vld [tilespmem:$0x1F7F0]  }
0x568: {  	(xrf2) =	vadd.scan.msk.f32 $0xffff, v52;
	v52 =	vld [tilespmem:$0x10820]  }
0x569: {  	[tilespmem:$0x1FDA0] =	vst v37;
	v37 =	vadd.f32 v26, v20;
	v20 =	vld [tilespmem:$0x1F840]  }
0x56a: {  	v26 =	vld [tilespmem:$0xFFB0]  }
0x56b: {  	v11 =	vadd.f32 $0.0e+00, v63;
	v63 =	vld [tilespmem:$0x1F980]  }
0x56c: {  	[tilespmem:$0x1FD70] =	vst v28;
	v28 =	vadd.f32 v27, v34;
	v34 =	vld [tilespmem:$0x1F770]  }
0x56d: {  	v17 =	vadd.f32 v16, v32;
	v27 =	vld [tilespmem:$0x1F870]  }
0x56e: {  	v16 =	vadd.f32 $0.0e+00, v15;
	v15 =	vld [tilespmem:$0x1F9C0]  }
0x56f: {  	v36 =	vadd.f32 v24, v17;
	v17 =	vld [tilespmem:$0xFDD0]  }
0x570: {  	[tilespmem:$0x1FEE0] =	vst v33;
	v33 =	vld [tilespmem:$0x10190]  }
0x571: {  	[tilespmem:$0x1FF40] =	vst v12;
	v12 =	vld [tilespmem:$0x1F9A0]  }
0x572: {  	v24 =	vadd.f32 v23, v14;
	v14 =	vld [tilespmem:$0x1F9B0]  }
0x573: {  	v38 =	vadd.f32 v44, v28;
	v28 =	vld [tilespmem:$0x1F880]  }
0x574: {  	v44 =	vld [tilespmem:$0x10460]  }
0x575: {  	[tilespmem:$0x1FF00] =	vst v45;
	v45 =	vadd.f32 v25, v16;
	v16 =	vld [tilespmem:$0x1F9D0]  }
0x576: {  	v25 =	vld [tilespmem:$0x1FA30]  }
0x577: {  	v32 =	vadd.f32 v31, v36;
	v31 =	vld [tilespmem:$0x1F8A0]  }
0x578: {  	v21 =	vadd.f32 v20, v11;
	v11 =	vld [tilespmem:$0x1F990]  }
0x579: {  	v20 =	vld [tilespmem:$0x1FA00]  }
0x57a: {  	v48 =	vadd.f32 v30, v24;
	v24 =	vld [tilespmem:$0x1FA20]  }
0x57b: {  	v53 =	vadd.f32 v51, v38;
	v38 =	vld [tilespmem:$0x1F8D0]  }
0x57c: {  	v35 =	vadd.f32 v34, v37;
	v34 =	vld [tilespmem:$0x1F8B0]  }
0x57d: {  	v37 =	vld [tilespmem:$0x10280]  }
0x57e: {  	[tilespmem:$0x1FE60] =	vst v61;
	v61 =	vadd.f32 v60, v53;
	v60 =	vld [tilespmem:$0x1F960]  }
0x57f: {  	v39 =	vadd.f32 v46, v32;
	[tilespmem:$0x1FF50] =	vst v17;
	v17 =	vld [tilespmem:$0x1F9E0]  }
0x580: {  	[tilespmem:$0x1FE20] =	vst v54;
	v54 =	vadd.f32 v50, v35;
	v35 =	vld [tilespmem:$0x1F8C0]  }
0x581: {  	[tilespmem:$0x1FF20] =	vst v56;
	v56 =	vadd.f32 v57, v39;
	v57 =	vld [tilespmem:$0x1F930]  }
0x582: {  	v50 =	vld [tilespmem:$0x10640]  }
0x583: {  	v47 =	vadd.f32 v28, v21;
	v28 =	vld [tilespmem:$0x1FA50]  }
0x584: {  	v32 =	vadd.f32 v31, v45;
	v45 =	vld [tilespmem:$0x1F910]  }
0x585: {  	v19 =	vadd.f32 v18, v61;
	v61 =	vld [tilespmem:$0x1F970]  }
0x586: {  	v21, _, _ =	vpop (xrf2);
	v31 =	vld [tilespmem:$0x1FA70]  }
0x587: {  	(v2sf) =	vpush v21, $0xF;
	v21 =	vld [tilespmem:$0x1FBB0]  }
0x588: {  	(xrf2) =	vadd.scan.msk.f32 $0xffff, v54;
	v54 =	vld [tilespmem:$0x10A00]  }
0x589: {  	v39 =	vadd.f32 v38, v48;
	v38 =	vld [tilespmem:$0x1FAC0]  }
0x58a: {  	[tilespmem:$0x1FF70] =	vst v26;
	v26, _, _ =	vpop (xrf2);
	v48 =	vld [tilespmem:$0x1FAF0]  }
0x58b: {  	(v2sf) =	vpush v26, $0xF;
	v26 =	vld [tilespmem:$0x1FC00]  }
0x58c: {  	v46 =	vadd.f32 v27, v19;
	v19 =	vld [tilespmem:$0x1F9F0]  }
0x58d: {  	(xrf2) =	vadd.scan.msk.f32 $0xffff, v56;
	v56 =	vld [tilespmem:$0x10BE0]  }
0x58e: {  	v27 =	vld [tilespmem:$0x1FA40]  }
0x58f: {  	[tilespmem:$0x1FF10] =	vst v49;
	v49 =	vadd.f32 v40, v32;
	v32 =	vld [tilespmem:$0x1FA80]  }
0x590: {  	v30, _, _ =	vpop (xrf2);
	v40 =	vld [tilespmem:$0x1FAD0]  }
0x591: {  	[tilespmem:$0x1FF90] =	vst v33;
	(v2sf) =	vpush v30, $0xF;
	v33, _, _ =	vpop (xrf2);
	v30 =	vld [tilespmem:$0x1FC40]  }
0x592: {  	(v2sf) =	vpush v33, $0xF;
	v33 =	vld [tilespmem:$0xF930]  }
0x593: {  	v0 =	vadd.f32 v34, v46;
	v46 =	vld [tilespmem:$0x1F920]  }
0x594: {  	v34 =	vld [tilespmem:$0x1FA90]  }
0x595: {  	v36 =	vadd.f32 v35, v47;
	v35 =	vld [tilespmem:$0x1FAA0]  }
0x596: {  	v51 =	vadd.f32 v45, v39;
	v45 =	vld [tilespmem:$0x11540]  }
0x597: {  	v1 =	vadd.f32 v43, v36;
	v36 =	vld [tilespmem:$0x1FAB0]  }
0x598: {  	v0 =	vadd.f32 v42, v0;
	v42 =	vld [tilespmem:$0x1FAE0]  }
0x599: {  	v2 =	vadd.f32 v59, v51;
	v51 =	vld [tilespmem:$0x10730]  }
0x59a: {  	v59 =	vld [tilespmem:$0x10EB0]  }
0x59b: {  	v0 =	vadd.f32 v57, v0;
	v57 =	vld [tilespmem:$0x10CD0]  }
0x59c: {  	v1 =	vadd.f32 v58, v1;
	v58 =	vld [tilespmem:$0x10DC0]  }
0x59d: {  	v47 =	vadd.f32 v46, v49;
	v49 =	vld [tilespmem:$0x10550]  }
0x59e: {  	v46 =	vld [tilespmem:$0x11450]  }
0x59f: {  	v2 =	vadd.f32 v11, v2;
	v11 =	vld [tilespmem:$0x1FB10]  }
0x5a0: {  	v0 =	vadd.f32 v61, v0;
	v61 =	vld [tilespmem:$0x11090]  }
0x5a1: {  	v1 =	vadd.f32 v63, v1;
	v63 =	vld [tilespmem:$0x11270]  }
0x5a2: {  	v53 =	vadd.f32 v60, v47;
	v60 =	vld [tilespmem:$0x10FA0]  }
0x5a3: {  	v47 =	vld [tilespmem:$0x11360]  }
0x5a4: {  	[tilespmem:$0x1FFA0] =	vst v37;
	v2 =	vadd.f32 v16, v2;
	v37, _, _ =	vpop (xrf2);
	v16 =	vld [tilespmem:$0x1FB60]  }
0x5a5: {  	(v2sf) =	vpush v37, $0xF;
	v37 =	vld [tilespmem:$0xFA20]  }
0x5a6: {  	v0 =	vadd.f32 v14, v0;
	v14 =	vld [tilespmem:$0x1FB40]  }
0x5a7: {  	v1 =	vadd.f32 v15, v1;
	v15 =	vld [tilespmem:$0x1FB50]  }
0x5a8: {  	v13 =	vadd.f32 v12, v53;
	v53 =	vld [tilespmem:$0x10910]  }
0x5a9: {  	v12 =	vld [tilespmem:$0x1FB20]  }
0x5aa: {  	v43, _, _ =	vpop (xrf2);
	v2 =	vadd.f32 v24, v2;
	v24 =	vld [tilespmem:$0x1FBE0]  }
0x5ab: {  	(v2sf) =	vpush v43, $0xF;
	v43 =	vld [tilespmem:$0x1FC90]  }
0x5ac: {  	v0 =	vadd.f32 v19, v0;
	v19 =	vld [tilespmem:$0x1FB90]  }
0x5ad: {  	v1 =	vadd.f32 v20, v1;
	v20 =	vld [tilespmem:$0x1FBA0]  }
0x5ae: {  	v18 =	vadd.f32 v17, v13;
	v13 =	vld [tilespmem:$0x1FB30]  }
0x5af: {  	v17 =	vld [tilespmem:$0x1FB70]  }
0x5b0: {  	v2 =	vadd.f32 v28, v2;
	v28 =	vld [tilespmem:$0x1FC20]  }
0x5b1: {  	(xrf2) =	vadd.scan.msk.f32 $0xffff, v0;
	v0 =	vadd.f32 v25, v1;
	v25 =	vld [tilespmem:$0x1FBF0]  }
0x5b2: {  	v23 =	vadd.f32 v22, v18;
	v18 =	vld [tilespmem:$0x1FB80]  }
0x5b3: {  	v22 =	vld [tilespmem:$0x1FBC0]  }
0x5b4: {  	v2 =	vadd.f32 v31, v2;
	v31 =	vld [tilespmem:$0x1FC50]  }
0x5b5: {  	v0 =	vadd.f32 v29, v0;
	v29 =	vld [tilespmem:$0x1FC30]  }
0x5b6: {  	v2 =	vadd.f32 v35, v2;
	v35 =	vld [tilespmem:$0xFB10]  }
0x5b7: {  	v1 =	vadd.f32 v27, v23;
	v23 =	vld [tilespmem:$0x1FBD0]  }
0x5b8: {  	v27 =	vld [tilespmem:$0x1FC10]  }
0x5b9: {  	v0 =	vadd.f32 v32, v0;
	v32 =	vld [tilespmem:$0x1FC60]  }
0x5ba: {  	[tilespmem:$0x1FFB0] =	vst v41;
	v1 =	vadd.f32 v62, v1;
	v62 =	vld [tilespmem:$0x11180];
	v41 =	vadd.f32 v40, v2  }
0x5bb: {  	v2 =	vadd.f32 $0.0e+00, v16;
	v40 =	vld [tilespmem:$0xFED0];
	v3 =	vadd.f32 v36, v0  }
0x5bc: {  	v16 =	vld [tilespmem:$0x10470];
	v1 =	vadd.f32 v34, v1  }
0x5bd: {  	v36 =	vld [tilespmem:$0xFCF0];
	v2 =	vadd.f32 v20, v2;
	v3 =	vadd.f32 v42, v3  }
0x5be: {  	v42 =	vld [tilespmem:$0x1FC80];
	v39 =	vadd.f32 v38, v1;
	v1 =	vadd.f32 v48, v41  }
0x5bf: {  	[tilespmem:$0x1FFC0] =	vst v44;
	v2 =	vadd.f32 v23, v2;
	v41 =	vld [tilespmem:$0x1FC70]  }
0x5c0: {  	v48 =	vld [tilespmem:$0x1FCB0];
	v44 =	vadd.f32 v9, v39;
	[tilespmem:$0x1FFD0] =	vst v1;
	v1 =	vadd.f32 v4, v3  }
0x5c1: {  	v23 =	vld [tilespmem:$0x1FD00];
	v3 =	vadd.f32 $0.0e+00, v18;
	v2 =	vadd.f32 v26, v2  }
0x5c2: {  	v9, _, _ =	vpop (xrf2);
	v26 =	vld [tilespmem:$0x1FD30];
	v0 =	vadd.f32 v7, v44;
	v1 =	vadd.f32 v11, v1  }
0x5c3: {  	(v2sf) =	vpush v9, $0xF;
	v9 =	vld [tilespmem:$0x1FCD0];
	v3 =	vadd.f32 v6, v3  }
0x5c4: {  	v44 =	vld [tilespmem:$0x1FCA0];
	[tilespmem:$0x1FFE0] =	vst v1;
	v1 =	vadd.f32 $0.0e+00, v12;
	v0 =	vadd.f32 v13, v0  }
0x5c5: {  	v2 =	vadd.f32 v29, v2;
	v29 =	vld [tilespmem:$0x1FD60];
	v3 =	vadd.f32 v8, v3  }
0x5c6: {  	v8 =	vld [tilespmem:$0x1FCC0];
	[tilespmem:$0x1FFF0] =	vst v0;
	v0 =	vadd.f32 $0.0e+00, v14;
	v1 =	vadd.f32 v15, v1  }
0x5c7: {  	v2 =	vadd.f32 v41, v2;
	v41 =	vld [tilespmem:$0x1FDA0];
	v3 =	vadd.f32 v10, v3  }
0x5c8: {  	v10 =	vld [tilespmem:$0x1FCE0];
	v0 =	vadd.f32 v17, v0;
	v1 =	vadd.f32 v19, v1  }
0x5c9: {  	v2 =	vadd.f32 v48, v2;
	v48 =	vld [tilespmem:$0x1FDE0];
	v3 =	vadd.f32 v31, v3  }
0x5ca: {  	v31 =	vld [tilespmem:$0x1FD80];
	v0 =	vadd.f32 v21, v0;
	v1 =	vadd.f32 v22, v1  }
0x5cb: {  	v3 =	vadd.f32 v43, v3;
	v22 =	vld [tilespmem:$0x1FCF0]  }
0x5cc: {  	v43 =	vld [tilespmem:$0x1FDC0];
	v0 =	vadd.f32 v24, v0;
	v1 =	vadd.f32 v25, v1  }
0x5cd: {  	v24 =	vld [tilespmem:$0x1FD10]  }
0x5ce: {  	v25 =	vld [tilespmem:$0x1FD20];
	v0 =	vadd.f32 v27, v0;
	v1 =	vadd.f32 v28, v1  }
0x5cf: {  	v3 =	vadd.f32 v9, v3;
	v9 =	vld [tilespmem:$0x1FE00]  }
0x5d0: {  	v28 =	vld [tilespmem:$0x1FD50];
	v0 =	vadd.f32 v30, v0;
	v1 =	vadd.f32 v32, v1  }
0x5d1: {  	v30 =	vld [tilespmem:$0x1FD70]  }
0x5d2: {  	v32 =	vld [tilespmem:$0x1FD90];
	v0 =	vadd.f32 v42, v0;
	v1 =	vadd.f32 v44, v1  }
0x5d3: {  	v27 =	vld [tilespmem:$0x1FD40];
	v2 =	vadd.f32 v22, v2;
	v3 =	vadd.f32 v24, v3  }
0x5d4: {  	v42 =	vld [tilespmem:$0x1FDB0];
	v0 =	vadd.f32 v8, v0;
	v1 =	vadd.f32 v10, v1  }
0x5d5: {  	v2 =	vadd.f32 v26, v2;
	v44 =	vld [tilespmem:$0x1FDD0];
	v3 =	vadd.f32 v28, v3  }
0x5d6: {  	v8 =	vld [tilespmem:$0x1FDF0];
	v0 =	vadd.f32 v23, v0;
	v1 =	vadd.f32 v25, v1  }
0x5d7: {  	v10 =	vld [tilespmem:$0x1FE10];
	v2 =	vadd.f32 v30, v2;
	v3 =	vadd.f32 v32, v3  }
0x5d8: {  	v32 =	vld [tilespmem:$0x1FE20];
	v0 =	vadd.f32 v27, v0;
	v1 =	vadd.f32 v29, v1  }
0x5d9: {  	v2 =	vadd.f32 v41, v2;
	v3 =	vadd.f32 v43, v3;
	v41 =	vld [tilespmem:$0x1FE30]  }
0x5da: {  	v43 =	vld [tilespmem:$0x1FE50];
	v0 =	vadd.f32 v31, v0;
	v1 =	vadd.f32 v5, v1  }
0x5db: {  	v2 =	vadd.f32 v48, v2;
	v48 =	vld [tilespmem:$0x1FE70]  }
0x5dc: {  	v0 =	vadd.f32 v42, v0;
	v1 =	vadd.f32 v44, v1;
	v44 =	vld [tilespmem:$0x1FE60]  }
0x5dd: {  	v42 =	vld [tilespmem:$0x1FE40]  }
0x5de: {  	v5 =	vld [tilespmem:$0x1FE80];
	v0 =	vadd.f32 v8, v0;
	v1 =	vadd.f32 v10, v1  }
0x5df: {  	v3 =	vadd.f32 v9, v3;
	v2 =	vadd.f32 v32, v2;
	v8 =	vld [tilespmem:$0x1FEA0]  }
0x5e0: {  	v0 =	vadd.f32 v41, v0;
	v1 =	vadd.f32 v43, v1;
	v43 =	vld [tilespmem:$0x1FEC0]  }
0x5e1: {  	v2 =	vadd.f32 v44, v2;
	v44 =	vld [tilespmem:$0x1FED0]  }
0x5e2: {  	v3 =	vadd.f32 v42, v3;
	v4 =	vadd.f32 v48, v0;
	v48 =	vld [tilespmem:$0x1FEE0]  }
0x5e3: {  	v34 =	vld [tilespmem:$0xFC00]  }
0x5e4: {  	v33 =	vadd.f32 $0.0e+00, v33;
	v20 =	vld [tilespmem:$0x10830];
	v3 =	vadd.f32 v5, v3  }
0x5e5: {  	v6 =	vld [tilespmem:$0x1FE90];
	v0 =	vadd.f32 v8, v2  }
0x5e6: {  	v33 =	vadd.f32 v35, v33;
	v35 =	vld [tilespmem:$0xFFD0];
	v3 =	vadd.f32 v43, v3  }
0x5e7: {  	v43 =	vadd.f32 v44, v0;
	v0 =	vadd.f32 $0.0e+00, v48;
	v48 =	vld [tilespmem:$0x1FF10]  }
0x5e8: {  	v38 =	vld [tilespmem:$0xF840]  }
0x5e9: {  	v39 =	vld [tilespmem:$0xFDE0]  }
0x5ea: {  	v41 =	vadd.f32 v6, v1;
	v6 =	vld [tilespmem:$0x1FF00]  }
0x5eb: {  	v18 =	vld [tilespmem:$0x10650]  }
0x5ec: {  	v0 =	vadd.f32 v48, v0;
	v48 =	vld [tilespmem:$0x1FF20]  }
0x5ed: {  	v33 =	vadd.f32 v36, v33;
	v36 =	vld [tilespmem:$0x101B0]  }
0x5ee: {  	v11 =	vld [tilespmem:$0xFFC0]  }
0x5ef: {  	v7 =	vld [tilespmem:$0xF850];
	v1 =	vadd.f32 $0.0e+00, v6  }
0x5f0: {  	v33 =	vadd.f32 v40, v33;
	v40 =	vld [tilespmem:$0x10390]  }
0x5f1: {  	v1 =	vadd.f32 v48, v1;
	v48 =	vld [tilespmem:$0x1FF30]  }
0x5f2: {  	v38 =	vadd.f32 $0.0e+00, v38;
	v12 =	vld [tilespmem:$0x100B0]  }
0x5f3: {  	v13 =	vld [tilespmem:$0x101A0]  }
0x5f4: {  	v37 =	vadd.f32 v37, v38;
	v38 =	vld [tilespmem:$0xFEE0]  }
0x5f5: {  	v14 =	vld [tilespmem:$0x10290]  }
0x5f6: {  	v0 =	vadd.f32 v48, v0;
	v48 =	vld [tilespmem:$0x1FF40]  }
0x5f7: {  	v15 =	vld [tilespmem:$0x10380]  }
0x5f8: {  	v34 =	vadd.f32 v34, v37;
	v37 =	vld [tilespmem:$0x100C0]  }
0x5f9: {  	v17 =	vld [tilespmem:$0x10560]  }
0x5fa: {  	v19 =	vld [tilespmem:$0x10740]  }
0x5fb: {  	v1 =	vadd.f32 v48, v1;
	v48 =	vld [tilespmem:$0x1FF50]  }
0x5fc: {  	v34 =	vadd.f32 v39, v34;
	v39 =	vld [tilespmem:$0x102A0]  }
0x5fd: {  	v12 =	vadd.f32 v12, v33;
	v33 =	vld [tilespmem:$0x10570]  }
0x5fe: {  	v21 =	vld [tilespmem:$0x10920]  }
0x5ff: {  	v11 =	vadd.f32 v11, v34;
	v34 =	vld [tilespmem:$0x10480]  }
0x600: {  	v0 =	vadd.f32 v48, v0;
	v48 =	vld [tilespmem:$0x1FF60]  }
0x601: {  	v12 =	vadd.f32 v14, v12;
	v14 =	vld [tilespmem:$0x10750]  }
0x602: {  	v11 =	vadd.f32 v13, v11;
	v13 =	vld [tilespmem:$0x10660]  }
0x603: {  	v12 =	vadd.f32 v16, v12;
	v16 =	vld [tilespmem:$0x10930]  }
0x604: {  	v22 =	vld [tilespmem:$0x10A10]  }
0x605: {  	v1 =	vadd.f32 v48, v1;
	v48 =	vld [tilespmem:$0x1FF70]  }
0x606: {  	v11 =	vadd.f32 v15, v11;
	v15 =	vld [tilespmem:$0x10840]  }
0x607: {  	v12 =	vadd.f32 v18, v12;
	v18 =	vld [tilespmem:$0x10B10]  }
0x608: {  	v24 =	vld [tilespmem:$0x10BF0]  }
0x609: {  	v26 =	vld [tilespmem:$0x10DD0]  }
0x60a: {  	v0 =	vadd.f32 v48, v0;
	v48 =	vld [tilespmem:$0x1FF80]  }
0x60b: {  	v11 =	vadd.f32 v17, v11;
	v17 =	vld [tilespmem:$0x10A20]  }
0x60c: {  	v12 =	vadd.f32 v20, v12;
	v20 =	vld [tilespmem:$0x10CF0]  }
0x60d: {  	v28 =	vld [tilespmem:$0x10FB0]  }
0x60e: {  	v11 =	vadd.f32 v19, v11;
	v19 =	vld [tilespmem:$0x10C00]  }
0x60f: {  	v1 =	vadd.f32 v48, v1;
	v48 =	vld [tilespmem:$0x1FF90]  }
0x610: {  	v12 =	vadd.f32 v22, v12;
	v22 =	vld [tilespmem:$0x10ED0]  }
0x611: {  	v30 =	vld [tilespmem:$0x11190]  }
0x612: {  	v11 =	vadd.f32 v21, v11;
	v21 =	vld [tilespmem:$0x10DE0]  }
0x613: {  	v23 =	vld [tilespmem:$0x10B00]  }
0x614: {  	v0 =	vadd.f32 v48, v0;
	v48 =	vld [tilespmem:$0x1FFA0]  }
0x615: {  	v25 =	vld [tilespmem:$0x10CE0]  }
0x616: {  	v12 =	vadd.f32 v24, v12;
	v24 =	vld [tilespmem:$0x110B0]  }
0x617: {  	v27 =	vld [tilespmem:$0x10EC0]  }
0x618: {  	v42 =	vld [tilespmem:$0x1FEB0]  }
0x619: {  	v1 =	vadd.f32 v48, v1;
	v48 =	vld [tilespmem:$0x1FFB0]  }
0x61a: {  	v29 =	vld [tilespmem:$0x110A0]  }
0x61b: {  	v5 =	vld [tilespmem:$0x1FEF0]  }
0x61c: {  	v12 =	vadd.f32 v26, v12;
	v26 =	vld [tilespmem:$0x11290]  }
0x61d: {  	v42 =	vadd.f32 v42, v4;
	v4 =	vld [tilespmem:$0xFA30]  }
0x61e: {  	v0 =	vadd.f32 v48, v0;
	v48 =	vld [tilespmem:$0x1FFC0]  }
0x61f: {  	v9 =	vld [tilespmem:$0x11550]  }
0x620: {  	v44 =	vadd.f32 v5, v3;
	v3 =	vld [tilespmem:$0xFC10]  }
0x621: {  	v7 =	vadd.f32 $0.0e+00, v7;
	v31 =	vld [tilespmem:$0x11280]  }
0x622: {  	v12 =	vadd.f32 v28, v12;
	v6 =	vld [tilespmem:$0xFDF0]  }
0x623: {  	v28 =	vld [tilespmem:$0x11470];
	v4 =	vadd.f32 v4, v7;
	v1 =	vadd.f32 v48, v1  }
0x624: {  	v32 =	vld [tilespmem:$0x11370];
	v11 =	vadd.f32 v23, v11;
	v12 =	vadd.f32 v30, v12  }
0x625: {  	v23 =	vld [tilespmem:$0x10FC0];
	v3 =	vadd.f32 v3, v4;
	v1 =	vadd.f32 v50, v1  }
0x626: {  	v30 =	vld [tilespmem:$0x10DF0];
	v11 =	vadd.f32 v25, v11;
	v0 =	vadd.f32 v49, v0  }
0x627: {  	v25 =	vld [tilespmem:$0x111A0];
	v3 =	vadd.f32 v6, v3;
	v1 =	vadd.f32 v52, v1  }
0x628: {  	v10 =	vld [tilespmem:$0x11460];
	v11 =	vadd.f32 v27, v11;
	v0 =	vadd.f32 v51, v0  }
0x629: {  	v27 =	vld [tilespmem:$0x11380];
	v3 =	vadd.f32 v35, v3;
	v1 =	vadd.f32 v54, v1  }
0x62a: {  	v11 =	vadd.f32 v29, v11;
	v8 =	vld [tilespmem:$0xF940];
	v0 =	vadd.f32 v53, v0  }
0x62b: {  	v2 =	vld [tilespmem:$0xFB20];
	v3 =	vadd.f32 v36, v3;
	v1 =	vadd.f32 v56, v1  }
0x62c: {  	v11 =	vadd.f32 v31, v11;
	v31 =	vld [tilespmem:$0x1FFD0];
	v0 =	vadd.f32 v55, v0  }
0x62d: {  	v5 =	vld [tilespmem:$0xFD00];
	v3 =	vadd.f32 v40, v3;
	v1 =	vadd.f32 v58, v1  }
0x62e: {  	v35 =	vld [tilespmem:$0x1FFF0];
	v0 =	vadd.f32 v57, v0  }
0x62f: {  	v3 =	vadd.f32 v33, v3;
	v33 =	vld [tilespmem:$0x1FFE0];
	v1 =	vadd.f32 v60, v1  }
0x630: {  	v0 =	vadd.f32 v59, v0;
	v58 =	vld [tilespmem:$0xF860]  }
0x631: {  	v59 =	vld [tilespmem:$0xF950];
	v1 =	vadd.f32 v62, v1  }
0x632: {  	v8 =	vadd.f32 $0.0e+00, v8;
	v0 =	vadd.f32 v61, v0;
	v60 =	vld [tilespmem:$0xFA40]  }
0x633: {  	v61 =	vld [tilespmem:$0xFB30];
	v1 =	vadd.f32 v47, v1  }
0x634: {  	v2 =	vadd.f32 v2, v8;
	v0 =	vadd.f32 v63, v0;
	v62 =	vld [tilespmem:$0xFC20]  }
0x635: {  	v63 =	vadd.f32 $0.0e+00, v58;
	v1 =	vadd.f32 v45, v1;
	v45 =	vld [tilespmem:$0xFD10]  }
0x636: {  	v0 =	vadd.f32 v46, v0;
	v46 =	vadd.f32 $0.0e+00, v59;
	v47 =	vld [tilespmem:$0xFE00]  }
0x637: {  	v49 =	vld [tilespmem:$0xFEF0];
	v48 =	vadd.f32 v60, v63  }
0x638: {  	v2 =	vadd.f32 v5, v2;
	v51 =	vld [tilespmem:$0xFFE0];
	v50 =	vadd.f32 v61, v46  }
0x639: {  	v52 =	vld [tilespmem:$0x100D0];
	v4 =	vadd.f32 v62, v48  }
0x63a: {  	v2 =	vadd.f32 v38, v2;
	v53 =	vld [tilespmem:$0x101C0];
	v5 =	vadd.f32 v45, v50  }
0x63b: {  	v54 =	vld [tilespmem:$0x102B0];
	v4 =	vadd.f32 v47, v4  }
0x63c: {  	v2 =	vadd.f32 v37, v2;
	v55 =	vld [tilespmem:$0x103A0];
	v5 =	vadd.f32 v49, v5  }
0x63d: {  	v12 =	vadd.f32 v32, v12;
	v56 =	vld [tilespmem:$0x10490];
	v4 =	vadd.f32 v51, v4  }
0x63e: {  	v2 =	vadd.f32 v39, v2;
	v57 =	vld [tilespmem:$0x10580];
	v5 =	vadd.f32 v52, v5  }
0x63f: {  	v9 =	vadd.f32 v9, v12;
	v58 =	vld [tilespmem:$0x10670];
	v4 =	vadd.f32 v53, v4  }
0x640: {  	v2 =	vadd.f32 v34, v2;
	v59 =	vld [tilespmem:$0x10760];
	v5 =	vadd.f32 v54, v5  }
0x641: {  	v10 =	vadd.f32 v10, v11;
	v60 =	vld [tilespmem:$0x10850];
	v4 =	vadd.f32 v55, v4  }
0x642: {  	v2 =	vadd.f32 v13, v2;
	v61 =	vld [tilespmem:$0x10940];
	v5 =	vadd.f32 v56, v5  }
0x643: {  	v3 =	vadd.f32 v14, v3;
	v62 =	vld [tilespmem:$0x10A30];
	v4 =	vadd.f32 v57, v4  }
0x644: {  	v2 =	vadd.f32 v15, v2;
	v63 =	vld [tilespmem:$0x10B20];
	v5 =	vadd.f32 v58, v5  }
0x645: {  	v3 =	vadd.f32 v16, v3;
	v16 =	vld [tilespmem:$0x10C10];
	v4 =	vadd.f32 v59, v4  }
0x646: {  	v2 =	vadd.f32 v17, v2;
	v17 =	vld [tilespmem:$0x10D00];
	v5 =	vadd.f32 v60, v5  }
0x647: {  	v32 =	vld [tilespmem:$0x10EE0];
	v3 =	vadd.f32 v18, v3;
	v4 =	vadd.f32 v61, v4  }
0x648: {  	v29 =	vld [tilespmem:$0x11560];
	(xrf2) =	vadd.scan.msk.f32 $0xffff, v31;
	v2 =	vadd.f32 v19, v2;
	v5 =	vadd.f32 v62, v5  }
0x649: {  	v34 =	vld [tilespmem:$0x10FD0];
	(xrf2) =	vadd.scan.msk.f32 $0xffff, v33;
	v3 =	vadd.f32 v20, v3;
	v4 =	vadd.f32 v63, v4  }
0x64a: {  	v36 =	vld [tilespmem:$0x110C0];
	(xrf2) =	vadd.scan.msk.f32 $0xffff, v35;
	v2 =	vadd.f32 v21, v2;
	v5 =	vadd.f32 v16, v5  }
0x64b: {  	v37 =	vld [tilespmem:$0x111B0];
	(xrf2) =	vadd.scan.msk.f32 $0xffff, v41;
	v3 =	vadd.f32 v22, v3;
	v4 =	vadd.f32 v17, v4  }
0x64c: {  	v38 =	vld [tilespmem:$0x112A0];
	(xrf2) =	vadd.scan.msk.f32 $0xffff, v42;
	v2 =	vadd.f32 v23, v2;
	v5 =	vadd.f32 v30, v5  }
0x64d: {  	v39 =	vld [tilespmem:$0x11390];
	(xrf2) =	vadd.scan.msk.f32 $0xffff, v43;
	v3 =	vadd.f32 v24, v3;
	v4 =	vadd.f32 v32, v4  }
0x64e: {  	v40 =	vld [tilespmem:$0x11480];
	(xrf2) =	vadd.scan.msk.f32 $0xffff, v44;
	v2 =	vadd.f32 v25, v2;
	v5 =	vadd.f32 v34, v5  }
0x64f: {  	v43 =	vld [tilespmem:$0x11570];
	v41 =	vadd.f32 v26, v3;
	(xrf2) =	vadd.scan.msk.f32 $0xffff, v0;
	v42 =	vadd.f32 v36, v4  }
0x650: {  	v44 =	vadd.f32 v27, v2;
	(xrf2) =	vadd.scan.msk.f32 $0xffff, v1;
	v45 =	vadd.f32 v37, v5  }
0x651: {  	v0 =	vadd.f32 v28, v41;
	(xrf2) =	vadd.scan.msk.f32 $0xffff, v10;
	v3 =	vadd.f32 v38, v42  }
0x652: {  	v46, _, _ =	vpop (xrf2);
	v1 =	vadd.f32 v29, v44;
	(xrf2) =	vadd.scan.msk.f32 $0xffff, v9;
	v2 =	vadd.f32 v39, v45  }
0x653: {  	(v2sf) =	vpush v46, $0xF;
	v47, _, _ =	vpop (xrf2);
	(xrf2) =	vadd.scan.msk.f32 $0xffff, v0;
	v48 =	vadd.f32 v40, v3  }
0x654: {  	(v2sf) =	vpush v47, $0xF;
	v49, _, _ =	vpop (xrf2);
	(xrf2) =	vadd.scan.msk.f32 $0xffff, v1;
	v50 =	vadd.f32 v43, v2  }
0x655: {  	(v2sf) =	vpush v49, $0xF;
	v51, _, _ =	vpop (xrf2);
	(xrf2) =	vadd.scan.msk.f32 $0xffff, v48  }
0x656: {  	s3 =	ssub.f32 s28, s29;
	(v2sf) =	vpush v51, $0xF;
	v52, _, _ =	vpop (xrf2);
	(xrf2) =	vadd.scan.msk.f32 $0xffff, v50  }
0x657: {  	s2 =	ssub.f32 s30, s31;
	s6 =	spop (v2sf);
	v53, _, _ =	vpop (xrf2);
	(v2sf) =	vpush v52, $0xF  }
0x658: {  	s3 =	sand.u32 $0x7FFFFFFF, s3;
	s7 =	spop (v2sf);
	v54, _, _ =	vpop (xrf2);
	(v2sf) =	vpush v53, $0xF  }
0x659: {  	s2 =	sand.u32 $0x7FFFFFFF, s2;
	s4 =	ssub.f32 s6, s7;
	s8 =	spop (v2sf);
	v55, _, _ =	vpop (xrf2);
	(v2sf) =	vpush v54, $0xF  }
0x65a: {  	s2 =	sadd.f32 s2, s3;
	s9 =	spop (v2sf);
	v56, _, _ =	vpop (xrf2);
	(v2sf) =	vpush v55, $0xF  }
0x65b: {  	s4 =	sand.u32 $0x7FFFFFFF, s4;
	s3 =	ssub.f32 s8, s9;
	s10 =	spop (v2sf);
	v57, _, _ =	vpop (xrf2);
	(v2sf) =	vpush v56, $0xF  }
0x65c: {  	s2 =	sadd.f32 s4, s2;
	s11 =	spop (v2sf);
	v58, _, _ =	vpop (xrf2);
	(v2sf) =	vpush v57, $0xF  }
0x65d: {  	s3 =	sand.u32 $0x7FFFFFFF, s3;
	s4 =	ssub.f32 s10, s11;
	s12 =	spop (v2sf);
	v59, _, _ =	vpop (xrf2);
	(v2sf) =	vpush v58, $0xF  }
0x65e: {  	s2 =	sadd.f32 s3, s2;
	s13 =	spop (v2sf);
	v60, _, _ =	vpop (xrf2);
	(v2sf) =	vpush v59, $0xF  }
0x65f: {  	s4 =	sand.u32 $0x7FFFFFFF, s4;
	s3 =	ssub.f32 s12, s13;
	s14 =	spop (v2sf);
	(v2sf) =	vpush v60, $0xF;
	v61, _, _ =	vpop (xrf2)  }
0x660: {  	s2 =	sadd.f32 s4, s2;
	s15 =	spop (v2sf);
	(v2sf) =	vpush v61, $0xF;
	v62, _, _ =	vpop (xrf2)  }
0x661: {  	s3 =	sand.u32 $0x7FFFFFFF, s3;
	s4 =	ssub.f32 s14, s15;
	s16 =	spop (v2sf);
	(v2sf) =	vpush v62, $0xF  }
0x662: {  	s2 =	sadd.f32 s3, s2;
	s6 =	spop (v2sf)  }
0x663: {  	s4 =	sand.u32 $0x7FFFFFFF, s4;
	s5 =	ssub.f32 s16, s6;
	s17 =	spop (v2sf)  }
0x664: {  	s2 =	sadd.f32 s4, s2;
	s18 =	spop (v2sf)  }
0x665: {  	s5 =	sand.u32 $0x7FFFFFFF, s5;
	s19 =	spop (v2sf);
	s3 =	ssub.f32 s17, s18  }
0x666: {  	s2 =	sadd.f32 s5, s2;
	s20 =	spop (v2sf)  }
0x667: {  	s21 =	spop (v2sf);
	s3 =	sand.u32 $0x7FFFFFFF, s3;
	s4 =	ssub.f32 s19, s20  }
0x668: {  	s22 =	spop (v2sf);
	s2 =	sadd.f32 s3, s2  }
0x669: {  	s23 =	spop (v2sf);
	s4 =	sand.u32 $0x7FFFFFFF, s4;
	s5 =	ssub.f32 s21, s22  }
0x66a: {  	s24 =	spop (v2sf);
	s2 =	sadd.f32 s4, s2  }
0x66b: {  	s25 =	spop (v2sf);
	s5 =	sand.u32 $0x7FFFFFFF, s5;
	s3 =	ssub.f32 s23, s24  }
0x66c: {  	s26 =	spop (v2sf);
	s2 =	sadd.f32 s5, s2  }
0x66d: {  	s28 =	spop (v2sf);
	s3 =	sand.u32 $0x7FFFFFFF, s3;
	s4 =	ssub.f32 s25, s26  }
0x66e: {  	s29 =	spop (v2sf);
	s2 =	sadd.f32 s3, s2  }
0x66f: {  	s4 =	sand.u32 $0x7FFFFFFF, s4;
	s5 =	ssub.f32 s28, s29;
	s30 =	spop (v2sf)  }
0x670: {  	s2 =	sadd.f32 s4, s2;
	s31 =	spop (v2sf)  }
0x671: {  	s5 =	sand.u32 $0x7FFFFFFF, s5;
	s3 =	ssub.f32 s30, s31  }
0x672: {  	s2 =	sadd.f32 s5, s2  }
0x673: {  	s3 =	sand.u32 $0x7FFFFFFF, s3  }
0x674: {  	s2 =	sadd.f32 s3, s2;
	_ =	sdelay $0x1  }
0x675: {  	s2 =	smul.f32 $9.999999740e-06, s2;
	_ =	sdelay $0x1  }
0x676: {  	v63 =	vmov s2  }
0x677: {  	[tilespmem:$0x11580] =	vst v63  }
0x678: {  	_ =	sfence.sel @p0 $0x180000  }
0x679: {  	[bflag:$0x0] =	sbarrier.arrive @p0 $0xFFFF  }
0x67a: {  	_ =	strace @p0 $0x90000047  }
0x67b: {  	s3 =	simm.s32 @!p0 $0x11580;
	s2 =	simm.s32 @!p0 $0x0;
	[bflag:$0x2] =	sbarrier.arrive @p0 $0xFFFF  }
0x67c: {  	[hbm4b:s1+s2] =	stream.linear.scatter @!p0 [tilespmem:s3], [sflag:$0x1], $0x80, $0x38;
	[tilespmem:$0x11E60] =	vst v63  }
0x67d: {  	s1 =	simm.s32 @!p0 $0x1  }
0x67e: {  	_ =	swait.ge @!p0 [sflag:s1], $0x80  }
0x67f: {  	[sflag:s1] =	ssyncset.done @!p0 $0x0  }
0x680: {  	[sflag:s1] =	ssyncadd.s32 @!p0 $0xFFFFFF80  }
0x681: {  	_ =	sfence.sel @!p0 $0x180000  }
0x682: {  	[bflag:$0x0] =	sbarrier.arrive @!p0 $0xFFFF  }
0x683: {  	_ =	strace @!p0 $0x90000047  }
0x684: {  	s0 =	sadd.s32 @!p0 $0x100000, s0;
	[bflag:$0x2] =	sbarrier.arrive @!p0 $0xFFFF  }
0x685: {  	[sflag:s0] =	ssyncadd.tile.s32 @!p0 $0x1;
	_ =	shalt  }
.Lfunc_end2:
_tile_overlayer_lowered:
.L_overlay_start_2:
0x686: {  	(tag) =	ssettag $0x2  }
0x687: {  	s0 =	rddreg [dreg:$0x0];
	s2 =	stileid.u32  }
0x688: {  	s1 =	rddreg [dreg:$0x1];
	p0 =	sne.s32 s2, $0x0  }
0x689: {  	s3 =	rddreg [dreg:$0x2];
	[bflag:$0x3] =	sbarrier.arrive $0xFFFF;
	s2 =	simm.s32 @!p0 $0x1C01  }
0x68a: {  	[timem:s3], [sflag:s2] =	dma.local @!p0 [hbm:s0], s1  }
0x68b: {  	s0 =	simm.s32 @!p0 $0x1  }
0x68c: {  	_ =	swait.ge @!p0 [sflag:s0], s1  }
0x68d: {  	s1 =	ssub.s32 @!p0 $0x0, s1;
	[sflag:s0] =	ssyncset.done @!p0 $0x0  }
0x68e: {  	[sflag:s0] =	ssyncadd.s32 @!p0 s1  }
0x68f: {  	[bflag:$0x3] =	sbarrier.arrive $0xFFFF  }
0x690: {  	_ =	shalt  }

</sc_bundles>
